<compile_context>
chip_gen: v7x
topology: tpu7x:2x2x1
jax: 0.10.2.dev20260603
libtpu: 0.0.44.dev20260713+nightly
codegen_flags: <defaults>
</compile_context>

<pallas_src>
import functools

import jax
import jax.numpy as jnp
from jax import lax
from jax.experimental import pallas as pl
from jax.experimental.pallas import tpu as pltpu
from jax.experimental.pallas import tpu_sc as plsc

_NEG = -1e30


def _leaky(v):
    return jnp.where(v > 0, v, 0.2 * v)


def _dot(a, b, dims):
    return lax.dot_general(a, b, (dims, ((), ())),
                           preferred_element_type=jnp.float32,
                           precision=lax.Precision.HIGHEST)


def _mm(a, b):
    return _dot(a, b, ((1,), (0,)))


def _seg_softmax_ne(logit_row, gdst_b):
    s = jnp.where(gdst_b, logit_row, _NEG)
    m = jnp.max(s, axis=1, keepdims=True)
    ex = jnp.where(gdst_b, jnp.exp(s - m), 0.0)
    den = jnp.sum(ex, axis=1, keepdims=True) + 1e-16
    return ex / den


_SC_INFO = plsc.get_sparse_core_info()
_SC_NC = _SC_INFO.num_cores


def _bfly(v, op):
    lane = lax.iota(jnp.int32, 16)
    for k in (1, 2, 4, 8):
        v = op(v, v.at[lane ^ k].get(mode="promise_in_bounds"))
    return v


def _rsum(v):
    return _bfly(v, jnp.add)


def _rmax(v):
    return _bfly(v, jnp.maximum)


def _make_sc_edge():
    mesh = plsc.VectorSubcoreMesh(core_axis_name="c", subcore_axis_name="s")
    f32 = jnp.float32

    @functools.partial(
        pl.kernel, mesh=mesh,
        out_type=jax.ShapeDtypeStruct((32,), f32),
        scratch_types=[
            pltpu.VMEM((40,), jnp.int32),
            pltpu.VMEM((40, 128), f32),
            pltpu.VMEM((32,), f32),
            pltpu.VMEM((32,), jnp.int32),
            pltpu.VMEM((32,), f32),
            pltpu.VMEM((32,), f32),
            pltpu.SemaphoreType.DMA,
        ])
    def sc_edge(table_hbm, idx_hbm, att_hbm, dst_hbm, ea_hbm, out_hbm,
                idx_v, rows_v, att_v, dst_v, ea_v, ew_v, sem):
        wid = lax.axis_index("s") * _SC_NC + lax.axis_index("c")

        pltpu.sync_copy(idx_hbm, idx_v)
        pltpu.sync_copy(att_hbm, att_v)
        pltpu.sync_copy(dst_hbm, dst_v)
        pltpu.sync_copy(ea_hbm, ea_v)
        pltpu.async_copy(table_hbm.at[idx_v], rows_v, sem).wait()

        lane = lax.iota(jnp.int32, 16)
        att_a = att_v[0:16]
        att_b = att_v[16:32]
        l0 = jnp.zeros((16,), f32)
        l1 = jnp.zeros((16,), f32)
        for e in range(20):
            a = rows_v[e, 0:16] + rows_v[20 + e, 0:16]
            b = rows_v[e, 16:32] + rows_v[20 + e, 16:32]
            a = jnp.where(a > 0, a, 0.2 * a)
            b = jnp.where(b > 0, b, 0.2 * b)
            s = _rsum(att_a * a + att_b * b)
            if e < 16:
                l0 = l0 + jnp.where(lane == e, s, 0.0)
            else:
                l1 = l1 + jnp.where(lane == (e - 16), s, 0.0)

        d0 = dst_v[0:16]
        d1 = dst_v[16:32]
        a0 = jnp.zeros((16,), f32)
        a1 = jnp.zeros((16,), f32)
        for n in range(5):
            m0 = d0 == n
            m1 = d1 == n
            s0 = jnp.where(m0, l0, _NEG)
            s1 = jnp.where(m1, l1, _NEG)
            mx = jnp.maximum(_rmax(s0), _rmax(s1))
            e0 = jnp.where(m0, jnp.exp(s0 - mx), 0.0)
            e1 = jnp.where(m1, jnp.exp(s1 - mx), 0.0)
            den = _rsum(e0) + _rsum(e1) + 1e-16
            a0 = a0 + e0 / den
            a1 = a1 + e1 / den

        ew_v[0:16] = a0 * ea_v[0:16]
        ew_v[16:32] = a1 * ea_v[16:32]

        @pl.when(wid == 0)
        def _():
            pltpu.sync_copy(ew_v, out_hbm)

    return sc_edge


def kernel(x, edge_index, edge_attr, params):
    p = params
    N = x.shape[0]
    E = edge_index.shape[1]
    CT_N = p["ca_W3"].shape[1]
    H = p["lstm_Whh"].shape[1]
    OUT = p["gin_W2_3"].shape[1]
    f32 = jnp.float32

    vecs = [p["lstm_bih"], p["lstm_bhh"],
            p["gin_b1_0"], p["gin_b1_1"], p["gin_b1_2"],
            p["gin_b2_0"], p["gin_b2_1"], p["gin_b2_2"],
            p["ca_asrc0"], p["ca_adst0"], p["ca_b0"],
            p["ca_asrc1"], p["ca_adst1"], p["ca_b1"],
            p["ca_asrc2"], p["ca_adst2"], p["ca_b2"],
            p["g2_att"],
            p["ca_asrc3"], p["ca_adst3"], p["ca_b3"],
            p["ct_asrc1"], p["ct_adst1"], p["ct_b1"],
            p["ct_asrc0"], p["ct_adst0"], p["ct_b0"],
            p["gin_b1_3"], jnp.zeros((6,), f32), p["gin_b2_3"]]
    off, voff = 0, []
    for v in vecs:
        voff.append(off)
        off += v.shape[0]
    vecpack = jnp.concatenate(vecs)[None, :]

    pack10 = jnp.concatenate(
        [p["gin_W1_3"], p["gin_W2_3"], jnp.zeros((6, OUT), f32)], axis=0)
    pack32 = jnp.concatenate(
        [p["g2_Wl"], jnp.zeros((6, CT_N), f32), p["g2_Wr"],
         jnp.zeros((6, CT_N), f32), p["ca_W3"], p["ct_W1"]], axis=0)
    pack64 = jnp.concatenate([p["ca_W0"], p["ca_W1"], p["ca_W2"]], axis=0)
    pack256 = jnp.concatenate(
        [p["gin_W1_0"], p["gin_W1_1"], p["gin_W1_2"],
         p["gin_W2_0"], p["gin_W2_1"], p["gin_W2_2"]], axis=0)

    def vec_of(ref, i, n):
        return ref[0:1, voff[i]: voff[i] + n]

    def pre(x_ref, w_ref, vp_ref, p32_ref, table_ref, h_ref):
        xv = x_ref[...]
        gates = (_dot(xv, w_ref[...], ((1,), (1,)))
                 + vec_of(vp_ref, 0, 4 * H) + vec_of(vp_ref, 1, 4 * H))
        c = jax.nn.sigmoid(gates[:, 0:H]) * jnp.tanh(gates[:, 2 * H:3 * H])
        h_ref[...] = jax.nn.sigmoid(gates[:, 3 * H:4 * H]) * jnp.tanh(c)
        table_ref[...] = jnp.zeros((16, 128), f32)
        table_ref[0:5, 0:CT_N] = _mm(xv, p32_ref[0:10, :])
        table_ref[8:13, 0:CT_N] = _mm(xv, p32_ref[16:26, :])

    table, h = pl.pallas_call(
        pre,
        out_shape=[jax.ShapeDtypeStruct((16, 128), f32),
                   jax.ShapeDtypeStruct((N, H), f32)],
    )(x, p["lstm_Wih"], vecpack, pack32)

    src = edge_index[0].astype(jnp.int32)
    dst = edge_index[1].astype(jnp.int32)
    idx40 = jnp.concatenate([src, dst + 8])
    dstpad = jnp.concatenate([dst, jnp.full((32 - E,), 7, jnp.int32)])
    eapad = jnp.concatenate([edge_attr[:, 0], jnp.zeros((32 - E,), f32)])
    ew32 = _make_sc_edge()(table, idx40, p["g2_att"], dstpad, eapad)

    args = [edge_index, ew32[None, :], vecpack, h,
            pack10, p["ct_W0"], pack32, pack64, pack256]

    def fused(ei_ref, ew_ref, vp_ref, h_ref, p10_ref, w16_ref, p32_ref,
              p64_ref, p256_ref, out_ref):
        ei = ei_ref[...]
        ew_row = ew_ref[0:1, 0:E]

        def vec(i, n):
            return vec_of(vp_ref, i, n)

        src_row = ei[0:1, :]
        dst_row = ei[1:2, :]

        node5 = lax.broadcasted_iota(jnp.int32, (N, E), 0)
        node32 = lax.broadcasted_iota(jnp.int32, (CT_N, E), 0)
        gs5_b = node5 == src_row
        gd5_b = node5 == dst_row
        gs5 = gs5_b.astype(f32)
        gd5 = gd5_b.astype(f32)
        gs32 = (node32 == src_row).astype(f32)
        gd32 = (node32 == dst_row).astype(f32)
        ri = lax.broadcasted_iota(jnp.int32, (CT_N, CT_N), 0)
        ci = lax.broadcasted_iota(jnp.int32, (CT_N, CT_N), 1)
        offdiag = ri != ci
        eye32 = (ri == ci).astype(f32)

        ca_w = [p64_ref[0:256, :], p64_ref[256:320, :],
                p64_ref[320:384, :], p32_ref[32:96, :]]
        ca_as, ca_ad, ca_b = [8, 11, 14, 18], [9, 12, 15, 19], [10, 13, 16, 20]
        z = h_ref[...]
        for li in range(4):
            fdim = ca_w[li].shape[1]
            hw = _mm(z, ca_w[li])
            s_src = jnp.sum(hw * vec(ca_as[li], fdim), axis=1, keepdims=True)
            s_dst = jnp.sum(hw * vec(ca_ad[li], fdim), axis=1, keepdims=True)
            e_row = _leaky(jnp.sum(gs5 * s_src, axis=0, keepdims=True)
                           + jnp.sum(gd5 * s_dst, axis=0, keepdims=True))
            alpha = _seg_softmax_ne(e_row, gd5_b) * ew_row
            msgs = _dot(gs5, hw, ((0,), (0,)))
            if li < 3:
                z = jnp.maximum(_mm(alpha, msgs) + vec(ca_b[li], fdim), 0.0)
            else:
                b_col = _dot(eye32, vec(ca_b[li], fdim), ((1,), (1,)))
                z = _dot(msgs, alpha, ((0,), (1,))) + b_col

        t = z
        ct_w = [w16_ref[...], p32_ref[96:112, :]]
        ct_as, ct_ad, ct_b = [24, 21], [25, 22], [26, 23]
        for li in range(2):
            w = ct_w[li]
            fdim = w.shape[1]
            hw = _mm(t, w)
            hwT = _dot(w, t, ((0,), (1,)))
            s_src_row = _dot(vec(ct_as[li], fdim), hwT, ((1,), (0,)))
            s_dst_col = jnp.sum(hw * vec(ct_ad[li], fdim), axis=1,
                                keepdims=True)
            ematT = _leaky(s_dst_col + s_src_row)
            ematT = jnp.where(offdiag, ematT, _NEG)
            m = jnp.max(ematT, axis=1, keepdims=True)
            ex = jnp.where(offdiag, jnp.exp(ematT - m), 0.0)
            alphaT = ex / (jnp.sum(ex, axis=1, keepdims=True) + 1e-16)
            if li < 1:
                t = jnp.maximum(_mm(alphaT, hw) + vec(ct_b[li], fdim), 0.0)
            else:
                b_col = _dot(eye32, vec(ct_b[li], fdim), ((1,), (1,)))
                y = _dot(hw, alphaT, ((0,), (1,))) + b_col

        adj = _dot(gd32, gs32, ((1,), (1,)))
        gin_w1 = [p256_ref[0:32, :], p256_ref[32:288, :],
                  p256_ref[288:544, :], p10_ref[0:256, :]]
        gin_w2 = [p256_ref[544:800, :], p256_ref[800:1056, :],
                  p256_ref[1056:1312, :], p10_ref[256:266, :]]
        for li in range(4):
            b1 = vec(2 + li, H) if li < 3 else vec(27, OUT)
            b2 = vec(5 + li, H) if li < 3 else vec(29, OUT)
            hg = y + _mm(adj, y)
            hg = jnp.maximum(_mm(hg, gin_w1[li]) + b1, 0.0)
            y = _mm(hg, gin_w2[li]) + b2
            if li < 3:
                y = jnp.maximum(y, 0.0)

        out_ref[...] = y

    return pl.pallas_call(
        fused,
        out_shape=jax.ShapeDtypeStruct((CT_N, OUT), jnp.float32),
    )(*args)

# --- scband reference (transcript-rebuilt; emitter-appended) ---
"""Pipeline reference for scband-neuro-transform-47433618817220 (READ-ONLY COPY).

The authoritative reference and input builder live on the scoring server;
editing this copy changes nothing except your own understanding.
"""

import jax, jax.numpy as jnp
import numpy as np


def _segment_softmax(logits, seg, num_segments):
    m = jax.ops.segment_max(logits, seg, num_segments)
    m = jnp.where(jnp.isfinite(m), m, 0.0)
    e = jnp.exp(logits - m[seg])
    s = jax.ops.segment_sum(e, seg, num_segments)
    return e / (s[seg] + 1e-16)


def _gatv2(x, ei, Wl, Wr, att, b):
    src, dst = ei[0], ei[1]
    xl = x @ Wl
    xr = x @ Wr
    e = jnp.dot(jax.nn.leaky_relu(xl[src] + xr[dst], 0.2), att)
    alpha = _segment_softmax(e, dst, x.shape[0])
    out = jax.ops.segment_sum(alpha[:, None] * xl[src], dst, x.shape[0]) + b
    return out, alpha


def _gatconv(x, ei, W, asrc, adst, b, ew=None):
    N = x.shape[0]
    src, dst = ei[0], ei[1]
    h = x @ W
    e = jax.nn.leaky_relu((h @ asrc)[src] + (h @ adst)[dst], 0.2)
    alpha = _segment_softmax(e, dst, N)
    if ew is not None:
        alpha = alpha * ew
    return jax.ops.segment_sum(alpha[:, None] * h[src], dst, N) + b


def _ginconv(x, ei, W1, b1, W2, b2):
    agg = jax.ops.segment_sum(x[ei[0]], ei[1], x.shape[0])
    h = x + agg
    h = jax.nn.relu(h @ W1 + b1)
    return h @ W2 + b2


def _forward(x, edge_index, edge_attr, params):
    p = params
    h0 = jnp.zeros((x.shape[0], 256), dtype=x.dtype)
    gates = x @ p['lstm_Wih'].T + p['lstm_bih'] + h0 @ p['lstm_Whh'].T + p['lstm_bhh']
    i_g, f_g, g_g, o_g = jnp.split(gates, 4, axis=-1)
    c = jax.nn.sigmoid(i_g) * jnp.tanh(g_g)
    h = jax.nn.sigmoid(o_g) * jnp.tanh(c)
    _, alpha = _gatv2(x, edge_index, p['g2_Wl'], p['g2_Wr'], p['g2_att'], p['g2_b'])
    ew = (edge_attr * alpha[:, None])[:, 0]
    z = h
    for li in range(4):
        z = _gatconv(z, edge_index, p['ca_W%d' % li], p['ca_asrc%d' % li], p['ca_adst%d' % li], p['ca_b%d' % li], ew)
        if li < 3:
            z = jax.nn.relu(z)
    r, ccol = jnp.triu_indices(32, k=1)
    fe = jnp.stack([r, ccol])
    ei2 = jnp.concatenate([fe, fe[::-1]], axis=1)
    t = z.T
    for li in range(2):
        t = _gatconv(t, ei2, p['ct_W%d' % li], p['ct_asrc%d' % li], p['ct_adst%d' % li], p['ct_b%d' % li])
        if li < 1:
            t = jax.nn.relu(t)
    y = t.T
    for li in range(4):
        y = _ginconv(y, edge_index, p['gin_W1_%d' % li], p['gin_b1_%d' % li], p['gin_W2_%d' % li], p['gin_b2_%d' % li])
        if li < 3:
            y = jax.nn.relu(y)
    return y


def setup_inputs(seed: int = 0) -> dict:
    key = jax.random.key(seed)
    ks = iter(jax.random.split(key, 64))

    def nrm(shape, scale=0.1):
        return scale * jax.random.normal(next(ks), shape, dtype=jnp.float32)

    x = jax.random.normal(next(ks), (5, 10), dtype=jnp.float32)
    edge_index = jax.random.randint(next(ks), (2, 20), 0, 5, dtype=jnp.int32)
    edge_attr = jax.random.uniform(next(ks), (20, 1), dtype=jnp.float32)
    params = {}
    params['lstm_Wih'] = nrm((1024, 10))
    params['lstm_Whh'] = nrm((1024, 256))
    params['lstm_bih'] = nrm((1024,))
    params['lstm_bhh'] = nrm((1024,))
    params['g2_Wl'] = nrm((10, 32))
    params['g2_Wr'] = nrm((10, 32))
    params['g2_att'] = nrm((32,))
    params['g2_b'] = nrm((32,))
    ca_dims = [(256, 64), (64, 64), (64, 64), (64, 32)]
    for li, (a, b) in enumerate(ca_dims):
        params['ca_W%d' % li] = nrm((a, b))
        params['ca_asrc%d' % li] = nrm((b,))
        params['ca_adst%d' % li] = nrm((b,))
        params['ca_b%d' % li] = nrm((b,))
    ct_dims = [(5, 16), (16, 32)]
    for li, (a, b) in enumerate(ct_dims):
        params['ct_W%d' % li] = nrm((a, b))
        params['ct_asrc%d' % li] = nrm((b,))
        params['ct_adst%d' % li] = nrm((b,))
        params['ct_b%d' % li] = nrm((b,))
    gin_dims = [(32, 256, 256), (256, 256, 256), (256, 256, 256), (256, 10, 10)]
    for li, (a, hdim, o) in enumerate(gin_dims):
        params['gin_W1_%d' % li] = nrm((a, hdim))
        params['gin_b1_%d' % li] = nrm((hdim,))
        params['gin_W2_%d' % li] = nrm((hdim, o))
        params['gin_b2_%d' % li] = nrm((o,))
    return {'x': x, 'edge_index': edge_index, 'edge_attr': edge_attr, 'params': params}


def reference(x, edge_index, edge_attr, params):
    return _forward(x, edge_index, edge_attr, params)

if __name__ == "__main__":
    import jax
    _d = setup_inputs()
    print(jax.jit(kernel)(*tuple(_d.values())))

</pallas_src>

<mosaic_0001>
#map = affine_map<(d0, d1) -> (0, 0)>
#map1 = affine_map<(d0, d1) -> (0)>
module attributes {stable_mosaic.version = 14 : i64} {
  func.func @sc_edge(%arg0: i32, %arg1: i32, %arg2: memref<16x128xf32, #tpu.memory_space<hbm>>, %arg3: memref<40xi32, #tpu.memory_space<hbm>>, %arg4: memref<32xf32, #tpu.memory_space<hbm>>, %arg5: memref<32xi32, #tpu.memory_space<hbm>>, %arg6: memref<32xf32, #tpu.memory_space<hbm>>, %arg7: memref<32xf32, #tpu.memory_space<hbm>>, %arg8: memref<40xi32, #tpu.memory_space<vmem>>, %arg9: memref<40x128xf32, #tpu.memory_space<vmem>>, %arg10: memref<32xf32, #tpu.memory_space<vmem>>, %arg11: memref<32xi32, #tpu.memory_space<vmem>>, %arg12: memref<32xf32, #tpu.memory_space<vmem>>, %arg13: memref<32xf32, #tpu.memory_space<vmem>>, %arg14: memref<!tpu.dma_semaphore, #tpu.memory_space<semaphore_mem>>) attributes {dimension_semantics = [#tpu.dimension_semantics<core_parallel>, #tpu.dimension_semantics<subcore_parallel>], iteration_bounds = array<i64: 2, 16>, scalar_prefetch = 0 : i64, scratch_operands = 7 : i64, tpu.core_type = #tpu.core_type<sc_vector_subcore>, window_params = [{transform_indices = #map}, {transform_indices = #map1}, {transform_indices = #map1}, {transform_indices = #map1}, {transform_indices = #map1}, {transform_indices = #map1}]} {
    %mul3A = arith.constant 2 : i32
    %mul3A_0 = arith.muli %arg1, %mul3A : i32
    %add3A = arith.addi %mul3A_0, %arg0 : i32
    "tpu.region"() ({
      %run_scoped3A = tpu.sem_alloc : memref<!tpu.dma_semaphore, #tpu.memory_space<semaphore_mem>>
      tpu.enqueue_dma source(%arg3 : memref<40xi32, #tpu.memory_space<hbm>>) target(%arg8 : memref<40xi32, #tpu.memory_space<vmem>>) target_semaphore(%run_scoped3A : memref<!tpu.dma_semaphore, #tpu.memory_space<semaphore_mem>>)
      tpu.wait_dma2 semaphore(%run_scoped3A : memref<!tpu.dma_semaphore, #tpu.memory_space<semaphore_mem>>) src(%arg3 : memref<40xi32, #tpu.memory_space<hbm>>) dst(%arg8 : memref<40xi32, #tpu.memory_space<vmem>>)
      tpu.yield
    }) : () -> ()
    "tpu.region"() ({
      %run_scoped3A = tpu.sem_alloc : memref<!tpu.dma_semaphore, #tpu.memory_space<semaphore_mem>>
      tpu.enqueue_dma source(%arg4 : memref<32xf32, #tpu.memory_space<hbm>>) target(%arg10 : memref<32xf32, #tpu.memory_space<vmem>>) target_semaphore(%run_scoped3A : memref<!tpu.dma_semaphore, #tpu.memory_space<semaphore_mem>>)
      tpu.wait_dma2 semaphore(%run_scoped3A : memref<!tpu.dma_semaphore, #tpu.memory_space<semaphore_mem>>) src(%arg4 : memref<32xf32, #tpu.memory_space<hbm>>) dst(%arg10 : memref<32xf32, #tpu.memory_space<vmem>>)
      tpu.yield
    }) : () -> ()
    "tpu.region"() ({
      %run_scoped3A = tpu.sem_alloc : memref<!tpu.dma_semaphore, #tpu.memory_space<semaphore_mem>>
      tpu.enqueue_dma source(%arg5 : memref<32xi32, #tpu.memory_space<hbm>>) target(%arg11 : memref<32xi32, #tpu.memory_space<vmem>>) target_semaphore(%run_scoped3A : memref<!tpu.dma_semaphore, #tpu.memory_space<semaphore_mem>>)
      tpu.wait_dma2 semaphore(%run_scoped3A : memref<!tpu.dma_semaphore, #tpu.memory_space<semaphore_mem>>) src(%arg5 : memref<32xi32, #tpu.memory_space<hbm>>) dst(%arg11 : memref<32xi32, #tpu.memory_space<vmem>>)
      tpu.yield
    }) : () -> ()
    "tpu.region"() ({
      %run_scoped3A = tpu.sem_alloc : memref<!tpu.dma_semaphore, #tpu.memory_space<semaphore_mem>>
      tpu.enqueue_dma source(%arg6 : memref<32xf32, #tpu.memory_space<hbm>>) target(%arg12 : memref<32xf32, #tpu.memory_space<vmem>>) target_semaphore(%run_scoped3A : memref<!tpu.dma_semaphore, #tpu.memory_space<semaphore_mem>>)
      tpu.wait_dma2 semaphore(%run_scoped3A : memref<!tpu.dma_semaphore, #tpu.memory_space<semaphore_mem>>) src(%arg6 : memref<32xf32, #tpu.memory_space<hbm>>) dst(%arg12 : memref<32xf32, #tpu.memory_space<vmem>>)
      tpu.yield
    }) : () -> ()
    %dma_start3A = arith.constant 0 : i32
    %dma_start3A_1 = arith.constant 0 : i32
    %dma_start3A_2 = tpu.memref_slice %arg2[%dma_start3A, %dma_start3A_1] : memref<16x128xf32, #tpu.memory_space<hbm>> -> memref<16x128xf32, #tpu.memory_space<hbm>>
    tpu.enqueue_indirect_dma source(%dma_start3A_2 : memref<16x128xf32, #tpu.memory_space<hbm>>) target(%arg9 : memref<40x128xf32, #tpu.memory_space<vmem>>) offsets(%arg8 : memref<40xi32, #tpu.memory_space<vmem>>) semaphore(%arg14 : memref<!tpu.dma_semaphore, #tpu.memory_space<semaphore_mem>>)
    %dma_wait3A = arith.constant 0 : i32
    %dma_wait3A_3 = arith.constant 0 : i32
    %dma_wait3A_4 = tpu.memref_slice %arg2[%dma_wait3A, %dma_wait3A_3] : memref<16x128xf32, #tpu.memory_space<hbm>> -> memref<16x128xf32, #tpu.memory_space<hbm>>
    tpu.wait_indirect_dma semaphore(%arg14 : memref<!tpu.dma_semaphore, #tpu.memory_space<semaphore_mem>>) src(%dma_wait3A_4 : memref<16x128xf32, #tpu.memory_space<hbm>>) dst(%arg9 : memref<40x128xf32, #tpu.memory_space<vmem>>)
    %iota3A = tpu.iota {dimensions = array<i32: 0>} : vector<16xi32>
    %get3A = arith.constant 0 : index
    %get3A_5 = tpu.vector_load %arg10[%get3A] {strides = array<i32>} : memref<32xf32, #tpu.memory_space<vmem>>, vector<16xf32>,
    %get3A_6 = vector.shape_cast %get3A_5 : vector<16xf32> to vector<16xf32>
    %get3A_7 = arith.constant 16 : index
    %get3A_8 = tpu.vector_load %arg10[%get3A_7] {strides = array<i32>} : memref<32xf32, #tpu.memory_space<vmem>>, vector<16xf32>,
    %get3A_9 = vector.shape_cast %get3A_8 : vector<16xf32> to vector<16xf32>
    %broadcast_in_dim3A = arith.constant 0.000000e+00 : f32
    %broadcast_in_dim3A_10 = vector.broadcast %broadcast_in_dim3A : f32 to vector<16xf32>
    %broadcast_in_dim3A_11 = arith.constant 0.000000e+00 : f32
    %broadcast_in_dim3A_12 = vector.broadcast %broadcast_in_dim3A_11 : f32 to vector<16xf32>
    %get3A_13 = arith.constant 0 : i32
    %get3A_14 = arith.index_cast %get3A_13 : i32 to index
    %get3A_15 = arith.constant 0 : index
    %get3A_16 = tpu.vector_load %arg9[%get3A_14, %get3A_15] {strides = array<i32>} : memref<40x128xf32, #tpu.memory_space<vmem>>, vector<1x16xf32>,
    %get3A_17 = vector.shape_cast %get3A_16 : vector<1x16xf32> to vector<16xf32>
    %get3A_18 = arith.constant 20 : i32
    %get3A_19 = arith.index_cast %get3A_18 : i32 to index
    %get3A_20 = arith.constant 0 : index
    %get3A_21 = tpu.vector_load %arg9[%get3A_19, %get3A_20] {strides = array<i32>} : memref<40x128xf32, #tpu.memory_space<vmem>>, vector<1x16xf32>,
    %get3A_22 = vector.shape_cast %get3A_21 : vector<1x16xf32> to vector<16xf32>
    %add3A_23 = arith.addf %get3A_17, %get3A_22 : vector<16xf32>
    %get3A_24 = arith.constant 0 : i32
    %get3A_25 = arith.index_cast %get3A_24 : i32 to index
    %get3A_26 = arith.constant 16 : index
    %get3A_27 = tpu.vector_load %arg9[%get3A_25, %get3A_26] {strides = array<i32>} : memref<40x128xf32, #tpu.memory_space<vmem>>, vector<1x16xf32>,
    %get3A_28 = vector.shape_cast %get3A_27 : vector<1x16xf32> to vector<16xf32>
    %get3A_29 = arith.constant 20 : i32
    %get3A_30 = arith.index_cast %get3A_29 : i32 to index
    %get3A_31 = arith.constant 16 : index
    %get3A_32 = tpu.vector_load %arg9[%get3A_30, %get3A_31] {strides = array<i32>} : memref<40x128xf32, #tpu.memory_space<vmem>>, vector<1x16xf32>,
    %get3A_33 = vector.shape_cast %get3A_32 : vector<1x16xf32> to vector<16xf32>
    %add3A_34 = arith.addf %get3A_28, %get3A_33 : vector<16xf32>
    %gt3A = arith.constant 0.000000e+00 : f32
    %gt3A_35 = vector.broadcast %gt3A : f32 to vector<16xf32>
    %gt3A_36 = arith.cmpf ogt, %add3A_23, %gt3A_35 : vector<16xf32>
    %mul3A_37 = arith.constant 2.000000e-01 : f32
    %mul3A_38 = vector.broadcast %mul3A_37 : f32 to vector<16xf32>
    %mul3A_39 = arith.mulf %mul3A_38, %add3A_23 : vector<16xf32>
    %select_n3A = arith.select %gt3A_36, %add3A_23, %mul3A_39 : vector<16xi1>, vector<16xf32>
    %gt3A_40 = arith.constant 0.000000e+00 : f32
    %gt3A_41 = vector.broadcast %gt3A_40 : f32 to vector<16xf32>
    %gt3A_42 = arith.cmpf ogt, %add3A_34, %gt3A_41 : vector<16xf32>
    %mul3A_43 = arith.constant 2.000000e-01 : f32
    %mul3A_44 = vector.broadcast %mul3A_43 : f32 to vector<16xf32>
    %mul3A_45 = arith.mulf %mul3A_44, %add3A_34 : vector<16xf32>
    %select_n3A_46 = arith.select %gt3A_42, %add3A_34, %mul3A_45 : vector<16xi1>, vector<16xf32>
    %mul3A_47 = arith.mulf %get3A_6, %select_n3A : vector<16xf32>
    %mul3A_48 = arith.mulf %get3A_9, %select_n3A_46 : vector<16xf32>
    %add3A_49 = arith.addf %mul3A_47, %mul3A_48 : vector<16xf32>
    %iota3A_50 = tpu.iota {dimensions = array<i32: 0>} : vector<16xi32>
    %xor3A = arith.constant 1 : i32
    %xor3A_51 = vector.broadcast %xor3A : i32 to vector<16xi32>
    %xor3A_52 = arith.xori %iota3A_50, %xor3A_51 : vector<16xi32>
    %lt3A = arith.constant 0 : i32
    %lt3A_53 = vector.broadcast %lt3A : i32 to vector<16xi32>
    %lt3A_54 = arith.cmpi slt, %xor3A_52, %lt3A_53 : vector<16xi32>
    %add3A_55 = arith.constant 16 : i32
    %add3A_56 = vector.broadcast %add3A_55 : i32 to vector<16xi32>
    %add3A_57 = arith.addi %xor3A_52, %add3A_56 : vector<16xi32>
    %select_n3A_58 = arith.select %lt3A_54, %add3A_57, %xor3A_52 : vector<16xi1>, vector<16xi32>
    %broadcast_in_dim3A_59 = vector.shape_cast %select_n3A_58 : vector<16xi32> to vector<16x1xi32>
    %gather3A = vector.shape_cast %broadcast_in_dim3A_59 : vector<16x1xi32> to vector<16xi32>
    %gather3A_60 = tpu.dynamic_gather %add3A_49[%gather3A] in [0] : vector<16xf32>, vector<16xi32> -> vector<16xf32>
    %add3A_61 = arith.addf %add3A_49, %gather3A_60 : vector<16xf32>
    %xor3A_62 = arith.constant 2 : i32
    %xor3A_63 = vector.broadcast %xor3A_62 : i32 to vector<16xi32>
    %xor3A_64 = arith.xori %iota3A_50, %xor3A_63 : vector<16xi32>
    %lt3A_65 = arith.constant 0 : i32
    %lt3A_66 = vector.broadcast %lt3A_65 : i32 to vector<16xi32>
    %lt3A_67 = arith.cmpi slt, %xor3A_64, %lt3A_66 : vector<16xi32>
    %add3A_68 = arith.constant 16 : i32
    %add3A_69 = vector.broadcast %add3A_68 : i32 to vector<16xi32>
    %add3A_70 = arith.addi %xor3A_64, %add3A_69 : vector<16xi32>
    %select_n3A_71 = arith.select %lt3A_67, %add3A_70, %xor3A_64 : vector<16xi1>, vector<16xi32>
    %broadcast_in_dim3A_72 = vector.shape_cast %select_n3A_71 : vector<16xi32> to vector<16x1xi32>
    %gather3A_73 = vector.shape_cast %broadcast_in_dim3A_72 : vector<16x1xi32> to vector<16xi32>
    %gather3A_74 = tpu.dynamic_gather %add3A_61[%gather3A_73] in [0] : vector<16xf32>, vector<16xi32> -> vector<16xf32>
    %add3A_75 = arith.addf %add3A_61, %gather3A_74 : vector<16xf32>
    %xor3A_76 = arith.constant 4 : i32
    %xor3A_77 = vector.broadcast %xor3A_76 : i32 to vector<16xi32>
    %xor3A_78 = arith.xori %iota3A_50, %xor3A_77 : vector<16xi32>
    %lt3A_79 = arith.constant 0 : i32
    %lt3A_80 = vector.broadcast %lt3A_79 : i32 to vector<16xi32>
    %lt3A_81 = arith.cmpi slt, %xor3A_78, %lt3A_80 : vector<16xi32>
    %add3A_82 = arith.constant 16 : i32
    %add3A_83 = vector.broadcast %add3A_82 : i32 to vector<16xi32>
    %add3A_84 = arith.addi %xor3A_78, %add3A_83 : vector<16xi32>
    %select_n3A_85 = arith.select %lt3A_81, %add3A_84, %xor3A_78 : vector<16xi1>, vector<16xi32>
    %broadcast_in_dim3A_86 = vector.shape_cast %select_n3A_85 : vector<16xi32> to vector<16x1xi32>
    %gather3A_87 = vector.shape_cast %broadcast_in_dim3A_86 : vector<16x1xi32> to vector<16xi32>
    %gather3A_88 = tpu.dynamic_gather %add3A_75[%gather3A_87] in [0] : vector<16xf32>, vector<16xi32> -> vector<16xf32>
    %add3A_89 = arith.addf %add3A_75, %gather3A_88 : vector<16xf32>
    %xor3A_90 = arith.constant 8 : i32
    %xor3A_91 = vector.broadcast %xor3A_90 : i32 to vector<16xi32>
    %xor3A_92 = arith.xori %iota3A_50, %xor3A_91 : vector<16xi32>
    %lt3A_93 = arith.constant 0 : i32
    %lt3A_94 = vector.broadcast %lt3A_93 : i32 to vector<16xi32>
    %lt3A_95 = arith.cmpi slt, %xor3A_92, %lt3A_94 : vector<16xi32>
    %add3A_96 = arith.constant 16 : i32
    %add3A_97 = vector.broadcast %add3A_96 : i32 to vector<16xi32>
    %add3A_98 = arith.addi %xor3A_92, %add3A_97 : vector<16xi32>
    %select_n3A_99 = arith.select %lt3A_95, %add3A_98, %xor3A_92 : vector<16xi1>, vector<16xi32>
    %broadcast_in_dim3A_100 = vector.shape_cast %select_n3A_99 : vector<16xi32> to vector<16x1xi32>
    %gather3A_101 = vector.shape_cast %broadcast_in_dim3A_100 : vector<16x1xi32> to vector<16xi32>
    %gather3A_102 = tpu.dynamic_gather %add3A_89[%gather3A_101] in [0] : vector<16xf32>, vector<16xi32> -> vector<16xf32>
    %add3A_103 = arith.addf %add3A_89, %gather3A_102 : vector<16xf32>
    %eq3A = arith.constant 0 : i32
    %eq3A_104 = vector.broadcast %eq3A : i32 to vector<16xi32>
    %eq3A_105 = arith.cmpi eq, %iota3A, %eq3A_104 : vector<16xi32>
    %jit3A = arith.constant 0.000000e+00 : f32
    %broadcast_in_dim3A_106 = vector.broadcast %jit3A : f32 to vector<16xf32>
    %select_n3A_107 = arith.select %eq3A_105, %add3A_103, %broadcast_in_dim3A_106 : vector<16xi1>, vector<16xf32>
    %add3A_108 = arith.addf %broadcast_in_dim3A_10, %select_n3A_107 : vector<16xf32>
    %get3A_109 = arith.constant 1 : i32
    %get3A_110 = arith.index_cast %get3A_109 : i32 to index
    %get3A_111 = arith.constant 0 : index
    %get3A_112 = tpu.vector_load %arg9[%get3A_110, %get3A_111] {strides = array<i32>} : memref<40x128xf32, #tpu.memory_space<vmem>>, vector<1x16xf32>,
    %get3A_113 = vector.shape_cast %get3A_112 : vector<1x16xf32> to vector<16xf32>
    %get3A_114 = arith.constant 21 : i32
    %get3A_115 = arith.index_cast %get3A_114 : i32 to index
    %get3A_116 = arith.constant 0 : index
    %get3A_117 = tpu.vector_load %arg9[%get3A_115, %get3A_116] {strides = array<i32>} : memref<40x128xf32, #tpu.memory_space<vmem>>, vector<1x16xf32>,
    %get3A_118 = vector.shape_cast %get3A_117 : vector<1x16xf32> to vector<16xf32>
    %add3A_119 = arith.addf %get3A_113, %get3A_118 : vector<16xf32>
    %get3A_120 = arith.constant 1 : i32
    %get3A_121 = arith.index_cast %get3A_120 : i32 to index
    %get3A_122 = arith.constant 16 : index
    %get3A_123 = tpu.vector_load %arg9[%get3A_121, %get3A_122] {strides = array<i32>} : memref<40x128xf32, #tpu.memory_space<vmem>>, vector<1x16xf32>,
    %get3A_124 = vector.shape_cast %get3A_123 : vector<1x16xf32> to vector<16xf32>
    %get3A_125 = arith.constant 21 : i32
    %get3A_126 = arith.index_cast %get3A_125 : i32 to index
    %get3A_127 = arith.constant 16 : index
    %get3A_128 = tpu.vector_load %arg9[%get3A_126, %get3A_127] {strides = array<i32>} : memref<40x128xf32, #tpu.memory_space<vmem>>, vector<1x16xf32>,
    %get3A_129 = vector.shape_cast %get3A_128 : vector<1x16xf32> to vector<16xf32>
    %add3A_130 = arith.addf %get3A_124, %get3A_129 : vector<16xf32>
    %gt3A_131 = arith.constant 0.000000e+00 : f32
    %gt3A_132 = vector.broadcast %gt3A_131 : f32 to vector<16xf32>
    %gt3A_133 = arith.cmpf ogt, %add3A_119, %gt3A_132 : vector<16xf32>
    %mul3A_134 = arith.constant 2.000000e-01 : f32
    %mul3A_135 = vector.broadcast %mul3A_134 : f32 to vector<16xf32>
    %mul3A_136 = arith.mulf %mul3A_135, %add3A_119 : vector<16xf32>
    %select_n3A_137 = arith.select %gt3A_133, %add3A_119, %mul3A_136 : vector<16xi1>, vector<16xf32>
    %gt3A_138 = arith.constant 0.000000e+00 : f32
    %gt3A_139 = vector.broadcast %gt3A_138 : f32 to vector<16xf32>
    %gt3A_140 = arith.cmpf ogt, %add3A_130, %gt3A_139 : vector<16xf32>
    %mul3A_141 = arith.constant 2.000000e-01 : f32
    %mul3A_142 = vector.broadcast %mul3A_141 : f32 to vector<16xf32>
    %mul3A_143 = arith.mulf %mul3A_142, %add3A_130 : vector<16xf32>
    %select_n3A_144 = arith.select %gt3A_140, %add3A_130, %mul3A_143 : vector<16xi1>, vector<16xf32>
    %mul3A_145 = arith.mulf %get3A_6, %select_n3A_137 : vector<16xf32>
    %mul3A_146 = arith.mulf %get3A_9, %select_n3A_144 : vector<16xf32>
    %add3A_147 = arith.addf %mul3A_145, %mul3A_146 : vector<16xf32>
    %iota3A_148 = tpu.iota {dimensions = array<i32: 0>} : vector<16xi32>
    %xor3A_149 = arith.constant 1 : i32
    %xor3A_150 = vector.broadcast %xor3A_149 : i32 to vector<16xi32>
    %xor3A_151 = arith.xori %iota3A_148, %xor3A_150 : vector<16xi32>
    %lt3A_152 = arith.constant 0 : i32
    %lt3A_153 = vector.broadcast %lt3A_152 : i32 to vector<16xi32>
    %lt3A_154 = arith.cmpi slt, %xor3A_151, %lt3A_153 : vector<16xi32>
    %add3A_155 = arith.constant 16 : i32
    %add3A_156 = vector.broadcast %add3A_155 : i32 to vector<16xi32>
    %add3A_157 = arith.addi %xor3A_151, %add3A_156 : vector<16xi32>
    %select_n3A_158 = arith.select %lt3A_154, %add3A_157, %xor3A_151 : vector<16xi1>, vector<16xi32>
    %broadcast_in_dim3A_159 = vector.shape_cast %select_n3A_158 : vector<16xi32> to vector<16x1xi32>
    %gather3A_160 = vector.shape_cast %broadcast_in_dim3A_159 : vector<16x1xi32> to vector<16xi32>
    %gather3A_161 = tpu.dynamic_gather %add3A_147[%gather3A_160] in [0] : vector<16xf32>, vector<16xi32> -> vector<16xf32>
    %add3A_162 = arith.addf %add3A_147, %gather3A_161 : vector<16xf32>
    %xor3A_163 = arith.constant 2 : i32
    %xor3A_164 = vector.broadcast %xor3A_163 : i32 to vector<16xi32>
    %xor3A_165 = arith.xori %iota3A_148, %xor3A_164 : vector<16xi32>
    %lt3A_166 = arith.constant 0 : i32
    %lt3A_167 = vector.broadcast %lt3A_166 : i32 to vector<16xi32>
    %lt3A_168 = arith.cmpi slt, %xor3A_165, %lt3A_167 : vector<16xi32>
    %add3A_169 = arith.constant 16 : i32
    %add3A_170 = vector.broadcast %add3A_169 : i32 to vector<16xi32>
    %add3A_171 = arith.addi %xor3A_165, %add3A_170 : vector<16xi32>
    %select_n3A_172 = arith.select %lt3A_168, %add3A_171, %xor3A_165 : vector<16xi1>, vector<16xi32>
    %broadcast_in_dim3A_173 = vector.shape_cast %select_n3A_172 : vector<16xi32> to vector<16x1xi32>
    %gather3A_174 = vector.shape_cast %broadcast_in_dim3A_173 : vector<16x1xi32> to vector<16xi32>
    %gather3A_175 = tpu.dynamic_gather %add3A_162[%gather3A_174] in [0] : vector<16xf32>, vector<16xi32> -> vector<16xf32>
    %add3A_176 = arith.addf %add3A_162, %gather3A_175 : vector<16xf32>
    %xor3A_177 = arith.constant 4 : i32
    %xor3A_178 = vector.broadcast %xor3A_177 : i32 to vector<16xi32>
    %xor3A_179 = arith.xori %iota3A_148, %xor3A_178 : vector<16xi32>
    %lt3A_180 = arith.constant 0 : i32
    %lt3A_181 = vector.broadcast %lt3A_180 : i32 to vector<16xi32>
    %lt3A_182 = arith.cmpi slt, %xor3A_179, %lt3A_181 : vector<16xi32>
    %add3A_183 = arith.constant 16 : i32
    %add3A_184 = vector.broadcast %add3A_183 : i32 to vector<16xi32>
    %add3A_185 = arith.addi %xor3A_179, %add3A_184 : vector<16xi32>
    %select_n3A_186 = arith.select %lt3A_182, %add3A_185, %xor3A_179 : vector<16xi1>, vector<16xi32>
    %broadcast_in_dim3A_187 = vector.shape_cast %select_n3A_186 : vector<16xi32> to vector<16x1xi32>
    %gather3A_188 = vector.shape_cast %broadcast_in_dim3A_187 : vector<16x1xi32> to vector<16xi32>
    %gather3A_189 = tpu.dynamic_gather %add3A_176[%gather3A_188] in [0] : vector<16xf32>, vector<16xi32> -> vector<16xf32>
    %add3A_190 = arith.addf %add3A_176, %gather3A_189 : vector<16xf32>
    %xor3A_191 = arith.constant 8 : i32
    %xor3A_192 = vector.broadcast %xor3A_191 : i32 to vector<16xi32>
    %xor3A_193 = arith.xori %iota3A_148, %xor3A_192 : vector<16xi32>
    %lt3A_194 = arith.constant 0 : i32
    %lt3A_195 = vector.broadcast %lt3A_194 : i32 to vector<16xi32>
    %lt3A_196 = arith.cmpi slt, %xor3A_193, %lt3A_195 : vector<16xi32>
    %add3A_197 = arith.constant 16 : i32
    %add3A_198 = vector.broadcast %add3A_197 : i32 to vector<16xi32>
    %add3A_199 = arith.addi %xor3A_193, %add3A_198 : vector<16xi32>
    %select_n3A_200 = arith.select %lt3A_196, %add3A_199, %xor3A_193 : vector<16xi1>, vector<16xi32>
    %broadcast_in_dim3A_201 = vector.shape_cast %select_n3A_200 : vector<16xi32> to vector<16x1xi32>
    %gather3A_202 = vector.shape_cast %broadcast_in_dim3A_201 : vector<16x1xi32> to vector<16xi32>
    %gather3A_203 = tpu.dynamic_gather %add3A_190[%gather3A_202] in [0] : vector<16xf32>, vector<16xi32> -> vector<16xf32>
    %add3A_204 = arith.addf %add3A_190, %gather3A_203 : vector<16xf32>
    %eq3A_205 = arith.constant 1 : i32
    %eq3A_206 = vector.broadcast %eq3A_205 : i32 to vector<16xi32>
    %eq3A_207 = arith.cmpi eq, %iota3A, %eq3A_206 : vector<16xi32>
    %jit3A_208 = arith.constant 0.000000e+00 : f32
    %broadcast_in_dim3A_209 = vector.broadcast %jit3A_208 : f32 to vector<16xf32>
    %select_n3A_210 = arith.select %eq3A_207, %add3A_204, %broadcast_in_dim3A_209 : vector<16xi1>, vector<16xf32>
    %add3A_211 = arith.addf %add3A_108, %select_n3A_210 : vector<16xf32>
    %get3A_212 = arith.constant 2 : i32
    %get3A_213 = arith.index_cast %get3A_212 : i32 to index
    %get3A_214 = arith.constant 0 : index
    %get3A_215 = tpu.vector_load %arg9[%get3A_213, %get3A_214] {strides = array<i32>} : memref<40x128xf32, #tpu.memory_space<vmem>>, vector<1x16xf32>,
    %get3A_216 = vector.shape_cast %get3A_215 : vector<1x16xf32> to vector<16xf32>
    %get3A_217 = arith.constant 22 : i32
    %get3A_218 = arith.index_cast %get3A_217 : i32 to index
    %get3A_219 = arith.constant 0 : index
    %get3A_220 = tpu.vector_load %arg9[%get3A_218, %get3A_219] {strides = array<i32>} : memref<40x128xf32, #tpu.memory_space<vmem>>, vector<1x16xf32>,
    %get3A_221 = vector.shape_cast %get3A_220 : vector<1x16xf32> to vector<16xf32>
    %add3A_222 = arith.addf %get3A_216, %get3A_221 : vector<16xf32>
    %get3A_223 = arith.constant 2 : i32
    %get3A_224 = arith.index_cast %get3A_223 : i32 to index
    %get3A_225 = arith.constant 16 : index
    %get3A_226 = tpu.vector_load %arg9[%get3A_224, %get3A_225] {strides = array<i32>} : memref<40x128xf32, #tpu.memory_space<vmem>>, vector<1x16xf32>,
    %get3A_227 = vector.shape_cast %get3A_226 : vector<1x16xf32> to vector<16xf32>
    %get3A_228 = arith.constant 22 : i32
    %get3A_229 = arith.index_cast %get3A_228 : i32 to index
    %get3A_230 = arith.constant 16 : index
    %get3A_231 = tpu.vector_load %arg9[%get3A_229, %get3A_230] {strides = array<i32>} : memref<40x128xf32, #tpu.memory_space<vmem>>, vector<1x16xf32>,
    %get3A_232 = vector.shape_cast %get3A_231 : vector<1x16xf32> to vector<16xf32>
    %add3A_233 = arith.addf %get3A_227, %get3A_232 : vector<16xf32>
    %gt3A_234 = arith.constant 0.000000e+00 : f32
    %gt3A_235 = vector.broadcast %gt3A_234 : f32 to vector<16xf32>
    %gt3A_236 = arith.cmpf ogt, %add3A_222, %gt3A_235 : vector<16xf32>
    %mul3A_237 = arith.constant 2.000000e-01 : f32
    %mul3A_238 = vector.broadcast %mul3A_237 : f32 to vector<16xf32>
    %mul3A_239 = arith.mulf %mul3A_238, %add3A_222 : vector<16xf32>
    %select_n3A_240 = arith.select %gt3A_236, %add3A_222, %mul3A_239 : vector<16xi1>, vector<16xf32>
    %gt3A_241 = arith.constant 0.000000e+00 : f32
    %gt3A_242 = vector.broadcast %gt3A_241 : f32 to vector<16xf32>
    %gt3A_243 = arith.cmpf ogt, %add3A_233, %gt3A_242 : vector<16xf32>
    %mul3A_244 = arith.constant 2.000000e-01 : f32
    %mul3A_245 = vector.broadcast %mul3A_244 : f32 to vector<16xf32>
    %mul3A_246 = arith.mulf %mul3A_245, %add3A_233 : vector<16xf32>
    %select_n3A_247 = arith.select %gt3A_243, %add3A_233, %mul3A_246 : vector<16xi1>, vector<16xf32>
    %mul3A_248 = arith.mulf %get3A_6, %select_n3A_240 : vector<16xf32>
    %mul3A_249 = arith.mulf %get3A_9, %select_n3A_247 : vector<16xf32>
    %add3A_250 = arith.addf %mul3A_248, %mul3A_249 : vector<16xf32>
    %iota3A_251 = tpu.iota {dimensions = array<i32: 0>} : vector<16xi32>
    %xor3A_252 = arith.constant 1 : i32
    %xor3A_253 = vector.broadcast %xor3A_252 : i32 to vector<16xi32>
    %xor3A_254 = arith.xori %iota3A_251, %xor3A_253 : vector<16xi32>
    %lt3A_255 = arith.constant 0 : i32
    %lt3A_256 = vector.broadcast %lt3A_255 : i32 to vector<16xi32>
    %lt3A_257 = arith.cmpi slt, %xor3A_254, %lt3A_256 : vector<16xi32>
    %add3A_258 = arith.constant 16 : i32
    %add3A_259 = vector.broadcast %add3A_258 : i32 to vector<16xi32>
    %add3A_260 = arith.addi %xor3A_254, %add3A_259 : vector<16xi32>
    %select_n3A_261 = arith.select %lt3A_257, %add3A_260, %xor3A_254 : vector<16xi1>, vector<16xi32>
    %broadcast_in_dim3A_262 = vector.shape_cast %select_n3A_261 : vector<16xi32> to vector<16x1xi32>
    %gather3A_263 = vector.shape_cast %broadcast_in_dim3A_262 : vector<16x1xi32> to vector<16xi32>
    %gather3A_264 = tpu.dynamic_gather %add3A_250[%gather3A_263] in [0] : vector<16xf32>, vector<16xi32> -> vector<16xf32>
    %add3A_265 = arith.addf %add3A_250, %gather3A_264 : vector<16xf32>
    %xor3A_266 = arith.constant 2 : i32
    %xor3A_267 = vector.broadcast %xor3A_266 : i32 to vector<16xi32>
    %xor3A_268 = arith.xori %iota3A_251, %xor3A_267 : vector<16xi32>
    %lt3A_269 = arith.constant 0 : i32
    %lt3A_270 = vector.broadcast %lt3A_269 : i32 to vector<16xi32>
    %lt3A_271 = arith.cmpi slt, %xor3A_268, %lt3A_270 : vector<16xi32>
    %add3A_272 = arith.constant 16 : i32
    %add3A_273 = vector.broadcast %add3A_272 : i32 to vector<16xi32>
    %add3A_274 = arith.addi %xor3A_268, %add3A_273 : vector<16xi32>
    %select_n3A_275 = arith.select %lt3A_271, %add3A_274, %xor3A_268 : vector<16xi1>, vector<16xi32>
    %broadcast_in_dim3A_276 = vector.shape_cast %select_n3A_275 : vector<16xi32> to vector<16x1xi32>
    %gather3A_277 = vector.shape_cast %broadcast_in_dim3A_276 : vector<16x1xi32> to vector<16xi32>
    %gather3A_278 = tpu.dynamic_gather %add3A_265[%gather3A_277] in [0] : vector<16xf32>, vector<16xi32> -> vector<16xf32>
    %add3A_279 = arith.addf %add3A_265, %gather3A_278 : vector<16xf32>
    %xor3A_280 = arith.constant 4 : i32
    %xor3A_281 = vector.broadcast %xor3A_280 : i32 to vector<16xi32>
    %xor3A_282 = arith.xori %iota3A_251, %xor3A_281 : vector<16xi32>
    %lt3A_283 = arith.constant 0 : i32
    %lt3A_284 = vector.broadcast %lt3A_283 : i32 to vector<16xi32>
    %lt3A_285 = arith.cmpi slt, %xor3A_282, %lt3A_284 : vector<16xi32>
    %add3A_286 = arith.constant 16 : i32
    %add3A_287 = vector.broadcast %add3A_286 : i32 to vector<16xi32>
    %add3A_288 = arith.addi %xor3A_282, %add3A_287 : vector<16xi32>
    %select_n3A_289 = arith.select %lt3A_285, %add3A_288, %xor3A_282 : vector<16xi1>, vector<16xi32>
    %broadcast_in_dim3A_290 = vector.shape_cast %select_n3A_289 : vector<16xi32> to vector<16x1xi32>
    %gather3A_291 = vector.shape_cast %broadcast_in_dim3A_290 : vector<16x1xi32> to vector<16xi32>
    %gather3A_292 = tpu.dynamic_gather %add3A_279[%gather3A_291] in [0] : vector<16xf32>, vector<16xi32> -> vector<16xf32>
    %add3A_293 = arith.addf %add3A_279, %gather3A_292 : vector<16xf32>
    %xor3A_294 = arith.constant 8 : i32
    %xor3A_295 = vector.broadcast %xor3A_294 : i32 to vector<16xi32>
    %xor3A_296 = arith.xori %iota3A_251, %xor3A_295 : vector<16xi32>
    %lt3A_297 = arith.constant 0 : i32
    %lt3A_298 = vector.broadcast %lt3A_297 : i32 to vector<16xi32>
    %lt3A_299 = arith.cmpi slt, %xor3A_296, %lt3A_298 : vector<16xi32>
    %add3A_300 = arith.constant 16 : i32
    %add3A_301 = vector.broadcast %add3A_300 : i32 to vector<16xi32>
    %add3A_302 = arith.addi %xor3A_296, %add3A_301 : vector<16xi32>
    %select_n3A_303 = arith.select %lt3A_299, %add3A_302, %xor3A_296 : vector<16xi1>, vector<16xi32>
    %broadcast_in_dim3A_304 = vector.shape_cast %select_n3A_303 : vector<16xi32> to vector<16x1xi32>
    %gather3A_305 = vector.shape_cast %broadcast_in_dim3A_304 : vector<16x1xi32> to vector<16xi32>
    %gather3A_306 = tpu.dynamic_gather %add3A_293[%gather3A_305] in [0] : vector<16xf32>, vector<16xi32> -> vector<16xf32>
    %add3A_307 = arith.addf %add3A_293, %gather3A_306 : vector<16xf32>
    %eq3A_308 = arith.constant 2 : i32
    %eq3A_309 = vector.broadcast %eq3A_308 : i32 to vector<16xi32>
    %eq3A_310 = arith.cmpi eq, %iota3A, %eq3A_309 : vector<16xi32>
    %jit3A_311 = arith.constant 0.000000e+00 : f32
    %broadcast_in_dim3A_312 = vector.broadcast %jit3A_311 : f32 to vector<16xf32>
    %select_n3A_313 = arith.select %eq3A_310, %add3A_307, %broadcast_in_dim3A_312 : vector<16xi1>, vector<16xf32>
    %add3A_314 = arith.addf %add3A_211, %select_n3A_313 : vector<16xf32>
    %get3A_315 = arith.constant 3 : i32
    %get3A_316 = arith.index_cast %get3A_315 : i32 to index
    %get3A_317 = arith.constant 0 : index
    %get3A_318 = tpu.vector_load %arg9[%get3A_316, %get3A_317] {strides = array<i32>} : memref<40x128xf32, #tpu.memory_space<vmem>>, vector<1x16xf32>,
    %get3A_319 = vector.shape_cast %get3A_318 : vector<1x16xf32> to vector<16xf32>
    %get3A_320 = arith.constant 23 : i32
    %get3A_321 = arith.index_cast %get3A_320 : i32 to index
    %get3A_322 = arith.constant 0 : index
    %get3A_323 = tpu.vector_load %arg9[%get3A_321, %get3A_322] {strides = array<i32>} : memref<40x128xf32, #tpu.memory_space<vmem>>, vector<1x16xf32>,
    %get3A_324 = vector.shape_cast %get3A_323 : vector<1x16xf32> to vector<16xf32>
    %add3A_325 = arith.addf %get3A_319, %get3A_324 : vector<16xf32>
    %get3A_326 = arith.constant 3 : i32
    %get3A_327 = arith.index_cast %get3A_326 : i32 to index
    %get3A_328 = arith.constant 16 : index
    %get3A_329 = tpu.vector_load %arg9[%get3A_327, %get3A_328] {strides = array<i32>} : memref<40x128xf32, #tpu.memory_space<vmem>>, vector<1x16xf32>,
    %get3A_330 = vector.shape_cast %get3A_329 : vector<1x16xf32> to vector<16xf32>
    %get3A_331 = arith.constant 23 : i32
    %get3A_332 = arith.index_cast %get3A_331 : i32 to index
    %get3A_333 = arith.constant 16 : index
    %get3A_334 = tpu.vector_load %arg9[%get3A_332, %get3A_333] {strides = array<i32>} : memref<40x128xf32, #tpu.memory_space<vmem>>, vector<1x16xf32>,
    %get3A_335 = vector.shape_cast %get3A_334 : vector<1x16xf32> to vector<16xf32>
    %add3A_336 = arith.addf %get3A_330, %get3A_335 : vector<16xf32>
    %gt3A_337 = arith.constant 0.000000e+00 : f32
    %gt3A_338 = vector.broadcast %gt3A_337 : f32 to vector<16xf32>
    %gt3A_339 = arith.cmpf ogt, %add3A_325, %gt3A_338 : vector<16xf32>
    %mul3A_340 = arith.constant 2.000000e-01 : f32
    %mul3A_341 = vector.broadcast %mul3A_340 : f32 to vector<16xf32>
    %mul3A_342 = arith.mulf %mul3A_341, %add3A_325 : vector<16xf32>
    %select_n3A_343 = arith.select %gt3A_339, %add3A_325, %mul3A_342 : vector<16xi1>, vector<16xf32>
    %gt3A_344 = arith.constant 0.000000e+00 : f32
    %gt3A_345 = vector.broadcast %gt3A_344 : f32 to vector<16xf32>
    %gt3A_346 = arith.cmpf ogt, %add3A_336, %gt3A_345 : vector<16xf32>
    %mul3A_347 = arith.constant 2.000000e-01 : f32
    %mul3A_348 = vector.broadcast %mul3A_347 : f32 to vector<16xf32>
    %mul3A_349 = arith.mulf %mul3A_348, %add3A_336 : vector<16xf32>
    %select_n3A_350 = arith.select %gt3A_346, %add3A_336, %mul3A_349 : vector<16xi1>, vector<16xf32>
    %mul3A_351 = arith.mulf %get3A_6, %select_n3A_343 : vector<16xf32>
    %mul3A_352 = arith.mulf %get3A_9, %select_n3A_350 : vector<16xf32>
    %add3A_353 = arith.addf %mul3A_351, %mul3A_352 : vector<16xf32>
    %iota3A_354 = tpu.iota {dimensions = array<i32: 0>} : vector<16xi32>
    %xor3A_355 = arith.constant 1 : i32
    %xor3A_356 = vector.broadcast %xor3A_355 : i32 to vector<16xi32>
    %xor3A_357 = arith.xori %iota3A_354, %xor3A_356 : vector<16xi32>
    %lt3A_358 = arith.constant 0 : i32
    %lt3A_359 = vector.broadcast %lt3A_358 : i32 to vector<16xi32>
    %lt3A_360 = arith.cmpi slt, %xor3A_357, %lt3A_359 : vector<16xi32>
    %add3A_361 = arith.constant 16 : i32
    %add3A_362 = vector.broadcast %add3A_361 : i32 to vector<16xi32>
    %add3A_363 = arith.addi %xor3A_357, %add3A_362 : vector<16xi32>
    %select_n3A_364 = arith.select %lt3A_360, %add3A_363, %xor3A_357 : vector<16xi1>, vector<16xi32>
    %broadcast_in_dim3A_365 = vector.shape_cast %select_n3A_364 : vector<16xi32> to vector<16x1xi32>
    %gather3A_366 = vector.shape_cast %broadcast_in_dim3A_365 : vector<16x1xi32> to vector<16xi32>
    %gather3A_367 = tpu.dynamic_gather %add3A_353[%gather3A_366] in [0] : vector<16xf32>, vector<16xi32> -> vector<16xf32>
    %add3A_368 = arith.addf %add3A_353, %gather3A_367 : vector<16xf32>
    %xor3A_369 = arith.constant 2 : i32
    %xor3A_370 = vector.broadcast %xor3A_369 : i32 to vector<16xi32>
    %xor3A_371 = arith.xori %iota3A_354, %xor3A_370 : vector<16xi32>
    %lt3A_372 = arith.constant 0 : i32
    %lt3A_373 = vector.broadcast %lt3A_372 : i32 to vector<16xi32>
    %lt3A_374 = arith.cmpi slt, %xor3A_371, %lt3A_373 : vector<16xi32>
    %add3A_375 = arith.constant 16 : i32
    %add3A_376 = vector.broadcast %add3A_375 : i32 to vector<16xi32>
    %add3A_377 = arith.addi %xor3A_371, %add3A_376 : vector<16xi32>
    %select_n3A_378 = arith.select %lt3A_374, %add3A_377, %xor3A_371 : vector<16xi1>, vector<16xi32>
    %broadcast_in_dim3A_379 = vector.shape_cast %select_n3A_378 : vector<16xi32> to vector<16x1xi32>
    %gather3A_380 = vector.shape_cast %broadcast_in_dim3A_379 : vector<16x1xi32> to vector<16xi32>
    %gather3A_381 = tpu.dynamic_gather %add3A_368[%gather3A_380] in [0] : vector<16xf32>, vector<16xi32> -> vector<16xf32>
    %add3A_382 = arith.addf %add3A_368, %gather3A_381 : vector<16xf32>
    %xor3A_383 = arith.constant 4 : i32
    %xor3A_384 = vector.broadcast %xor3A_383 : i32 to vector<16xi32>
    %xor3A_385 = arith.xori %iota3A_354, %xor3A_384 : vector<16xi32>
    %lt3A_386 = arith.constant 0 : i32
    %lt3A_387 = vector.broadcast %lt3A_386 : i32 to vector<16xi32>
    %lt3A_388 = arith.cmpi slt, %xor3A_385, %lt3A_387 : vector<16xi32>
    %add3A_389 = arith.constant 16 : i32
    %add3A_390 = vector.broadcast %add3A_389 : i32 to vector<16xi32>
    %add3A_391 = arith.addi %xor3A_385, %add3A_390 : vector<16xi32>
    %select_n3A_392 = arith.select %lt3A_388, %add3A_391, %xor3A_385 : vector<16xi1>, vector<16xi32>
    %broadcast_in_dim3A_393 = vector.shape_cast %select_n3A_392 : vector<16xi32> to vector<16x1xi32>
    %gather3A_394 = vector.shape_cast %broadcast_in_dim3A_393 : vector<16x1xi32> to vector<16xi32>
    %gather3A_395 = tpu.dynamic_gather %add3A_382[%gather3A_394] in [0] : vector<16xf32>, vector<16xi32> -> vector<16xf32>
    %add3A_396 = arith.addf %add3A_382, %gather3A_395 : vector<16xf32>
    %xor3A_397 = arith.constant 8 : i32
    %xor3A_398 = vector.broadcast %xor3A_397 : i32 to vector<16xi32>
    %xor3A_399 = arith.xori %iota3A_354, %xor3A_398 : vector<16xi32>
    %lt3A_400 = arith.constant 0 : i32
    %lt3A_401 = vector.broadcast %lt3A_400 : i32 to vector<16xi32>
    %lt3A_402 = arith.cmpi slt, %xor3A_399, %lt3A_401 : vector<16xi32>
    %add3A_403 = arith.constant 16 : i32
    %add3A_404 = vector.broadcast %add3A_403 : i32 to vector<16xi32>
    %add3A_405 = arith.addi %xor3A_399, %add3A_404 : vector<16xi32>
    %select_n3A_406 = arith.select %lt3A_402, %add3A_405, %xor3A_399 : vector<16xi1>, vector<16xi32>
    %broadcast_in_dim3A_407 = vector.shape_cast %select_n3A_406 : vector<16xi32> to vector<16x1xi32>
    %gather3A_408 = vector.shape_cast %broadcast_in_dim3A_407 : vector<16x1xi32> to vector<16xi32>
    %gather3A_409 = tpu.dynamic_gather %add3A_396[%gather3A_408] in [0] : vector<16xf32>, vector<16xi32> -> vector<16xf32>
    %add3A_410 = arith.addf %add3A_396, %gather3A_409 : vector<16xf32>
    %eq3A_411 = arith.constant 3 : i32
    %eq3A_412 = vector.broadcast %eq3A_411 : i32 to vector<16xi32>
    %eq3A_413 = arith.cmpi eq, %iota3A, %eq3A_412 : vector<16xi32>
    %jit3A_414 = arith.constant 0.000000e+00 : f32
    %broadcast_in_dim3A_415 = vector.broadcast %jit3A_414 : f32 to vector<16xf32>
    %select_n3A_416 = arith.select %eq3A_413, %add3A_410, %broadcast_in_dim3A_415 : vector<16xi1>, vector<16xf32>
    %add3A_417 = arith.addf %add3A_314, %select_n3A_416 : vector<16xf32>
    %get3A_418 = arith.constant 4 : i32
    %get3A_419 = arith.index_cast %get3A_418 : i32 to index
    %get3A_420 = arith.constant 0 : index
    %get3A_421 = tpu.vector_load %arg9[%get3A_419, %get3A_420] {strides = array<i32>} : memref<40x128xf32, #tpu.memory_space<vmem>>, vector<1x16xf32>,
    %get3A_422 = vector.shape_cast %get3A_421 : vector<1x16xf32> to vector<16xf32>
    %get3A_423 = arith.constant 24 : i32
    %get3A_424 = arith.index_cast %get3A_423 : i32 to index
    %get3A_425 = arith.constant 0 : index
    %get3A_426 = tpu.vector_load %arg9[%get3A_424, %get3A_425] {strides = array<i32>} : memref<40x128xf32, #tpu.memory_space<vmem>>, vector<1x16xf32>,
    %get3A_427 = vector.shape_cast %get3A_426 : vector<1x16xf32> to vector<16xf32>
    %add3A_428 = arith.addf %get3A_422, %get3A_427 : vector<16xf32>
    %get3A_429 = arith.constant 4 : i32
    %get3A_430 = arith.index_cast %get3A_429 : i32 to index
    %get3A_431 = arith.constant 16 : index
    %get3A_432 = tpu.vector_load %arg9[%get3A_430, %get3A_431] {strides = array<i32>} : memref<40x128xf32, #tpu.memory_space<vmem>>, vector<1x16xf32>,
    %get3A_433 = vector.shape_cast %get3A_432 : vector<1x16xf32> to vector<16xf32>
    %get3A_434 = arith.constant 24 : i32
    %get3A_435 = arith.index_cast %get3A_434 : i32 to index
    %get3A_436 = arith.constant 16 : index
    %get3A_437 = tpu.vector_load %arg9[%get3A_435, %get3A_436] {strides = array<i32>} : memref<40x128xf32, #tpu.memory_space<vmem>>, vector<1x16xf32>,
    %get3A_438 = vector.shape_cast %get3A_437 : vector<1x16xf32> to vector<16xf32>
    %add3A_439 = arith.addf %get3A_433, %get3A_438 : vector<16xf32>
    %gt3A_440 = arith.constant 0.000000e+00 : f32
    %gt3A_441 = vector.broadcast %gt3A_440 : f32 to vector<16xf32>
    %gt3A_442 = arith.cmpf ogt, %add3A_428, %gt3A_441 : vector<16xf32>
    %mul3A_443 = arith.constant 2.000000e-01 : f32
    %mul3A_444 = vector.broadcast %mul3A_443 : f32 to vector<16xf32>
    %mul3A_445 = arith.mulf %mul3A_444, %add3A_428 : vector<16xf32>
    %select_n3A_446 = arith.select %gt3A_442, %add3A_428, %mul3A_445 : vector<16xi1>, vector<16xf32>
    %gt3A_447 = arith.constant 0.000000e+00 : f32
    %gt3A_448 = vector.broadcast %gt3A_447 : f32 to vector<16xf32>
    %gt3A_449 = arith.cmpf ogt, %add3A_439, %gt3A_448 : vector<16xf32>
    %mul3A_450 = arith.constant 2.000000e-01 : f32
    %mul3A_451 = vector.broadcast %mul3A_450 : f32 to vector<16xf32>
    %mul3A_452 = arith.mulf %mul3A_451, %add3A_439 : vector<16xf32>
    %select_n3A_453 = arith.select %gt3A_449, %add3A_439, %mul3A_452 : vector<16xi1>, vector<16xf32>
    %mul3A_454 = arith.mulf %get3A_6, %select_n3A_446 : vector<16xf32>
    %mul3A_455 = arith.mulf %get3A_9, %select_n3A_453 : vector<16xf32>
    %add3A_456 = arith.addf %mul3A_454, %mul3A_455 : vector<16xf32>
    %iota3A_457 = tpu.iota {dimensions = array<i32: 0>} : vector<16xi32>
    %xor3A_458 = arith.constant 1 : i32
    %xor3A_459 = vector.broadcast %xor3A_458 : i32 to vector<16xi32>
    %xor3A_460 = arith.xori %iota3A_457, %xor3A_459 : vector<16xi32>
    %lt3A_461 = arith.constant 0 : i32
    %lt3A_462 = vector.broadcast %lt3A_461 : i32 to vector<16xi32>
    %lt3A_463 = arith.cmpi slt, %xor3A_460, %lt3A_462 : vector<16xi32>
    %add3A_464 = arith.constant 16 : i32
    %add3A_465 = vector.broadcast %add3A_464 : i32 to vector<16xi32>
    %add3A_466 = arith.addi %xor3A_460, %add3A_465 : vector<16xi32>
    %select_n3A_467 = arith.select %lt3A_463, %add3A_466, %xor3A_460 : vector<16xi1>, vector<16xi32>
    %broadcast_in_dim3A_468 = vector.shape_cast %select_n3A_467 : vector<16xi32> to vector<16x1xi32>
    %gather3A_469 = vector.shape_cast %broadcast_in_dim3A_468 : vector<16x1xi32> to vector<16xi32>
    %gather3A_470 = tpu.dynamic_gather %add3A_456[%gather3A_469] in [0] : vector<16xf32>, vector<16xi32> -> vector<16xf32>
    %add3A_471 = arith.addf %add3A_456, %gather3A_470 : vector<16xf32>
    %xor3A_472 = arith.constant 2 : i32
    %xor3A_473 = vector.broadcast %xor3A_472 : i32 to vector<16xi32>
    %xor3A_474 = arith.xori %iota3A_457, %xor3A_473 : vector<16xi32>
    %lt3A_475 = arith.constant 0 : i32
    %lt3A_476 = vector.broadcast %lt3A_475 : i32 to vector<16xi32>
    %lt3A_477 = arith.cmpi slt, %xor3A_474, %lt3A_476 : vector<16xi32>
    %add3A_478 = arith.constant 16 : i32
    %add3A_479 = vector.broadcast %add3A_478 : i32 to vector<16xi32>
    %add3A_480 = arith.addi %xor3A_474, %add3A_479 : vector<16xi32>
    %select_n3A_481 = arith.select %lt3A_477, %add3A_480, %xor3A_474 : vector<16xi1>, vector<16xi32>
    %broadcast_in_dim3A_482 = vector.shape_cast %select_n3A_481 : vector<16xi32> to vector<16x1xi32>
    %gather3A_483 = vector.shape_cast %broadcast_in_dim3A_482 : vector<16x1xi32> to vector<16xi32>
    %gather3A_484 = tpu.dynamic_gather %add3A_471[%gather3A_483] in [0] : vector<16xf32>, vector<16xi32> -> vector<16xf32>
    %add3A_485 = arith.addf %add3A_471, %gather3A_484 : vector<16xf32>
    %xor3A_486 = arith.constant 4 : i32
    %xor3A_487 = vector.broadcast %xor3A_486 : i32 to vector<16xi32>
    %xor3A_488 = arith.xori %iota3A_457, %xor3A_487 : vector<16xi32>
    %lt3A_489 = arith.constant 0 : i32
    %lt3A_490 = vector.broadcast %lt3A_489 : i32 to vector<16xi32>
    %lt3A_491 = arith.cmpi slt, %xor3A_488, %lt3A_490 : vector<16xi32>
    %add3A_492 = arith.constant 16 : i32
    %add3A_493 = vector.broadcast %add3A_492 : i32 to vector<16xi32>
    %add3A_494 = arith.addi %xor3A_488, %add3A_493 : vector<16xi32>
    %select_n3A_495 = arith.select %lt3A_491, %add3A_494, %xor3A_488 : vector<16xi1>, vector<16xi32>
    %broadcast_in_dim3A_496 = vector.shape_cast %select_n3A_495 : vector<16xi32> to vector<16x1xi32>
    %gather3A_497 = vector.shape_cast %broadcast_in_dim3A_496 : vector<16x1xi32> to vector<16xi32>
    %gather3A_498 = tpu.dynamic_gather %add3A_485[%gather3A_497] in [0] : vector<16xf32>, vector<16xi32> -> vector<16xf32>
    %add3A_499 = arith.addf %add3A_485, %gather3A_498 : vector<16xf32>
    %xor3A_500 = arith.constant 8 : i32
    %xor3A_501 = vector.broadcast %xor3A_500 : i32 to vector<16xi32>
    %xor3A_502 = arith.xori %iota3A_457, %xor3A_501 : vector<16xi32>
    %lt3A_503 = arith.constant 0 : i32
    %lt3A_504 = vector.broadcast %lt3A_503 : i32 to vector<16xi32>
    %lt3A_505 = arith.cmpi slt, %xor3A_502, %lt3A_504 : vector<16xi32>
    %add3A_506 = arith.constant 16 : i32
    %add3A_507 = vector.broadcast %add3A_506 : i32 to vector<16xi32>
    %add3A_508 = arith.addi %xor3A_502, %add3A_507 : vector<16xi32>
    %select_n3A_509 = arith.select %lt3A_505, %add3A_508, %xor3A_502 : vector<16xi1>, vector<16xi32>
    %broadcast_in_dim3A_510 = vector.shape_cast %select_n3A_509 : vector<16xi32> to vector<16x1xi32>
    %gather3A_511 = vector.shape_cast %broadcast_in_dim3A_510 : vector<16x1xi32> to vector<16xi32>
    %gather3A_512 = tpu.dynamic_gather %add3A_499[%gather3A_511] in [0] : vector<16xf32>, vector<16xi32> -> vector<16xf32>
    %add3A_513 = arith.addf %add3A_499, %gather3A_512 : vector<16xf32>
    %eq3A_514 = arith.constant 4 : i32
    %eq3A_515 = vector.broadcast %eq3A_514 : i32 to vector<16xi32>
    %eq3A_516 = arith.cmpi eq, %iota3A, %eq3A_515 : vector<16xi32>
    %jit3A_517 = arith.constant 0.000000e+00 : f32
    %broadcast_in_dim3A_518 = vector.broadcast %jit3A_517 : f32 to vector<16xf32>
    %select_n3A_519 = arith.select %eq3A_516, %add3A_513, %broadcast_in_dim3A_518 : vector<16xi1>, vector<16xf32>
    %add3A_520 = arith.addf %add3A_417, %select_n3A_519 : vector<16xf32>
    %get3A_521 = arith.constant 5 : i32
    %get3A_522 = arith.index_cast %get3A_521 : i32 to index
    %get3A_523 = arith.constant 0 : index
    %get3A_524 = tpu.vector_load %arg9[%get3A_522, %get3A_523] {strides = array<i32>} : memref<40x128xf32, #tpu.memory_space<vmem>>, vector<1x16xf32>,
    %get3A_525 = vector.shape_cast %get3A_524 : vector<1x16xf32> to vector<16xf32>
    %get3A_526 = arith.constant 25 : i32
    %get3A_527 = arith.index_cast %get3A_526 : i32 to index
    %get3A_528 = arith.constant 0 : index
    %get3A_529 = tpu.vector_load %arg9[%get3A_527, %get3A_528] {strides = array<i32>} : memref<40x128xf32, #tpu.memory_space<vmem>>, vector<1x16xf32>,
    %get3A_530 = vector.shape_cast %get3A_529 : vector<1x16xf32> to vector<16xf32>
    %add3A_531 = arith.addf %get3A_525, %get3A_530 : vector<16xf32>
    %get3A_532 = arith.constant 5 : i32
    %get3A_533 = arith.index_cast %get3A_532 : i32 to index
    %get3A_534 = arith.constant 16 : index
    %get3A_535 = tpu.vector_load %arg9[%get3A_533, %get3A_534] {strides = array<i32>} : memref<40x128xf32, #tpu.memory_space<vmem>>, vector<1x16xf32>,
    %get3A_536 = vector.shape_cast %get3A_535 : vector<1x16xf32> to vector<16xf32>
    %get3A_537 = arith.constant 25 : i32
    %get3A_538 = arith.index_cast %get3A_537 : i32 to index
    %get3A_539 = arith.constant 16 : index
    %get3A_540 = tpu.vector_load %arg9[%get3A_538, %get3A_539] {strides = array<i32>} : memref<40x128xf32, #tpu.memory_space<vmem>>, vector<1x16xf32>,
    %get3A_541 = vector.shape_cast %get3A_540 : vector<1x16xf32> to vector<16xf32>
    %add3A_542 = arith.addf %get3A_536, %get3A_541 : vector<16xf32>
    %gt3A_543 = arith.constant 0.000000e+00 : f32
    %gt3A_544 = vector.broadcast %gt3A_543 : f32 to vector<16xf32>
    %gt3A_545 = arith.cmpf ogt, %add3A_531, %gt3A_544 : vector<16xf32>
    %mul3A_546 = arith.constant 2.000000e-01 : f32
    %mul3A_547 = vector.broadcast %mul3A_546 : f32 to vector<16xf32>
    %mul3A_548 = arith.mulf %mul3A_547, %add3A_531 : vector<16xf32>
    %select_n3A_549 = arith.select %gt3A_545, %add3A_531, %mul3A_548 : vector<16xi1>, vector<16xf32>
    %gt3A_550 = arith.constant 0.000000e+00 : f32
    %gt3A_551 = vector.broadcast %gt3A_550 : f32 to vector<16xf32>
    %gt3A_552 = arith.cmpf ogt, %add3A_542, %gt3A_551 : vector<16xf32>
    %mul3A_553 = arith.constant 2.000000e-01 : f32
    %mul3A_554 = vector.broadcast %mul3A_553 : f32 to vector<16xf32>
    %mul3A_555 = arith.mulf %mul3A_554, %add3A_542 : vector<16xf32>
    %select_n3A_556 = arith.select %gt3A_552, %add3A_542, %mul3A_555 : vector<16xi1>, vector<16xf32>
    %mul3A_557 = arith.mulf %get3A_6, %select_n3A_549 : vector<16xf32>
    %mul3A_558 = arith.mulf %get3A_9, %select_n3A_556 : vector<16xf32>
    %add3A_559 = arith.addf %mul3A_557, %mul3A_558 : vector<16xf32>
    %iota3A_560 = tpu.iota {dimensions = array<i32: 0>} : vector<16xi32>
    %xor3A_561 = arith.constant 1 : i32
    %xor3A_562 = vector.broadcast %xor3A_561 : i32 to vector<16xi32>
    %xor3A_563 = arith.xori %iota3A_560, %xor3A_562 : vector<16xi32>
    %lt3A_564 = arith.constant 0 : i32
    %lt3A_565 = vector.broadcast %lt3A_564 : i32 to vector<16xi32>
    %lt3A_566 = arith.cmpi slt, %xor3A_563, %lt3A_565 : vector<16xi32>
    %add3A_567 = arith.constant 16 : i32
    %add3A_568 = vector.broadcast %add3A_567 : i32 to vector<16xi32>
    %add3A_569 = arith.addi %xor3A_563, %add3A_568 : vector<16xi32>
    %select_n3A_570 = arith.select %lt3A_566, %add3A_569, %xor3A_563 : vector<16xi1>, vector<16xi32>
    %broadcast_in_dim3A_571 = vector.shape_cast %select_n3A_570 : vector<16xi32> to vector<16x1xi32>
    %gather3A_572 = vector.shape_cast %broadcast_in_dim3A_571 : vector<16x1xi32> to vector<16xi32>
    %gather3A_573 = tpu.dynamic_gather %add3A_559[%gather3A_572] in [0] : vector<16xf32>, vector<16xi32> -> vector<16xf32>
    %add3A_574 = arith.addf %add3A_559, %gather3A_573 : vector<16xf32>
    %xor3A_575 = arith.constant 2 : i32
    %xor3A_576 = vector.broadcast %xor3A_575 : i32 to vector<16xi32>
    %xor3A_577 = arith.xori %iota3A_560, %xor3A_576 : vector<16xi32>
    %lt3A_578 = arith.constant 0 : i32
    %lt3A_579 = vector.broadcast %lt3A_578 : i32 to vector<16xi32>
    %lt3A_580 = arith.cmpi slt, %xor3A_577, %lt3A_579 : vector<16xi32>
    %add3A_581 = arith.constant 16 : i32
    %add3A_582 = vector.broadcast %add3A_581 : i32 to vector<16xi32>
    %add3A_583 = arith.addi %xor3A_577, %add3A_582 : vector<16xi32>
    %select_n3A_584 = arith.select %lt3A_580, %add3A_583, %xor3A_577 : vector<16xi1>, vector<16xi32>
    %broadcast_in_dim3A_585 = vector.shape_cast %select_n3A_584 : vector<16xi32> to vector<16x1xi32>
    %gather3A_586 = vector.shape_cast %broadcast_in_dim3A_585 : vector<16x1xi32> to vector<16xi32>
    %gather3A_587 = tpu.dynamic_gather %add3A_574[%gather3A_586] in [0] : vector<16xf32>, vector<16xi32> -> vector<16xf32>
    %add3A_588 = arith.addf %add3A_574, %gather3A_587 : vector<16xf32>
    %xor3A_589 = arith.constant 4 : i32
    %xor3A_590 = vector.broadcast %xor3A_589 : i32 to vector<16xi32>
    %xor3A_591 = arith.xori %iota3A_560, %xor3A_590 : vector<16xi32>
    %lt3A_592 = arith.constant 0 : i32
    %lt3A_593 = vector.broadcast %lt3A_592 : i32 to vector<16xi32>
    %lt3A_594 = arith.cmpi slt, %xor3A_591, %lt3A_593 : vector<16xi32>
    %add3A_595 = arith.constant 16 : i32
    %add3A_596 = vector.broadcast %add3A_595 : i32 to vector<16xi32>
    %add3A_597 = arith.addi %xor3A_591, %add3A_596 : vector<16xi32>
    %select_n3A_598 = arith.select %lt3A_594, %add3A_597, %xor3A_591 : vector<16xi1>, vector<16xi32>
    %broadcast_in_dim3A_599 = vector.shape_cast %select_n3A_598 : vector<16xi32> to vector<16x1xi32>
    %gather3A_600 = vector.shape_cast %broadcast_in_dim3A_599 : vector<16x1xi32> to vector<16xi32>
    %gather3A_601 = tpu.dynamic_gather %add3A_588[%gather3A_600] in [0] : vector<16xf32>, vector<16xi32> -> vector<16xf32>
    %add3A_602 = arith.addf %add3A_588, %gather3A_601 : vector<16xf32>
    %xor3A_603 = arith.constant 8 : i32
    %xor3A_604 = vector.broadcast %xor3A_603 : i32 to vector<16xi32>
    %xor3A_605 = arith.xori %iota3A_560, %xor3A_604 : vector<16xi32>
    %lt3A_606 = arith.constant 0 : i32
    %lt3A_607 = vector.broadcast %lt3A_606 : i32 to vector<16xi32>
    %lt3A_608 = arith.cmpi slt, %xor3A_605, %lt3A_607 : vector<16xi32>
    %add3A_609 = arith.constant 16 : i32
    %add3A_610 = vector.broadcast %add3A_609 : i32 to vector<16xi32>
    %add3A_611 = arith.addi %xor3A_605, %add3A_610 : vector<16xi32>
    %select_n3A_612 = arith.select %lt3A_608, %add3A_611, %xor3A_605 : vector<16xi1>, vector<16xi32>
    %broadcast_in_dim3A_613 = vector.shape_cast %select_n3A_612 : vector<16xi32> to vector<16x1xi32>
    %gather3A_614 = vector.shape_cast %broadcast_in_dim3A_613 : vector<16x1xi32> to vector<16xi32>
    %gather3A_615 = tpu.dynamic_gather %add3A_602[%gather3A_614] in [0] : vector<16xf32>, vector<16xi32> -> vector<16xf32>
    %add3A_616 = arith.addf %add3A_602, %gather3A_615 : vector<16xf32>
    %eq3A_617 = arith.constant 5 : i32
    %eq3A_618 = vector.broadcast %eq3A_617 : i32 to vector<16xi32>
    %eq3A_619 = arith.cmpi eq, %iota3A, %eq3A_618 : vector<16xi32>
    %jit3A_620 = arith.constant 0.000000e+00 : f32
    %broadcast_in_dim3A_621 = vector.broadcast %jit3A_620 : f32 to vector<16xf32>
    %select_n3A_622 = arith.select %eq3A_619, %add3A_616, %broadcast_in_dim3A_621 : vector<16xi1>, vector<16xf32>
    %add3A_623 = arith.addf %add3A_520, %select_n3A_622 : vector<16xf32>
    %get3A_624 = arith.constant 6 : i32
    %get3A_625 = arith.index_cast %get3A_624 : i32 to index
    %get3A_626 = arith.constant 0 : index
    %get3A_627 = tpu.vector_load %arg9[%get3A_625, %get3A_626] {strides = array<i32>} : memref<40x128xf32, #tpu.memory_space<vmem>>, vector<1x16xf32>,
    %get3A_628 = vector.shape_cast %get3A_627 : vector<1x16xf32> to vector<16xf32>
    %get3A_629 = arith.constant 26 : i32
    %get3A_630 = arith.index_cast %get3A_629 : i32 to index
    %get3A_631 = arith.constant 0 : index
    %get3A_632 = tpu.vector_load %arg9[%get3A_630, %get3A_631] {strides = array<i32>} : memref<40x128xf32, #tpu.memory_space<vmem>>, vector<1x16xf32>,
    %get3A_633 = vector.shape_cast %get3A_632 : vector<1x16xf32> to vector<16xf32>
    %add3A_634 = arith.addf %get3A_628, %get3A_633 : vector<16xf32>
    %get3A_635 = arith.constant 6 : i32
    %get3A_636 = arith.index_cast %get3A_635 : i32 to index
    %get3A_637 = arith.constant 16 : index
    %get3A_638 = tpu.vector_load %arg9[%get3A_636, %get3A_637] {strides = array<i32>} : memref<40x128xf32, #tpu.memory_space<vmem>>, vector<1x16xf32>,
    %get3A_639 = vector.shape_cast %get3A_638 : vector<1x16xf32> to vector<16xf32>
    %get3A_640 = arith.constant 26 : i32
    %get3A_641 = arith.index_cast %get3A_640 : i32 to index
    %get3A_642 = arith.constant 16 : index
    %get3A_643 = tpu.vector_load %arg9[%get3A_641, %get3A_642] {strides = array<i32>} : memref<40x128xf32, #tpu.memory_space<vmem>>, vector<1x16xf32>,
    %get3A_644 = vector.shape_cast %get3A_643 : vector<1x16xf32> to vector<16xf32>
    %add3A_645 = arith.addf %get3A_639, %get3A_644 : vector<16xf32>
    %gt3A_646 = arith.constant 0.000000e+00 : f32
    %gt3A_647 = vector.broadcast %gt3A_646 : f32 to vector<16xf32>
    %gt3A_648 = arith.cmpf ogt, %add3A_634, %gt3A_647 : vector<16xf32>
    %mul3A_649 = arith.constant 2.000000e-01 : f32
    %mul3A_650 = vector.broadcast %mul3A_649 : f32 to vector<16xf32>
    %mul3A_651 = arith.mulf %mul3A_650, %add3A_634 : vector<16xf32>
    %select_n3A_652 = arith.select %gt3A_648, %add3A_634, %mul3A_651 : vector<16xi1>, vector<16xf32>
    %gt3A_653 = arith.constant 0.000000e+00 : f32
    %gt3A_654 = vector.broadcast %gt3A_653 : f32 to vector<16xf32>
    %gt3A_655 = arith.cmpf ogt, %add3A_645, %gt3A_654 : vector<16xf32>
    %mul3A_656 = arith.constant 2.000000e-01 : f32
    %mul3A_657 = vector.broadcast %mul3A_656 : f32 to vector<16xf32>
    %mul3A_658 = arith.mulf %mul3A_657, %add3A_645 : vector<16xf32>
    %select_n3A_659 = arith.select %gt3A_655, %add3A_645, %mul3A_658 : vector<16xi1>, vector<16xf32>
    %mul3A_660 = arith.mulf %get3A_6, %select_n3A_652 : vector<16xf32>
    %mul3A_661 = arith.mulf %get3A_9, %select_n3A_659 : vector<16xf32>
    %add3A_662 = arith.addf %mul3A_660, %mul3A_661 : vector<16xf32>
    %iota3A_663 = tpu.iota {dimensions = array<i32: 0>} : vector<16xi32>
    %xor3A_664 = arith.constant 1 : i32
    %xor3A_665 = vector.broadcast %xor3A_664 : i32 to vector<16xi32>
    %xor3A_666 = arith.xori %iota3A_663, %xor3A_665 : vector<16xi32>
    %lt3A_667 = arith.constant 0 : i32
    %lt3A_668 = vector.broadcast %lt3A_667 : i32 to vector<16xi32>
    %lt3A_669 = arith.cmpi slt, %xor3A_666, %lt3A_668 : vector<16xi32>
    %add3A_670 = arith.constant 16 : i32
    %add3A_671 = vector.broadcast %add3A_670 : i32 to vector<16xi32>
    %add3A_672 = arith.addi %xor3A_666, %add3A_671 : vector<16xi32>
    %select_n3A_673 = arith.select %lt3A_669, %add3A_672, %xor3A_666 : vector<16xi1>, vector<16xi32>
    %broadcast_in_dim3A_674 = vector.shape_cast %select_n3A_673 : vector<16xi32> to vector<16x1xi32>
    %gather3A_675 = vector.shape_cast %broadcast_in_dim3A_674 : vector<16x1xi32> to vector<16xi32>
    %gather3A_676 = tpu.dynamic_gather %add3A_662[%gather3A_675] in [0] : vector<16xf32>, vector<16xi32> -> vector<16xf32>
    %add3A_677 = arith.addf %add3A_662, %gather3A_676 : vector<16xf32>
    %xor3A_678 = arith.constant 2 : i32
    %xor3A_679 = vector.broadcast %xor3A_678 : i32 to vector<16xi32>
    %xor3A_680 = arith.xori %iota3A_663, %xor3A_679 : vector<16xi32>
    %lt3A_681 = arith.constant 0 : i32
    %lt3A_682 = vector.broadcast %lt3A_681 : i32 to vector<16xi32>
    %lt3A_683 = arith.cmpi slt, %xor3A_680, %lt3A_682 : vector<16xi32>
    %add3A_684 = arith.constant 16 : i32
    %add3A_685 = vector.broadcast %add3A_684 : i32 to vector<16xi32>
    %add3A_686 = arith.addi %xor3A_680, %add3A_685 : vector<16xi32>
    %select_n3A_687 = arith.select %lt3A_683, %add3A_686, %xor3A_680 : vector<16xi1>, vector<16xi32>
    %broadcast_in_dim3A_688 = vector.shape_cast %select_n3A_687 : vector<16xi32> to vector<16x1xi32>
    %gather3A_689 = vector.shape_cast %broadcast_in_dim3A_688 : vector<16x1xi32> to vector<16xi32>
    %gather3A_690 = tpu.dynamic_gather %add3A_677[%gather3A_689] in [0] : vector<16xf32>, vector<16xi32> -> vector<16xf32>
    %add3A_691 = arith.addf %add3A_677, %gather3A_690 : vector<16xf32>
    %xor3A_692 = arith.constant 4 : i32
    %xor3A_693 = vector.broadcast %xor3A_692 : i32 to vector<16xi32>
    %xor3A_694 = arith.xori %iota3A_663, %xor3A_693 : vector<16xi32>
    %lt3A_695 = arith.constant 0 : i32
    %lt3A_696 = vector.broadcast %lt3A_695 : i32 to vector<16xi32>
    %lt3A_697 = arith.cmpi slt, %xor3A_694, %lt3A_696 : vector<16xi32>
    %add3A_698 = arith.constant 16 : i32
    %add3A_699 = vector.broadcast %add3A_698 : i32 to vector<16xi32>
    %add3A_700 = arith.addi %xor3A_694, %add3A_699 : vector<16xi32>
    %select_n3A_701 = arith.select %lt3A_697, %add3A_700, %xor3A_694 : vector<16xi1>, vector<16xi32>
    %broadcast_in_dim3A_702 = vector.shape_cast %select_n3A_701 : vector<16xi32> to vector<16x1xi32>
    %gather3A_703 = vector.shape_cast %broadcast_in_dim3A_702 : vector<16x1xi32> to vector<16xi32>
    %gather3A_704 = tpu.dynamic_gather %add3A_691[%gather3A_703] in [0] : vector<16xf32>, vector<16xi32> -> vector<16xf32>
    %add3A_705 = arith.addf %add3A_691, %gather3A_704 : vector<16xf32>
    %xor3A_706 = arith.constant 8 : i32
    %xor3A_707 = vector.broadcast %xor3A_706 : i32 to vector<16xi32>
    %xor3A_708 = arith.xori %iota3A_663, %xor3A_707 : vector<16xi32>
    %lt3A_709 = arith.constant 0 : i32
    %lt3A_710 = vector.broadcast %lt3A_709 : i32 to vector<16xi32>
    %lt3A_711 = arith.cmpi slt, %xor3A_708, %lt3A_710 : vector<16xi32>
    %add3A_712 = arith.constant 16 : i32
    %add3A_713 = vector.broadcast %add3A_712 : i32 to vector<16xi32>
    %add3A_714 = arith.addi %xor3A_708, %add3A_713 : vector<16xi32>
    %select_n3A_715 = arith.select %lt3A_711, %add3A_714, %xor3A_708 : vector<16xi1>, vector<16xi32>
    %broadcast_in_dim3A_716 = vector.shape_cast %select_n3A_715 : vector<16xi32> to vector<16x1xi32>
    %gather3A_717 = vector.shape_cast %broadcast_in_dim3A_716 : vector<16x1xi32> to vector<16xi32>
    %gather3A_718 = tpu.dynamic_gather %add3A_705[%gather3A_717] in [0] : vector<16xf32>, vector<16xi32> -> vector<16xf32>
    %add3A_719 = arith.addf %add3A_705, %gather3A_718 : vector<16xf32>
    %eq3A_720 = arith.constant 6 : i32
    %eq3A_721 = vector.broadcast %eq3A_720 : i32 to vector<16xi32>
    %eq3A_722 = arith.cmpi eq, %iota3A, %eq3A_721 : vector<16xi32>
    %jit3A_723 = arith.constant 0.000000e+00 : f32
    %broadcast_in_dim3A_724 = vector.broadcast %jit3A_723 : f32 to vector<16xf32>
    %select_n3A_725 = arith.select %eq3A_722, %add3A_719, %broadcast_in_dim3A_724 : vector<16xi1>, vector<16xf32>
    %add3A_726 = arith.addf %add3A_623, %select_n3A_725 : vector<16xf32>
    %get3A_727 = arith.constant 7 : i32
    %get3A_728 = arith.index_cast %get3A_727 : i32 to index
    %get3A_729 = arith.constant 0 : index
    %get3A_730 = tpu.vector_load %arg9[%get3A_728, %get3A_729] {strides = array<i32>} : memref<40x128xf32, #tpu.memory_space<vmem>>, vector<1x16xf32>,
    %get3A_731 = vector.shape_cast %get3A_730 : vector<1x16xf32> to vector<16xf32>
    %get3A_732 = arith.constant 27 : i32
    %get3A_733 = arith.index_cast %get3A_732 : i32 to index
    %get3A_734 = arith.constant 0 : index
    %get3A_735 = tpu.vector_load %arg9[%get3A_733, %get3A_734] {strides = array<i32>} : memref<40x128xf32, #tpu.memory_space<vmem>>, vector<1x16xf32>,
    %get3A_736 = vector.shape_cast %get3A_735 : vector<1x16xf32> to vector<16xf32>
    %add3A_737 = arith.addf %get3A_731, %get3A_736 : vector<16xf32>
    %get3A_738 = arith.constant 7 : i32
    %get3A_739 = arith.index_cast %get3A_738 : i32 to index
    %get3A_740 = arith.constant 16 : index
    %get3A_741 = tpu.vector_load %arg9[%get3A_739, %get3A_740] {strides = array<i32>} : memref<40x128xf32, #tpu.memory_space<vmem>>, vector<1x16xf32>,
    %get3A_742 = vector.shape_cast %get3A_741 : vector<1x16xf32> to vector<16xf32>
    %get3A_743 = arith.constant 27 : i32
    %get3A_744 = arith.index_cast %get3A_743 : i32 to index
    %get3A_745 = arith.constant 16 : index
    %get3A_746 = tpu.vector_load %arg9[%get3A_744, %get3A_745] {strides = array<i32>} : memref<40x128xf32, #tpu.memory_space<vmem>>, vector<1x16xf32>,
    %get3A_747 = vector.shape_cast %get3A_746 : vector<1x16xf32> to vector<16xf32>
    %add3A_748 = arith.addf %get3A_742, %get3A_747 : vector<16xf32>
    %gt3A_749 = arith.constant 0.000000e+00 : f32
    %gt3A_750 = vector.broadcast %gt3A_749 : f32 to vector<16xf32>
    %gt3A_751 = arith.cmpf ogt, %add3A_737, %gt3A_750 : vector<16xf32>
    %mul3A_752 = arith.constant 2.000000e-01 : f32
    %mul3A_753 = vector.broadcast %mul3A_752 : f32 to vector<16xf32>
    %mul3A_754 = arith.mulf %mul3A_753, %add3A_737 : vector<16xf32>
    %select_n3A_755 = arith.select %gt3A_751, %add3A_737, %mul3A_754 : vector<16xi1>, vector<16xf32>
    %gt3A_756 = arith.constant 0.000000e+00 : f32
    %gt3A_757 = vector.broadcast %gt3A_756 : f32 to vector<16xf32>
    %gt3A_758 = arith.cmpf ogt, %add3A_748, %gt3A_757 : vector<16xf32>
    %mul3A_759 = arith.constant 2.000000e-01 : f32
    %mul3A_760 = vector.broadcast %mul3A_759 : f32 to vector<16xf32>
    %mul3A_761 = arith.mulf %mul3A_760, %add3A_748 : vector<16xf32>
    %select_n3A_762 = arith.select %gt3A_758, %add3A_748, %mul3A_761 : vector<16xi1>, vector<16xf32>
    %mul3A_763 = arith.mulf %get3A_6, %select_n3A_755 : vector<16xf32>
    %mul3A_764 = arith.mulf %get3A_9, %select_n3A_762 : vector<16xf32>
    %add3A_765 = arith.addf %mul3A_763, %mul3A_764 : vector<16xf32>
    %iota3A_766 = tpu.iota {dimensions = array<i32: 0>} : vector<16xi32>
    %xor3A_767 = arith.constant 1 : i32
    %xor3A_768 = vector.broadcast %xor3A_767 : i32 to vector<16xi32>
    %xor3A_769 = arith.xori %iota3A_766, %xor3A_768 : vector<16xi32>
    %lt3A_770 = arith.constant 0 : i32
    %lt3A_771 = vector.broadcast %lt3A_770 : i32 to vector<16xi32>
    %lt3A_772 = arith.cmpi slt, %xor3A_769, %lt3A_771 : vector<16xi32>
    %add3A_773 = arith.constant 16 : i32
    %add3A_774 = vector.broadcast %add3A_773 : i32 to vector<16xi32>
    %add3A_775 = arith.addi %xor3A_769, %add3A_774 : vector<16xi32>
    %select_n3A_776 = arith.select %lt3A_772, %add3A_775, %xor3A_769 : vector<16xi1>, vector<16xi32>
    %broadcast_in_dim3A_777 = vector.shape_cast %select_n3A_776 : vector<16xi32> to vector<16x1xi32>
    %gather3A_778 = vector.shape_cast %broadcast_in_dim3A_777 : vector<16x1xi32> to vector<16xi32>
    %gather3A_779 = tpu.dynamic_gather %add3A_765[%gather3A_778] in [0] : vector<16xf32>, vector<16xi32> -> vector<16xf32>
    %add3A_780 = arith.addf %add3A_765, %gather3A_779 : vector<16xf32>
    %xor3A_781 = arith.constant 2 : i32
    %xor3A_782 = vector.broadcast %xor3A_781 : i32 to vector<16xi32>
    %xor3A_783 = arith.xori %iota3A_766, %xor3A_782 : vector<16xi32>
    %lt3A_784 = arith.constant 0 : i32
    %lt3A_785 = vector.broadcast %lt3A_784 : i32 to vector<16xi32>
    %lt3A_786 = arith.cmpi slt, %xor3A_783, %lt3A_785 : vector<16xi32>
    %add3A_787 = arith.constant 16 : i32
    %add3A_788 = vector.broadcast %add3A_787 : i32 to vector<16xi32>
    %add3A_789 = arith.addi %xor3A_783, %add3A_788 : vector<16xi32>
    %select_n3A_790 = arith.select %lt3A_786, %add3A_789, %xor3A_783 : vector<16xi1>, vector<16xi32>
    %broadcast_in_dim3A_791 = vector.shape_cast %select_n3A_790 : vector<16xi32> to vector<16x1xi32>
    %gather3A_792 = vector.shape_cast %broadcast_in_dim3A_791 : vector<16x1xi32> to vector<16xi32>
    %gather3A_793 = tpu.dynamic_gather %add3A_780[%gather3A_792] in [0] : vector<16xf32>, vector<16xi32> -> vector<16xf32>
    %add3A_794 = arith.addf %add3A_780, %gather3A_793 : vector<16xf32>
    %xor3A_795 = arith.constant 4 : i32
    %xor3A_796 = vector.broadcast %xor3A_795 : i32 to vector<16xi32>
    %xor3A_797 = arith.xori %iota3A_766, %xor3A_796 : vector<16xi32>
    %lt3A_798 = arith.constant 0 : i32
    %lt3A_799 = vector.broadcast %lt3A_798 : i32 to vector<16xi32>
    %lt3A_800 = arith.cmpi slt, %xor3A_797, %lt3A_799 : vector<16xi32>
    %add3A_801 = arith.constant 16 : i32
    %add3A_802 = vector.broadcast %add3A_801 : i32 to vector<16xi32>
    %add3A_803 = arith.addi %xor3A_797, %add3A_802 : vector<16xi32>
    %select_n3A_804 = arith.select %lt3A_800, %add3A_803, %xor3A_797 : vector<16xi1>, vector<16xi32>
    %broadcast_in_dim3A_805 = vector.shape_cast %select_n3A_804 : vector<16xi32> to vector<16x1xi32>
    %gather3A_806 = vector.shape_cast %broadcast_in_dim3A_805 : vector<16x1xi32> to vector<16xi32>
    %gather3A_807 = tpu.dynamic_gather %add3A_794[%gather3A_806] in [0] : vector<16xf32>, vector<16xi32> -> vector<16xf32>
    %add3A_808 = arith.addf %add3A_794, %gather3A_807 : vector<16xf32>
    %xor3A_809 = arith.constant 8 : i32
    %xor3A_810 = vector.broadcast %xor3A_809 : i32 to vector<16xi32>
    %xor3A_811 = arith.xori %iota3A_766, %xor3A_810 : vector<16xi32>
    %lt3A_812 = arith.constant 0 : i32
    %lt3A_813 = vector.broadcast %lt3A_812 : i32 to vector<16xi32>
    %lt3A_814 = arith.cmpi slt, %xor3A_811, %lt3A_813 : vector<16xi32>
    %add3A_815 = arith.constant 16 : i32
    %add3A_816 = vector.broadcast %add3A_815 : i32 to vector<16xi32>
    %add3A_817 = arith.addi %xor3A_811, %add3A_816 : vector<16xi32>
    %select_n3A_818 = arith.select %lt3A_814, %add3A_817, %xor3A_811 : vector<16xi1>, vector<16xi32>
    %broadcast_in_dim3A_819 = vector.shape_cast %select_n3A_818 : vector<16xi32> to vector<16x1xi32>
    %gather3A_820 = vector.shape_cast %broadcast_in_dim3A_819 : vector<16x1xi32> to vector<16xi32>
    %gather3A_821 = tpu.dynamic_gather %add3A_808[%gather3A_820] in [0] : vector<16xf32>, vector<16xi32> -> vector<16xf32>
    %add3A_822 = arith.addf %add3A_808, %gather3A_821 : vector<16xf32>
    %eq3A_823 = arith.constant 7 : i32
    %eq3A_824 = vector.broadcast %eq3A_823 : i32 to vector<16xi32>
    %eq3A_825 = arith.cmpi eq, %iota3A, %eq3A_824 : vector<16xi32>
    %jit3A_826 = arith.constant 0.000000e+00 : f32
    %broadcast_in_dim3A_827 = vector.broadcast %jit3A_826 : f32 to vector<16xf32>
    %select_n3A_828 = arith.select %eq3A_825, %add3A_822, %broadcast_in_dim3A_827 : vector<16xi1>, vector<16xf32>
    %add3A_829 = arith.addf %add3A_726, %select_n3A_828 : vector<16xf32>
    %get3A_830 = arith.constant 8 : i32
    %get3A_831 = arith.index_cast %get3A_830 : i32 to index
    %get3A_832 = arith.constant 0 : index
    %get3A_833 = tpu.vector_load %arg9[%get3A_831, %get3A_832] {strides = array<i32>} : memref<40x128xf32, #tpu.memory_space<vmem>>, vector<1x16xf32>,
    %get3A_834 = vector.shape_cast %get3A_833 : vector<1x16xf32> to vector<16xf32>
    %get3A_835 = arith.constant 28 : i32
    %get3A_836 = arith.index_cast %get3A_835 : i32 to index
    %get3A_837 = arith.constant 0 : index
    %get3A_838 = tpu.vector_load %arg9[%get3A_836, %get3A_837] {strides = array<i32>} : memref<40x128xf32, #tpu.memory_space<vmem>>, vector<1x16xf32>,
    %get3A_839 = vector.shape_cast %get3A_838 : vector<1x16xf32> to vector<16xf32>
    %add3A_840 = arith.addf %get3A_834, %get3A_839 : vector<16xf32>
    %get3A_841 = arith.constant 8 : i32
    %get3A_842 = arith.index_cast %get3A_841 : i32 to index
    %get3A_843 = arith.constant 16 : index
    %get3A_844 = tpu.vector_load %arg9[%get3A_842, %get3A_843] {strides = array<i32>} : memref<40x128xf32, #tpu.memory_space<vmem>>, vector<1x16xf32>,
    %get3A_845 = vector.shape_cast %get3A_844 : vector<1x16xf32> to vector<16xf32>
    %get3A_846 = arith.constant 28 : i32
    %get3A_847 = arith.index_cast %get3A_846 : i32 to index
    %get3A_848 = arith.constant 16 : index
    %get3A_849 = tpu.vector_load %arg9[%get3A_847, %get3A_848] {strides = array<i32>} : memref<40x128xf32, #tpu.memory_space<vmem>>, vector<1x16xf32>,
    %get3A_850 = vector.shape_cast %get3A_849 : vector<1x16xf32> to vector<16xf32>
    %add3A_851 = arith.addf %get3A_845, %get3A_850 : vector<16xf32>
    %gt3A_852 = arith.constant 0.000000e+00 : f32
    %gt3A_853 = vector.broadcast %gt3A_852 : f32 to vector<16xf32>
    %gt3A_854 = arith.cmpf ogt, %add3A_840, %gt3A_853 : vector<16xf32>
    %mul3A_855 = arith.constant 2.000000e-01 : f32
    %mul3A_856 = vector.broadcast %mul3A_855 : f32 to vector<16xf32>
    %mul3A_857 = arith.mulf %mul3A_856, %add3A_840 : vector<16xf32>
    %select_n3A_858 = arith.select %gt3A_854, %add3A_840, %mul3A_857 : vector<16xi1>, vector<16xf32>
    %gt3A_859 = arith.constant 0.000000e+00 : f32
    %gt3A_860 = vector.broadcast %gt3A_859 : f32 to vector<16xf32>
    %gt3A_861 = arith.cmpf ogt, %add3A_851, %gt3A_860 : vector<16xf32>
    %mul3A_862 = arith.constant 2.000000e-01 : f32
    %mul3A_863 = vector.broadcast %mul3A_862 : f32 to vector<16xf32>
    %mul3A_864 = arith.mulf %mul3A_863, %add3A_851 : vector<16xf32>
    %select_n3A_865 = arith.select %gt3A_861, %add3A_851, %mul3A_864 : vector<16xi1>, vector<16xf32>
    %mul3A_866 = arith.mulf %get3A_6, %select_n3A_858 : vector<16xf32>
    %mul3A_867 = arith.mulf %get3A_9, %select_n3A_865 : vector<16xf32>
    %add3A_868 = arith.addf %mul3A_866, %mul3A_867 : vector<16xf32>
    %iota3A_869 = tpu.iota {dimensions = array<i32: 0>} : vector<16xi32>
    %xor3A_870 = arith.constant 1 : i32
    %xor3A_871 = vector.broadcast %xor3A_870 : i32 to vector<16xi32>
    %xor3A_872 = arith.xori %iota3A_869, %xor3A_871 : vector<16xi32>
    %lt3A_873 = arith.constant 0 : i32
    %lt3A_874 = vector.broadcast %lt3A_873 : i32 to vector<16xi32>
    %lt3A_875 = arith.cmpi slt, %xor3A_872, %lt3A_874 : vector<16xi32>
    %add3A_876 = arith.constant 16 : i32
    %add3A_877 = vector.broadcast %add3A_876 : i32 to vector<16xi32>
    %add3A_878 = arith.addi %xor3A_872, %add3A_877 : vector<16xi32>
    %select_n3A_879 = arith.select %lt3A_875, %add3A_878, %xor3A_872 : vector<16xi1>, vector<16xi32>
    %broadcast_in_dim3A_880 = vector.shape_cast %select_n3A_879 : vector<16xi32> to vector<16x1xi32>
    %gather3A_881 = vector.shape_cast %broadcast_in_dim3A_880 : vector<16x1xi32> to vector<16xi32>
    %gather3A_882 = tpu.dynamic_gather %add3A_868[%gather3A_881] in [0] : vector<16xf32>, vector<16xi32> -> vector<16xf32>
    %add3A_883 = arith.addf %add3A_868, %gather3A_882 : vector<16xf32>
    %xor3A_884 = arith.constant 2 : i32
    %xor3A_885 = vector.broadcast %xor3A_884 : i32 to vector<16xi32>
    %xor3A_886 = arith.xori %iota3A_869, %xor3A_885 : vector<16xi32>
    %lt3A_887 = arith.constant 0 : i32
    %lt3A_888 = vector.broadcast %lt3A_887 : i32 to vector<16xi32>
    %lt3A_889 = arith.cmpi slt, %xor3A_886, %lt3A_888 : vector<16xi32>
    %add3A_890 = arith.constant 16 : i32
    %add3A_891 = vector.broadcast %add3A_890 : i32 to vector<16xi32>
    %add3A_892 = arith.addi %xor3A_886, %add3A_891 : vector<16xi32>
    %select_n3A_893 = arith.select %lt3A_889, %add3A_892, %xor3A_886 : vector<16xi1>, vector<16xi32>
    %broadcast_in_dim3A_894 = vector.shape_cast %select_n3A_893 : vector<16xi32> to vector<16x1xi32>
    %gather3A_895 = vector.shape_cast %broadcast_in_dim3A_894 : vector<16x1xi32> to vector<16xi32>
    %gather3A_896 = tpu.dynamic_gather %add3A_883[%gather3A_895] in [0] : vector<16xf32>, vector<16xi32> -> vector<16xf32>
    %add3A_897 = arith.addf %add3A_883, %gather3A_896 : vector<16xf32>
    %xor3A_898 = arith.constant 4 : i32
    %xor3A_899 = vector.broadcast %xor3A_898 : i32 to vector<16xi32>
    %xor3A_900 = arith.xori %iota3A_869, %xor3A_899 : vector<16xi32>
    %lt3A_901 = arith.constant 0 : i32
    %lt3A_902 = vector.broadcast %lt3A_901 : i32 to vector<16xi32>
    %lt3A_903 = arith.cmpi slt, %xor3A_900, %lt3A_902 : vector<16xi32>
    %add3A_904 = arith.constant 16 : i32
    %add3A_905 = vector.broadcast %add3A_904 : i32 to vector<16xi32>
    %add3A_906 = arith.addi %xor3A_900, %add3A_905 : vector<16xi32>
    %select_n3A_907 = arith.select %lt3A_903, %add3A_906, %xor3A_900 : vector<16xi1>, vector<16xi32>
    %broadcast_in_dim3A_908 = vector.shape_cast %select_n3A_907 : vector<16xi32> to vector<16x1xi32>
    %gather3A_909 = vector.shape_cast %broadcast_in_dim3A_908 : vector<16x1xi32> to vector<16xi32>
    %gather3A_910 = tpu.dynamic_gather %add3A_897[%gather3A_909] in [0] : vector<16xf32>, vector<16xi32> -> vector<16xf32>
    %add3A_911 = arith.addf %add3A_897, %gather3A_910 : vector<16xf32>
    %xor3A_912 = arith.constant 8 : i32
    %xor3A_913 = vector.broadcast %xor3A_912 : i32 to vector<16xi32>
    %xor3A_914 = arith.xori %iota3A_869, %xor3A_913 : vector<16xi32>
    %lt3A_915 = arith.constant 0 : i32
    %lt3A_916 = vector.broadcast %lt3A_915 : i32 to vector<16xi32>
    %lt3A_917 = arith.cmpi slt, %xor3A_914, %lt3A_916 : vector<16xi32>
    %add3A_918 = arith.constant 16 : i32
    %add3A_919 = vector.broadcast %add3A_918 : i32 to vector<16xi32>
    %add3A_920 = arith.addi %xor3A_914, %add3A_919 : vector<16xi32>
    %select_n3A_921 = arith.select %lt3A_917, %add3A_920, %xor3A_914 : vector<16xi1>, vector<16xi32>
    %broadcast_in_dim3A_922 = vector.shape_cast %select_n3A_921 : vector<16xi32> to vector<16x1xi32>
    %gather3A_923 = vector.shape_cast %broadcast_in_dim3A_922 : vector<16x1xi32> to vector<16xi32>
    %gather3A_924 = tpu.dynamic_gather %add3A_911[%gather3A_923] in [0] : vector<16xf32>, vector<16xi32> -> vector<16xf32>
    %add3A_925 = arith.addf %add3A_911, %gather3A_924 : vector<16xf32>
    %eq3A_926 = arith.constant 8 : i32
    %eq3A_927 = vector.broadcast %eq3A_926 : i32 to vector<16xi32>
    %eq3A_928 = arith.cmpi eq, %iota3A, %eq3A_927 : vector<16xi32>
    %jit3A_929 = arith.constant 0.000000e+00 : f32
    %broadcast_in_dim3A_930 = vector.broadcast %jit3A_929 : f32 to vector<16xf32>
    %select_n3A_931 = arith.select %eq3A_928, %add3A_925, %broadcast_in_dim3A_930 : vector<16xi1>, vector<16xf32>
    %add3A_932 = arith.addf %add3A_829, %select_n3A_931 : vector<16xf32>
    %get3A_933 = arith.constant 9 : i32
    %get3A_934 = arith.index_cast %get3A_933 : i32 to index
    %get3A_935 = arith.constant 0 : index
    %get3A_936 = tpu.vector_load %arg9[%get3A_934, %get3A_935] {strides = array<i32>} : memref<40x128xf32, #tpu.memory_space<vmem>>, vector<1x16xf32>,
    %get3A_937 = vector.shape_cast %get3A_936 : vector<1x16xf32> to vector<16xf32>
    %get3A_938 = arith.constant 29 : i32
    %get3A_939 = arith.index_cast %get3A_938 : i32 to index
    %get3A_940 = arith.constant 0 : index
    %get3A_941 = tpu.vector_load %arg9[%get3A_939, %get3A_940] {strides = array<i32>} : memref<40x128xf32, #tpu.memory_space<vmem>>, vector<1x16xf32>,
    %get3A_942 = vector.shape_cast %get3A_941 : vector<1x16xf32> to vector<16xf32>
    %add3A_943 = arith.addf %get3A_937, %get3A_942 : vector<16xf32>
    %get3A_944 = arith.constant 9 : i32
    %get3A_945 = arith.index_cast %get3A_944 : i32 to index
    %get3A_946 = arith.constant 16 : index
    %get3A_947 = tpu.vector_load %arg9[%get3A_945, %get3A_946] {strides = array<i32>} : memref<40x128xf32, #tpu.memory_space<vmem>>, vector<1x16xf32>,
    %get3A_948 = vector.shape_cast %get3A_947 : vector<1x16xf32> to vector<16xf32>
    %get3A_949 = arith.constant 29 : i32
    %get3A_950 = arith.index_cast %get3A_949 : i32 to index
    %get3A_951 = arith.constant 16 : index
    %get3A_952 = tpu.vector_load %arg9[%get3A_950, %get3A_951] {strides = array<i32>} : memref<40x128xf32, #tpu.memory_space<vmem>>, vector<1x16xf32>,
    %get3A_953 = vector.shape_cast %get3A_952 : vector<1x16xf32> to vector<16xf32>
    %add3A_954 = arith.addf %get3A_948, %get3A_953 : vector<16xf32>
    %gt3A_955 = arith.constant 0.000000e+00 : f32
    %gt3A_956 = vector.broadcast %gt3A_955 : f32 to vector<16xf32>
    %gt3A_957 = arith.cmpf ogt, %add3A_943, %gt3A_956 : vector<16xf32>
    %mul3A_958 = arith.constant 2.000000e-01 : f32
    %mul3A_959 = vector.broadcast %mul3A_958 : f32 to vector<16xf32>
    %mul3A_960 = arith.mulf %mul3A_959, %add3A_943 : vector<16xf32>
    %select_n3A_961 = arith.select %gt3A_957, %add3A_943, %mul3A_960 : vector<16xi1>, vector<16xf32>
    %gt3A_962 = arith.constant 0.000000e+00 : f32
    %gt3A_963 = vector.broadcast %gt3A_962 : f32 to vector<16xf32>
    %gt3A_964 = arith.cmpf ogt, %add3A_954, %gt3A_963 : vector<16xf32>
    %mul3A_965 = arith.constant 2.000000e-01 : f32
    %mul3A_966 = vector.broadcast %mul3A_965 : f32 to vector<16xf32>
    %mul3A_967 = arith.mulf %mul3A_966, %add3A_954 : vector<16xf32>
    %select_n3A_968 = arith.select %gt3A_964, %add3A_954, %mul3A_967 : vector<16xi1>, vector<16xf32>
    %mul3A_969 = arith.mulf %get3A_6, %select_n3A_961 : vector<16xf32>
    %mul3A_970 = arith.mulf %get3A_9, %select_n3A_968 : vector<16xf32>
    %add3A_971 = arith.addf %mul3A_969, %mul3A_970 : vector<16xf32>
    %iota3A_972 = tpu.iota {dimensions = array<i32: 0>} : vector<16xi32>
    %xor3A_973 = arith.constant 1 : i32
    %xor3A_974 = vector.broadcast %xor3A_973 : i32 to vector<16xi32>
    %xor3A_975 = arith.xori %iota3A_972, %xor3A_974 : vector<16xi32>
    %lt3A_976 = arith.constant 0 : i32
    %lt3A_977 = vector.broadcast %lt3A_976 : i32 to vector<16xi32>
    %lt3A_978 = arith.cmpi slt, %xor3A_975, %lt3A_977 : vector<16xi32>
    %add3A_979 = arith.constant 16 : i32
    %add3A_980 = vector.broadcast %add3A_979 : i32 to vector<16xi32>
    %add3A_981 = arith.addi %xor3A_975, %add3A_980 : vector<16xi32>
    %select_n3A_982 = arith.select %lt3A_978, %add3A_981, %xor3A_975 : vector<16xi1>, vector<16xi32>
    %broadcast_in_dim3A_983 = vector.shape_cast %select_n3A_982 : vector<16xi32> to vector<16x1xi32>
    %gather3A_984 = vector.shape_cast %broadcast_in_dim3A_983 : vector<16x1xi32> to vector<16xi32>
    %gather3A_985 = tpu.dynamic_gather %add3A_971[%gather3A_984] in [0] : vector<16xf32>, vector<16xi32> -> vector<16xf32>
    %add3A_986 = arith.addf %add3A_971, %gather3A_985 : vector<16xf32>
    %xor3A_987 = arith.constant 2 : i32
    %xor3A_988 = vector.broadcast %xor3A_987 : i32 to vector<16xi32>
    %xor3A_989 = arith.xori %iota3A_972, %xor3A_988 : vector<16xi32>
    %lt3A_990 = arith.constant 0 : i32
    %lt3A_991 = vector.broadcast %lt3A_990 : i32 to vector<16xi32>
    %lt3A_992 = arith.cmpi slt, %xor3A_989, %lt3A_991 : vector<16xi32>
    %add3A_993 = arith.constant 16 : i32
    %add3A_994 = vector.broadcast %add3A_993 : i32 to vector<16xi32>
    %add3A_995 = arith.addi %xor3A_989, %add3A_994 : vector<16xi32>
    %select_n3A_996 = arith.select %lt3A_992, %add3A_995, %xor3A_989 : vector<16xi1>, vector<16xi32>
    %broadcast_in_dim3A_997 = vector.shape_cast %select_n3A_996 : vector<16xi32> to vector<16x1xi32>
    %gather3A_998 = vector.shape_cast %broadcast_in_dim3A_997 : vector<16x1xi32> to vector<16xi32>
    %gather3A_999 = tpu.dynamic_gather %add3A_986[%gather3A_998] in [0] : vector<16xf32>, vector<16xi32> -> vector<16xf32>
    %add3A_1000 = arith.addf %add3A_986, %gather3A_999 : vector<16xf32>
    %xor3A_1001 = arith.constant 4 : i32
    %xor3A_1002 = vector.broadcast %xor3A_1001 : i32 to vector<16xi32>
    %xor3A_1003 = arith.xori %iota3A_972, %xor3A_1002 : vector<16xi32>
    %lt3A_1004 = arith.constant 0 : i32
    %lt3A_1005 = vector.broadcast %lt3A_1004 : i32 to vector<16xi32>
    %lt3A_1006 = arith.cmpi slt, %xor3A_1003, %lt3A_1005 : vector<16xi32>
    %add3A_1007 = arith.constant 16 : i32
    %add3A_1008 = vector.broadcast %add3A_1007 : i32 to vector<16xi32>
    %add3A_1009 = arith.addi %xor3A_1003, %add3A_1008 : vector<16xi32>
    %select_n3A_1010 = arith.select %lt3A_1006, %add3A_1009, %xor3A_1003 : vector<16xi1>, vector<16xi32>
    %broadcast_in_dim3A_1011 = vector.shape_cast %select_n3A_1010 : vector<16xi32> to vector<16x1xi32>
    %gather3A_1012 = vector.shape_cast %broadcast_in_dim3A_1011 : vector<16x1xi32> to vector<16xi32>
    %gather3A_1013 = tpu.dynamic_gather %add3A_1000[%gather3A_1012] in [0] : vector<16xf32>, vector<16xi32> -> vector<16xf32>
    %add3A_1014 = arith.addf %add3A_1000, %gather3A_1013 : vector<16xf32>
    %xor3A_1015 = arith.constant 8 : i32
    %xor3A_1016 = vector.broadcast %xor3A_1015 : i32 to vector<16xi32>
    %xor3A_1017 = arith.xori %iota3A_972, %xor3A_1016 : vector<16xi32>
    %lt3A_1018 = arith.constant 0 : i32
    %lt3A_1019 = vector.broadcast %lt3A_1018 : i32 to vector<16xi32>
    %lt3A_1020 = arith.cmpi slt, %xor3A_1017, %lt3A_1019 : vector<16xi32>
    %add3A_1021 = arith.constant 16 : i32
    %add3A_1022 = vector.broadcast %add3A_1021 : i32 to vector<16xi32>
    %add3A_1023 = arith.addi %xor3A_1017, %add3A_1022 : vector<16xi32>
    %select_n3A_1024 = arith.select %lt3A_1020, %add3A_1023, %xor3A_1017 : vector<16xi1>, vector<16xi32>
    %broadcast_in_dim3A_1025 = vector.shape_cast %select_n3A_1024 : vector<16xi32> to vector<16x1xi32>
    %gather3A_1026 = vector.shape_cast %broadcast_in_dim3A_1025 : vector<16x1xi32> to vector<16xi32>
    %gather3A_1027 = tpu.dynamic_gather %add3A_1014[%gather3A_1026] in [0] : vector<16xf32>, vector<16xi32> -> vector<16xf32>
    %add3A_1028 = arith.addf %add3A_1014, %gather3A_1027 : vector<16xf32>
    %eq3A_1029 = arith.constant 9 : i32
    %eq3A_1030 = vector.broadcast %eq3A_1029 : i32 to vector<16xi32>
    %eq3A_1031 = arith.cmpi eq, %iota3A, %eq3A_1030 : vector<16xi32>
    %jit3A_1032 = arith.constant 0.000000e+00 : f32
    %broadcast_in_dim3A_1033 = vector.broadcast %jit3A_1032 : f32 to vector<16xf32>
    %select_n3A_1034 = arith.select %eq3A_1031, %add3A_1028, %broadcast_in_dim3A_1033 : vector<16xi1>, vector<16xf32>
    %add3A_1035 = arith.addf %add3A_932, %select_n3A_1034 : vector<16xf32>
    %get3A_1036 = arith.constant 10 : i32
    %get3A_1037 = arith.index_cast %get3A_1036 : i32 to index
    %get3A_1038 = arith.constant 0 : index
    %get3A_1039 = tpu.vector_load %arg9[%get3A_1037, %get3A_1038] {strides = array<i32>} : memref<40x128xf32, #tpu.memory_space<vmem>>, vector<1x16xf32>,
    %get3A_1040 = vector.shape_cast %get3A_1039 : vector<1x16xf32> to vector<16xf32>
    %get3A_1041 = arith.constant 30 : i32
    %get3A_1042 = arith.index_cast %get3A_1041 : i32 to index
    %get3A_1043 = arith.constant 0 : index
    %get3A_1044 = tpu.vector_load %arg9[%get3A_1042, %get3A_1043] {strides = array<i32>} : memref<40x128xf32, #tpu.memory_space<vmem>>, vector<1x16xf32>,
    %get3A_1045 = vector.shape_cast %get3A_1044 : vector<1x16xf32> to vector<16xf32>
    %add3A_1046 = arith.addf %get3A_1040, %get3A_1045 : vector<16xf32>
    %get3A_1047 = arith.constant 10 : i32
    %get3A_1048 = arith.index_cast %get3A_1047 : i32 to index
    %get3A_1049 = arith.constant 16 : index
    %get3A_1050 = tpu.vector_load %arg9[%get3A_1048, %get3A_1049] {strides = array<i32>} : memref<40x128xf32, #tpu.memory_space<vmem>>, vector<1x16xf32>,
    %get3A_1051 = vector.shape_cast %get3A_1050 : vector<1x16xf32> to vector<16xf32>
    %get3A_1052 = arith.constant 30 : i32
    %get3A_1053 = arith.index_cast %get3A_1052 : i32 to index
    %get3A_1054 = arith.constant 16 : index
    %get3A_1055 = tpu.vector_load %arg9[%get3A_1053, %get3A_1054] {strides = array<i32>} : memref<40x128xf32, #tpu.memory_space<vmem>>, vector<1x16xf32>,
    %get3A_1056 = vector.shape_cast %get3A_1055 : vector<1x16xf32> to vector<16xf32>
    %add3A_1057 = arith.addf %get3A_1051, %get3A_1056 : vector<16xf32>
    %gt3A_1058 = arith.constant 0.000000e+00 : f32
    %gt3A_1059 = vector.broadcast %gt3A_1058 : f32 to vector<16xf32>
    %gt3A_1060 = arith.cmpf ogt, %add3A_1046, %gt3A_1059 : vector<16xf32>
    %mul3A_1061 = arith.constant 2.000000e-01 : f32
    %mul3A_1062 = vector.broadcast %mul3A_1061 : f32 to vector<16xf32>
    %mul3A_1063 = arith.mulf %mul3A_1062, %add3A_1046 : vector<16xf32>
    %select_n3A_1064 = arith.select %gt3A_1060, %add3A_1046, %mul3A_1063 : vector<16xi1>, vector<16xf32>
    %gt3A_1065 = arith.constant 0.000000e+00 : f32
    %gt3A_1066 = vector.broadcast %gt3A_1065 : f32 to vector<16xf32>
    %gt3A_1067 = arith.cmpf ogt, %add3A_1057, %gt3A_1066 : vector<16xf32>
    %mul3A_1068 = arith.constant 2.000000e-01 : f32
    %mul3A_1069 = vector.broadcast %mul3A_1068 : f32 to vector<16xf32>
    %mul3A_1070 = arith.mulf %mul3A_1069, %add3A_1057 : vector<16xf32>
    %select_n3A_1071 = arith.select %gt3A_1067, %add3A_1057, %mul3A_1070 : vector<16xi1>, vector<16xf32>
    %mul3A_1072 = arith.mulf %get3A_6, %select_n3A_1064 : vector<16xf32>
    %mul3A_1073 = arith.mulf %get3A_9, %select_n3A_1071 : vector<16xf32>
    %add3A_1074 = arith.addf %mul3A_1072, %mul3A_1073 : vector<16xf32>
    %iota3A_1075 = tpu.iota {dimensions = array<i32: 0>} : vector<16xi32>
    %xor3A_1076 = arith.constant 1 : i32
    %xor3A_1077 = vector.broadcast %xor3A_1076 : i32 to vector<16xi32>
    %xor3A_1078 = arith.xori %iota3A_1075, %xor3A_1077 : vector<16xi32>
    %lt3A_1079 = arith.constant 0 : i32
    %lt3A_1080 = vector.broadcast %lt3A_1079 : i32 to vector<16xi32>
    %lt3A_1081 = arith.cmpi slt, %xor3A_1078, %lt3A_1080 : vector<16xi32>
    %add3A_1082 = arith.constant 16 : i32
    %add3A_1083 = vector.broadcast %add3A_1082 : i32 to vector<16xi32>
    %add3A_1084 = arith.addi %xor3A_1078, %add3A_1083 : vector<16xi32>
    %select_n3A_1085 = arith.select %lt3A_1081, %add3A_1084, %xor3A_1078 : vector<16xi1>, vector<16xi32>
    %broadcast_in_dim3A_1086 = vector.shape_cast %select_n3A_1085 : vector<16xi32> to vector<16x1xi32>
    %gather3A_1087 = vector.shape_cast %broadcast_in_dim3A_1086 : vector<16x1xi32> to vector<16xi32>
    %gather3A_1088 = tpu.dynamic_gather %add3A_1074[%gather3A_1087] in [0] : vector<16xf32>, vector<16xi32> -> vector<16xf32>
    %add3A_1089 = arith.addf %add3A_1074, %gather3A_1088 : vector<16xf32>
    %xor3A_1090 = arith.constant 2 : i32
    %xor3A_1091 = vector.broadcast %xor3A_1090 : i32 to vector<16xi32>
    %xor3A_1092 = arith.xori %iota3A_1075, %xor3A_1091 : vector<16xi32>
    %lt3A_1093 = arith.constant 0 : i32
    %lt3A_1094 = vector.broadcast %lt3A_1093 : i32 to vector<16xi32>
    %lt3A_1095 = arith.cmpi slt, %xor3A_1092, %lt3A_1094 : vector<16xi32>
    %add3A_1096 = arith.constant 16 : i32
    %add3A_1097 = vector.broadcast %add3A_1096 : i32 to vector<16xi32>
    %add3A_1098 = arith.addi %xor3A_1092, %add3A_1097 : vector<16xi32>
    %select_n3A_1099 = arith.select %lt3A_1095, %add3A_1098, %xor3A_1092 : vector<16xi1>, vector<16xi32>
    %broadcast_in_dim3A_1100 = vector.shape_cast %select_n3A_1099 : vector<16xi32> to vector<16x1xi32>
    %gather3A_1101 = vector.shape_cast %broadcast_in_dim3A_1100 : vector<16x1xi32> to vector<16xi32>
    %gather3A_1102 = tpu.dynamic_gather %add3A_1089[%gather3A_1101] in [0] : vector<16xf32>, vector<16xi32> -> vector<16xf32>
    %add3A_1103 = arith.addf %add3A_1089, %gather3A_1102 : vector<16xf32>
    %xor3A_1104 = arith.constant 4 : i32
    %xor3A_1105 = vector.broadcast %xor3A_1104 : i32 to vector<16xi32>
    %xor3A_1106 = arith.xori %iota3A_1075, %xor3A_1105 : vector<16xi32>
    %lt3A_1107 = arith.constant 0 : i32
    %lt3A_1108 = vector.broadcast %lt3A_1107 : i32 to vector<16xi32>
    %lt3A_1109 = arith.cmpi slt, %xor3A_1106, %lt3A_1108 : vector<16xi32>
    %add3A_1110 = arith.constant 16 : i32
    %add3A_1111 = vector.broadcast %add3A_1110 : i32 to vector<16xi32>
    %add3A_1112 = arith.addi %xor3A_1106, %add3A_1111 : vector<16xi32>
    %select_n3A_1113 = arith.select %lt3A_1109, %add3A_1112, %xor3A_1106 : vector<16xi1>, vector<16xi32>
    %broadcast_in_dim3A_1114 = vector.shape_cast %select_n3A_1113 : vector<16xi32> to vector<16x1xi32>
    %gather3A_1115 = vector.shape_cast %broadcast_in_dim3A_1114 : vector<16x1xi32> to vector<16xi32>
    %gather3A_1116 = tpu.dynamic_gather %add3A_1103[%gather3A_1115] in [0] : vector<16xf32>, vector<16xi32> -> vector<16xf32>
    %add3A_1117 = arith.addf %add3A_1103, %gather3A_1116 : vector<16xf32>
    %xor3A_1118 = arith.constant 8 : i32
    %xor3A_1119 = vector.broadcast %xor3A_1118 : i32 to vector<16xi32>
    %xor3A_1120 = arith.xori %iota3A_1075, %xor3A_1119 : vector<16xi32>
    %lt3A_1121 = arith.constant 0 : i32
    %lt3A_1122 = vector.broadcast %lt3A_1121 : i32 to vector<16xi32>
    %lt3A_1123 = arith.cmpi slt, %xor3A_1120, %lt3A_1122 : vector<16xi32>
    %add3A_1124 = arith.constant 16 : i32
    %add3A_1125 = vector.broadcast %add3A_1124 : i32 to vector<16xi32>
    %add3A_1126 = arith.addi %xor3A_1120, %add3A_1125 : vector<16xi32>
    %select_n3A_1127 = arith.select %lt3A_1123, %add3A_1126, %xor3A_1120 : vector<16xi1>, vector<16xi32>
    %broadcast_in_dim3A_1128 = vector.shape_cast %select_n3A_1127 : vector<16xi32> to vector<16x1xi32>
    %gather3A_1129 = vector.shape_cast %broadcast_in_dim3A_1128 : vector<16x1xi32> to vector<16xi32>
    %gather3A_1130 = tpu.dynamic_gather %add3A_1117[%gather3A_1129] in [0] : vector<16xf32>, vector<16xi32> -> vector<16xf32>
    %add3A_1131 = arith.addf %add3A_1117, %gather3A_1130 : vector<16xf32>
    %eq3A_1132 = arith.constant 10 : i32
    %eq3A_1133 = vector.broadcast %eq3A_1132 : i32 to vector<16xi32>
    %eq3A_1134 = arith.cmpi eq, %iota3A, %eq3A_1133 : vector<16xi32>
    %jit3A_1135 = arith.constant 0.000000e+00 : f32
    %broadcast_in_dim3A_1136 = vector.broadcast %jit3A_1135 : f32 to vector<16xf32>
    %select_n3A_1137 = arith.select %eq3A_1134, %add3A_1131, %broadcast_in_dim3A_1136 : vector<16xi1>, vector<16xf32>
    %add3A_1138 = arith.addf %add3A_1035, %select_n3A_1137 : vector<16xf32>
    %get3A_1139 = arith.constant 11 : i32
    %get3A_1140 = arith.index_cast %get3A_1139 : i32 to index
    %get3A_1141 = arith.constant 0 : index
    %get3A_1142 = tpu.vector_load %arg9[%get3A_1140, %get3A_1141] {strides = array<i32>} : memref<40x128xf32, #tpu.memory_space<vmem>>, vector<1x16xf32>,
    %get3A_1143 = vector.shape_cast %get3A_1142 : vector<1x16xf32> to vector<16xf32>
    %get3A_1144 = arith.constant 31 : i32
    %get3A_1145 = arith.index_cast %get3A_1144 : i32 to index
    %get3A_1146 = arith.constant 0 : index
    %get3A_1147 = tpu.vector_load %arg9[%get3A_1145, %get3A_1146] {strides = array<i32>} : memref<40x128xf32, #tpu.memory_space<vmem>>, vector<1x16xf32>,
    %get3A_1148 = vector.shape_cast %get3A_1147 : vector<1x16xf32> to vector<16xf32>
    %add3A_1149 = arith.addf %get3A_1143, %get3A_1148 : vector<16xf32>
    %get3A_1150 = arith.constant 11 : i32
    %get3A_1151 = arith.index_cast %get3A_1150 : i32 to index
    %get3A_1152 = arith.constant 16 : index
    %get3A_1153 = tpu.vector_load %arg9[%get3A_1151, %get3A_1152] {strides = array<i32>} : memref<40x128xf32, #tpu.memory_space<vmem>>, vector<1x16xf32>,
    %get3A_1154 = vector.shape_cast %get3A_1153 : vector<1x16xf32> to vector<16xf32>
    %get3A_1155 = arith.constant 31 : i32
    %get3A_1156 = arith.index_cast %get3A_1155 : i32 to index
    %get3A_1157 = arith.constant 16 : index
    %get3A_1158 = tpu.vector_load %arg9[%get3A_1156, %get3A_1157] {strides = array<i32>} : memref<40x128xf32, #tpu.memory_space<vmem>>, vector<1x16xf32>,
    %get3A_1159 = vector.shape_cast %get3A_1158 : vector<1x16xf32> to vector<16xf32>
    %add3A_1160 = arith.addf %get3A_1154, %get3A_1159 : vector<16xf32>
    %gt3A_1161 = arith.constant 0.000000e+00 : f32
    %gt3A_1162 = vector.broadcast %gt3A_1161 : f32 to vector<16xf32>
    %gt3A_1163 = arith.cmpf ogt, %add3A_1149, %gt3A_1162 : vector<16xf32>
    %mul3A_1164 = arith.constant 2.000000e-01 : f32
    %mul3A_1165 = vector.broadcast %mul3A_1164 : f32 to vector<16xf32>
    %mul3A_1166 = arith.mulf %mul3A_1165, %add3A_1149 : vector<16xf32>
    %select_n3A_1167 = arith.select %gt3A_1163, %add3A_1149, %mul3A_1166 : vector<16xi1>, vector<16xf32>
    %gt3A_1168 = arith.constant 0.000000e+00 : f32
    %gt3A_1169 = vector.broadcast %gt3A_1168 : f32 to vector<16xf32>
    %gt3A_1170 = arith.cmpf ogt, %add3A_1160, %gt3A_1169 : vector<16xf32>
    %mul3A_1171 = arith.constant 2.000000e-01 : f32
    %mul3A_1172 = vector.broadcast %mul3A_1171 : f32 to vector<16xf32>
    %mul3A_1173 = arith.mulf %mul3A_1172, %add3A_1160 : vector<16xf32>
    %select_n3A_1174 = arith.select %gt3A_1170, %add3A_1160, %mul3A_1173 : vector<16xi1>, vector<16xf32>
    %mul3A_1175 = arith.mulf %get3A_6, %select_n3A_1167 : vector<16xf32>
    %mul3A_1176 = arith.mulf %get3A_9, %select_n3A_1174 : vector<16xf32>
    %add3A_1177 = arith.addf %mul3A_1175, %mul3A_1176 : vector<16xf32>
    %iota3A_1178 = tpu.iota {dimensions = array<i32: 0>} : vector<16xi32>
    %xor3A_1179 = arith.constant 1 : i32
    %xor3A_1180 = vector.broadcast %xor3A_1179 : i32 to vector<16xi32>
    %xor3A_1181 = arith.xori %iota3A_1178, %xor3A_1180 : vector<16xi32>
    %lt3A_1182 = arith.constant 0 : i32
    %lt3A_1183 = vector.broadcast %lt3A_1182 : i32 to vector<16xi32>
    %lt3A_1184 = arith.cmpi slt, %xor3A_1181, %lt3A_1183 : vector<16xi32>
    %add3A_1185 = arith.constant 16 : i32
    %add3A_1186 = vector.broadcast %add3A_1185 : i32 to vector<16xi32>
    %add3A_1187 = arith.addi %xor3A_1181, %add3A_1186 : vector<16xi32>
    %select_n3A_1188 = arith.select %lt3A_1184, %add3A_1187, %xor3A_1181 : vector<16xi1>, vector<16xi32>
    %broadcast_in_dim3A_1189 = vector.shape_cast %select_n3A_1188 : vector<16xi32> to vector<16x1xi32>
    %gather3A_1190 = vector.shape_cast %broadcast_in_dim3A_1189 : vector<16x1xi32> to vector<16xi32>
    %gather3A_1191 = tpu.dynamic_gather %add3A_1177[%gather3A_1190] in [0] : vector<16xf32>, vector<16xi32> -> vector<16xf32>
    %add3A_1192 = arith.addf %add3A_1177, %gather3A_1191 : vector<16xf32>
    %xor3A_1193 = arith.constant 2 : i32
    %xor3A_1194 = vector.broadcast %xor3A_1193 : i32 to vector<16xi32>
    %xor3A_1195 = arith.xori %iota3A_1178, %xor3A_1194 : vector<16xi32>
    %lt3A_1196 = arith.constant 0 : i32
    %lt3A_1197 = vector.broadcast %lt3A_1196 : i32 to vector<16xi32>
    %lt3A_1198 = arith.cmpi slt, %xor3A_1195, %lt3A_1197 : vector<16xi32>
    %add3A_1199 = arith.constant 16 : i32
    %add3A_1200 = vector.broadcast %add3A_1199 : i32 to vector<16xi32>
    %add3A_1201 = arith.addi %xor3A_1195, %add3A_1200 : vector<16xi32>
    %select_n3A_1202 = arith.select %lt3A_1198, %add3A_1201, %xor3A_1195 : vector<16xi1>, vector<16xi32>
    %broadcast_in_dim3A_1203 = vector.shape_cast %select_n3A_1202 : vector<16xi32> to vector<16x1xi32>
    %gather3A_1204 = vector.shape_cast %broadcast_in_dim3A_1203 : vector<16x1xi32> to vector<16xi32>
    %gather3A_1205 = tpu.dynamic_gather %add3A_1192[%gather3A_1204] in [0] : vector<16xf32>, vector<16xi32> -> vector<16xf32>
    %add3A_1206 = arith.addf %add3A_1192, %gather3A_1205 : vector<16xf32>
    %xor3A_1207 = arith.constant 4 : i32
    %xor3A_1208 = vector.broadcast %xor3A_1207 : i32 to vector<16xi32>
    %xor3A_1209 = arith.xori %iota3A_1178, %xor3A_1208 : vector<16xi32>
    %lt3A_1210 = arith.constant 0 : i32
    %lt3A_1211 = vector.broadcast %lt3A_1210 : i32 to vector<16xi32>
    %lt3A_1212 = arith.cmpi slt, %xor3A_1209, %lt3A_1211 : vector<16xi32>
    %add3A_1213 = arith.constant 16 : i32
    %add3A_1214 = vector.broadcast %add3A_1213 : i32 to vector<16xi32>
    %add3A_1215 = arith.addi %xor3A_1209, %add3A_1214 : vector<16xi32>
    %select_n3A_1216 = arith.select %lt3A_1212, %add3A_1215, %xor3A_1209 : vector<16xi1>, vector<16xi32>
    %broadcast_in_dim3A_1217 = vector.shape_cast %select_n3A_1216 : vector<16xi32> to vector<16x1xi32>
    %gather3A_1218 = vector.shape_cast %broadcast_in_dim3A_1217 : vector<16x1xi32> to vector<16xi32>
    %gather3A_1219 = tpu.dynamic_gather %add3A_1206[%gather3A_1218] in [0] : vector<16xf32>, vector<16xi32> -> vector<16xf32>
    %add3A_1220 = arith.addf %add3A_1206, %gather3A_1219 : vector<16xf32>
    %xor3A_1221 = arith.constant 8 : i32
    %xor3A_1222 = vector.broadcast %xor3A_1221 : i32 to vector<16xi32>
    %xor3A_1223 = arith.xori %iota3A_1178, %xor3A_1222 : vector<16xi32>
    %lt3A_1224 = arith.constant 0 : i32
    %lt3A_1225 = vector.broadcast %lt3A_1224 : i32 to vector<16xi32>
    %lt3A_1226 = arith.cmpi slt, %xor3A_1223, %lt3A_1225 : vector<16xi32>
    %add3A_1227 = arith.constant 16 : i32
    %add3A_1228 = vector.broadcast %add3A_1227 : i32 to vector<16xi32>
    %add3A_1229 = arith.addi %xor3A_1223, %add3A_1228 : vector<16xi32>
    %select_n3A_1230 = arith.select %lt3A_1226, %add3A_1229, %xor3A_1223 : vector<16xi1>, vector<16xi32>
    %broadcast_in_dim3A_1231 = vector.shape_cast %select_n3A_1230 : vector<16xi32> to vector<16x1xi32>
    %gather3A_1232 = vector.shape_cast %broadcast_in_dim3A_1231 : vector<16x1xi32> to vector<16xi32>
    %gather3A_1233 = tpu.dynamic_gather %add3A_1220[%gather3A_1232] in [0] : vector<16xf32>, vector<16xi32> -> vector<16xf32>
    %add3A_1234 = arith.addf %add3A_1220, %gather3A_1233 : vector<16xf32>
    %eq3A_1235 = arith.constant 11 : i32
    %eq3A_1236 = vector.broadcast %eq3A_1235 : i32 to vector<16xi32>
    %eq3A_1237 = arith.cmpi eq, %iota3A, %eq3A_1236 : vector<16xi32>
    %jit3A_1238 = arith.constant 0.000000e+00 : f32
    %broadcast_in_dim3A_1239 = vector.broadcast %jit3A_1238 : f32 to vector<16xf32>
    %select_n3A_1240 = arith.select %eq3A_1237, %add3A_1234, %broadcast_in_dim3A_1239 : vector<16xi1>, vector<16xf32>
    %add3A_1241 = arith.addf %add3A_1138, %select_n3A_1240 : vector<16xf32>
    %get3A_1242 = arith.constant 12 : i32
    %get3A_1243 = arith.index_cast %get3A_1242 : i32 to index
    %get3A_1244 = arith.constant 0 : index
    %get3A_1245 = tpu.vector_load %arg9[%get3A_1243, %get3A_1244] {strides = array<i32>} : memref<40x128xf32, #tpu.memory_space<vmem>>, vector<1x16xf32>,
    %get3A_1246 = vector.shape_cast %get3A_1245 : vector<1x16xf32> to vector<16xf32>
    %get3A_1247 = arith.constant 32 : i32
    %get3A_1248 = arith.index_cast %get3A_1247 : i32 to index
    %get3A_1249 = arith.constant 0 : index
    %get3A_1250 = tpu.vector_load %arg9[%get3A_1248, %get3A_1249] {strides = array<i32>} : memref<40x128xf32, #tpu.memory_space<vmem>>, vector<1x16xf32>,
    %get3A_1251 = vector.shape_cast %get3A_1250 : vector<1x16xf32> to vector<16xf32>
    %add3A_1252 = arith.addf %get3A_1246, %get3A_1251 : vector<16xf32>
    %get3A_1253 = arith.constant 12 : i32
    %get3A_1254 = arith.index_cast %get3A_1253 : i32 to index
    %get3A_1255 = arith.constant 16 : index
    %get3A_1256 = tpu.vector_load %arg9[%get3A_1254, %get3A_1255] {strides = array<i32>} : memref<40x128xf32, #tpu.memory_space<vmem>>, vector<1x16xf32>,
    %get3A_1257 = vector.shape_cast %get3A_1256 : vector<1x16xf32> to vector<16xf32>
    %get3A_1258 = arith.constant 32 : i32
    %get3A_1259 = arith.index_cast %get3A_1258 : i32 to index
    %get3A_1260 = arith.constant 16 : index
    %get3A_1261 = tpu.vector_load %arg9[%get3A_1259, %get3A_1260] {strides = array<i32>} : memref<40x128xf32, #tpu.memory_space<vmem>>, vector<1x16xf32>,
    %get3A_1262 = vector.shape_cast %get3A_1261 : vector<1x16xf32> to vector<16xf32>
    %add3A_1263 = arith.addf %get3A_1257, %get3A_1262 : vector<16xf32>
    %gt3A_1264 = arith.constant 0.000000e+00 : f32
    %gt3A_1265 = vector.broadcast %gt3A_1264 : f32 to vector<16xf32>
    %gt3A_1266 = arith.cmpf ogt, %add3A_1252, %gt3A_1265 : vector<16xf32>
    %mul3A_1267 = arith.constant 2.000000e-01 : f32
    %mul3A_1268 = vector.broadcast %mul3A_1267 : f32 to vector<16xf32>
    %mul3A_1269 = arith.mulf %mul3A_1268, %add3A_1252 : vector<16xf32>
    %select_n3A_1270 = arith.select %gt3A_1266, %add3A_1252, %mul3A_1269 : vector<16xi1>, vector<16xf32>
    %gt3A_1271 = arith.constant 0.000000e+00 : f32
    %gt3A_1272 = vector.broadcast %gt3A_1271 : f32 to vector<16xf32>
    %gt3A_1273 = arith.cmpf ogt, %add3A_1263, %gt3A_1272 : vector<16xf32>
    %mul3A_1274 = arith.constant 2.000000e-01 : f32
    %mul3A_1275 = vector.broadcast %mul3A_1274 : f32 to vector<16xf32>
    %mul3A_1276 = arith.mulf %mul3A_1275, %add3A_1263 : vector<16xf32>
    %select_n3A_1277 = arith.select %gt3A_1273, %add3A_1263, %mul3A_1276 : vector<16xi1>, vector<16xf32>
    %mul3A_1278 = arith.mulf %get3A_6, %select_n3A_1270 : vector<16xf32>
    %mul3A_1279 = arith.mulf %get3A_9, %select_n3A_1277 : vector<16xf32>
    %add3A_1280 = arith.addf %mul3A_1278, %mul3A_1279 : vector<16xf32>
    %iota3A_1281 = tpu.iota {dimensions = array<i32: 0>} : vector<16xi32>
    %xor3A_1282 = arith.constant 1 : i32
    %xor3A_1283 = vector.broadcast %xor3A_1282 : i32 to vector<16xi32>
    %xor3A_1284 = arith.xori %iota3A_1281, %xor3A_1283 : vector<16xi32>
    %lt3A_1285 = arith.constant 0 : i32
    %lt3A_1286 = vector.broadcast %lt3A_1285 : i32 to vector<16xi32>
    %lt3A_1287 = arith.cmpi slt, %xor3A_1284, %lt3A_1286 : vector<16xi32>
    %add3A_1288 = arith.constant 16 : i32
    %add3A_1289 = vector.broadcast %add3A_1288 : i32 to vector<16xi32>
    %add3A_1290 = arith.addi %xor3A_1284, %add3A_1289 : vector<16xi32>
    %select_n3A_1291 = arith.select %lt3A_1287, %add3A_1290, %xor3A_1284 : vector<16xi1>, vector<16xi32>
    %broadcast_in_dim3A_1292 = vector.shape_cast %select_n3A_1291 : vector<16xi32> to vector<16x1xi32>
    %gather3A_1293 = vector.shape_cast %broadcast_in_dim3A_1292 : vector<16x1xi32> to vector<16xi32>
    %gather3A_1294 = tpu.dynamic_gather %add3A_1280[%gather3A_1293] in [0] : vector<16xf32>, vector<16xi32> -> vector<16xf32>
    %add3A_1295 = arith.addf %add3A_1280, %gather3A_1294 : vector<16xf32>
    %xor3A_1296 = arith.constant 2 : i32
    %xor3A_1297 = vector.broadcast %xor3A_1296 : i32 to vector<16xi32>
    %xor3A_1298 = arith.xori %iota3A_1281, %xor3A_1297 : vector<16xi32>
    %lt3A_1299 = arith.constant 0 : i32
    %lt3A_1300 = vector.broadcast %lt3A_1299 : i32 to vector<16xi32>
    %lt3A_1301 = arith.cmpi slt, %xor3A_1298, %lt3A_1300 : vector<16xi32>
    %add3A_1302 = arith.constant 16 : i32
    %add3A_1303 = vector.broadcast %add3A_1302 : i32 to vector<16xi32>
    %add3A_1304 = arith.addi %xor3A_1298, %add3A_1303 : vector<16xi32>
    %select_n3A_1305 = arith.select %lt3A_1301, %add3A_1304, %xor3A_1298 : vector<16xi1>, vector<16xi32>
    %broadcast_in_dim3A_1306 = vector.shape_cast %select_n3A_1305 : vector<16xi32> to vector<16x1xi32>
    %gather3A_1307 = vector.shape_cast %broadcast_in_dim3A_1306 : vector<16x1xi32> to vector<16xi32>
    %gather3A_1308 = tpu.dynamic_gather %add3A_1295[%gather3A_1307] in [0] : vector<16xf32>, vector<16xi32> -> vector<16xf32>
    %add3A_1309 = arith.addf %add3A_1295, %gather3A_1308 : vector<16xf32>
    %xor3A_1310 = arith.constant 4 : i32
    %xor3A_1311 = vector.broadcast %xor3A_1310 : i32 to vector<16xi32>
    %xor3A_1312 = arith.xori %iota3A_1281, %xor3A_1311 : vector<16xi32>
    %lt3A_1313 = arith.constant 0 : i32
    %lt3A_1314 = vector.broadcast %lt3A_1313 : i32 to vector<16xi32>
    %lt3A_1315 = arith.cmpi slt, %xor3A_1312, %lt3A_1314 : vector<16xi32>
    %add3A_1316 = arith.constant 16 : i32
    %add3A_1317 = vector.broadcast %add3A_1316 : i32 to vector<16xi32>
    %add3A_1318 = arith.addi %xor3A_1312, %add3A_1317 : vector<16xi32>
    %select_n3A_1319 = arith.select %lt3A_1315, %add3A_1318, %xor3A_1312 : vector<16xi1>, vector<16xi32>
    %broadcast_in_dim3A_1320 = vector.shape_cast %select_n3A_1319 : vector<16xi32> to vector<16x1xi32>
    %gather3A_1321 = vector.shape_cast %broadcast_in_dim3A_1320 : vector<16x1xi32> to vector<16xi32>
    %gather3A_1322 = tpu.dynamic_gather %add3A_1309[%gather3A_1321] in [0] : vector<16xf32>, vector<16xi32> -> vector<16xf32>
    %add3A_1323 = arith.addf %add3A_1309, %gather3A_1322 : vector<16xf32>
    %xor3A_1324 = arith.constant 8 : i32
    %xor3A_1325 = vector.broadcast %xor3A_1324 : i32 to vector<16xi32>
    %xor3A_1326 = arith.xori %iota3A_1281, %xor3A_1325 : vector<16xi32>
    %lt3A_1327 = arith.constant 0 : i32
    %lt3A_1328 = vector.broadcast %lt3A_1327 : i32 to vector<16xi32>
    %lt3A_1329 = arith.cmpi slt, %xor3A_1326, %lt3A_1328 : vector<16xi32>
    %add3A_1330 = arith.constant 16 : i32
    %add3A_1331 = vector.broadcast %add3A_1330 : i32 to vector<16xi32>
    %add3A_1332 = arith.addi %xor3A_1326, %add3A_1331 : vector<16xi32>
    %select_n3A_1333 = arith.select %lt3A_1329, %add3A_1332, %xor3A_1326 : vector<16xi1>, vector<16xi32>
    %broadcast_in_dim3A_1334 = vector.shape_cast %select_n3A_1333 : vector<16xi32> to vector<16x1xi32>
    %gather3A_1335 = vector.shape_cast %broadcast_in_dim3A_1334 : vector<16x1xi32> to vector<16xi32>
    %gather3A_1336 = tpu.dynamic_gather %add3A_1323[%gather3A_1335] in [0] : vector<16xf32>, vector<16xi32> -> vector<16xf32>
    %add3A_1337 = arith.addf %add3A_1323, %gather3A_1336 : vector<16xf32>
    %eq3A_1338 = arith.constant 12 : i32
    %eq3A_1339 = vector.broadcast %eq3A_1338 : i32 to vector<16xi32>
    %eq3A_1340 = arith.cmpi eq, %iota3A, %eq3A_1339 : vector<16xi32>
    %jit3A_1341 = arith.constant 0.000000e+00 : f32
    %broadcast_in_dim3A_1342 = vector.broadcast %jit3A_1341 : f32 to vector<16xf32>
    %select_n3A_1343 = arith.select %eq3A_1340, %add3A_1337, %broadcast_in_dim3A_1342 : vector<16xi1>, vector<16xf32>
    %add3A_1344 = arith.addf %add3A_1241, %select_n3A_1343 : vector<16xf32>
    %get3A_1345 = arith.constant 13 : i32
    %get3A_1346 = arith.index_cast %get3A_1345 : i32 to index
    %get3A_1347 = arith.constant 0 : index
    %get3A_1348 = tpu.vector_load %arg9[%get3A_1346, %get3A_1347] {strides = array<i32>} : memref<40x128xf32, #tpu.memory_space<vmem>>, vector<1x16xf32>,
    %get3A_1349 = vector.shape_cast %get3A_1348 : vector<1x16xf32> to vector<16xf32>
    %get3A_1350 = arith.constant 33 : i32
    %get3A_1351 = arith.index_cast %get3A_1350 : i32 to index
    %get3A_1352 = arith.constant 0 : index
    %get3A_1353 = tpu.vector_load %arg9[%get3A_1351, %get3A_1352] {strides = array<i32>} : memref<40x128xf32, #tpu.memory_space<vmem>>, vector<1x16xf32>,
    %get3A_1354 = vector.shape_cast %get3A_1353 : vector<1x16xf32> to vector<16xf32>
    %add3A_1355 = arith.addf %get3A_1349, %get3A_1354 : vector<16xf32>
    %get3A_1356 = arith.constant 13 : i32
    %get3A_1357 = arith.index_cast %get3A_1356 : i32 to index
    %get3A_1358 = arith.constant 16 : index
    %get3A_1359 = tpu.vector_load %arg9[%get3A_1357, %get3A_1358] {strides = array<i32>} : memref<40x128xf32, #tpu.memory_space<vmem>>, vector<1x16xf32>,
    %get3A_1360 = vector.shape_cast %get3A_1359 : vector<1x16xf32> to vector<16xf32>
    %get3A_1361 = arith.constant 33 : i32
    %get3A_1362 = arith.index_cast %get3A_1361 : i32 to index
    %get3A_1363 = arith.constant 16 : index
    %get3A_1364 = tpu.vector_load %arg9[%get3A_1362, %get3A_1363] {strides = array<i32>} : memref<40x128xf32, #tpu.memory_space<vmem>>, vector<1x16xf32>,
    %get3A_1365 = vector.shape_cast %get3A_1364 : vector<1x16xf32> to vector<16xf32>
    %add3A_1366 = arith.addf %get3A_1360, %get3A_1365 : vector<16xf32>
    %gt3A_1367 = arith.constant 0.000000e+00 : f32
    %gt3A_1368 = vector.broadcast %gt3A_1367 : f32 to vector<16xf32>
    %gt3A_1369 = arith.cmpf ogt, %add3A_1355, %gt3A_1368 : vector<16xf32>
    %mul3A_1370 = arith.constant 2.000000e-01 : f32
    %mul3A_1371 = vector.broadcast %mul3A_1370 : f32 to vector<16xf32>
    %mul3A_1372 = arith.mulf %mul3A_1371, %add3A_1355 : vector<16xf32>
    %select_n3A_1373 = arith.select %gt3A_1369, %add3A_1355, %mul3A_1372 : vector<16xi1>, vector<16xf32>
    %gt3A_1374 = arith.constant 0.000000e+00 : f32
    %gt3A_1375 = vector.broadcast %gt3A_1374 : f32 to vector<16xf32>
    %gt3A_1376 = arith.cmpf ogt, %add3A_1366, %gt3A_1375 : vector<16xf32>
    %mul3A_1377 = arith.constant 2.000000e-01 : f32
    %mul3A_1378 = vector.broadcast %mul3A_1377 : f32 to vector<16xf32>
    %mul3A_1379 = arith.mulf %mul3A_1378, %add3A_1366 : vector<16xf32>
    %select_n3A_1380 = arith.select %gt3A_1376, %add3A_1366, %mul3A_1379 : vector<16xi1>, vector<16xf32>
    %mul3A_1381 = arith.mulf %get3A_6, %select_n3A_1373 : vector<16xf32>
    %mul3A_1382 = arith.mulf %get3A_9, %select_n3A_1380 : vector<16xf32>
    %add3A_1383 = arith.addf %mul3A_1381, %mul3A_1382 : vector<16xf32>
    %iota3A_1384 = tpu.iota {dimensions = array<i32: 0>} : vector<16xi32>
    %xor3A_1385 = arith.constant 1 : i32
    %xor3A_1386 = vector.broadcast %xor3A_1385 : i32 to vector<16xi32>
    %xor3A_1387 = arith.xori %iota3A_1384, %xor3A_1386 : vector<16xi32>
    %lt3A_1388 = arith.constant 0 : i32
    %lt3A_1389 = vector.broadcast %lt3A_1388 : i32 to vector<16xi32>
    %lt3A_1390 = arith.cmpi slt, %xor3A_1387, %lt3A_1389 : vector<16xi32>
    %add3A_1391 = arith.constant 16 : i32
    %add3A_1392 = vector.broadcast %add3A_1391 : i32 to vector<16xi32>
    %add3A_1393 = arith.addi %xor3A_1387, %add3A_1392 : vector<16xi32>
    %select_n3A_1394 = arith.select %lt3A_1390, %add3A_1393, %xor3A_1387 : vector<16xi1>, vector<16xi32>
    %broadcast_in_dim3A_1395 = vector.shape_cast %select_n3A_1394 : vector<16xi32> to vector<16x1xi32>
    %gather3A_1396 = vector.shape_cast %broadcast_in_dim3A_1395 : vector<16x1xi32> to vector<16xi32>
    %gather3A_1397 = tpu.dynamic_gather %add3A_1383[%gather3A_1396] in [0] : vector<16xf32>, vector<16xi32> -> vector<16xf32>
    %add3A_1398 = arith.addf %add3A_1383, %gather3A_1397 : vector<16xf32>
    %xor3A_1399 = arith.constant 2 : i32
    %xor3A_1400 = vector.broadcast %xor3A_1399 : i32 to vector<16xi32>
    %xor3A_1401 = arith.xori %iota3A_1384, %xor3A_1400 : vector<16xi32>
    %lt3A_1402 = arith.constant 0 : i32
    %lt3A_1403 = vector.broadcast %lt3A_1402 : i32 to vector<16xi32>
    %lt3A_1404 = arith.cmpi slt, %xor3A_1401, %lt3A_1403 : vector<16xi32>
    %add3A_1405 = arith.constant 16 : i32
    %add3A_1406 = vector.broadcast %add3A_1405 : i32 to vector<16xi32>
    %add3A_1407 = arith.addi %xor3A_1401, %add3A_1406 : vector<16xi32>
    %select_n3A_1408 = arith.select %lt3A_1404, %add3A_1407, %xor3A_1401 : vector<16xi1>, vector<16xi32>
    %broadcast_in_dim3A_1409 = vector.shape_cast %select_n3A_1408 : vector<16xi32> to vector<16x1xi32>
    %gather3A_1410 = vector.shape_cast %broadcast_in_dim3A_1409 : vector<16x1xi32> to vector<16xi32>
    %gather3A_1411 = tpu.dynamic_gather %add3A_1398[%gather3A_1410] in [0] : vector<16xf32>, vector<16xi32> -> vector<16xf32>
    %add3A_1412 = arith.addf %add3A_1398, %gather3A_1411 : vector<16xf32>
    %xor3A_1413 = arith.constant 4 : i32
    %xor3A_1414 = vector.broadcast %xor3A_1413 : i32 to vector<16xi32>
    %xor3A_1415 = arith.xori %iota3A_1384, %xor3A_1414 : vector<16xi32>
    %lt3A_1416 = arith.constant 0 : i32
    %lt3A_1417 = vector.broadcast %lt3A_1416 : i32 to vector<16xi32>
    %lt3A_1418 = arith.cmpi slt, %xor3A_1415, %lt3A_1417 : vector<16xi32>
    %add3A_1419 = arith.constant 16 : i32
    %add3A_1420 = vector.broadcast %add3A_1419 : i32 to vector<16xi32>
    %add3A_1421 = arith.addi %xor3A_1415, %add3A_1420 : vector<16xi32>
    %select_n3A_1422 = arith.select %lt3A_1418, %add3A_1421, %xor3A_1415 : vector<16xi1>, vector<16xi32>
    %broadcast_in_dim3A_1423 = vector.shape_cast %select_n3A_1422 : vector<16xi32> to vector<16x1xi32>
    %gather3A_1424 = vector.shape_cast %broadcast_in_dim3A_1423 : vector<16x1xi32> to vector<16xi32>
    %gather3A_1425 = tpu.dynamic_gather %add3A_1412[%gather3A_1424] in [0] : vector<16xf32>, vector<16xi32> -> vector<16xf32>
    %add3A_1426 = arith.addf %add3A_1412, %gather3A_1425 : vector<16xf32>
    %xor3A_1427 = arith.constant 8 : i32
    %xor3A_1428 = vector.broadcast %xor3A_1427 : i32 to vector<16xi32>
    %xor3A_1429 = arith.xori %iota3A_1384, %xor3A_1428 : vector<16xi32>
    %lt3A_1430 = arith.constant 0 : i32
    %lt3A_1431 = vector.broadcast %lt3A_1430 : i32 to vector<16xi32>
    %lt3A_1432 = arith.cmpi slt, %xor3A_1429, %lt3A_1431 : vector<16xi32>
    %add3A_1433 = arith.constant 16 : i32
    %add3A_1434 = vector.broadcast %add3A_1433 : i32 to vector<16xi32>
    %add3A_1435 = arith.addi %xor3A_1429, %add3A_1434 : vector<16xi32>
    %select_n3A_1436 = arith.select %lt3A_1432, %add3A_1435, %xor3A_1429 : vector<16xi1>, vector<16xi32>
    %broadcast_in_dim3A_1437 = vector.shape_cast %select_n3A_1436 : vector<16xi32> to vector<16x1xi32>
    %gather3A_1438 = vector.shape_cast %broadcast_in_dim3A_1437 : vector<16x1xi32> to vector<16xi32>
    %gather3A_1439 = tpu.dynamic_gather %add3A_1426[%gather3A_1438] in [0] : vector<16xf32>, vector<16xi32> -> vector<16xf32>
    %add3A_1440 = arith.addf %add3A_1426, %gather3A_1439 : vector<16xf32>
    %eq3A_1441 = arith.constant 13 : i32
    %eq3A_1442 = vector.broadcast %eq3A_1441 : i32 to vector<16xi32>
    %eq3A_1443 = arith.cmpi eq, %iota3A, %eq3A_1442 : vector<16xi32>
    %jit3A_1444 = arith.constant 0.000000e+00 : f32
    %broadcast_in_dim3A_1445 = vector.broadcast %jit3A_1444 : f32 to vector<16xf32>
    %select_n3A_1446 = arith.select %eq3A_1443, %add3A_1440, %broadcast_in_dim3A_1445 : vector<16xi1>, vector<16xf32>
    %add3A_1447 = arith.addf %add3A_1344, %select_n3A_1446 : vector<16xf32>
    %get3A_1448 = arith.constant 14 : i32
    %get3A_1449 = arith.index_cast %get3A_1448 : i32 to index
    %get3A_1450 = arith.constant 0 : index
    %get3A_1451 = tpu.vector_load %arg9[%get3A_1449, %get3A_1450] {strides = array<i32>} : memref<40x128xf32, #tpu.memory_space<vmem>>, vector<1x16xf32>,
    %get3A_1452 = vector.shape_cast %get3A_1451 : vector<1x16xf32> to vector<16xf32>
    %get3A_1453 = arith.constant 34 : i32
    %get3A_1454 = arith.index_cast %get3A_1453 : i32 to index
    %get3A_1455 = arith.constant 0 : index
    %get3A_1456 = tpu.vector_load %arg9[%get3A_1454, %get3A_1455] {strides = array<i32>} : memref<40x128xf32, #tpu.memory_space<vmem>>, vector<1x16xf32>,
    %get3A_1457 = vector.shape_cast %get3A_1456 : vector<1x16xf32> to vector<16xf32>
    %add3A_1458 = arith.addf %get3A_1452, %get3A_1457 : vector<16xf32>
    %get3A_1459 = arith.constant 14 : i32
    %get3A_1460 = arith.index_cast %get3A_1459 : i32 to index
    %get3A_1461 = arith.constant 16 : index
    %get3A_1462 = tpu.vector_load %arg9[%get3A_1460, %get3A_1461] {strides = array<i32>} : memref<40x128xf32, #tpu.memory_space<vmem>>, vector<1x16xf32>,
    %get3A_1463 = vector.shape_cast %get3A_1462 : vector<1x16xf32> to vector<16xf32>
    %get3A_1464 = arith.constant 34 : i32
    %get3A_1465 = arith.index_cast %get3A_1464 : i32 to index
    %get3A_1466 = arith.constant 16 : index
    %get3A_1467 = tpu.vector_load %arg9[%get3A_1465, %get3A_1466] {strides = array<i32>} : memref<40x128xf32, #tpu.memory_space<vmem>>, vector<1x16xf32>,
    %get3A_1468 = vector.shape_cast %get3A_1467 : vector<1x16xf32> to vector<16xf32>
    %add3A_1469 = arith.addf %get3A_1463, %get3A_1468 : vector<16xf32>
    %gt3A_1470 = arith.constant 0.000000e+00 : f32
    %gt3A_1471 = vector.broadcast %gt3A_1470 : f32 to vector<16xf32>
    %gt3A_1472 = arith.cmpf ogt, %add3A_1458, %gt3A_1471 : vector<16xf32>
    %mul3A_1473 = arith.constant 2.000000e-01 : f32
    %mul3A_1474 = vector.broadcast %mul3A_1473 : f32 to vector<16xf32>
    %mul3A_1475 = arith.mulf %mul3A_1474, %add3A_1458 : vector<16xf32>
    %select_n3A_1476 = arith.select %gt3A_1472, %add3A_1458, %mul3A_1475 : vector<16xi1>, vector<16xf32>
    %gt3A_1477 = arith.constant 0.000000e+00 : f32
    %gt3A_1478 = vector.broadcast %gt3A_1477 : f32 to vector<16xf32>
    %gt3A_1479 = arith.cmpf ogt, %add3A_1469, %gt3A_1478 : vector<16xf32>
    %mul3A_1480 = arith.constant 2.000000e-01 : f32
    %mul3A_1481 = vector.broadcast %mul3A_1480 : f32 to vector<16xf32>
    %mul3A_1482 = arith.mulf %mul3A_1481, %add3A_1469 : vector<16xf32>
    %select_n3A_1483 = arith.select %gt3A_1479, %add3A_1469, %mul3A_1482 : vector<16xi1>, vector<16xf32>
    %mul3A_1484 = arith.mulf %get3A_6, %select_n3A_1476 : vector<16xf32>
    %mul3A_1485 = arith.mulf %get3A_9, %select_n3A_1483 : vector<16xf32>
    %add3A_1486 = arith.addf %mul3A_1484, %mul3A_1485 : vector<16xf32>
    %iota3A_1487 = tpu.iota {dimensions = array<i32: 0>} : vector<16xi32>
    %xor3A_1488 = arith.constant 1 : i32
    %xor3A_1489 = vector.broadcast %xor3A_1488 : i32 to vector<16xi32>
    %xor3A_1490 = arith.xori %iota3A_1487, %xor3A_1489 : vector<16xi32>
    %lt3A_1491 = arith.constant 0 : i32
    %lt3A_1492 = vector.broadcast %lt3A_1491 : i32 to vector<16xi32>
    %lt3A_1493 = arith.cmpi slt, %xor3A_1490, %lt3A_1492 : vector<16xi32>
    %add3A_1494 = arith.constant 16 : i32
    %add3A_1495 = vector.broadcast %add3A_1494 : i32 to vector<16xi32>
    %add3A_1496 = arith.addi %xor3A_1490, %add3A_1495 : vector<16xi32>
    %select_n3A_1497 = arith.select %lt3A_1493, %add3A_1496, %xor3A_1490 : vector<16xi1>, vector<16xi32>
    %broadcast_in_dim3A_1498 = vector.shape_cast %select_n3A_1497 : vector<16xi32> to vector<16x1xi32>
    %gather3A_1499 = vector.shape_cast %broadcast_in_dim3A_1498 : vector<16x1xi32> to vector<16xi32>
    %gather3A_1500 = tpu.dynamic_gather %add3A_1486[%gather3A_1499] in [0] : vector<16xf32>, vector<16xi32> -> vector<16xf32>
    %add3A_1501 = arith.addf %add3A_1486, %gather3A_1500 : vector<16xf32>
    %xor3A_1502 = arith.constant 2 : i32
    %xor3A_1503 = vector.broadcast %xor3A_1502 : i32 to vector<16xi32>
    %xor3A_1504 = arith.xori %iota3A_1487, %xor3A_1503 : vector<16xi32>
    %lt3A_1505 = arith.constant 0 : i32
    %lt3A_1506 = vector.broadcast %lt3A_1505 : i32 to vector<16xi32>
    %lt3A_1507 = arith.cmpi slt, %xor3A_1504, %lt3A_1506 : vector<16xi32>
    %add3A_1508 = arith.constant 16 : i32
    %add3A_1509 = vector.broadcast %add3A_1508 : i32 to vector<16xi32>
    %add3A_1510 = arith.addi %xor3A_1504, %add3A_1509 : vector<16xi32>
    %select_n3A_1511 = arith.select %lt3A_1507, %add3A_1510, %xor3A_1504 : vector<16xi1>, vector<16xi32>
    %broadcast_in_dim3A_1512 = vector.shape_cast %select_n3A_1511 : vector<16xi32> to vector<16x1xi32>
    %gather3A_1513 = vector.shape_cast %broadcast_in_dim3A_1512 : vector<16x1xi32> to vector<16xi32>
    %gather3A_1514 = tpu.dynamic_gather %add3A_1501[%gather3A_1513] in [0] : vector<16xf32>, vector<16xi32> -> vector<16xf32>
    %add3A_1515 = arith.addf %add3A_1501, %gather3A_1514 : vector<16xf32>
    %xor3A_1516 = arith.constant 4 : i32
    %xor3A_1517 = vector.broadcast %xor3A_1516 : i32 to vector<16xi32>
    %xor3A_1518 = arith.xori %iota3A_1487, %xor3A_1517 : vector<16xi32>
    %lt3A_1519 = arith.constant 0 : i32
    %lt3A_1520 = vector.broadcast %lt3A_1519 : i32 to vector<16xi32>
    %lt3A_1521 = arith.cmpi slt, %xor3A_1518, %lt3A_1520 : vector<16xi32>
    %add3A_1522 = arith.constant 16 : i32
    %add3A_1523 = vector.broadcast %add3A_1522 : i32 to vector<16xi32>
    %add3A_1524 = arith.addi %xor3A_1518, %add3A_1523 : vector<16xi32>
    %select_n3A_1525 = arith.select %lt3A_1521, %add3A_1524, %xor3A_1518 : vector<16xi1>, vector<16xi32>
    %broadcast_in_dim3A_1526 = vector.shape_cast %select_n3A_1525 : vector<16xi32> to vector<16x1xi32>
    %gather3A_1527 = vector.shape_cast %broadcast_in_dim3A_1526 : vector<16x1xi32> to vector<16xi32>
    %gather3A_1528 = tpu.dynamic_gather %add3A_1515[%gather3A_1527] in [0] : vector<16xf32>, vector<16xi32> -> vector<16xf32>
    %add3A_1529 = arith.addf %add3A_1515, %gather3A_1528 : vector<16xf32>
    %xor3A_1530 = arith.constant 8 : i32
    %xor3A_1531 = vector.broadcast %xor3A_1530 : i32 to vector<16xi32>
    %xor3A_1532 = arith.xori %iota3A_1487, %xor3A_1531 : vector<16xi32>
    %lt3A_1533 = arith.constant 0 : i32
    %lt3A_1534 = vector.broadcast %lt3A_1533 : i32 to vector<16xi32>
    %lt3A_1535 = arith.cmpi slt, %xor3A_1532, %lt3A_1534 : vector<16xi32>
    %add3A_1536 = arith.constant 16 : i32
    %add3A_1537 = vector.broadcast %add3A_1536 : i32 to vector<16xi32>
    %add3A_1538 = arith.addi %xor3A_1532, %add3A_1537 : vector<16xi32>
    %select_n3A_1539 = arith.select %lt3A_1535, %add3A_1538, %xor3A_1532 : vector<16xi1>, vector<16xi32>
    %broadcast_in_dim3A_1540 = vector.shape_cast %select_n3A_1539 : vector<16xi32> to vector<16x1xi32>
    %gather3A_1541 = vector.shape_cast %broadcast_in_dim3A_1540 : vector<16x1xi32> to vector<16xi32>
    %gather3A_1542 = tpu.dynamic_gather %add3A_1529[%gather3A_1541] in [0] : vector<16xf32>, vector<16xi32> -> vector<16xf32>
    %add3A_1543 = arith.addf %add3A_1529, %gather3A_1542 : vector<16xf32>
    %eq3A_1544 = arith.constant 14 : i32
    %eq3A_1545 = vector.broadcast %eq3A_1544 : i32 to vector<16xi32>
    %eq3A_1546 = arith.cmpi eq, %iota3A, %eq3A_1545 : vector<16xi32>
    %jit3A_1547 = arith.constant 0.000000e+00 : f32
    %broadcast_in_dim3A_1548 = vector.broadcast %jit3A_1547 : f32 to vector<16xf32>
    %select_n3A_1549 = arith.select %eq3A_1546, %add3A_1543, %broadcast_in_dim3A_1548 : vector<16xi1>, vector<16xf32>
    %add3A_1550 = arith.addf %add3A_1447, %select_n3A_1549 : vector<16xf32>
    %get3A_1551 = arith.constant 15 : i32
    %get3A_1552 = arith.index_cast %get3A_1551 : i32 to index
    %get3A_1553 = arith.constant 0 : index
    %get3A_1554 = tpu.vector_load %arg9[%get3A_1552, %get3A_1553] {strides = array<i32>} : memref<40x128xf32, #tpu.memory_space<vmem>>, vector<1x16xf32>,
    %get3A_1555 = vector.shape_cast %get3A_1554 : vector<1x16xf32> to vector<16xf32>
    %get3A_1556 = arith.constant 35 : i32
    %get3A_1557 = arith.index_cast %get3A_1556 : i32 to index
    %get3A_1558 = arith.constant 0 : index
    %get3A_1559 = tpu.vector_load %arg9[%get3A_1557, %get3A_1558] {strides = array<i32>} : memref<40x128xf32, #tpu.memory_space<vmem>>, vector<1x16xf32>,
    %get3A_1560 = vector.shape_cast %get3A_1559 : vector<1x16xf32> to vector<16xf32>
    %add3A_1561 = arith.addf %get3A_1555, %get3A_1560 : vector<16xf32>
    %get3A_1562 = arith.constant 15 : i32
    %get3A_1563 = arith.index_cast %get3A_1562 : i32 to index
    %get3A_1564 = arith.constant 16 : index
    %get3A_1565 = tpu.vector_load %arg9[%get3A_1563, %get3A_1564] {strides = array<i32>} : memref<40x128xf32, #tpu.memory_space<vmem>>, vector<1x16xf32>,
    %get3A_1566 = vector.shape_cast %get3A_1565 : vector<1x16xf32> to vector<16xf32>
    %get3A_1567 = arith.constant 35 : i32
    %get3A_1568 = arith.index_cast %get3A_1567 : i32 to index
    %get3A_1569 = arith.constant 16 : index
    %get3A_1570 = tpu.vector_load %arg9[%get3A_1568, %get3A_1569] {strides = array<i32>} : memref<40x128xf32, #tpu.memory_space<vmem>>, vector<1x16xf32>,
    %get3A_1571 = vector.shape_cast %get3A_1570 : vector<1x16xf32> to vector<16xf32>
    %add3A_1572 = arith.addf %get3A_1566, %get3A_1571 : vector<16xf32>
    %gt3A_1573 = arith.constant 0.000000e+00 : f32
    %gt3A_1574 = vector.broadcast %gt3A_1573 : f32 to vector<16xf32>
    %gt3A_1575 = arith.cmpf ogt, %add3A_1561, %gt3A_1574 : vector<16xf32>
    %mul3A_1576 = arith.constant 2.000000e-01 : f32
    %mul3A_1577 = vector.broadcast %mul3A_1576 : f32 to vector<16xf32>
    %mul3A_1578 = arith.mulf %mul3A_1577, %add3A_1561 : vector<16xf32>
    %select_n3A_1579 = arith.select %gt3A_1575, %add3A_1561, %mul3A_1578 : vector<16xi1>, vector<16xf32>
    %gt3A_1580 = arith.constant 0.000000e+00 : f32
    %gt3A_1581 = vector.broadcast %gt3A_1580 : f32 to vector<16xf32>
    %gt3A_1582 = arith.cmpf ogt, %add3A_1572, %gt3A_1581 : vector<16xf32>
    %mul3A_1583 = arith.constant 2.000000e-01 : f32
    %mul3A_1584 = vector.broadcast %mul3A_1583 : f32 to vector<16xf32>
    %mul3A_1585 = arith.mulf %mul3A_1584, %add3A_1572 : vector<16xf32>
    %select_n3A_1586 = arith.select %gt3A_1582, %add3A_1572, %mul3A_1585 : vector<16xi1>, vector<16xf32>
    %mul3A_1587 = arith.mulf %get3A_6, %select_n3A_1579 : vector<16xf32>
    %mul3A_1588 = arith.mulf %get3A_9, %select_n3A_1586 : vector<16xf32>
    %add3A_1589 = arith.addf %mul3A_1587, %mul3A_1588 : vector<16xf32>
    %iota3A_1590 = tpu.iota {dimensions = array<i32: 0>} : vector<16xi32>
    %xor3A_1591 = arith.constant 1 : i32
    %xor3A_1592 = vector.broadcast %xor3A_1591 : i32 to vector<16xi32>
    %xor3A_1593 = arith.xori %iota3A_1590, %xor3A_1592 : vector<16xi32>
    %lt3A_1594 = arith.constant 0 : i32
    %lt3A_1595 = vector.broadcast %lt3A_1594 : i32 to vector<16xi32>
    %lt3A_1596 = arith.cmpi slt, %xor3A_1593, %lt3A_1595 : vector<16xi32>
    %add3A_1597 = arith.constant 16 : i32
    %add3A_1598 = vector.broadcast %add3A_1597 : i32 to vector<16xi32>
    %add3A_1599 = arith.addi %xor3A_1593, %add3A_1598 : vector<16xi32>
    %select_n3A_1600 = arith.select %lt3A_1596, %add3A_1599, %xor3A_1593 : vector<16xi1>, vector<16xi32>
    %broadcast_in_dim3A_1601 = vector.shape_cast %select_n3A_1600 : vector<16xi32> to vector<16x1xi32>
    %gather3A_1602 = vector.shape_cast %broadcast_in_dim3A_1601 : vector<16x1xi32> to vector<16xi32>
    %gather3A_1603 = tpu.dynamic_gather %add3A_1589[%gather3A_1602] in [0] : vector<16xf32>, vector<16xi32> -> vector<16xf32>
    %add3A_1604 = arith.addf %add3A_1589, %gather3A_1603 : vector<16xf32>
    %xor3A_1605 = arith.constant 2 : i32
    %xor3A_1606 = vector.broadcast %xor3A_1605 : i32 to vector<16xi32>
    %xor3A_1607 = arith.xori %iota3A_1590, %xor3A_1606 : vector<16xi32>
    %lt3A_1608 = arith.constant 0 : i32
    %lt3A_1609 = vector.broadcast %lt3A_1608 : i32 to vector<16xi32>
    %lt3A_1610 = arith.cmpi slt, %xor3A_1607, %lt3A_1609 : vector<16xi32>
    %add3A_1611 = arith.constant 16 : i32
    %add3A_1612 = vector.broadcast %add3A_1611 : i32 to vector<16xi32>
    %add3A_1613 = arith.addi %xor3A_1607, %add3A_1612 : vector<16xi32>
    %select_n3A_1614 = arith.select %lt3A_1610, %add3A_1613, %xor3A_1607 : vector<16xi1>, vector<16xi32>
    %broadcast_in_dim3A_1615 = vector.shape_cast %select_n3A_1614 : vector<16xi32> to vector<16x1xi32>
    %gather3A_1616 = vector.shape_cast %broadcast_in_dim3A_1615 : vector<16x1xi32> to vector<16xi32>
    %gather3A_1617 = tpu.dynamic_gather %add3A_1604[%gather3A_1616] in [0] : vector<16xf32>, vector<16xi32> -> vector<16xf32>
    %add3A_1618 = arith.addf %add3A_1604, %gather3A_1617 : vector<16xf32>
    %xor3A_1619 = arith.constant 4 : i32
    %xor3A_1620 = vector.broadcast %xor3A_1619 : i32 to vector<16xi32>
    %xor3A_1621 = arith.xori %iota3A_1590, %xor3A_1620 : vector<16xi32>
    %lt3A_1622 = arith.constant 0 : i32
    %lt3A_1623 = vector.broadcast %lt3A_1622 : i32 to vector<16xi32>
    %lt3A_1624 = arith.cmpi slt, %xor3A_1621, %lt3A_1623 : vector<16xi32>
    %add3A_1625 = arith.constant 16 : i32
    %add3A_1626 = vector.broadcast %add3A_1625 : i32 to vector<16xi32>
    %add3A_1627 = arith.addi %xor3A_1621, %add3A_1626 : vector<16xi32>
    %select_n3A_1628 = arith.select %lt3A_1624, %add3A_1627, %xor3A_1621 : vector<16xi1>, vector<16xi32>
    %broadcast_in_dim3A_1629 = vector.shape_cast %select_n3A_1628 : vector<16xi32> to vector<16x1xi32>
    %gather3A_1630 = vector.shape_cast %broadcast_in_dim3A_1629 : vector<16x1xi32> to vector<16xi32>
    %gather3A_1631 = tpu.dynamic_gather %add3A_1618[%gather3A_1630] in [0] : vector<16xf32>, vector<16xi32> -> vector<16xf32>
    %add3A_1632 = arith.addf %add3A_1618, %gather3A_1631 : vector<16xf32>
    %xor3A_1633 = arith.constant 8 : i32
    %xor3A_1634 = vector.broadcast %xor3A_1633 : i32 to vector<16xi32>
    %xor3A_1635 = arith.xori %iota3A_1590, %xor3A_1634 : vector<16xi32>
    %lt3A_1636 = arith.constant 0 : i32
    %lt3A_1637 = vector.broadcast %lt3A_1636 : i32 to vector<16xi32>
    %lt3A_1638 = arith.cmpi slt, %xor3A_1635, %lt3A_1637 : vector<16xi32>
    %add3A_1639 = arith.constant 16 : i32
    %add3A_1640 = vector.broadcast %add3A_1639 : i32 to vector<16xi32>
    %add3A_1641 = arith.addi %xor3A_1635, %add3A_1640 : vector<16xi32>
    %select_n3A_1642 = arith.select %lt3A_1638, %add3A_1641, %xor3A_1635 : vector<16xi1>, vector<16xi32>
    %broadcast_in_dim3A_1643 = vector.shape_cast %select_n3A_1642 : vector<16xi32> to vector<16x1xi32>
    %gather3A_1644 = vector.shape_cast %broadcast_in_dim3A_1643 : vector<16x1xi32> to vector<16xi32>
    %gather3A_1645 = tpu.dynamic_gather %add3A_1632[%gather3A_1644] in [0] : vector<16xf32>, vector<16xi32> -> vector<16xf32>
    %add3A_1646 = arith.addf %add3A_1632, %gather3A_1645 : vector<16xf32>
    %eq3A_1647 = arith.constant 15 : i32
    %eq3A_1648 = vector.broadcast %eq3A_1647 : i32 to vector<16xi32>
    %eq3A_1649 = arith.cmpi eq, %iota3A, %eq3A_1648 : vector<16xi32>
    %jit3A_1650 = arith.constant 0.000000e+00 : f32
    %broadcast_in_dim3A_1651 = vector.broadcast %jit3A_1650 : f32 to vector<16xf32>
    %select_n3A_1652 = arith.select %eq3A_1649, %add3A_1646, %broadcast_in_dim3A_1651 : vector<16xi1>, vector<16xf32>
    %add3A_1653 = arith.addf %add3A_1550, %select_n3A_1652 : vector<16xf32>
    %get3A_1654 = arith.constant 16 : i32
    %get3A_1655 = arith.index_cast %get3A_1654 : i32 to index
    %get3A_1656 = arith.constant 0 : index
    %get3A_1657 = tpu.vector_load %arg9[%get3A_1655, %get3A_1656] {strides = array<i32>} : memref<40x128xf32, #tpu.memory_space<vmem>>, vector<1x16xf32>,
    %get3A_1658 = vector.shape_cast %get3A_1657 : vector<1x16xf32> to vector<16xf32>
    %get3A_1659 = arith.constant 36 : i32
    %get3A_1660 = arith.index_cast %get3A_1659 : i32 to index
    %get3A_1661 = arith.constant 0 : index
    %get3A_1662 = tpu.vector_load %arg9[%get3A_1660, %get3A_1661] {strides = array<i32>} : memref<40x128xf32, #tpu.memory_space<vmem>>, vector<1x16xf32>,
    %get3A_1663 = vector.shape_cast %get3A_1662 : vector<1x16xf32> to vector<16xf32>
    %add3A_1664 = arith.addf %get3A_1658, %get3A_1663 : vector<16xf32>
    %get3A_1665 = arith.constant 16 : i32
    %get3A_1666 = arith.index_cast %get3A_1665 : i32 to index
    %get3A_1667 = arith.constant 16 : index
    %get3A_1668 = tpu.vector_load %arg9[%get3A_1666, %get3A_1667] {strides = array<i32>} : memref<40x128xf32, #tpu.memory_space<vmem>>, vector<1x16xf32>,
    %get3A_1669 = vector.shape_cast %get3A_1668 : vector<1x16xf32> to vector<16xf32>
    %get3A_1670 = arith.constant 36 : i32
    %get3A_1671 = arith.index_cast %get3A_1670 : i32 to index
    %get3A_1672 = arith.constant 16 : index
    %get3A_1673 = tpu.vector_load %arg9[%get3A_1671, %get3A_1672] {strides = array<i32>} : memref<40x128xf32, #tpu.memory_space<vmem>>, vector<1x16xf32>,
    %get3A_1674 = vector.shape_cast %get3A_1673 : vector<1x16xf32> to vector<16xf32>
    %add3A_1675 = arith.addf %get3A_1669, %get3A_1674 : vector<16xf32>
    %gt3A_1676 = arith.constant 0.000000e+00 : f32
    %gt3A_1677 = vector.broadcast %gt3A_1676 : f32 to vector<16xf32>
    %gt3A_1678 = arith.cmpf ogt, %add3A_1664, %gt3A_1677 : vector<16xf32>
    %mul3A_1679 = arith.constant 2.000000e-01 : f32
    %mul3A_1680 = vector.broadcast %mul3A_1679 : f32 to vector<16xf32>
    %mul3A_1681 = arith.mulf %mul3A_1680, %add3A_1664 : vector<16xf32>
    %select_n3A_1682 = arith.select %gt3A_1678, %add3A_1664, %mul3A_1681 : vector<16xi1>, vector<16xf32>
    %gt3A_1683 = arith.constant 0.000000e+00 : f32
    %gt3A_1684 = vector.broadcast %gt3A_1683 : f32 to vector<16xf32>
    %gt3A_1685 = arith.cmpf ogt, %add3A_1675, %gt3A_1684 : vector<16xf32>
    %mul3A_1686 = arith.constant 2.000000e-01 : f32
    %mul3A_1687 = vector.broadcast %mul3A_1686 : f32 to vector<16xf32>
    %mul3A_1688 = arith.mulf %mul3A_1687, %add3A_1675 : vector<16xf32>
    %select_n3A_1689 = arith.select %gt3A_1685, %add3A_1675, %mul3A_1688 : vector<16xi1>, vector<16xf32>
    %mul3A_1690 = arith.mulf %get3A_6, %select_n3A_1682 : vector<16xf32>
    %mul3A_1691 = arith.mulf %get3A_9, %select_n3A_1689 : vector<16xf32>
    %add3A_1692 = arith.addf %mul3A_1690, %mul3A_1691 : vector<16xf32>
    %iota3A_1693 = tpu.iota {dimensions = array<i32: 0>} : vector<16xi32>
    %xor3A_1694 = arith.constant 1 : i32
    %xor3A_1695 = vector.broadcast %xor3A_1694 : i32 to vector<16xi32>
    %xor3A_1696 = arith.xori %iota3A_1693, %xor3A_1695 : vector<16xi32>
    %lt3A_1697 = arith.constant 0 : i32
    %lt3A_1698 = vector.broadcast %lt3A_1697 : i32 to vector<16xi32>
    %lt3A_1699 = arith.cmpi slt, %xor3A_1696, %lt3A_1698 : vector<16xi32>
    %add3A_1700 = arith.constant 16 : i32
    %add3A_1701 = vector.broadcast %add3A_1700 : i32 to vector<16xi32>
    %add3A_1702 = arith.addi %xor3A_1696, %add3A_1701 : vector<16xi32>
    %select_n3A_1703 = arith.select %lt3A_1699, %add3A_1702, %xor3A_1696 : vector<16xi1>, vector<16xi32>
    %broadcast_in_dim3A_1704 = vector.shape_cast %select_n3A_1703 : vector<16xi32> to vector<16x1xi32>
    %gather3A_1705 = vector.shape_cast %broadcast_in_dim3A_1704 : vector<16x1xi32> to vector<16xi32>
    %gather3A_1706 = tpu.dynamic_gather %add3A_1692[%gather3A_1705] in [0] : vector<16xf32>, vector<16xi32> -> vector<16xf32>
    %add3A_1707 = arith.addf %add3A_1692, %gather3A_1706 : vector<16xf32>
    %xor3A_1708 = arith.constant 2 : i32
    %xor3A_1709 = vector.broadcast %xor3A_1708 : i32 to vector<16xi32>
    %xor3A_1710 = arith.xori %iota3A_1693, %xor3A_1709 : vector<16xi32>
    %lt3A_1711 = arith.constant 0 : i32
    %lt3A_1712 = vector.broadcast %lt3A_1711 : i32 to vector<16xi32>
    %lt3A_1713 = arith.cmpi slt, %xor3A_1710, %lt3A_1712 : vector<16xi32>
    %add3A_1714 = arith.constant 16 : i32
    %add3A_1715 = vector.broadcast %add3A_1714 : i32 to vector<16xi32>
    %add3A_1716 = arith.addi %xor3A_1710, %add3A_1715 : vector<16xi32>
    %select_n3A_1717 = arith.select %lt3A_1713, %add3A_1716, %xor3A_1710 : vector<16xi1>, vector<16xi32>
    %broadcast_in_dim3A_1718 = vector.shape_cast %select_n3A_1717 : vector<16xi32> to vector<16x1xi32>
    %gather3A_1719 = vector.shape_cast %broadcast_in_dim3A_1718 : vector<16x1xi32> to vector<16xi32>
    %gather3A_1720 = tpu.dynamic_gather %add3A_1707[%gather3A_1719] in [0] : vector<16xf32>, vector<16xi32> -> vector<16xf32>
    %add3A_1721 = arith.addf %add3A_1707, %gather3A_1720 : vector<16xf32>
    %xor3A_1722 = arith.constant 4 : i32
    %xor3A_1723 = vector.broadcast %xor3A_1722 : i32 to vector<16xi32>
    %xor3A_1724 = arith.xori %iota3A_1693, %xor3A_1723 : vector<16xi32>
    %lt3A_1725 = arith.constant 0 : i32
    %lt3A_1726 = vector.broadcast %lt3A_1725 : i32 to vector<16xi32>
    %lt3A_1727 = arith.cmpi slt, %xor3A_1724, %lt3A_1726 : vector<16xi32>
    %add3A_1728 = arith.constant 16 : i32
    %add3A_1729 = vector.broadcast %add3A_1728 : i32 to vector<16xi32>
    %add3A_1730 = arith.addi %xor3A_1724, %add3A_1729 : vector<16xi32>
    %select_n3A_1731 = arith.select %lt3A_1727, %add3A_1730, %xor3A_1724 : vector<16xi1>, vector<16xi32>
    %broadcast_in_dim3A_1732 = vector.shape_cast %select_n3A_1731 : vector<16xi32> to vector<16x1xi32>
    %gather3A_1733 = vector.shape_cast %broadcast_in_dim3A_1732 : vector<16x1xi32> to vector<16xi32>
    %gather3A_1734 = tpu.dynamic_gather %add3A_1721[%gather3A_1733] in [0] : vector<16xf32>, vector<16xi32> -> vector<16xf32>
    %add3A_1735 = arith.addf %add3A_1721, %gather3A_1734 : vector<16xf32>
    %xor3A_1736 = arith.constant 8 : i32
    %xor3A_1737 = vector.broadcast %xor3A_1736 : i32 to vector<16xi32>
    %xor3A_1738 = arith.xori %iota3A_1693, %xor3A_1737 : vector<16xi32>
    %lt3A_1739 = arith.constant 0 : i32
    %lt3A_1740 = vector.broadcast %lt3A_1739 : i32 to vector<16xi32>
    %lt3A_1741 = arith.cmpi slt, %xor3A_1738, %lt3A_1740 : vector<16xi32>
    %add3A_1742 = arith.constant 16 : i32
    %add3A_1743 = vector.broadcast %add3A_1742 : i32 to vector<16xi32>
    %add3A_1744 = arith.addi %xor3A_1738, %add3A_1743 : vector<16xi32>
    %select_n3A_1745 = arith.select %lt3A_1741, %add3A_1744, %xor3A_1738 : vector<16xi1>, vector<16xi32>
    %broadcast_in_dim3A_1746 = vector.shape_cast %select_n3A_1745 : vector<16xi32> to vector<16x1xi32>
    %gather3A_1747 = vector.shape_cast %broadcast_in_dim3A_1746 : vector<16x1xi32> to vector<16xi32>
    %gather3A_1748 = tpu.dynamic_gather %add3A_1735[%gather3A_1747] in [0] : vector<16xf32>, vector<16xi32> -> vector<16xf32>
    %add3A_1749 = arith.addf %add3A_1735, %gather3A_1748 : vector<16xf32>
    %eq3A_1750 = arith.constant 0 : i32
    %eq3A_1751 = vector.broadcast %eq3A_1750 : i32 to vector<16xi32>
    %eq3A_1752 = arith.cmpi eq, %iota3A, %eq3A_1751 : vector<16xi32>
    %jit3A_1753 = arith.constant 0.000000e+00 : f32
    %broadcast_in_dim3A_1754 = vector.broadcast %jit3A_1753 : f32 to vector<16xf32>
    %select_n3A_1755 = arith.select %eq3A_1752, %add3A_1749, %broadcast_in_dim3A_1754 : vector<16xi1>, vector<16xf32>
    %add3A_1756 = arith.addf %broadcast_in_dim3A_12, %select_n3A_1755 : vector<16xf32>
    %get3A_1757 = arith.constant 17 : i32
    %get3A_1758 = arith.index_cast %get3A_1757 : i32 to index
    %get3A_1759 = arith.constant 0 : index
    %get3A_1760 = tpu.vector_load %arg9[%get3A_1758, %get3A_1759] {strides = array<i32>} : memref<40x128xf32, #tpu.memory_space<vmem>>, vector<1x16xf32>,
    %get3A_1761 = vector.shape_cast %get3A_1760 : vector<1x16xf32> to vector<16xf32>
    %get3A_1762 = arith.constant 37 : i32
    %get3A_1763 = arith.index_cast %get3A_1762 : i32 to index
    %get3A_1764 = arith.constant 0 : index
    %get3A_1765 = tpu.vector_load %arg9[%get3A_1763, %get3A_1764] {strides = array<i32>} : memref<40x128xf32, #tpu.memory_space<vmem>>, vector<1x16xf32>,
    %get3A_1766 = vector.shape_cast %get3A_1765 : vector<1x16xf32> to vector<16xf32>
    %add3A_1767 = arith.addf %get3A_1761, %get3A_1766 : vector<16xf32>
    %get3A_1768 = arith.constant 17 : i32
    %get3A_1769 = arith.index_cast %get3A_1768 : i32 to index
    %get3A_1770 = arith.constant 16 : index
    %get3A_1771 = tpu.vector_load %arg9[%get3A_1769, %get3A_1770] {strides = array<i32>} : memref<40x128xf32, #tpu.memory_space<vmem>>, vector<1x16xf32>,
    %get3A_1772 = vector.shape_cast %get3A_1771 : vector<1x16xf32> to vector<16xf32>
    %get3A_1773 = arith.constant 37 : i32
    %get3A_1774 = arith.index_cast %get3A_1773 : i32 to index
    %get3A_1775 = arith.constant 16 : index
    %get3A_1776 = tpu.vector_load %arg9[%get3A_1774, %get3A_1775] {strides = array<i32>} : memref<40x128xf32, #tpu.memory_space<vmem>>, vector<1x16xf32>,
    %get3A_1777 = vector.shape_cast %get3A_1776 : vector<1x16xf32> to vector<16xf32>
    %add3A_1778 = arith.addf %get3A_1772, %get3A_1777 : vector<16xf32>
    %gt3A_1779 = arith.constant 0.000000e+00 : f32
    %gt3A_1780 = vector.broadcast %gt3A_1779 : f32 to vector<16xf32>
    %gt3A_1781 = arith.cmpf ogt, %add3A_1767, %gt3A_1780 : vector<16xf32>
    %mul3A_1782 = arith.constant 2.000000e-01 : f32
    %mul3A_1783 = vector.broadcast %mul3A_1782 : f32 to vector<16xf32>
    %mul3A_1784 = arith.mulf %mul3A_1783, %add3A_1767 : vector<16xf32>
    %select_n3A_1785 = arith.select %gt3A_1781, %add3A_1767, %mul3A_1784 : vector<16xi1>, vector<16xf32>
    %gt3A_1786 = arith.constant 0.000000e+00 : f32
    %gt3A_1787 = vector.broadcast %gt3A_1786 : f32 to vector<16xf32>
    %gt3A_1788 = arith.cmpf ogt, %add3A_1778, %gt3A_1787 : vector<16xf32>
    %mul3A_1789 = arith.constant 2.000000e-01 : f32
    %mul3A_1790 = vector.broadcast %mul3A_1789 : f32 to vector<16xf32>
    %mul3A_1791 = arith.mulf %mul3A_1790, %add3A_1778 : vector<16xf32>
    %select_n3A_1792 = arith.select %gt3A_1788, %add3A_1778, %mul3A_1791 : vector<16xi1>, vector<16xf32>
    %mul3A_1793 = arith.mulf %get3A_6, %select_n3A_1785 : vector<16xf32>
    %mul3A_1794 = arith.mulf %get3A_9, %select_n3A_1792 : vector<16xf32>
    %add3A_1795 = arith.addf %mul3A_1793, %mul3A_1794 : vector<16xf32>
    %iota3A_1796 = tpu.iota {dimensions = array<i32: 0>} : vector<16xi32>
    %xor3A_1797 = arith.constant 1 : i32
    %xor3A_1798 = vector.broadcast %xor3A_1797 : i32 to vector<16xi32>
    %xor3A_1799 = arith.xori %iota3A_1796, %xor3A_1798 : vector<16xi32>
    %lt3A_1800 = arith.constant 0 : i32
    %lt3A_1801 = vector.broadcast %lt3A_1800 : i32 to vector<16xi32>
    %lt3A_1802 = arith.cmpi slt, %xor3A_1799, %lt3A_1801 : vector<16xi32>
    %add3A_1803 = arith.constant 16 : i32
    %add3A_1804 = vector.broadcast %add3A_1803 : i32 to vector<16xi32>
    %add3A_1805 = arith.addi %xor3A_1799, %add3A_1804 : vector<16xi32>
    %select_n3A_1806 = arith.select %lt3A_1802, %add3A_1805, %xor3A_1799 : vector<16xi1>, vector<16xi32>
    %broadcast_in_dim3A_1807 = vector.shape_cast %select_n3A_1806 : vector<16xi32> to vector<16x1xi32>
    %gather3A_1808 = vector.shape_cast %broadcast_in_dim3A_1807 : vector<16x1xi32> to vector<16xi32>
    %gather3A_1809 = tpu.dynamic_gather %add3A_1795[%gather3A_1808] in [0] : vector<16xf32>, vector<16xi32> -> vector<16xf32>
    %add3A_1810 = arith.addf %add3A_1795, %gather3A_1809 : vector<16xf32>
    %xor3A_1811 = arith.constant 2 : i32
    %xor3A_1812 = vector.broadcast %xor3A_1811 : i32 to vector<16xi32>
    %xor3A_1813 = arith.xori %iota3A_1796, %xor3A_1812 : vector<16xi32>
    %lt3A_1814 = arith.constant 0 : i32
    %lt3A_1815 = vector.broadcast %lt3A_1814 : i32 to vector<16xi32>
    %lt3A_1816 = arith.cmpi slt, %xor3A_1813, %lt3A_1815 : vector<16xi32>
    %add3A_1817 = arith.constant 16 : i32
    %add3A_1818 = vector.broadcast %add3A_1817 : i32 to vector<16xi32>
    %add3A_1819 = arith.addi %xor3A_1813, %add3A_1818 : vector<16xi32>
    %select_n3A_1820 = arith.select %lt3A_1816, %add3A_1819, %xor3A_1813 : vector<16xi1>, vector<16xi32>
    %broadcast_in_dim3A_1821 = vector.shape_cast %select_n3A_1820 : vector<16xi32> to vector<16x1xi32>
    %gather3A_1822 = vector.shape_cast %broadcast_in_dim3A_1821 : vector<16x1xi32> to vector<16xi32>
    %gather3A_1823 = tpu.dynamic_gather %add3A_1810[%gather3A_1822] in [0] : vector<16xf32>, vector<16xi32> -> vector<16xf32>
    %add3A_1824 = arith.addf %add3A_1810, %gather3A_1823 : vector<16xf32>
    %xor3A_1825 = arith.constant 4 : i32
    %xor3A_1826 = vector.broadcast %xor3A_1825 : i32 to vector<16xi32>
    %xor3A_1827 = arith.xori %iota3A_1796, %xor3A_1826 : vector<16xi32>
    %lt3A_1828 = arith.constant 0 : i32
    %lt3A_1829 = vector.broadcast %lt3A_1828 : i32 to vector<16xi32>
    %lt3A_1830 = arith.cmpi slt, %xor3A_1827, %lt3A_1829 : vector<16xi32>
    %add3A_1831 = arith.constant 16 : i32
    %add3A_1832 = vector.broadcast %add3A_1831 : i32 to vector<16xi32>
    %add3A_1833 = arith.addi %xor3A_1827, %add3A_1832 : vector<16xi32>
    %select_n3A_1834 = arith.select %lt3A_1830, %add3A_1833, %xor3A_1827 : vector<16xi1>, vector<16xi32>
    %broadcast_in_dim3A_1835 = vector.shape_cast %select_n3A_1834 : vector<16xi32> to vector<16x1xi32>
    %gather3A_1836 = vector.shape_cast %broadcast_in_dim3A_1835 : vector<16x1xi32> to vector<16xi32>
    %gather3A_1837 = tpu.dynamic_gather %add3A_1824[%gather3A_1836] in [0] : vector<16xf32>, vector<16xi32> -> vector<16xf32>
    %add3A_1838 = arith.addf %add3A_1824, %gather3A_1837 : vector<16xf32>
    %xor3A_1839 = arith.constant 8 : i32
    %xor3A_1840 = vector.broadcast %xor3A_1839 : i32 to vector<16xi32>
    %xor3A_1841 = arith.xori %iota3A_1796, %xor3A_1840 : vector<16xi32>
    %lt3A_1842 = arith.constant 0 : i32
    %lt3A_1843 = vector.broadcast %lt3A_1842 : i32 to vector<16xi32>
    %lt3A_1844 = arith.cmpi slt, %xor3A_1841, %lt3A_1843 : vector<16xi32>
    %add3A_1845 = arith.constant 16 : i32
    %add3A_1846 = vector.broadcast %add3A_1845 : i32 to vector<16xi32>
    %add3A_1847 = arith.addi %xor3A_1841, %add3A_1846 : vector<16xi32>
    %select_n3A_1848 = arith.select %lt3A_1844, %add3A_1847, %xor3A_1841 : vector<16xi1>, vector<16xi32>
    %broadcast_in_dim3A_1849 = vector.shape_cast %select_n3A_1848 : vector<16xi32> to vector<16x1xi32>
    %gather3A_1850 = vector.shape_cast %broadcast_in_dim3A_1849 : vector<16x1xi32> to vector<16xi32>
    %gather3A_1851 = tpu.dynamic_gather %add3A_1838[%gather3A_1850] in [0] : vector<16xf32>, vector<16xi32> -> vector<16xf32>
    %add3A_1852 = arith.addf %add3A_1838, %gather3A_1851 : vector<16xf32>
    %eq3A_1853 = arith.constant 1 : i32
    %eq3A_1854 = vector.broadcast %eq3A_1853 : i32 to vector<16xi32>
    %eq3A_1855 = arith.cmpi eq, %iota3A, %eq3A_1854 : vector<16xi32>
    %jit3A_1856 = arith.constant 0.000000e+00 : f32
    %broadcast_in_dim3A_1857 = vector.broadcast %jit3A_1856 : f32 to vector<16xf32>
    %select_n3A_1858 = arith.select %eq3A_1855, %add3A_1852, %broadcast_in_dim3A_1857 : vector<16xi1>, vector<16xf32>
    %add3A_1859 = arith.addf %add3A_1756, %select_n3A_1858 : vector<16xf32>
    %get3A_1860 = arith.constant 18 : i32
    %get3A_1861 = arith.index_cast %get3A_1860 : i32 to index
    %get3A_1862 = arith.constant 0 : index
    %get3A_1863 = tpu.vector_load %arg9[%get3A_1861, %get3A_1862] {strides = array<i32>} : memref<40x128xf32, #tpu.memory_space<vmem>>, vector<1x16xf32>,
    %get3A_1864 = vector.shape_cast %get3A_1863 : vector<1x16xf32> to vector<16xf32>
    %get3A_1865 = arith.constant 38 : i32
    %get3A_1866 = arith.index_cast %get3A_1865 : i32 to index
    %get3A_1867 = arith.constant 0 : index
    %get3A_1868 = tpu.vector_load %arg9[%get3A_1866, %get3A_1867] {strides = array<i32>} : memref<40x128xf32, #tpu.memory_space<vmem>>, vector<1x16xf32>,
    %get3A_1869 = vector.shape_cast %get3A_1868 : vector<1x16xf32> to vector<16xf32>
    %add3A_1870 = arith.addf %get3A_1864, %get3A_1869 : vector<16xf32>
    %get3A_1871 = arith.constant 18 : i32
    %get3A_1872 = arith.index_cast %get3A_1871 : i32 to index
    %get3A_1873 = arith.constant 16 : index
    %get3A_1874 = tpu.vector_load %arg9[%get3A_1872, %get3A_1873] {strides = array<i32>} : memref<40x128xf32, #tpu.memory_space<vmem>>, vector<1x16xf32>,
    %get3A_1875 = vector.shape_cast %get3A_1874 : vector<1x16xf32> to vector<16xf32>
    %get3A_1876 = arith.constant 38 : i32
    %get3A_1877 = arith.index_cast %get3A_1876 : i32 to index
    %get3A_1878 = arith.constant 16 : index
    %get3A_1879 = tpu.vector_load %arg9[%get3A_1877, %get3A_1878] {strides = array<i32>} : memref<40x128xf32, #tpu.memory_space<vmem>>, vector<1x16xf32>,
    %get3A_1880 = vector.shape_cast %get3A_1879 : vector<1x16xf32> to vector<16xf32>
    %add3A_1881 = arith.addf %get3A_1875, %get3A_1880 : vector<16xf32>
    %gt3A_1882 = arith.constant 0.000000e+00 : f32
    %gt3A_1883 = vector.broadcast %gt3A_1882 : f32 to vector<16xf32>
    %gt3A_1884 = arith.cmpf ogt, %add3A_1870, %gt3A_1883 : vector<16xf32>
    %mul3A_1885 = arith.constant 2.000000e-01 : f32
    %mul3A_1886 = vector.broadcast %mul3A_1885 : f32 to vector<16xf32>
    %mul3A_1887 = arith.mulf %mul3A_1886, %add3A_1870 : vector<16xf32>
    %select_n3A_1888 = arith.select %gt3A_1884, %add3A_1870, %mul3A_1887 : vector<16xi1>, vector<16xf32>
    %gt3A_1889 = arith.constant 0.000000e+00 : f32
    %gt3A_1890 = vector.broadcast %gt3A_1889 : f32 to vector<16xf32>
    %gt3A_1891 = arith.cmpf ogt, %add3A_1881, %gt3A_1890 : vector<16xf32>
    %mul3A_1892 = arith.constant 2.000000e-01 : f32
    %mul3A_1893 = vector.broadcast %mul3A_1892 : f32 to vector<16xf32>
    %mul3A_1894 = arith.mulf %mul3A_1893, %add3A_1881 : vector<16xf32>
    %select_n3A_1895 = arith.select %gt3A_1891, %add3A_1881, %mul3A_1894 : vector<16xi1>, vector<16xf32>
    %mul3A_1896 = arith.mulf %get3A_6, %select_n3A_1888 : vector<16xf32>
    %mul3A_1897 = arith.mulf %get3A_9, %select_n3A_1895 : vector<16xf32>
    %add3A_1898 = arith.addf %mul3A_1896, %mul3A_1897 : vector<16xf32>
    %iota3A_1899 = tpu.iota {dimensions = array<i32: 0>} : vector<16xi32>
    %xor3A_1900 = arith.constant 1 : i32
    %xor3A_1901 = vector.broadcast %xor3A_1900 : i32 to vector<16xi32>
    %xor3A_1902 = arith.xori %iota3A_1899, %xor3A_1901 : vector<16xi32>
    %lt3A_1903 = arith.constant 0 : i32
    %lt3A_1904 = vector.broadcast %lt3A_1903 : i32 to vector<16xi32>
    %lt3A_1905 = arith.cmpi slt, %xor3A_1902, %lt3A_1904 : vector<16xi32>
    %add3A_1906 = arith.constant 16 : i32
    %add3A_1907 = vector.broadcast %add3A_1906 : i32 to vector<16xi32>
    %add3A_1908 = arith.addi %xor3A_1902, %add3A_1907 : vector<16xi32>
    %select_n3A_1909 = arith.select %lt3A_1905, %add3A_1908, %xor3A_1902 : vector<16xi1>, vector<16xi32>
    %broadcast_in_dim3A_1910 = vector.shape_cast %select_n3A_1909 : vector<16xi32> to vector<16x1xi32>
    %gather3A_1911 = vector.shape_cast %broadcast_in_dim3A_1910 : vector<16x1xi32> to vector<16xi32>
    %gather3A_1912 = tpu.dynamic_gather %add3A_1898[%gather3A_1911] in [0] : vector<16xf32>, vector<16xi32> -> vector<16xf32>
    %add3A_1913 = arith.addf %add3A_1898, %gather3A_1912 : vector<16xf32>
    %xor3A_1914 = arith.constant 2 : i32
    %xor3A_1915 = vector.broadcast %xor3A_1914 : i32 to vector<16xi32>
    %xor3A_1916 = arith.xori %iota3A_1899, %xor3A_1915 : vector<16xi32>
    %lt3A_1917 = arith.constant 0 : i32
    %lt3A_1918 = vector.broadcast %lt3A_1917 : i32 to vector<16xi32>
    %lt3A_1919 = arith.cmpi slt, %xor3A_1916, %lt3A_1918 : vector<16xi32>
    %add3A_1920 = arith.constant 16 : i32
    %add3A_1921 = vector.broadcast %add3A_1920 : i32 to vector<16xi32>
    %add3A_1922 = arith.addi %xor3A_1916, %add3A_1921 : vector<16xi32>
    %select_n3A_1923 = arith.select %lt3A_1919, %add3A_1922, %xor3A_1916 : vector<16xi1>, vector<16xi32>
    %broadcast_in_dim3A_1924 = vector.shape_cast %select_n3A_1923 : vector<16xi32> to vector<16x1xi32>
    %gather3A_1925 = vector.shape_cast %broadcast_in_dim3A_1924 : vector<16x1xi32> to vector<16xi32>
    %gather3A_1926 = tpu.dynamic_gather %add3A_1913[%gather3A_1925] in [0] : vector<16xf32>, vector<16xi32> -> vector<16xf32>
    %add3A_1927 = arith.addf %add3A_1913, %gather3A_1926 : vector<16xf32>
    %xor3A_1928 = arith.constant 4 : i32
    %xor3A_1929 = vector.broadcast %xor3A_1928 : i32 to vector<16xi32>
    %xor3A_1930 = arith.xori %iota3A_1899, %xor3A_1929 : vector<16xi32>
    %lt3A_1931 = arith.constant 0 : i32
    %lt3A_1932 = vector.broadcast %lt3A_1931 : i32 to vector<16xi32>
    %lt3A_1933 = arith.cmpi slt, %xor3A_1930, %lt3A_1932 : vector<16xi32>
    %add3A_1934 = arith.constant 16 : i32
    %add3A_1935 = vector.broadcast %add3A_1934 : i32 to vector<16xi32>
    %add3A_1936 = arith.addi %xor3A_1930, %add3A_1935 : vector<16xi32>
    %select_n3A_1937 = arith.select %lt3A_1933, %add3A_1936, %xor3A_1930 : vector<16xi1>, vector<16xi32>
    %broadcast_in_dim3A_1938 = vector.shape_cast %select_n3A_1937 : vector<16xi32> to vector<16x1xi32>
    %gather3A_1939 = vector.shape_cast %broadcast_in_dim3A_1938 : vector<16x1xi32> to vector<16xi32>
    %gather3A_1940 = tpu.dynamic_gather %add3A_1927[%gather3A_1939] in [0] : vector<16xf32>, vector<16xi32> -> vector<16xf32>
    %add3A_1941 = arith.addf %add3A_1927, %gather3A_1940 : vector<16xf32>
    %xor3A_1942 = arith.constant 8 : i32
    %xor3A_1943 = vector.broadcast %xor3A_1942 : i32 to vector<16xi32>
    %xor3A_1944 = arith.xori %iota3A_1899, %xor3A_1943 : vector<16xi32>
    %lt3A_1945 = arith.constant 0 : i32
    %lt3A_1946 = vector.broadcast %lt3A_1945 : i32 to vector<16xi32>
    %lt3A_1947 = arith.cmpi slt, %xor3A_1944, %lt3A_1946 : vector<16xi32>
    %add3A_1948 = arith.constant 16 : i32
    %add3A_1949 = vector.broadcast %add3A_1948 : i32 to vector<16xi32>
    %add3A_1950 = arith.addi %xor3A_1944, %add3A_1949 : vector<16xi32>
    %select_n3A_1951 = arith.select %lt3A_1947, %add3A_1950, %xor3A_1944 : vector<16xi1>, vector<16xi32>
    %broadcast_in_dim3A_1952 = vector.shape_cast %select_n3A_1951 : vector<16xi32> to vector<16x1xi32>
    %gather3A_1953 = vector.shape_cast %broadcast_in_dim3A_1952 : vector<16x1xi32> to vector<16xi32>
    %gather3A_1954 = tpu.dynamic_gather %add3A_1941[%gather3A_1953] in [0] : vector<16xf32>, vector<16xi32> -> vector<16xf32>
    %add3A_1955 = arith.addf %add3A_1941, %gather3A_1954 : vector<16xf32>
    %eq3A_1956 = arith.constant 2 : i32
    %eq3A_1957 = vector.broadcast %eq3A_1956 : i32 to vector<16xi32>
    %eq3A_1958 = arith.cmpi eq, %iota3A, %eq3A_1957 : vector<16xi32>
    %jit3A_1959 = arith.constant 0.000000e+00 : f32
    %broadcast_in_dim3A_1960 = vector.broadcast %jit3A_1959 : f32 to vector<16xf32>
    %select_n3A_1961 = arith.select %eq3A_1958, %add3A_1955, %broadcast_in_dim3A_1960 : vector<16xi1>, vector<16xf32>
    %add3A_1962 = arith.addf %add3A_1859, %select_n3A_1961 : vector<16xf32>
    %get3A_1963 = arith.constant 19 : i32
    %get3A_1964 = arith.index_cast %get3A_1963 : i32 to index
    %get3A_1965 = arith.constant 0 : index
    %get3A_1966 = tpu.vector_load %arg9[%get3A_1964, %get3A_1965] {strides = array<i32>} : memref<40x128xf32, #tpu.memory_space<vmem>>, vector<1x16xf32>,
    %get3A_1967 = vector.shape_cast %get3A_1966 : vector<1x16xf32> to vector<16xf32>
    %get3A_1968 = arith.constant 39 : i32
    %get3A_1969 = arith.index_cast %get3A_1968 : i32 to index
    %get3A_1970 = arith.constant 0 : index
    %get3A_1971 = tpu.vector_load %arg9[%get3A_1969, %get3A_1970] {strides = array<i32>} : memref<40x128xf32, #tpu.memory_space<vmem>>, vector<1x16xf32>,
    %get3A_1972 = vector.shape_cast %get3A_1971 : vector<1x16xf32> to vector<16xf32>
    %add3A_1973 = arith.addf %get3A_1967, %get3A_1972 : vector<16xf32>
    %get3A_1974 = arith.constant 19 : i32
    %get3A_1975 = arith.index_cast %get3A_1974 : i32 to index
    %get3A_1976 = arith.constant 16 : index
    %get3A_1977 = tpu.vector_load %arg9[%get3A_1975, %get3A_1976] {strides = array<i32>} : memref<40x128xf32, #tpu.memory_space<vmem>>, vector<1x16xf32>,
    %get3A_1978 = vector.shape_cast %get3A_1977 : vector<1x16xf32> to vector<16xf32>
    %get3A_1979 = arith.constant 39 : i32
    %get3A_1980 = arith.index_cast %get3A_1979 : i32 to index
    %get3A_1981 = arith.constant 16 : index
    %get3A_1982 = tpu.vector_load %arg9[%get3A_1980, %get3A_1981] {strides = array<i32>} : memref<40x128xf32, #tpu.memory_space<vmem>>, vector<1x16xf32>,
    %get3A_1983 = vector.shape_cast %get3A_1982 : vector<1x16xf32> to vector<16xf32>
    %add3A_1984 = arith.addf %get3A_1978, %get3A_1983 : vector<16xf32>
    %gt3A_1985 = arith.constant 0.000000e+00 : f32
    %gt3A_1986 = vector.broadcast %gt3A_1985 : f32 to vector<16xf32>
    %gt3A_1987 = arith.cmpf ogt, %add3A_1973, %gt3A_1986 : vector<16xf32>
    %mul3A_1988 = arith.constant 2.000000e-01 : f32
    %mul3A_1989 = vector.broadcast %mul3A_1988 : f32 to vector<16xf32>
    %mul3A_1990 = arith.mulf %mul3A_1989, %add3A_1973 : vector<16xf32>
    %select_n3A_1991 = arith.select %gt3A_1987, %add3A_1973, %mul3A_1990 : vector<16xi1>, vector<16xf32>
    %gt3A_1992 = arith.constant 0.000000e+00 : f32
    %gt3A_1993 = vector.broadcast %gt3A_1992 : f32 to vector<16xf32>
    %gt3A_1994 = arith.cmpf ogt, %add3A_1984, %gt3A_1993 : vector<16xf32>
    %mul3A_1995 = arith.constant 2.000000e-01 : f32
    %mul3A_1996 = vector.broadcast %mul3A_1995 : f32 to vector<16xf32>
    %mul3A_1997 = arith.mulf %mul3A_1996, %add3A_1984 : vector<16xf32>
    %select_n3A_1998 = arith.select %gt3A_1994, %add3A_1984, %mul3A_1997 : vector<16xi1>, vector<16xf32>
    %mul3A_1999 = arith.mulf %get3A_6, %select_n3A_1991 : vector<16xf32>
    %mul3A_2000 = arith.mulf %get3A_9, %select_n3A_1998 : vector<16xf32>
    %add3A_2001 = arith.addf %mul3A_1999, %mul3A_2000 : vector<16xf32>
    %iota3A_2002 = tpu.iota {dimensions = array<i32: 0>} : vector<16xi32>
    %xor3A_2003 = arith.constant 1 : i32
    %xor3A_2004 = vector.broadcast %xor3A_2003 : i32 to vector<16xi32>
    %xor3A_2005 = arith.xori %iota3A_2002, %xor3A_2004 : vector<16xi32>
    %lt3A_2006 = arith.constant 0 : i32
    %lt3A_2007 = vector.broadcast %lt3A_2006 : i32 to vector<16xi32>
    %lt3A_2008 = arith.cmpi slt, %xor3A_2005, %lt3A_2007 : vector<16xi32>
    %add3A_2009 = arith.constant 16 : i32
    %add3A_2010 = vector.broadcast %add3A_2009 : i32 to vector<16xi32>
    %add3A_2011 = arith.addi %xor3A_2005, %add3A_2010 : vector<16xi32>
    %select_n3A_2012 = arith.select %lt3A_2008, %add3A_2011, %xor3A_2005 : vector<16xi1>, vector<16xi32>
    %broadcast_in_dim3A_2013 = vector.shape_cast %select_n3A_2012 : vector<16xi32> to vector<16x1xi32>
    %gather3A_2014 = vector.shape_cast %broadcast_in_dim3A_2013 : vector<16x1xi32> to vector<16xi32>
    %gather3A_2015 = tpu.dynamic_gather %add3A_2001[%gather3A_2014] in [0] : vector<16xf32>, vector<16xi32> -> vector<16xf32>
    %add3A_2016 = arith.addf %add3A_2001, %gather3A_2015 : vector<16xf32>
    %xor3A_2017 = arith.constant 2 : i32
    %xor3A_2018 = vector.broadcast %xor3A_2017 : i32 to vector<16xi32>
    %xor3A_2019 = arith.xori %iota3A_2002, %xor3A_2018 : vector<16xi32>
    %lt3A_2020 = arith.constant 0 : i32
    %lt3A_2021 = vector.broadcast %lt3A_2020 : i32 to vector<16xi32>
    %lt3A_2022 = arith.cmpi slt, %xor3A_2019, %lt3A_2021 : vector<16xi32>
    %add3A_2023 = arith.constant 16 : i32
    %add3A_2024 = vector.broadcast %add3A_2023 : i32 to vector<16xi32>
    %add3A_2025 = arith.addi %xor3A_2019, %add3A_2024 : vector<16xi32>
    %select_n3A_2026 = arith.select %lt3A_2022, %add3A_2025, %xor3A_2019 : vector<16xi1>, vector<16xi32>
    %broadcast_in_dim3A_2027 = vector.shape_cast %select_n3A_2026 : vector<16xi32> to vector<16x1xi32>
    %gather3A_2028 = vector.shape_cast %broadcast_in_dim3A_2027 : vector<16x1xi32> to vector<16xi32>
    %gather3A_2029 = tpu.dynamic_gather %add3A_2016[%gather3A_2028] in [0] : vector<16xf32>, vector<16xi32> -> vector<16xf32>
    %add3A_2030 = arith.addf %add3A_2016, %gather3A_2029 : vector<16xf32>
    %xor3A_2031 = arith.constant 4 : i32
    %xor3A_2032 = vector.broadcast %xor3A_2031 : i32 to vector<16xi32>
    %xor3A_2033 = arith.xori %iota3A_2002, %xor3A_2032 : vector<16xi32>
    %lt3A_2034 = arith.constant 0 : i32
    %lt3A_2035 = vector.broadcast %lt3A_2034 : i32 to vector<16xi32>
    %lt3A_2036 = arith.cmpi slt, %xor3A_2033, %lt3A_2035 : vector<16xi32>
    %add3A_2037 = arith.constant 16 : i32
    %add3A_2038 = vector.broadcast %add3A_2037 : i32 to vector<16xi32>
    %add3A_2039 = arith.addi %xor3A_2033, %add3A_2038 : vector<16xi32>
    %select_n3A_2040 = arith.select %lt3A_2036, %add3A_2039, %xor3A_2033 : vector<16xi1>, vector<16xi32>
    %broadcast_in_dim3A_2041 = vector.shape_cast %select_n3A_2040 : vector<16xi32> to vector<16x1xi32>
    %gather3A_2042 = vector.shape_cast %broadcast_in_dim3A_2041 : vector<16x1xi32> to vector<16xi32>
    %gather3A_2043 = tpu.dynamic_gather %add3A_2030[%gather3A_2042] in [0] : vector<16xf32>, vector<16xi32> -> vector<16xf32>
    %add3A_2044 = arith.addf %add3A_2030, %gather3A_2043 : vector<16xf32>
    %xor3A_2045 = arith.constant 8 : i32
    %xor3A_2046 = vector.broadcast %xor3A_2045 : i32 to vector<16xi32>
    %xor3A_2047 = arith.xori %iota3A_2002, %xor3A_2046 : vector<16xi32>
    %lt3A_2048 = arith.constant 0 : i32
    %lt3A_2049 = vector.broadcast %lt3A_2048 : i32 to vector<16xi32>
    %lt3A_2050 = arith.cmpi slt, %xor3A_2047, %lt3A_2049 : vector<16xi32>
    %add3A_2051 = arith.constant 16 : i32
    %add3A_2052 = vector.broadcast %add3A_2051 : i32 to vector<16xi32>
    %add3A_2053 = arith.addi %xor3A_2047, %add3A_2052 : vector<16xi32>
    %select_n3A_2054 = arith.select %lt3A_2050, %add3A_2053, %xor3A_2047 : vector<16xi1>, vector<16xi32>
    %broadcast_in_dim3A_2055 = vector.shape_cast %select_n3A_2054 : vector<16xi32> to vector<16x1xi32>
    %gather3A_2056 = vector.shape_cast %broadcast_in_dim3A_2055 : vector<16x1xi32> to vector<16xi32>
    %gather3A_2057 = tpu.dynamic_gather %add3A_2044[%gather3A_2056] in [0] : vector<16xf32>, vector<16xi32> -> vector<16xf32>
    %add3A_2058 = arith.addf %add3A_2044, %gather3A_2057 : vector<16xf32>
    %eq3A_2059 = arith.constant 3 : i32
    %eq3A_2060 = vector.broadcast %eq3A_2059 : i32 to vector<16xi32>
    %eq3A_2061 = arith.cmpi eq, %iota3A, %eq3A_2060 : vector<16xi32>
    %jit3A_2062 = arith.constant 0.000000e+00 : f32
    %broadcast_in_dim3A_2063 = vector.broadcast %jit3A_2062 : f32 to vector<16xf32>
    %select_n3A_2064 = arith.select %eq3A_2061, %add3A_2058, %broadcast_in_dim3A_2063 : vector<16xi1>, vector<16xf32>
    %add3A_2065 = arith.addf %add3A_1962, %select_n3A_2064 : vector<16xf32>
    %get3A_2066 = arith.constant 0 : index
    %get3A_2067 = tpu.vector_load %arg11[%get3A_2066] {strides = array<i32>} : memref<32xi32, #tpu.memory_space<vmem>>, vector<16xi32>,
    %get3A_2068 = vector.shape_cast %get3A_2067 : vector<16xi32> to vector<16xi32>
    %get3A_2069 = arith.constant 16 : index
    %get3A_2070 = tpu.vector_load %arg11[%get3A_2069] {strides = array<i32>} : memref<32xi32, #tpu.memory_space<vmem>>, vector<16xi32>,
    %get3A_2071 = vector.shape_cast %get3A_2070 : vector<16xi32> to vector<16xi32>
    %broadcast_in_dim3A_2072 = arith.constant 0.000000e+00 : f32
    %broadcast_in_dim3A_2073 = vector.broadcast %broadcast_in_dim3A_2072 : f32 to vector<16xf32>
    %broadcast_in_dim3A_2074 = arith.constant 0.000000e+00 : f32
    %broadcast_in_dim3A_2075 = vector.broadcast %broadcast_in_dim3A_2074 : f32 to vector<16xf32>
    %eq3A_2076 = arith.constant 0 : i32
    %eq3A_2077 = vector.broadcast %eq3A_2076 : i32 to vector<16xi32>
    %eq3A_2078 = arith.cmpi eq, %get3A_2068, %eq3A_2077 : vector<16xi32>
    %eq3A_2079 = arith.constant 0 : i32
    %eq3A_2080 = vector.broadcast %eq3A_2079 : i32 to vector<16xi32>
    %eq3A_2081 = arith.cmpi eq, %get3A_2071, %eq3A_2080 : vector<16xi32>
    %jit3A_2082 = arith.constant -1.000000e+30 : f32
    %broadcast_in_dim3A_2083 = vector.broadcast %jit3A_2082 : f32 to vector<16xf32>
    %select_n3A_2084 = arith.select %eq3A_2078, %add3A_1653, %broadcast_in_dim3A_2083 : vector<16xi1>, vector<16xf32>
    %jit3A_2085 = arith.constant -1.000000e+30 : f32
    %broadcast_in_dim3A_2086 = vector.broadcast %jit3A_2085 : f32 to vector<16xf32>
    %select_n3A_2087 = arith.select %eq3A_2081, %add3A_2065, %broadcast_in_dim3A_2086 : vector<16xi1>, vector<16xf32>
    %iota3A_2088 = tpu.iota {dimensions = array<i32: 0>} : vector<16xi32>
    %xor3A_2089 = arith.constant 1 : i32
    %xor3A_2090 = vector.broadcast %xor3A_2089 : i32 to vector<16xi32>
    %xor3A_2091 = arith.xori %iota3A_2088, %xor3A_2090 : vector<16xi32>
    %lt3A_2092 = arith.constant 0 : i32
    %lt3A_2093 = vector.broadcast %lt3A_2092 : i32 to vector<16xi32>
    %lt3A_2094 = arith.cmpi slt, %xor3A_2091, %lt3A_2093 : vector<16xi32>
    %add3A_2095 = arith.constant 16 : i32
    %add3A_2096 = vector.broadcast %add3A_2095 : i32 to vector<16xi32>
    %add3A_2097 = arith.addi %xor3A_2091, %add3A_2096 : vector<16xi32>
    %select_n3A_2098 = arith.select %lt3A_2094, %add3A_2097, %xor3A_2091 : vector<16xi1>, vector<16xi32>
    %broadcast_in_dim3A_2099 = vector.shape_cast %select_n3A_2098 : vector<16xi32> to vector<16x1xi32>
    %gather3A_2100 = vector.shape_cast %broadcast_in_dim3A_2099 : vector<16x1xi32> to vector<16xi32>
    %gather3A_2101 = tpu.dynamic_gather %select_n3A_2084[%gather3A_2100] in [0] : vector<16xf32>, vector<16xi32> -> vector<16xf32>
    %max3A = arith.maximumf %select_n3A_2084, %gather3A_2101 : vector<16xf32>
    %xor3A_2102 = arith.constant 2 : i32
    %xor3A_2103 = vector.broadcast %xor3A_2102 : i32 to vector<16xi32>
    %xor3A_2104 = arith.xori %iota3A_2088, %xor3A_2103 : vector<16xi32>
    %lt3A_2105 = arith.constant 0 : i32
    %lt3A_2106 = vector.broadcast %lt3A_2105 : i32 to vector<16xi32>
    %lt3A_2107 = arith.cmpi slt, %xor3A_2104, %lt3A_2106 : vector<16xi32>
    %add3A_2108 = arith.constant 16 : i32
    %add3A_2109 = vector.broadcast %add3A_2108 : i32 to vector<16xi32>
    %add3A_2110 = arith.addi %xor3A_2104, %add3A_2109 : vector<16xi32>
    %select_n3A_2111 = arith.select %lt3A_2107, %add3A_2110, %xor3A_2104 : vector<16xi1>, vector<16xi32>
    %broadcast_in_dim3A_2112 = vector.shape_cast %select_n3A_2111 : vector<16xi32> to vector<16x1xi32>
    %gather3A_2113 = vector.shape_cast %broadcast_in_dim3A_2112 : vector<16x1xi32> to vector<16xi32>
    %gather3A_2114 = tpu.dynamic_gather %max3A[%gather3A_2113] in [0] : vector<16xf32>, vector<16xi32> -> vector<16xf32>
    %max3A_2115 = arith.maximumf %max3A, %gather3A_2114 : vector<16xf32>
    %xor3A_2116 = arith.constant 4 : i32
    %xor3A_2117 = vector.broadcast %xor3A_2116 : i32 to vector<16xi32>
    %xor3A_2118 = arith.xori %iota3A_2088, %xor3A_2117 : vector<16xi32>
    %lt3A_2119 = arith.constant 0 : i32
    %lt3A_2120 = vector.broadcast %lt3A_2119 : i32 to vector<16xi32>
    %lt3A_2121 = arith.cmpi slt, %xor3A_2118, %lt3A_2120 : vector<16xi32>
    %add3A_2122 = arith.constant 16 : i32
    %add3A_2123 = vector.broadcast %add3A_2122 : i32 to vector<16xi32>
    %add3A_2124 = arith.addi %xor3A_2118, %add3A_2123 : vector<16xi32>
    %select_n3A_2125 = arith.select %lt3A_2121, %add3A_2124, %xor3A_2118 : vector<16xi1>, vector<16xi32>
    %broadcast_in_dim3A_2126 = vector.shape_cast %select_n3A_2125 : vector<16xi32> to vector<16x1xi32>
    %gather3A_2127 = vector.shape_cast %broadcast_in_dim3A_2126 : vector<16x1xi32> to vector<16xi32>
    %gather3A_2128 = tpu.dynamic_gather %max3A_2115[%gather3A_2127] in [0] : vector<16xf32>, vector<16xi32> -> vector<16xf32>
    %max3A_2129 = arith.maximumf %max3A_2115, %gather3A_2128 : vector<16xf32>
    %xor3A_2130 = arith.constant 8 : i32
    %xor3A_2131 = vector.broadcast %xor3A_2130 : i32 to vector<16xi32>
    %xor3A_2132 = arith.xori %iota3A_2088, %xor3A_2131 : vector<16xi32>
    %lt3A_2133 = arith.constant 0 : i32
    %lt3A_2134 = vector.broadcast %lt3A_2133 : i32 to vector<16xi32>
    %lt3A_2135 = arith.cmpi slt, %xor3A_2132, %lt3A_2134 : vector<16xi32>
    %add3A_2136 = arith.constant 16 : i32
    %add3A_2137 = vector.broadcast %add3A_2136 : i32 to vector<16xi32>
    %add3A_2138 = arith.addi %xor3A_2132, %add3A_2137 : vector<16xi32>
    %select_n3A_2139 = arith.select %lt3A_2135, %add3A_2138, %xor3A_2132 : vector<16xi1>, vector<16xi32>
    %broadcast_in_dim3A_2140 = vector.shape_cast %select_n3A_2139 : vector<16xi32> to vector<16x1xi32>
    %gather3A_2141 = vector.shape_cast %broadcast_in_dim3A_2140 : vector<16x1xi32> to vector<16xi32>
    %gather3A_2142 = tpu.dynamic_gather %max3A_2129[%gather3A_2141] in [0] : vector<16xf32>, vector<16xi32> -> vector<16xf32>
    %max3A_2143 = arith.maximumf %max3A_2129, %gather3A_2142 : vector<16xf32>
    %iota3A_2144 = tpu.iota {dimensions = array<i32: 0>} : vector<16xi32>
    %xor3A_2145 = arith.constant 1 : i32
    %xor3A_2146 = vector.broadcast %xor3A_2145 : i32 to vector<16xi32>
    %xor3A_2147 = arith.xori %iota3A_2144, %xor3A_2146 : vector<16xi32>
    %lt3A_2148 = arith.constant 0 : i32
    %lt3A_2149 = vector.broadcast %lt3A_2148 : i32 to vector<16xi32>
    %lt3A_2150 = arith.cmpi slt, %xor3A_2147, %lt3A_2149 : vector<16xi32>
    %add3A_2151 = arith.constant 16 : i32
    %add3A_2152 = vector.broadcast %add3A_2151 : i32 to vector<16xi32>
    %add3A_2153 = arith.addi %xor3A_2147, %add3A_2152 : vector<16xi32>
    %select_n3A_2154 = arith.select %lt3A_2150, %add3A_2153, %xor3A_2147 : vector<16xi1>, vector<16xi32>
    %broadcast_in_dim3A_2155 = vector.shape_cast %select_n3A_2154 : vector<16xi32> to vector<16x1xi32>
    %gather3A_2156 = vector.shape_cast %broadcast_in_dim3A_2155 : vector<16x1xi32> to vector<16xi32>
    %gather3A_2157 = tpu.dynamic_gather %select_n3A_2087[%gather3A_2156] in [0] : vector<16xf32>, vector<16xi32> -> vector<16xf32>
    %max3A_2158 = arith.maximumf %select_n3A_2087, %gather3A_2157 : vector<16xf32>
    %xor3A_2159 = arith.constant 2 : i32
    %xor3A_2160 = vector.broadcast %xor3A_2159 : i32 to vector<16xi32>
    %xor3A_2161 = arith.xori %iota3A_2144, %xor3A_2160 : vector<16xi32>
    %lt3A_2162 = arith.constant 0 : i32
    %lt3A_2163 = vector.broadcast %lt3A_2162 : i32 to vector<16xi32>
    %lt3A_2164 = arith.cmpi slt, %xor3A_2161, %lt3A_2163 : vector<16xi32>
    %add3A_2165 = arith.constant 16 : i32
    %add3A_2166 = vector.broadcast %add3A_2165 : i32 to vector<16xi32>
    %add3A_2167 = arith.addi %xor3A_2161, %add3A_2166 : vector<16xi32>
    %select_n3A_2168 = arith.select %lt3A_2164, %add3A_2167, %xor3A_2161 : vector<16xi1>, vector<16xi32>
    %broadcast_in_dim3A_2169 = vector.shape_cast %select_n3A_2168 : vector<16xi32> to vector<16x1xi32>
    %gather3A_2170 = vector.shape_cast %broadcast_in_dim3A_2169 : vector<16x1xi32> to vector<16xi32>
    %gather3A_2171 = tpu.dynamic_gather %max3A_2158[%gather3A_2170] in [0] : vector<16xf32>, vector<16xi32> -> vector<16xf32>
    %max3A_2172 = arith.maximumf %max3A_2158, %gather3A_2171 : vector<16xf32>
    %xor3A_2173 = arith.constant 4 : i32
    %xor3A_2174 = vector.broadcast %xor3A_2173 : i32 to vector<16xi32>
    %xor3A_2175 = arith.xori %iota3A_2144, %xor3A_2174 : vector<16xi32>
    %lt3A_2176 = arith.constant 0 : i32
    %lt3A_2177 = vector.broadcast %lt3A_2176 : i32 to vector<16xi32>
    %lt3A_2178 = arith.cmpi slt, %xor3A_2175, %lt3A_2177 : vector<16xi32>
    %add3A_2179 = arith.constant 16 : i32
    %add3A_2180 = vector.broadcast %add3A_2179 : i32 to vector<16xi32>
    %add3A_2181 = arith.addi %xor3A_2175, %add3A_2180 : vector<16xi32>
    %select_n3A_2182 = arith.select %lt3A_2178, %add3A_2181, %xor3A_2175 : vector<16xi1>, vector<16xi32>
    %broadcast_in_dim3A_2183 = vector.shape_cast %select_n3A_2182 : vector<16xi32> to vector<16x1xi32>
    %gather3A_2184 = vector.shape_cast %broadcast_in_dim3A_2183 : vector<16x1xi32> to vector<16xi32>
    %gather3A_2185 = tpu.dynamic_gather %max3A_2172[%gather3A_2184] in [0] : vector<16xf32>, vector<16xi32> -> vector<16xf32>
    %max3A_2186 = arith.maximumf %max3A_2172, %gather3A_2185 : vector<16xf32>
    %xor3A_2187 = arith.constant 8 : i32
    %xor3A_2188 = vector.broadcast %xor3A_2187 : i32 to vector<16xi32>
    %xor3A_2189 = arith.xori %iota3A_2144, %xor3A_2188 : vector<16xi32>
    %lt3A_2190 = arith.constant 0 : i32
    %lt3A_2191 = vector.broadcast %lt3A_2190 : i32 to vector<16xi32>
    %lt3A_2192 = arith.cmpi slt, %xor3A_2189, %lt3A_2191 : vector<16xi32>
    %add3A_2193 = arith.constant 16 : i32
    %add3A_2194 = vector.broadcast %add3A_2193 : i32 to vector<16xi32>
    %add3A_2195 = arith.addi %xor3A_2189, %add3A_2194 : vector<16xi32>
    %select_n3A_2196 = arith.select %lt3A_2192, %add3A_2195, %xor3A_2189 : vector<16xi1>, vector<16xi32>
    %broadcast_in_dim3A_2197 = vector.shape_cast %select_n3A_2196 : vector<16xi32> to vector<16x1xi32>
    %gather3A_2198 = vector.shape_cast %broadcast_in_dim3A_2197 : vector<16x1xi32> to vector<16xi32>
    %gather3A_2199 = tpu.dynamic_gather %max3A_2186[%gather3A_2198] in [0] : vector<16xf32>, vector<16xi32> -> vector<16xf32>
    %max3A_2200 = arith.maximumf %max3A_2186, %gather3A_2199 : vector<16xf32>
    %max3A_2201 = arith.maximumf %max3A_2143, %max3A_2200 : vector<16xf32>
    %sub3A = arith.subf %select_n3A_2084, %max3A_2201 : vector<16xf32>
    %exp3A = math.exp %sub3A : vector<16xf32>
    %jit3A_2202 = arith.constant 0.000000e+00 : f32
    %broadcast_in_dim3A_2203 = vector.broadcast %jit3A_2202 : f32 to vector<16xf32>
    %select_n3A_2204 = arith.select %eq3A_2078, %exp3A, %broadcast_in_dim3A_2203 : vector<16xi1>, vector<16xf32>
    %sub3A_2205 = arith.subf %select_n3A_2087, %max3A_2201 : vector<16xf32>
    %exp3A_2206 = math.exp %sub3A_2205 : vector<16xf32>
    %jit3A_2207 = arith.constant 0.000000e+00 : f32
    %broadcast_in_dim3A_2208 = vector.broadcast %jit3A_2207 : f32 to vector<16xf32>
    %select_n3A_2209 = arith.select %eq3A_2081, %exp3A_2206, %broadcast_in_dim3A_2208 : vector<16xi1>, vector<16xf32>
    %iota3A_2210 = tpu.iota {dimensions = array<i32: 0>} : vector<16xi32>
    %xor3A_2211 = arith.constant 1 : i32
    %xor3A_2212 = vector.broadcast %xor3A_2211 : i32 to vector<16xi32>
    %xor3A_2213 = arith.xori %iota3A_2210, %xor3A_2212 : vector<16xi32>
    %lt3A_2214 = arith.constant 0 : i32
    %lt3A_2215 = vector.broadcast %lt3A_2214 : i32 to vector<16xi32>
    %lt3A_2216 = arith.cmpi slt, %xor3A_2213, %lt3A_2215 : vector<16xi32>
    %add3A_2217 = arith.constant 16 : i32
    %add3A_2218 = vector.broadcast %add3A_2217 : i32 to vector<16xi32>
    %add3A_2219 = arith.addi %xor3A_2213, %add3A_2218 : vector<16xi32>
    %select_n3A_2220 = arith.select %lt3A_2216, %add3A_2219, %xor3A_2213 : vector<16xi1>, vector<16xi32>
    %broadcast_in_dim3A_2221 = vector.shape_cast %select_n3A_2220 : vector<16xi32> to vector<16x1xi32>
    %gather3A_2222 = vector.shape_cast %broadcast_in_dim3A_2221 : vector<16x1xi32> to vector<16xi32>
    %gather3A_2223 = tpu.dynamic_gather %select_n3A_2204[%gather3A_2222] in [0] : vector<16xf32>, vector<16xi32> -> vector<16xf32>
    %add3A_2224 = arith.addf %select_n3A_2204, %gather3A_2223 : vector<16xf32>
    %xor3A_2225 = arith.constant 2 : i32
    %xor3A_2226 = vector.broadcast %xor3A_2225 : i32 to vector<16xi32>
    %xor3A_2227 = arith.xori %iota3A_2210, %xor3A_2226 : vector<16xi32>
    %lt3A_2228 = arith.constant 0 : i32
    %lt3A_2229 = vector.broadcast %lt3A_2228 : i32 to vector<16xi32>
    %lt3A_2230 = arith.cmpi slt, %xor3A_2227, %lt3A_2229 : vector<16xi32>
    %add3A_2231 = arith.constant 16 : i32
    %add3A_2232 = vector.broadcast %add3A_2231 : i32 to vector<16xi32>
    %add3A_2233 = arith.addi %xor3A_2227, %add3A_2232 : vector<16xi32>
    %select_n3A_2234 = arith.select %lt3A_2230, %add3A_2233, %xor3A_2227 : vector<16xi1>, vector<16xi32>
    %broadcast_in_dim3A_2235 = vector.shape_cast %select_n3A_2234 : vector<16xi32> to vector<16x1xi32>
    %gather3A_2236 = vector.shape_cast %broadcast_in_dim3A_2235 : vector<16x1xi32> to vector<16xi32>
    %gather3A_2237 = tpu.dynamic_gather %add3A_2224[%gather3A_2236] in [0] : vector<16xf32>, vector<16xi32> -> vector<16xf32>
    %add3A_2238 = arith.addf %add3A_2224, %gather3A_2237 : vector<16xf32>
    %xor3A_2239 = arith.constant 4 : i32
    %xor3A_2240 = vector.broadcast %xor3A_2239 : i32 to vector<16xi32>
    %xor3A_2241 = arith.xori %iota3A_2210, %xor3A_2240 : vector<16xi32>
    %lt3A_2242 = arith.constant 0 : i32
    %lt3A_2243 = vector.broadcast %lt3A_2242 : i32 to vector<16xi32>
    %lt3A_2244 = arith.cmpi slt, %xor3A_2241, %lt3A_2243 : vector<16xi32>
    %add3A_2245 = arith.constant 16 : i32
    %add3A_2246 = vector.broadcast %add3A_2245 : i32 to vector<16xi32>
    %add3A_2247 = arith.addi %xor3A_2241, %add3A_2246 : vector<16xi32>
    %select_n3A_2248 = arith.select %lt3A_2244, %add3A_2247, %xor3A_2241 : vector<16xi1>, vector<16xi32>
    %broadcast_in_dim3A_2249 = vector.shape_cast %select_n3A_2248 : vector<16xi32> to vector<16x1xi32>
    %gather3A_2250 = vector.shape_cast %broadcast_in_dim3A_2249 : vector<16x1xi32> to vector<16xi32>
    %gather3A_2251 = tpu.dynamic_gather %add3A_2238[%gather3A_2250] in [0] : vector<16xf32>, vector<16xi32> -> vector<16xf32>
    %add3A_2252 = arith.addf %add3A_2238, %gather3A_2251 : vector<16xf32>
    %xor3A_2253 = arith.constant 8 : i32
    %xor3A_2254 = vector.broadcast %xor3A_2253 : i32 to vector<16xi32>
    %xor3A_2255 = arith.xori %iota3A_2210, %xor3A_2254 : vector<16xi32>
    %lt3A_2256 = arith.constant 0 : i32
    %lt3A_2257 = vector.broadcast %lt3A_2256 : i32 to vector<16xi32>
    %lt3A_2258 = arith.cmpi slt, %xor3A_2255, %lt3A_2257 : vector<16xi32>
    %add3A_2259 = arith.constant 16 : i32
    %add3A_2260 = vector.broadcast %add3A_2259 : i32 to vector<16xi32>
    %add3A_2261 = arith.addi %xor3A_2255, %add3A_2260 : vector<16xi32>
    %select_n3A_2262 = arith.select %lt3A_2258, %add3A_2261, %xor3A_2255 : vector<16xi1>, vector<16xi32>
    %broadcast_in_dim3A_2263 = vector.shape_cast %select_n3A_2262 : vector<16xi32> to vector<16x1xi32>
    %gather3A_2264 = vector.shape_cast %broadcast_in_dim3A_2263 : vector<16x1xi32> to vector<16xi32>
    %gather3A_2265 = tpu.dynamic_gather %add3A_2252[%gather3A_2264] in [0] : vector<16xf32>, vector<16xi32> -> vector<16xf32>
    %add3A_2266 = arith.addf %add3A_2252, %gather3A_2265 : vector<16xf32>
    %iota3A_2267 = tpu.iota {dimensions = array<i32: 0>} : vector<16xi32>
    %xor3A_2268 = arith.constant 1 : i32
    %xor3A_2269 = vector.broadcast %xor3A_2268 : i32 to vector<16xi32>
    %xor3A_2270 = arith.xori %iota3A_2267, %xor3A_2269 : vector<16xi32>
    %lt3A_2271 = arith.constant 0 : i32
    %lt3A_2272 = vector.broadcast %lt3A_2271 : i32 to vector<16xi32>
    %lt3A_2273 = arith.cmpi slt, %xor3A_2270, %lt3A_2272 : vector<16xi32>
    %add3A_2274 = arith.constant 16 : i32
    %add3A_2275 = vector.broadcast %add3A_2274 : i32 to vector<16xi32>
    %add3A_2276 = arith.addi %xor3A_2270, %add3A_2275 : vector<16xi32>
    %select_n3A_2277 = arith.select %lt3A_2273, %add3A_2276, %xor3A_2270 : vector<16xi1>, vector<16xi32>
    %broadcast_in_dim3A_2278 = vector.shape_cast %select_n3A_2277 : vector<16xi32> to vector<16x1xi32>
    %gather3A_2279 = vector.shape_cast %broadcast_in_dim3A_2278 : vector<16x1xi32> to vector<16xi32>
    %gather3A_2280 = tpu.dynamic_gather %select_n3A_2209[%gather3A_2279] in [0] : vector<16xf32>, vector<16xi32> -> vector<16xf32>
    %add3A_2281 = arith.addf %select_n3A_2209, %gather3A_2280 : vector<16xf32>
    %xor3A_2282 = arith.constant 2 : i32
    %xor3A_2283 = vector.broadcast %xor3A_2282 : i32 to vector<16xi32>
    %xor3A_2284 = arith.xori %iota3A_2267, %xor3A_2283 : vector<16xi32>
    %lt3A_2285 = arith.constant 0 : i32
    %lt3A_2286 = vector.broadcast %lt3A_2285 : i32 to vector<16xi32>
    %lt3A_2287 = arith.cmpi slt, %xor3A_2284, %lt3A_2286 : vector<16xi32>
    %add3A_2288 = arith.constant 16 : i32
    %add3A_2289 = vector.broadcast %add3A_2288 : i32 to vector<16xi32>
    %add3A_2290 = arith.addi %xor3A_2284, %add3A_2289 : vector<16xi32>
    %select_n3A_2291 = arith.select %lt3A_2287, %add3A_2290, %xor3A_2284 : vector<16xi1>, vector<16xi32>
    %broadcast_in_dim3A_2292 = vector.shape_cast %select_n3A_2291 : vector<16xi32> to vector<16x1xi32>
    %gather3A_2293 = vector.shape_cast %broadcast_in_dim3A_2292 : vector<16x1xi32> to vector<16xi32>
    %gather3A_2294 = tpu.dynamic_gather %add3A_2281[%gather3A_2293] in [0] : vector<16xf32>, vector<16xi32> -> vector<16xf32>
    %add3A_2295 = arith.addf %add3A_2281, %gather3A_2294 : vector<16xf32>
    %xor3A_2296 = arith.constant 4 : i32
    %xor3A_2297 = vector.broadcast %xor3A_2296 : i32 to vector<16xi32>
    %xor3A_2298 = arith.xori %iota3A_2267, %xor3A_2297 : vector<16xi32>
    %lt3A_2299 = arith.constant 0 : i32
    %lt3A_2300 = vector.broadcast %lt3A_2299 : i32 to vector<16xi32>
    %lt3A_2301 = arith.cmpi slt, %xor3A_2298, %lt3A_2300 : vector<16xi32>
    %add3A_2302 = arith.constant 16 : i32
    %add3A_2303 = vector.broadcast %add3A_2302 : i32 to vector<16xi32>
    %add3A_2304 = arith.addi %xor3A_2298, %add3A_2303 : vector<16xi32>
    %select_n3A_2305 = arith.select %lt3A_2301, %add3A_2304, %xor3A_2298 : vector<16xi1>, vector<16xi32>
    %broadcast_in_dim3A_2306 = vector.shape_cast %select_n3A_2305 : vector<16xi32> to vector<16x1xi32>
    %gather3A_2307 = vector.shape_cast %broadcast_in_dim3A_2306 : vector<16x1xi32> to vector<16xi32>
    %gather3A_2308 = tpu.dynamic_gather %add3A_2295[%gather3A_2307] in [0] : vector<16xf32>, vector<16xi32> -> vector<16xf32>
    %add3A_2309 = arith.addf %add3A_2295, %gather3A_2308 : vector<16xf32>
    %xor3A_2310 = arith.constant 8 : i32
    %xor3A_2311 = vector.broadcast %xor3A_2310 : i32 to vector<16xi32>
    %xor3A_2312 = arith.xori %iota3A_2267, %xor3A_2311 : vector<16xi32>
    %lt3A_2313 = arith.constant 0 : i32
    %lt3A_2314 = vector.broadcast %lt3A_2313 : i32 to vector<16xi32>
    %lt3A_2315 = arith.cmpi slt, %xor3A_2312, %lt3A_2314 : vector<16xi32>
    %add3A_2316 = arith.constant 16 : i32
    %add3A_2317 = vector.broadcast %add3A_2316 : i32 to vector<16xi32>
    %add3A_2318 = arith.addi %xor3A_2312, %add3A_2317 : vector<16xi32>
    %select_n3A_2319 = arith.select %lt3A_2315, %add3A_2318, %xor3A_2312 : vector<16xi1>, vector<16xi32>
    %broadcast_in_dim3A_2320 = vector.shape_cast %select_n3A_2319 : vector<16xi32> to vector<16x1xi32>
    %gather3A_2321 = vector.shape_cast %broadcast_in_dim3A_2320 : vector<16x1xi32> to vector<16xi32>
    %gather3A_2322 = tpu.dynamic_gather %add3A_2309[%gather3A_2321] in [0] : vector<16xf32>, vector<16xi32> -> vector<16xf32>
    %add3A_2323 = arith.addf %add3A_2309, %gather3A_2322 : vector<16xf32>
    %add3A_2324 = arith.addf %add3A_2266, %add3A_2323 : vector<16xf32>
    %add3A_2325 = arith.constant 1.000000e-16 : f32
    %add3A_2326 = vector.broadcast %add3A_2325 : f32 to vector<16xf32>
    %add3A_2327 = arith.addf %add3A_2324, %add3A_2326 : vector<16xf32>
    %div3A = arith.divf %select_n3A_2204, %add3A_2327 : vector<16xf32>
    %add3A_2328 = arith.addf %broadcast_in_dim3A_2073, %div3A : vector<16xf32>
    %div3A_2329 = arith.divf %select_n3A_2209, %add3A_2327 : vector<16xf32>
    %add3A_2330 = arith.addf %broadcast_in_dim3A_2075, %div3A_2329 : vector<16xf32>
    %eq3A_2331 = arith.constant 1 : i32
    %eq3A_2332 = vector.broadcast %eq3A_2331 : i32 to vector<16xi32>
    %eq3A_2333 = arith.cmpi eq, %get3A_2068, %eq3A_2332 : vector<16xi32>
    %eq3A_2334 = arith.constant 1 : i32
    %eq3A_2335 = vector.broadcast %eq3A_2334 : i32 to vector<16xi32>
    %eq3A_2336 = arith.cmpi eq, %get3A_2071, %eq3A_2335 : vector<16xi32>
    %jit3A_2337 = arith.constant -1.000000e+30 : f32
    %broadcast_in_dim3A_2338 = vector.broadcast %jit3A_2337 : f32 to vector<16xf32>
    %select_n3A_2339 = arith.select %eq3A_2333, %add3A_1653, %broadcast_in_dim3A_2338 : vector<16xi1>, vector<16xf32>
    %jit3A_2340 = arith.constant -1.000000e+30 : f32
    %broadcast_in_dim3A_2341 = vector.broadcast %jit3A_2340 : f32 to vector<16xf32>
    %select_n3A_2342 = arith.select %eq3A_2336, %add3A_2065, %broadcast_in_dim3A_2341 : vector<16xi1>, vector<16xf32>
    %iota3A_2343 = tpu.iota {dimensions = array<i32: 0>} : vector<16xi32>
    %xor3A_2344 = arith.constant 1 : i32
    %xor3A_2345 = vector.broadcast %xor3A_2344 : i32 to vector<16xi32>
    %xor3A_2346 = arith.xori %iota3A_2343, %xor3A_2345 : vector<16xi32>
    %lt3A_2347 = arith.constant 0 : i32
    %lt3A_2348 = vector.broadcast %lt3A_2347 : i32 to vector<16xi32>
    %lt3A_2349 = arith.cmpi slt, %xor3A_2346, %lt3A_2348 : vector<16xi32>
    %add3A_2350 = arith.constant 16 : i32
    %add3A_2351 = vector.broadcast %add3A_2350 : i32 to vector<16xi32>
    %add3A_2352 = arith.addi %xor3A_2346, %add3A_2351 : vector<16xi32>
    %select_n3A_2353 = arith.select %lt3A_2349, %add3A_2352, %xor3A_2346 : vector<16xi1>, vector<16xi32>
    %broadcast_in_dim3A_2354 = vector.shape_cast %select_n3A_2353 : vector<16xi32> to vector<16x1xi32>
    %gather3A_2355 = vector.shape_cast %broadcast_in_dim3A_2354 : vector<16x1xi32> to vector<16xi32>
    %gather3A_2356 = tpu.dynamic_gather %select_n3A_2339[%gather3A_2355] in [0] : vector<16xf32>, vector<16xi32> -> vector<16xf32>
    %max3A_2357 = arith.maximumf %select_n3A_2339, %gather3A_2356 : vector<16xf32>
    %xor3A_2358 = arith.constant 2 : i32
    %xor3A_2359 = vector.broadcast %xor3A_2358 : i32 to vector<16xi32>
    %xor3A_2360 = arith.xori %iota3A_2343, %xor3A_2359 : vector<16xi32>
    %lt3A_2361 = arith.constant 0 : i32
    %lt3A_2362 = vector.broadcast %lt3A_2361 : i32 to vector<16xi32>
    %lt3A_2363 = arith.cmpi slt, %xor3A_2360, %lt3A_2362 : vector<16xi32>
    %add3A_2364 = arith.constant 16 : i32
    %add3A_2365 = vector.broadcast %add3A_2364 : i32 to vector<16xi32>
    %add3A_2366 = arith.addi %xor3A_2360, %add3A_2365 : vector<16xi32>
    %select_n3A_2367 = arith.select %lt3A_2363, %add3A_2366, %xor3A_2360 : vector<16xi1>, vector<16xi32>
    %broadcast_in_dim3A_2368 = vector.shape_cast %select_n3A_2367 : vector<16xi32> to vector<16x1xi32>
    %gather3A_2369 = vector.shape_cast %broadcast_in_dim3A_2368 : vector<16x1xi32> to vector<16xi32>
    %gather3A_2370 = tpu.dynamic_gather %max3A_2357[%gather3A_2369] in [0] : vector<16xf32>, vector<16xi32> -> vector<16xf32>
    %max3A_2371 = arith.maximumf %max3A_2357, %gather3A_2370 : vector<16xf32>
    %xor3A_2372 = arith.constant 4 : i32
    %xor3A_2373 = vector.broadcast %xor3A_2372 : i32 to vector<16xi32>
    %xor3A_2374 = arith.xori %iota3A_2343, %xor3A_2373 : vector<16xi32>
    %lt3A_2375 = arith.constant 0 : i32
    %lt3A_2376 = vector.broadcast %lt3A_2375 : i32 to vector<16xi32>
    %lt3A_2377 = arith.cmpi slt, %xor3A_2374, %lt3A_2376 : vector<16xi32>
    %add3A_2378 = arith.constant 16 : i32
    %add3A_2379 = vector.broadcast %add3A_2378 : i32 to vector<16xi32>
    %add3A_2380 = arith.addi %xor3A_2374, %add3A_2379 : vector<16xi32>
    %select_n3A_2381 = arith.select %lt3A_2377, %add3A_2380, %xor3A_2374 : vector<16xi1>, vector<16xi32>
    %broadcast_in_dim3A_2382 = vector.shape_cast %select_n3A_2381 : vector<16xi32> to vector<16x1xi32>
    %gather3A_2383 = vector.shape_cast %broadcast_in_dim3A_2382 : vector<16x1xi32> to vector<16xi32>
    %gather3A_2384 = tpu.dynamic_gather %max3A_2371[%gather3A_2383] in [0] : vector<16xf32>, vector<16xi32> -> vector<16xf32>
    %max3A_2385 = arith.maximumf %max3A_2371, %gather3A_2384 : vector<16xf32>
    %xor3A_2386 = arith.constant 8 : i32
    %xor3A_2387 = vector.broadcast %xor3A_2386 : i32 to vector<16xi32>
    %xor3A_2388 = arith.xori %iota3A_2343, %xor3A_2387 : vector<16xi32>
    %lt3A_2389 = arith.constant 0 : i32
    %lt3A_2390 = vector.broadcast %lt3A_2389 : i32 to vector<16xi32>
    %lt3A_2391 = arith.cmpi slt, %xor3A_2388, %lt3A_2390 : vector<16xi32>
    %add3A_2392 = arith.constant 16 : i32
    %add3A_2393 = vector.broadcast %add3A_2392 : i32 to vector<16xi32>
    %add3A_2394 = arith.addi %xor3A_2388, %add3A_2393 : vector<16xi32>
    %select_n3A_2395 = arith.select %lt3A_2391, %add3A_2394, %xor3A_2388 : vector<16xi1>, vector<16xi32>
    %broadcast_in_dim3A_2396 = vector.shape_cast %select_n3A_2395 : vector<16xi32> to vector<16x1xi32>
    %gather3A_2397 = vector.shape_cast %broadcast_in_dim3A_2396 : vector<16x1xi32> to vector<16xi32>
    %gather3A_2398 = tpu.dynamic_gather %max3A_2385[%gather3A_2397] in [0] : vector<16xf32>, vector<16xi32> -> vector<16xf32>
    %max3A_2399 = arith.maximumf %max3A_2385, %gather3A_2398 : vector<16xf32>
    %iota3A_2400 = tpu.iota {dimensions = array<i32: 0>} : vector<16xi32>
    %xor3A_2401 = arith.constant 1 : i32
    %xor3A_2402 = vector.broadcast %xor3A_2401 : i32 to vector<16xi32>
    %xor3A_2403 = arith.xori %iota3A_2400, %xor3A_2402 : vector<16xi32>
    %lt3A_2404 = arith.constant 0 : i32
    %lt3A_2405 = vector.broadcast %lt3A_2404 : i32 to vector<16xi32>
    %lt3A_2406 = arith.cmpi slt, %xor3A_2403, %lt3A_2405 : vector<16xi32>
    %add3A_2407 = arith.constant 16 : i32
    %add3A_2408 = vector.broadcast %add3A_2407 : i32 to vector<16xi32>
    %add3A_2409 = arith.addi %xor3A_2403, %add3A_2408 : vector<16xi32>
    %select_n3A_2410 = arith.select %lt3A_2406, %add3A_2409, %xor3A_2403 : vector<16xi1>, vector<16xi32>
    %broadcast_in_dim3A_2411 = vector.shape_cast %select_n3A_2410 : vector<16xi32> to vector<16x1xi32>
    %gather3A_2412 = vector.shape_cast %broadcast_in_dim3A_2411 : vector<16x1xi32> to vector<16xi32>
    %gather3A_2413 = tpu.dynamic_gather %select_n3A_2342[%gather3A_2412] in [0] : vector<16xf32>, vector<16xi32> -> vector<16xf32>
    %max3A_2414 = arith.maximumf %select_n3A_2342, %gather3A_2413 : vector<16xf32>
    %xor3A_2415 = arith.constant 2 : i32
    %xor3A_2416 = vector.broadcast %xor3A_2415 : i32 to vector<16xi32>
    %xor3A_2417 = arith.xori %iota3A_2400, %xor3A_2416 : vector<16xi32>
    %lt3A_2418 = arith.constant 0 : i32
    %lt3A_2419 = vector.broadcast %lt3A_2418 : i32 to vector<16xi32>
    %lt3A_2420 = arith.cmpi slt, %xor3A_2417, %lt3A_2419 : vector<16xi32>
    %add3A_2421 = arith.constant 16 : i32
    %add3A_2422 = vector.broadcast %add3A_2421 : i32 to vector<16xi32>
    %add3A_2423 = arith.addi %xor3A_2417, %add3A_2422 : vector<16xi32>
    %select_n3A_2424 = arith.select %lt3A_2420, %add3A_2423, %xor3A_2417 : vector<16xi1>, vector<16xi32>
    %broadcast_in_dim3A_2425 = vector.shape_cast %select_n3A_2424 : vector<16xi32> to vector<16x1xi32>
    %gather3A_2426 = vector.shape_cast %broadcast_in_dim3A_2425 : vector<16x1xi32> to vector<16xi32>
    %gather3A_2427 = tpu.dynamic_gather %max3A_2414[%gather3A_2426] in [0] : vector<16xf32>, vector<16xi32> -> vector<16xf32>
    %max3A_2428 = arith.maximumf %max3A_2414, %gather3A_2427 : vector<16xf32>
    %xor3A_2429 = arith.constant 4 : i32
    %xor3A_2430 = vector.broadcast %xor3A_2429 : i32 to vector<16xi32>
    %xor3A_2431 = arith.xori %iota3A_2400, %xor3A_2430 : vector<16xi32>
    %lt3A_2432 = arith.constant 0 : i32
    %lt3A_2433 = vector.broadcast %lt3A_2432 : i32 to vector<16xi32>
    %lt3A_2434 = arith.cmpi slt, %xor3A_2431, %lt3A_2433 : vector<16xi32>
    %add3A_2435 = arith.constant 16 : i32
    %add3A_2436 = vector.broadcast %add3A_2435 : i32 to vector<16xi32>
    %add3A_2437 = arith.addi %xor3A_2431, %add3A_2436 : vector<16xi32>
    %select_n3A_2438 = arith.select %lt3A_2434, %add3A_2437, %xor3A_2431 : vector<16xi1>, vector<16xi32>
    %broadcast_in_dim3A_2439 = vector.shape_cast %select_n3A_2438 : vector<16xi32> to vector<16x1xi32>
    %gather3A_2440 = vector.shape_cast %broadcast_in_dim3A_2439 : vector<16x1xi32> to vector<16xi32>
    %gather3A_2441 = tpu.dynamic_gather %max3A_2428[%gather3A_2440] in [0] : vector<16xf32>, vector<16xi32> -> vector<16xf32>
    %max3A_2442 = arith.maximumf %max3A_2428, %gather3A_2441 : vector<16xf32>
    %xor3A_2443 = arith.constant 8 : i32
    %xor3A_2444 = vector.broadcast %xor3A_2443 : i32 to vector<16xi32>
    %xor3A_2445 = arith.xori %iota3A_2400, %xor3A_2444 : vector<16xi32>
    %lt3A_2446 = arith.constant 0 : i32
    %lt3A_2447 = vector.broadcast %lt3A_2446 : i32 to vector<16xi32>
    %lt3A_2448 = arith.cmpi slt, %xor3A_2445, %lt3A_2447 : vector<16xi32>
    %add3A_2449 = arith.constant 16 : i32
    %add3A_2450 = vector.broadcast %add3A_2449 : i32 to vector<16xi32>
    %add3A_2451 = arith.addi %xor3A_2445, %add3A_2450 : vector<16xi32>
    %select_n3A_2452 = arith.select %lt3A_2448, %add3A_2451, %xor3A_2445 : vector<16xi1>, vector<16xi32>
    %broadcast_in_dim3A_2453 = vector.shape_cast %select_n3A_2452 : vector<16xi32> to vector<16x1xi32>
    %gather3A_2454 = vector.shape_cast %broadcast_in_dim3A_2453 : vector<16x1xi32> to vector<16xi32>
    %gather3A_2455 = tpu.dynamic_gather %max3A_2442[%gather3A_2454] in [0] : vector<16xf32>, vector<16xi32> -> vector<16xf32>
    %max3A_2456 = arith.maximumf %max3A_2442, %gather3A_2455 : vector<16xf32>
    %max3A_2457 = arith.maximumf %max3A_2399, %max3A_2456 : vector<16xf32>
    %sub3A_2458 = arith.subf %select_n3A_2339, %max3A_2457 : vector<16xf32>
    %exp3A_2459 = math.exp %sub3A_2458 : vector<16xf32>
    %jit3A_2460 = arith.constant 0.000000e+00 : f32
    %broadcast_in_dim3A_2461 = vector.broadcast %jit3A_2460 : f32 to vector<16xf32>
    %select_n3A_2462 = arith.select %eq3A_2333, %exp3A_2459, %broadcast_in_dim3A_2461 : vector<16xi1>, vector<16xf32>
    %sub3A_2463 = arith.subf %select_n3A_2342, %max3A_2457 : vector<16xf32>
    %exp3A_2464 = math.exp %sub3A_2463 : vector<16xf32>
    %jit3A_2465 = arith.constant 0.000000e+00 : f32
    %broadcast_in_dim3A_2466 = vector.broadcast %jit3A_2465 : f32 to vector<16xf32>
    %select_n3A_2467 = arith.select %eq3A_2336, %exp3A_2464, %broadcast_in_dim3A_2466 : vector<16xi1>, vector<16xf32>
    %iota3A_2468 = tpu.iota {dimensions = array<i32: 0>} : vector<16xi32>
    %xor3A_2469 = arith.constant 1 : i32
    %xor3A_2470 = vector.broadcast %xor3A_2469 : i32 to vector<16xi32>
    %xor3A_2471 = arith.xori %iota3A_2468, %xor3A_2470 : vector<16xi32>
    %lt3A_2472 = arith.constant 0 : i32
    %lt3A_2473 = vector.broadcast %lt3A_2472 : i32 to vector<16xi32>
    %lt3A_2474 = arith.cmpi slt, %xor3A_2471, %lt3A_2473 : vector<16xi32>
    %add3A_2475 = arith.constant 16 : i32
    %add3A_2476 = vector.broadcast %add3A_2475 : i32 to vector<16xi32>
    %add3A_2477 = arith.addi %xor3A_2471, %add3A_2476 : vector<16xi32>
    %select_n3A_2478 = arith.select %lt3A_2474, %add3A_2477, %xor3A_2471 : vector<16xi1>, vector<16xi32>
    %broadcast_in_dim3A_2479 = vector.shape_cast %select_n3A_2478 : vector<16xi32> to vector<16x1xi32>
    %gather3A_2480 = vector.shape_cast %broadcast_in_dim3A_2479 : vector<16x1xi32> to vector<16xi32>
    %gather3A_2481 = tpu.dynamic_gather %select_n3A_2462[%gather3A_2480] in [0] : vector<16xf32>, vector<16xi32> -> vector<16xf32>
    %add3A_2482 = arith.addf %select_n3A_2462, %gather3A_2481 : vector<16xf32>
    %xor3A_2483 = arith.constant 2 : i32
    %xor3A_2484 = vector.broadcast %xor3A_2483 : i32 to vector<16xi32>
    %xor3A_2485 = arith.xori %iota3A_2468, %xor3A_2484 : vector<16xi32>
    %lt3A_2486 = arith.constant 0 : i32
    %lt3A_2487 = vector.broadcast %lt3A_2486 : i32 to vector<16xi32>
    %lt3A_2488 = arith.cmpi slt, %xor3A_2485, %lt3A_2487 : vector<16xi32>
    %add3A_2489 = arith.constant 16 : i32
    %add3A_2490 = vector.broadcast %add3A_2489 : i32 to vector<16xi32>
    %add3A_2491 = arith.addi %xor3A_2485, %add3A_2490 : vector<16xi32>
    %select_n3A_2492 = arith.select %lt3A_2488, %add3A_2491, %xor3A_2485 : vector<16xi1>, vector<16xi32>
    %broadcast_in_dim3A_2493 = vector.shape_cast %select_n3A_2492 : vector<16xi32> to vector<16x1xi32>
    %gather3A_2494 = vector.shape_cast %broadcast_in_dim3A_2493 : vector<16x1xi32> to vector<16xi32>
    %gather3A_2495 = tpu.dynamic_gather %add3A_2482[%gather3A_2494] in [0] : vector<16xf32>, vector<16xi32> -> vector<16xf32>
    %add3A_2496 = arith.addf %add3A_2482, %gather3A_2495 : vector<16xf32>
    %xor3A_2497 = arith.constant 4 : i32
    %xor3A_2498 = vector.broadcast %xor3A_2497 : i32 to vector<16xi32>
    %xor3A_2499 = arith.xori %iota3A_2468, %xor3A_2498 : vector<16xi32>
    %lt3A_2500 = arith.constant 0 : i32
    %lt3A_2501 = vector.broadcast %lt3A_2500 : i32 to vector<16xi32>
    %lt3A_2502 = arith.cmpi slt, %xor3A_2499, %lt3A_2501 : vector<16xi32>
    %add3A_2503 = arith.constant 16 : i32
    %add3A_2504 = vector.broadcast %add3A_2503 : i32 to vector<16xi32>
    %add3A_2505 = arith.addi %xor3A_2499, %add3A_2504 : vector<16xi32>
    %select_n3A_2506 = arith.select %lt3A_2502, %add3A_2505, %xor3A_2499 : vector<16xi1>, vector<16xi32>
    %broadcast_in_dim3A_2507 = vector.shape_cast %select_n3A_2506 : vector<16xi32> to vector<16x1xi32>
    %gather3A_2508 = vector.shape_cast %broadcast_in_dim3A_2507 : vector<16x1xi32> to vector<16xi32>
    %gather3A_2509 = tpu.dynamic_gather %add3A_2496[%gather3A_2508] in [0] : vector<16xf32>, vector<16xi32> -> vector<16xf32>
    %add3A_2510 = arith.addf %add3A_2496, %gather3A_2509 : vector<16xf32>
    %xor3A_2511 = arith.constant 8 : i32
    %xor3A_2512 = vector.broadcast %xor3A_2511 : i32 to vector<16xi32>
    %xor3A_2513 = arith.xori %iota3A_2468, %xor3A_2512 : vector<16xi32>
    %lt3A_2514 = arith.constant 0 : i32
    %lt3A_2515 = vector.broadcast %lt3A_2514 : i32 to vector<16xi32>
    %lt3A_2516 = arith.cmpi slt, %xor3A_2513, %lt3A_2515 : vector<16xi32>
    %add3A_2517 = arith.constant 16 : i32
    %add3A_2518 = vector.broadcast %add3A_2517 : i32 to vector<16xi32>
    %add3A_2519 = arith.addi %xor3A_2513, %add3A_2518 : vector<16xi32>
    %select_n3A_2520 = arith.select %lt3A_2516, %add3A_2519, %xor3A_2513 : vector<16xi1>, vector<16xi32>
    %broadcast_in_dim3A_2521 = vector.shape_cast %select_n3A_2520 : vector<16xi32> to vector<16x1xi32>
    %gather3A_2522 = vector.shape_cast %broadcast_in_dim3A_2521 : vector<16x1xi32> to vector<16xi32>
    %gather3A_2523 = tpu.dynamic_gather %add3A_2510[%gather3A_2522] in [0] : vector<16xf32>, vector<16xi32> -> vector<16xf32>
    %add3A_2524 = arith.addf %add3A_2510, %gather3A_2523 : vector<16xf32>
    %iota3A_2525 = tpu.iota {dimensions = array<i32: 0>} : vector<16xi32>
    %xor3A_2526 = arith.constant 1 : i32
    %xor3A_2527 = vector.broadcast %xor3A_2526 : i32 to vector<16xi32>
    %xor3A_2528 = arith.xori %iota3A_2525, %xor3A_2527 : vector<16xi32>
    %lt3A_2529 = arith.constant 0 : i32
    %lt3A_2530 = vector.broadcast %lt3A_2529 : i32 to vector<16xi32>
    %lt3A_2531 = arith.cmpi slt, %xor3A_2528, %lt3A_2530 : vector<16xi32>
    %add3A_2532 = arith.constant 16 : i32
    %add3A_2533 = vector.broadcast %add3A_2532 : i32 to vector<16xi32>
    %add3A_2534 = arith.addi %xor3A_2528, %add3A_2533 : vector<16xi32>
    %select_n3A_2535 = arith.select %lt3A_2531, %add3A_2534, %xor3A_2528 : vector<16xi1>, vector<16xi32>
    %broadcast_in_dim3A_2536 = vector.shape_cast %select_n3A_2535 : vector<16xi32> to vector<16x1xi32>
    %gather3A_2537 = vector.shape_cast %broadcast_in_dim3A_2536 : vector<16x1xi32> to vector<16xi32>
    %gather3A_2538 = tpu.dynamic_gather %select_n3A_2467[%gather3A_2537] in [0] : vector<16xf32>, vector<16xi32> -> vector<16xf32>
    %add3A_2539 = arith.addf %select_n3A_2467, %gather3A_2538 : vector<16xf32>
    %xor3A_2540 = arith.constant 2 : i32
    %xor3A_2541 = vector.broadcast %xor3A_2540 : i32 to vector<16xi32>
    %xor3A_2542 = arith.xori %iota3A_2525, %xor3A_2541 : vector<16xi32>
    %lt3A_2543 = arith.constant 0 : i32
    %lt3A_2544 = vector.broadcast %lt3A_2543 : i32 to vector<16xi32>
    %lt3A_2545 = arith.cmpi slt, %xor3A_2542, %lt3A_2544 : vector<16xi32>
    %add3A_2546 = arith.constant 16 : i32
    %add3A_2547 = vector.broadcast %add3A_2546 : i32 to vector<16xi32>
    %add3A_2548 = arith.addi %xor3A_2542, %add3A_2547 : vector<16xi32>
    %select_n3A_2549 = arith.select %lt3A_2545, %add3A_2548, %xor3A_2542 : vector<16xi1>, vector<16xi32>
    %broadcast_in_dim3A_2550 = vector.shape_cast %select_n3A_2549 : vector<16xi32> to vector<16x1xi32>
    %gather3A_2551 = vector.shape_cast %broadcast_in_dim3A_2550 : vector<16x1xi32> to vector<16xi32>
    %gather3A_2552 = tpu.dynamic_gather %add3A_2539[%gather3A_2551] in [0] : vector<16xf32>, vector<16xi32> -> vector<16xf32>
    %add3A_2553 = arith.addf %add3A_2539, %gather3A_2552 : vector<16xf32>
    %xor3A_2554 = arith.constant 4 : i32
    %xor3A_2555 = vector.broadcast %xor3A_2554 : i32 to vector<16xi32>
    %xor3A_2556 = arith.xori %iota3A_2525, %xor3A_2555 : vector<16xi32>
    %lt3A_2557 = arith.constant 0 : i32
    %lt3A_2558 = vector.broadcast %lt3A_2557 : i32 to vector<16xi32>
    %lt3A_2559 = arith.cmpi slt, %xor3A_2556, %lt3A_2558 : vector<16xi32>
    %add3A_2560 = arith.constant 16 : i32
    %add3A_2561 = vector.broadcast %add3A_2560 : i32 to vector<16xi32>
    %add3A_2562 = arith.addi %xor3A_2556, %add3A_2561 : vector<16xi32>
    %select_n3A_2563 = arith.select %lt3A_2559, %add3A_2562, %xor3A_2556 : vector<16xi1>, vector<16xi32>
    %broadcast_in_dim3A_2564 = vector.shape_cast %select_n3A_2563 : vector<16xi32> to vector<16x1xi32>
    %gather3A_2565 = vector.shape_cast %broadcast_in_dim3A_2564 : vector<16x1xi32> to vector<16xi32>
    %gather3A_2566 = tpu.dynamic_gather %add3A_2553[%gather3A_2565] in [0] : vector<16xf32>, vector<16xi32> -> vector<16xf32>
    %add3A_2567 = arith.addf %add3A_2553, %gather3A_2566 : vector<16xf32>
    %xor3A_2568 = arith.constant 8 : i32
    %xor3A_2569 = vector.broadcast %xor3A_2568 : i32 to vector<16xi32>
    %xor3A_2570 = arith.xori %iota3A_2525, %xor3A_2569 : vector<16xi32>
    %lt3A_2571 = arith.constant 0 : i32
    %lt3A_2572 = vector.broadcast %lt3A_2571 : i32 to vector<16xi32>
    %lt3A_2573 = arith.cmpi slt, %xor3A_2570, %lt3A_2572 : vector<16xi32>
    %add3A_2574 = arith.constant 16 : i32
    %add3A_2575 = vector.broadcast %add3A_2574 : i32 to vector<16xi32>
    %add3A_2576 = arith.addi %xor3A_2570, %add3A_2575 : vector<16xi32>
    %select_n3A_2577 = arith.select %lt3A_2573, %add3A_2576, %xor3A_2570 : vector<16xi1>, vector<16xi32>
    %broadcast_in_dim3A_2578 = vector.shape_cast %select_n3A_2577 : vector<16xi32> to vector<16x1xi32>
    %gather3A_2579 = vector.shape_cast %broadcast_in_dim3A_2578 : vector<16x1xi32> to vector<16xi32>
    %gather3A_2580 = tpu.dynamic_gather %add3A_2567[%gather3A_2579] in [0] : vector<16xf32>, vector<16xi32> -> vector<16xf32>
    %add3A_2581 = arith.addf %add3A_2567, %gather3A_2580 : vector<16xf32>
    %add3A_2582 = arith.addf %add3A_2524, %add3A_2581 : vector<16xf32>
    %add3A_2583 = arith.constant 1.000000e-16 : f32
    %add3A_2584 = vector.broadcast %add3A_2583 : f32 to vector<16xf32>
    %add3A_2585 = arith.addf %add3A_2582, %add3A_2584 : vector<16xf32>
    %div3A_2586 = arith.divf %select_n3A_2462, %add3A_2585 : vector<16xf32>
    %add3A_2587 = arith.addf %add3A_2328, %div3A_2586 : vector<16xf32>
    %div3A_2588 = arith.divf %select_n3A_2467, %add3A_2585 : vector<16xf32>
    %add3A_2589 = arith.addf %add3A_2330, %div3A_2588 : vector<16xf32>
    %eq3A_2590 = arith.constant 2 : i32
    %eq3A_2591 = vector.broadcast %eq3A_2590 : i32 to vector<16xi32>
    %eq3A_2592 = arith.cmpi eq, %get3A_2068, %eq3A_2591 : vector<16xi32>
    %eq3A_2593 = arith.constant 2 : i32
    %eq3A_2594 = vector.broadcast %eq3A_2593 : i32 to vector<16xi32>
    %eq3A_2595 = arith.cmpi eq, %get3A_2071, %eq3A_2594 : vector<16xi32>
    %jit3A_2596 = arith.constant -1.000000e+30 : f32
    %broadcast_in_dim3A_2597 = vector.broadcast %jit3A_2596 : f32 to vector<16xf32>
    %select_n3A_2598 = arith.select %eq3A_2592, %add3A_1653, %broadcast_in_dim3A_2597 : vector<16xi1>, vector<16xf32>
    %jit3A_2599 = arith.constant -1.000000e+30 : f32
    %broadcast_in_dim3A_2600 = vector.broadcast %jit3A_2599 : f32 to vector<16xf32>
    %select_n3A_2601 = arith.select %eq3A_2595, %add3A_2065, %broadcast_in_dim3A_2600 : vector<16xi1>, vector<16xf32>
    %iota3A_2602 = tpu.iota {dimensions = array<i32: 0>} : vector<16xi32>
    %xor3A_2603 = arith.constant 1 : i32
    %xor3A_2604 = vector.broadcast %xor3A_2603 : i32 to vector<16xi32>
    %xor3A_2605 = arith.xori %iota3A_2602, %xor3A_2604 : vector<16xi32>
    %lt3A_2606 = arith.constant 0 : i32
    %lt3A_2607 = vector.broadcast %lt3A_2606 : i32 to vector<16xi32>
    %lt3A_2608 = arith.cmpi slt, %xor3A_2605, %lt3A_2607 : vector<16xi32>
    %add3A_2609 = arith.constant 16 : i32
    %add3A_2610 = vector.broadcast %add3A_2609 : i32 to vector<16xi32>
    %add3A_2611 = arith.addi %xor3A_2605, %add3A_2610 : vector<16xi32>
    %select_n3A_2612 = arith.select %lt3A_2608, %add3A_2611, %xor3A_2605 : vector<16xi1>, vector<16xi32>
    %broadcast_in_dim3A_2613 = vector.shape_cast %select_n3A_2612 : vector<16xi32> to vector<16x1xi32>
    %gather3A_2614 = vector.shape_cast %broadcast_in_dim3A_2613 : vector<16x1xi32> to vector<16xi32>
    %gather3A_2615 = tpu.dynamic_gather %select_n3A_2598[%gather3A_2614] in [0] : vector<16xf32>, vector<16xi32> -> vector<16xf32>
    %max3A_2616 = arith.maximumf %select_n3A_2598, %gather3A_2615 : vector<16xf32>
    %xor3A_2617 = arith.constant 2 : i32
    %xor3A_2618 = vector.broadcast %xor3A_2617 : i32 to vector<16xi32>
    %xor3A_2619 = arith.xori %iota3A_2602, %xor3A_2618 : vector<16xi32>
    %lt3A_2620 = arith.constant 0 : i32
    %lt3A_2621 = vector.broadcast %lt3A_2620 : i32 to vector<16xi32>
    %lt3A_2622 = arith.cmpi slt, %xor3A_2619, %lt3A_2621 : vector<16xi32>
    %add3A_2623 = arith.constant 16 : i32
    %add3A_2624 = vector.broadcast %add3A_2623 : i32 to vector<16xi32>
    %add3A_2625 = arith.addi %xor3A_2619, %add3A_2624 : vector<16xi32>
    %select_n3A_2626 = arith.select %lt3A_2622, %add3A_2625, %xor3A_2619 : vector<16xi1>, vector<16xi32>
    %broadcast_in_dim3A_2627 = vector.shape_cast %select_n3A_2626 : vector<16xi32> to vector<16x1xi32>
    %gather3A_2628 = vector.shape_cast %broadcast_in_dim3A_2627 : vector<16x1xi32> to vector<16xi32>
    %gather3A_2629 = tpu.dynamic_gather %max3A_2616[%gather3A_2628] in [0] : vector<16xf32>, vector<16xi32> -> vector<16xf32>
    %max3A_2630 = arith.maximumf %max3A_2616, %gather3A_2629 : vector<16xf32>
    %xor3A_2631 = arith.constant 4 : i32
    %xor3A_2632 = vector.broadcast %xor3A_2631 : i32 to vector<16xi32>
    %xor3A_2633 = arith.xori %iota3A_2602, %xor3A_2632 : vector<16xi32>
    %lt3A_2634 = arith.constant 0 : i32
    %lt3A_2635 = vector.broadcast %lt3A_2634 : i32 to vector<16xi32>
    %lt3A_2636 = arith.cmpi slt, %xor3A_2633, %lt3A_2635 : vector<16xi32>
    %add3A_2637 = arith.constant 16 : i32
    %add3A_2638 = vector.broadcast %add3A_2637 : i32 to vector<16xi32>
    %add3A_2639 = arith.addi %xor3A_2633, %add3A_2638 : vector<16xi32>
    %select_n3A_2640 = arith.select %lt3A_2636, %add3A_2639, %xor3A_2633 : vector<16xi1>, vector<16xi32>
    %broadcast_in_dim3A_2641 = vector.shape_cast %select_n3A_2640 : vector<16xi32> to vector<16x1xi32>
    %gather3A_2642 = vector.shape_cast %broadcast_in_dim3A_2641 : vector<16x1xi32> to vector<16xi32>
    %gather3A_2643 = tpu.dynamic_gather %max3A_2630[%gather3A_2642] in [0] : vector<16xf32>, vector<16xi32> -> vector<16xf32>
    %max3A_2644 = arith.maximumf %max3A_2630, %gather3A_2643 : vector<16xf32>
    %xor3A_2645 = arith.constant 8 : i32
    %xor3A_2646 = vector.broadcast %xor3A_2645 : i32 to vector<16xi32>
    %xor3A_2647 = arith.xori %iota3A_2602, %xor3A_2646 : vector<16xi32>
    %lt3A_2648 = arith.constant 0 : i32
    %lt3A_2649 = vector.broadcast %lt3A_2648 : i32 to vector<16xi32>
    %lt3A_2650 = arith.cmpi slt, %xor3A_2647, %lt3A_2649 : vector<16xi32>
    %add3A_2651 = arith.constant 16 : i32
    %add3A_2652 = vector.broadcast %add3A_2651 : i32 to vector<16xi32>
    %add3A_2653 = arith.addi %xor3A_2647, %add3A_2652 : vector<16xi32>
    %select_n3A_2654 = arith.select %lt3A_2650, %add3A_2653, %xor3A_2647 : vector<16xi1>, vector<16xi32>
    %broadcast_in_dim3A_2655 = vector.shape_cast %select_n3A_2654 : vector<16xi32> to vector<16x1xi32>
    %gather3A_2656 = vector.shape_cast %broadcast_in_dim3A_2655 : vector<16x1xi32> to vector<16xi32>
    %gather3A_2657 = tpu.dynamic_gather %max3A_2644[%gather3A_2656] in [0] : vector<16xf32>, vector<16xi32> -> vector<16xf32>
    %max3A_2658 = arith.maximumf %max3A_2644, %gather3A_2657 : vector<16xf32>
    %iota3A_2659 = tpu.iota {dimensions = array<i32: 0>} : vector<16xi32>
    %xor3A_2660 = arith.constant 1 : i32
    %xor3A_2661 = vector.broadcast %xor3A_2660 : i32 to vector<16xi32>
    %xor3A_2662 = arith.xori %iota3A_2659, %xor3A_2661 : vector<16xi32>
    %lt3A_2663 = arith.constant 0 : i32
    %lt3A_2664 = vector.broadcast %lt3A_2663 : i32 to vector<16xi32>
    %lt3A_2665 = arith.cmpi slt, %xor3A_2662, %lt3A_2664 : vector<16xi32>
    %add3A_2666 = arith.constant 16 : i32
    %add3A_2667 = vector.broadcast %add3A_2666 : i32 to vector<16xi32>
    %add3A_2668 = arith.addi %xor3A_2662, %add3A_2667 : vector<16xi32>
    %select_n3A_2669 = arith.select %lt3A_2665, %add3A_2668, %xor3A_2662 : vector<16xi1>, vector<16xi32>
    %broadcast_in_dim3A_2670 = vector.shape_cast %select_n3A_2669 : vector<16xi32> to vector<16x1xi32>
    %gather3A_2671 = vector.shape_cast %broadcast_in_dim3A_2670 : vector<16x1xi32> to vector<16xi32>
    %gather3A_2672 = tpu.dynamic_gather %select_n3A_2601[%gather3A_2671] in [0] : vector<16xf32>, vector<16xi32> -> vector<16xf32>
    %max3A_2673 = arith.maximumf %select_n3A_2601, %gather3A_2672 : vector<16xf32>
    %xor3A_2674 = arith.constant 2 : i32
    %xor3A_2675 = vector.broadcast %xor3A_2674 : i32 to vector<16xi32>
    %xor3A_2676 = arith.xori %iota3A_2659, %xor3A_2675 : vector<16xi32>
    %lt3A_2677 = arith.constant 0 : i32
    %lt3A_2678 = vector.broadcast %lt3A_2677 : i32 to vector<16xi32>
    %lt3A_2679 = arith.cmpi slt, %xor3A_2676, %lt3A_2678 : vector<16xi32>
    %add3A_2680 = arith.constant 16 : i32
    %add3A_2681 = vector.broadcast %add3A_2680 : i32 to vector<16xi32>
    %add3A_2682 = arith.addi %xor3A_2676, %add3A_2681 : vector<16xi32>
    %select_n3A_2683 = arith.select %lt3A_2679, %add3A_2682, %xor3A_2676 : vector<16xi1>, vector<16xi32>
    %broadcast_in_dim3A_2684 = vector.shape_cast %select_n3A_2683 : vector<16xi32> to vector<16x1xi32>
    %gather3A_2685 = vector.shape_cast %broadcast_in_dim3A_2684 : vector<16x1xi32> to vector<16xi32>
    %gather3A_2686 = tpu.dynamic_gather %max3A_2673[%gather3A_2685] in [0] : vector<16xf32>, vector<16xi32> -> vector<16xf32>
    %max3A_2687 = arith.maximumf %max3A_2673, %gather3A_2686 : vector<16xf32>
    %xor3A_2688 = arith.constant 4 : i32
    %xor3A_2689 = vector.broadcast %xor3A_2688 : i32 to vector<16xi32>
    %xor3A_2690 = arith.xori %iota3A_2659, %xor3A_2689 : vector<16xi32>
    %lt3A_2691 = arith.constant 0 : i32
    %lt3A_2692 = vector.broadcast %lt3A_2691 : i32 to vector<16xi32>
    %lt3A_2693 = arith.cmpi slt, %xor3A_2690, %lt3A_2692 : vector<16xi32>
    %add3A_2694 = arith.constant 16 : i32
    %add3A_2695 = vector.broadcast %add3A_2694 : i32 to vector<16xi32>
    %add3A_2696 = arith.addi %xor3A_2690, %add3A_2695 : vector<16xi32>
    %select_n3A_2697 = arith.select %lt3A_2693, %add3A_2696, %xor3A_2690 : vector<16xi1>, vector<16xi32>
    %broadcast_in_dim3A_2698 = vector.shape_cast %select_n3A_2697 : vector<16xi32> to vector<16x1xi32>
    %gather3A_2699 = vector.shape_cast %broadcast_in_dim3A_2698 : vector<16x1xi32> to vector<16xi32>
    %gather3A_2700 = tpu.dynamic_gather %max3A_2687[%gather3A_2699] in [0] : vector<16xf32>, vector<16xi32> -> vector<16xf32>
    %max3A_2701 = arith.maximumf %max3A_2687, %gather3A_2700 : vector<16xf32>
    %xor3A_2702 = arith.constant 8 : i32
    %xor3A_2703 = vector.broadcast %xor3A_2702 : i32 to vector<16xi32>
    %xor3A_2704 = arith.xori %iota3A_2659, %xor3A_2703 : vector<16xi32>
    %lt3A_2705 = arith.constant 0 : i32
    %lt3A_2706 = vector.broadcast %lt3A_2705 : i32 to vector<16xi32>
    %lt3A_2707 = arith.cmpi slt, %xor3A_2704, %lt3A_2706 : vector<16xi32>
    %add3A_2708 = arith.constant 16 : i32
    %add3A_2709 = vector.broadcast %add3A_2708 : i32 to vector<16xi32>
    %add3A_2710 = arith.addi %xor3A_2704, %add3A_2709 : vector<16xi32>
    %select_n3A_2711 = arith.select %lt3A_2707, %add3A_2710, %xor3A_2704 : vector<16xi1>, vector<16xi32>
    %broadcast_in_dim3A_2712 = vector.shape_cast %select_n3A_2711 : vector<16xi32> to vector<16x1xi32>
    %gather3A_2713 = vector.shape_cast %broadcast_in_dim3A_2712 : vector<16x1xi32> to vector<16xi32>
    %gather3A_2714 = tpu.dynamic_gather %max3A_2701[%gather3A_2713] in [0] : vector<16xf32>, vector<16xi32> -> vector<16xf32>
    %max3A_2715 = arith.maximumf %max3A_2701, %gather3A_2714 : vector<16xf32>
    %max3A_2716 = arith.maximumf %max3A_2658, %max3A_2715 : vector<16xf32>
    %sub3A_2717 = arith.subf %select_n3A_2598, %max3A_2716 : vector<16xf32>
    %exp3A_2718 = math.exp %sub3A_2717 : vector<16xf32>
    %jit3A_2719 = arith.constant 0.000000e+00 : f32
    %broadcast_in_dim3A_2720 = vector.broadcast %jit3A_2719 : f32 to vector<16xf32>
    %select_n3A_2721 = arith.select %eq3A_2592, %exp3A_2718, %broadcast_in_dim3A_2720 : vector<16xi1>, vector<16xf32>
    %sub3A_2722 = arith.subf %select_n3A_2601, %max3A_2716 : vector<16xf32>
    %exp3A_2723 = math.exp %sub3A_2722 : vector<16xf32>
    %jit3A_2724 = arith.constant 0.000000e+00 : f32
    %broadcast_in_dim3A_2725 = vector.broadcast %jit3A_2724 : f32 to vector<16xf32>
    %select_n3A_2726 = arith.select %eq3A_2595, %exp3A_2723, %broadcast_in_dim3A_2725 : vector<16xi1>, vector<16xf32>
    %iota3A_2727 = tpu.iota {dimensions = array<i32: 0>} : vector<16xi32>
    %xor3A_2728 = arith.constant 1 : i32
    %xor3A_2729 = vector.broadcast %xor3A_2728 : i32 to vector<16xi32>
    %xor3A_2730 = arith.xori %iota3A_2727, %xor3A_2729 : vector<16xi32>
    %lt3A_2731 = arith.constant 0 : i32
    %lt3A_2732 = vector.broadcast %lt3A_2731 : i32 to vector<16xi32>
    %lt3A_2733 = arith.cmpi slt, %xor3A_2730, %lt3A_2732 : vector<16xi32>
    %add3A_2734 = arith.constant 16 : i32
    %add3A_2735 = vector.broadcast %add3A_2734 : i32 to vector<16xi32>
    %add3A_2736 = arith.addi %xor3A_2730, %add3A_2735 : vector<16xi32>
    %select_n3A_2737 = arith.select %lt3A_2733, %add3A_2736, %xor3A_2730 : vector<16xi1>, vector<16xi32>
    %broadcast_in_dim3A_2738 = vector.shape_cast %select_n3A_2737 : vector<16xi32> to vector<16x1xi32>
    %gather3A_2739 = vector.shape_cast %broadcast_in_dim3A_2738 : vector<16x1xi32> to vector<16xi32>
    %gather3A_2740 = tpu.dynamic_gather %select_n3A_2721[%gather3A_2739] in [0] : vector<16xf32>, vector<16xi32> -> vector<16xf32>
    %add3A_2741 = arith.addf %select_n3A_2721, %gather3A_2740 : vector<16xf32>
    %xor3A_2742 = arith.constant 2 : i32
    %xor3A_2743 = vector.broadcast %xor3A_2742 : i32 to vector<16xi32>
    %xor3A_2744 = arith.xori %iota3A_2727, %xor3A_2743 : vector<16xi32>
    %lt3A_2745 = arith.constant 0 : i32
    %lt3A_2746 = vector.broadcast %lt3A_2745 : i32 to vector<16xi32>
    %lt3A_2747 = arith.cmpi slt, %xor3A_2744, %lt3A_2746 : vector<16xi32>
    %add3A_2748 = arith.constant 16 : i32
    %add3A_2749 = vector.broadcast %add3A_2748 : i32 to vector<16xi32>
    %add3A_2750 = arith.addi %xor3A_2744, %add3A_2749 : vector<16xi32>
    %select_n3A_2751 = arith.select %lt3A_2747, %add3A_2750, %xor3A_2744 : vector<16xi1>, vector<16xi32>
    %broadcast_in_dim3A_2752 = vector.shape_cast %select_n3A_2751 : vector<16xi32> to vector<16x1xi32>
    %gather3A_2753 = vector.shape_cast %broadcast_in_dim3A_2752 : vector<16x1xi32> to vector<16xi32>
    %gather3A_2754 = tpu.dynamic_gather %add3A_2741[%gather3A_2753] in [0] : vector<16xf32>, vector<16xi32> -> vector<16xf32>
    %add3A_2755 = arith.addf %add3A_2741, %gather3A_2754 : vector<16xf32>
    %xor3A_2756 = arith.constant 4 : i32
    %xor3A_2757 = vector.broadcast %xor3A_2756 : i32 to vector<16xi32>
    %xor3A_2758 = arith.xori %iota3A_2727, %xor3A_2757 : vector<16xi32>
    %lt3A_2759 = arith.constant 0 : i32
    %lt3A_2760 = vector.broadcast %lt3A_2759 : i32 to vector<16xi32>
    %lt3A_2761 = arith.cmpi slt, %xor3A_2758, %lt3A_2760 : vector<16xi32>
    %add3A_2762 = arith.constant 16 : i32
    %add3A_2763 = vector.broadcast %add3A_2762 : i32 to vector<16xi32>
    %add3A_2764 = arith.addi %xor3A_2758, %add3A_2763 : vector<16xi32>
    %select_n3A_2765 = arith.select %lt3A_2761, %add3A_2764, %xor3A_2758 : vector<16xi1>, vector<16xi32>
    %broadcast_in_dim3A_2766 = vector.shape_cast %select_n3A_2765 : vector<16xi32> to vector<16x1xi32>
    %gather3A_2767 = vector.shape_cast %broadcast_in_dim3A_2766 : vector<16x1xi32> to vector<16xi32>
    %gather3A_2768 = tpu.dynamic_gather %add3A_2755[%gather3A_2767] in [0] : vector<16xf32>, vector<16xi32> -> vector<16xf32>
    %add3A_2769 = arith.addf %add3A_2755, %gather3A_2768 : vector<16xf32>
    %xor3A_2770 = arith.constant 8 : i32
    %xor3A_2771 = vector.broadcast %xor3A_2770 : i32 to vector<16xi32>
    %xor3A_2772 = arith.xori %iota3A_2727, %xor3A_2771 : vector<16xi32>
    %lt3A_2773 = arith.constant 0 : i32
    %lt3A_2774 = vector.broadcast %lt3A_2773 : i32 to vector<16xi32>
    %lt3A_2775 = arith.cmpi slt, %xor3A_2772, %lt3A_2774 : vector<16xi32>
    %add3A_2776 = arith.constant 16 : i32
    %add3A_2777 = vector.broadcast %add3A_2776 : i32 to vector<16xi32>
    %add3A_2778 = arith.addi %xor3A_2772, %add3A_2777 : vector<16xi32>
    %select_n3A_2779 = arith.select %lt3A_2775, %add3A_2778, %xor3A_2772 : vector<16xi1>, vector<16xi32>
    %broadcast_in_dim3A_2780 = vector.shape_cast %select_n3A_2779 : vector<16xi32> to vector<16x1xi32>
    %gather3A_2781 = vector.shape_cast %broadcast_in_dim3A_2780 : vector<16x1xi32> to vector<16xi32>
    %gather3A_2782 = tpu.dynamic_gather %add3A_2769[%gather3A_2781] in [0] : vector<16xf32>, vector<16xi32> -> vector<16xf32>
    %add3A_2783 = arith.addf %add3A_2769, %gather3A_2782 : vector<16xf32>
    %iota3A_2784 = tpu.iota {dimensions = array<i32: 0>} : vector<16xi32>
    %xor3A_2785 = arith.constant 1 : i32
    %xor3A_2786 = vector.broadcast %xor3A_2785 : i32 to vector<16xi32>
    %xor3A_2787 = arith.xori %iota3A_2784, %xor3A_2786 : vector<16xi32>
    %lt3A_2788 = arith.constant 0 : i32
    %lt3A_2789 = vector.broadcast %lt3A_2788 : i32 to vector<16xi32>
    %lt3A_2790 = arith.cmpi slt, %xor3A_2787, %lt3A_2789 : vector<16xi32>
    %add3A_2791 = arith.constant 16 : i32
    %add3A_2792 = vector.broadcast %add3A_2791 : i32 to vector<16xi32>
    %add3A_2793 = arith.addi %xor3A_2787, %add3A_2792 : vector<16xi32>
    %select_n3A_2794 = arith.select %lt3A_2790, %add3A_2793, %xor3A_2787 : vector<16xi1>, vector<16xi32>
    %broadcast_in_dim3A_2795 = vector.shape_cast %select_n3A_2794 : vector<16xi32> to vector<16x1xi32>
    %gather3A_2796 = vector.shape_cast %broadcast_in_dim3A_2795 : vector<16x1xi32> to vector<16xi32>
    %gather3A_2797 = tpu.dynamic_gather %select_n3A_2726[%gather3A_2796] in [0] : vector<16xf32>, vector<16xi32> -> vector<16xf32>
    %add3A_2798 = arith.addf %select_n3A_2726, %gather3A_2797 : vector<16xf32>
    %xor3A_2799 = arith.constant 2 : i32
    %xor3A_2800 = vector.broadcast %xor3A_2799 : i32 to vector<16xi32>
    %xor3A_2801 = arith.xori %iota3A_2784, %xor3A_2800 : vector<16xi32>
    %lt3A_2802 = arith.constant 0 : i32
    %lt3A_2803 = vector.broadcast %lt3A_2802 : i32 to vector<16xi32>
    %lt3A_2804 = arith.cmpi slt, %xor3A_2801, %lt3A_2803 : vector<16xi32>
    %add3A_2805 = arith.constant 16 : i32
    %add3A_2806 = vector.broadcast %add3A_2805 : i32 to vector<16xi32>
    %add3A_2807 = arith.addi %xor3A_2801, %add3A_2806 : vector<16xi32>
    %select_n3A_2808 = arith.select %lt3A_2804, %add3A_2807, %xor3A_2801 : vector<16xi1>, vector<16xi32>
    %broadcast_in_dim3A_2809 = vector.shape_cast %select_n3A_2808 : vector<16xi32> to vector<16x1xi32>
    %gather3A_2810 = vector.shape_cast %broadcast_in_dim3A_2809 : vector<16x1xi32> to vector<16xi32>
    %gather3A_2811 = tpu.dynamic_gather %add3A_2798[%gather3A_2810] in [0] : vector<16xf32>, vector<16xi32> -> vector<16xf32>
    %add3A_2812 = arith.addf %add3A_2798, %gather3A_2811 : vector<16xf32>
    %xor3A_2813 = arith.constant 4 : i32
    %xor3A_2814 = vector.broadcast %xor3A_2813 : i32 to vector<16xi32>
    %xor3A_2815 = arith.xori %iota3A_2784, %xor3A_2814 : vector<16xi32>
    %lt3A_2816 = arith.constant 0 : i32
    %lt3A_2817 = vector.broadcast %lt3A_2816 : i32 to vector<16xi32>
    %lt3A_2818 = arith.cmpi slt, %xor3A_2815, %lt3A_2817 : vector<16xi32>
    %add3A_2819 = arith.constant 16 : i32
    %add3A_2820 = vector.broadcast %add3A_2819 : i32 to vector<16xi32>
    %add3A_2821 = arith.addi %xor3A_2815, %add3A_2820 : vector<16xi32>
    %select_n3A_2822 = arith.select %lt3A_2818, %add3A_2821, %xor3A_2815 : vector<16xi1>, vector<16xi32>
    %broadcast_in_dim3A_2823 = vector.shape_cast %select_n3A_2822 : vector<16xi32> to vector<16x1xi32>
    %gather3A_2824 = vector.shape_cast %broadcast_in_dim3A_2823 : vector<16x1xi32> to vector<16xi32>
    %gather3A_2825 = tpu.dynamic_gather %add3A_2812[%gather3A_2824] in [0] : vector<16xf32>, vector<16xi32> -> vector<16xf32>
    %add3A_2826 = arith.addf %add3A_2812, %gather3A_2825 : vector<16xf32>
    %xor3A_2827 = arith.constant 8 : i32
    %xor3A_2828 = vector.broadcast %xor3A_2827 : i32 to vector<16xi32>
    %xor3A_2829 = arith.xori %iota3A_2784, %xor3A_2828 : vector<16xi32>
    %lt3A_2830 = arith.constant 0 : i32
    %lt3A_2831 = vector.broadcast %lt3A_2830 : i32 to vector<16xi32>
    %lt3A_2832 = arith.cmpi slt, %xor3A_2829, %lt3A_2831 : vector<16xi32>
    %add3A_2833 = arith.constant 16 : i32
    %add3A_2834 = vector.broadcast %add3A_2833 : i32 to vector<16xi32>
    %add3A_2835 = arith.addi %xor3A_2829, %add3A_2834 : vector<16xi32>
    %select_n3A_2836 = arith.select %lt3A_2832, %add3A_2835, %xor3A_2829 : vector<16xi1>, vector<16xi32>
    %broadcast_in_dim3A_2837 = vector.shape_cast %select_n3A_2836 : vector<16xi32> to vector<16x1xi32>
    %gather3A_2838 = vector.shape_cast %broadcast_in_dim3A_2837 : vector<16x1xi32> to vector<16xi32>
    %gather3A_2839 = tpu.dynamic_gather %add3A_2826[%gather3A_2838] in [0] : vector<16xf32>, vector<16xi32> -> vector<16xf32>
    %add3A_2840 = arith.addf %add3A_2826, %gather3A_2839 : vector<16xf32>
    %add3A_2841 = arith.addf %add3A_2783, %add3A_2840 : vector<16xf32>
    %add3A_2842 = arith.constant 1.000000e-16 : f32
    %add3A_2843 = vector.broadcast %add3A_2842 : f32 to vector<16xf32>
    %add3A_2844 = arith.addf %add3A_2841, %add3A_2843 : vector<16xf32>
    %div3A_2845 = arith.divf %select_n3A_2721, %add3A_2844 : vector<16xf32>
    %add3A_2846 = arith.addf %add3A_2587, %div3A_2845 : vector<16xf32>
    %div3A_2847 = arith.divf %select_n3A_2726, %add3A_2844 : vector<16xf32>
    %add3A_2848 = arith.addf %add3A_2589, %div3A_2847 : vector<16xf32>
    %eq3A_2849 = arith.constant 3 : i32
    %eq3A_2850 = vector.broadcast %eq3A_2849 : i32 to vector<16xi32>
    %eq3A_2851 = arith.cmpi eq, %get3A_2068, %eq3A_2850 : vector<16xi32>
    %eq3A_2852 = arith.constant 3 : i32
    %eq3A_2853 = vector.broadcast %eq3A_2852 : i32 to vector<16xi32>
    %eq3A_2854 = arith.cmpi eq, %get3A_2071, %eq3A_2853 : vector<16xi32>
    %jit3A_2855 = arith.constant -1.000000e+30 : f32
    %broadcast_in_dim3A_2856 = vector.broadcast %jit3A_2855 : f32 to vector<16xf32>
    %select_n3A_2857 = arith.select %eq3A_2851, %add3A_1653, %broadcast_in_dim3A_2856 : vector<16xi1>, vector<16xf32>
    %jit3A_2858 = arith.constant -1.000000e+30 : f32
    %broadcast_in_dim3A_2859 = vector.broadcast %jit3A_2858 : f32 to vector<16xf32>
    %select_n3A_2860 = arith.select %eq3A_2854, %add3A_2065, %broadcast_in_dim3A_2859 : vector<16xi1>, vector<16xf32>
    %iota3A_2861 = tpu.iota {dimensions = array<i32: 0>} : vector<16xi32>
    %xor3A_2862 = arith.constant 1 : i32
    %xor3A_2863 = vector.broadcast %xor3A_2862 : i32 to vector<16xi32>
    %xor3A_2864 = arith.xori %iota3A_2861, %xor3A_2863 : vector<16xi32>
    %lt3A_2865 = arith.constant 0 : i32
    %lt3A_2866 = vector.broadcast %lt3A_2865 : i32 to vector<16xi32>
    %lt3A_2867 = arith.cmpi slt, %xor3A_2864, %lt3A_2866 : vector<16xi32>
    %add3A_2868 = arith.constant 16 : i32
    %add3A_2869 = vector.broadcast %add3A_2868 : i32 to vector<16xi32>
    %add3A_2870 = arith.addi %xor3A_2864, %add3A_2869 : vector<16xi32>
    %select_n3A_2871 = arith.select %lt3A_2867, %add3A_2870, %xor3A_2864 : vector<16xi1>, vector<16xi32>
    %broadcast_in_dim3A_2872 = vector.shape_cast %select_n3A_2871 : vector<16xi32> to vector<16x1xi32>
    %gather3A_2873 = vector.shape_cast %broadcast_in_dim3A_2872 : vector<16x1xi32> to vector<16xi32>
    %gather3A_2874 = tpu.dynamic_gather %select_n3A_2857[%gather3A_2873] in [0] : vector<16xf32>, vector<16xi32> -> vector<16xf32>
    %max3A_2875 = arith.maximumf %select_n3A_2857, %gather3A_2874 : vector<16xf32>
    %xor3A_2876 = arith.constant 2 : i32
    %xor3A_2877 = vector.broadcast %xor3A_2876 : i32 to vector<16xi32>
    %xor3A_2878 = arith.xori %iota3A_2861, %xor3A_2877 : vector<16xi32>
    %lt3A_2879 = arith.constant 0 : i32
    %lt3A_2880 = vector.broadcast %lt3A_2879 : i32 to vector<16xi32>
    %lt3A_2881 = arith.cmpi slt, %xor3A_2878, %lt3A_2880 : vector<16xi32>
    %add3A_2882 = arith.constant 16 : i32
    %add3A_2883 = vector.broadcast %add3A_2882 : i32 to vector<16xi32>
    %add3A_2884 = arith.addi %xor3A_2878, %add3A_2883 : vector<16xi32>
    %select_n3A_2885 = arith.select %lt3A_2881, %add3A_2884, %xor3A_2878 : vector<16xi1>, vector<16xi32>
    %broadcast_in_dim3A_2886 = vector.shape_cast %select_n3A_2885 : vector<16xi32> to vector<16x1xi32>
    %gather3A_2887 = vector.shape_cast %broadcast_in_dim3A_2886 : vector<16x1xi32> to vector<16xi32>
    %gather3A_2888 = tpu.dynamic_gather %max3A_2875[%gather3A_2887] in [0] : vector<16xf32>, vector<16xi32> -> vector<16xf32>
    %max3A_2889 = arith.maximumf %max3A_2875, %gather3A_2888 : vector<16xf32>
    %xor3A_2890 = arith.constant 4 : i32
    %xor3A_2891 = vector.broadcast %xor3A_2890 : i32 to vector<16xi32>
    %xor3A_2892 = arith.xori %iota3A_2861, %xor3A_2891 : vector<16xi32>
    %lt3A_2893 = arith.constant 0 : i32
    %lt3A_2894 = vector.broadcast %lt3A_2893 : i32 to vector<16xi32>
    %lt3A_2895 = arith.cmpi slt, %xor3A_2892, %lt3A_2894 : vector<16xi32>
    %add3A_2896 = arith.constant 16 : i32
    %add3A_2897 = vector.broadcast %add3A_2896 : i32 to vector<16xi32>
    %add3A_2898 = arith.addi %xor3A_2892, %add3A_2897 : vector<16xi32>
    %select_n3A_2899 = arith.select %lt3A_2895, %add3A_2898, %xor3A_2892 : vector<16xi1>, vector<16xi32>
    %broadcast_in_dim3A_2900 = vector.shape_cast %select_n3A_2899 : vector<16xi32> to vector<16x1xi32>
    %gather3A_2901 = vector.shape_cast %broadcast_in_dim3A_2900 : vector<16x1xi32> to vector<16xi32>
    %gather3A_2902 = tpu.dynamic_gather %max3A_2889[%gather3A_2901] in [0] : vector<16xf32>, vector<16xi32> -> vector<16xf32>
    %max3A_2903 = arith.maximumf %max3A_2889, %gather3A_2902 : vector<16xf32>
    %xor3A_2904 = arith.constant 8 : i32
    %xor3A_2905 = vector.broadcast %xor3A_2904 : i32 to vector<16xi32>
    %xor3A_2906 = arith.xori %iota3A_2861, %xor3A_2905 : vector<16xi32>
    %lt3A_2907 = arith.constant 0 : i32
    %lt3A_2908 = vector.broadcast %lt3A_2907 : i32 to vector<16xi32>
    %lt3A_2909 = arith.cmpi slt, %xor3A_2906, %lt3A_2908 : vector<16xi32>
    %add3A_2910 = arith.constant 16 : i32
    %add3A_2911 = vector.broadcast %add3A_2910 : i32 to vector<16xi32>
    %add3A_2912 = arith.addi %xor3A_2906, %add3A_2911 : vector<16xi32>
    %select_n3A_2913 = arith.select %lt3A_2909, %add3A_2912, %xor3A_2906 : vector<16xi1>, vector<16xi32>
    %broadcast_in_dim3A_2914 = vector.shape_cast %select_n3A_2913 : vector<16xi32> to vector<16x1xi32>
    %gather3A_2915 = vector.shape_cast %broadcast_in_dim3A_2914 : vector<16x1xi32> to vector<16xi32>
    %gather3A_2916 = tpu.dynamic_gather %max3A_2903[%gather3A_2915] in [0] : vector<16xf32>, vector<16xi32> -> vector<16xf32>
    %max3A_2917 = arith.maximumf %max3A_2903, %gather3A_2916 : vector<16xf32>
    %iota3A_2918 = tpu.iota {dimensions = array<i32: 0>} : vector<16xi32>
    %xor3A_2919 = arith.constant 1 : i32
    %xor3A_2920 = vector.broadcast %xor3A_2919 : i32 to vector<16xi32>
    %xor3A_2921 = arith.xori %iota3A_2918, %xor3A_2920 : vector<16xi32>
    %lt3A_2922 = arith.constant 0 : i32
    %lt3A_2923 = vector.broadcast %lt3A_2922 : i32 to vector<16xi32>
    %lt3A_2924 = arith.cmpi slt, %xor3A_2921, %lt3A_2923 : vector<16xi32>
    %add3A_2925 = arith.constant 16 : i32
    %add3A_2926 = vector.broadcast %add3A_2925 : i32 to vector<16xi32>
    %add3A_2927 = arith.addi %xor3A_2921, %add3A_2926 : vector<16xi32>
    %select_n3A_2928 = arith.select %lt3A_2924, %add3A_2927, %xor3A_2921 : vector<16xi1>, vector<16xi32>
    %broadcast_in_dim3A_2929 = vector.shape_cast %select_n3A_2928 : vector<16xi32> to vector<16x1xi32>
    %gather3A_2930 = vector.shape_cast %broadcast_in_dim3A_2929 : vector<16x1xi32> to vector<16xi32>
    %gather3A_2931 = tpu.dynamic_gather %select_n3A_2860[%gather3A_2930] in [0] : vector<16xf32>, vector<16xi32> -> vector<16xf32>
    %max3A_2932 = arith.maximumf %select_n3A_2860, %gather3A_2931 : vector<16xf32>
    %xor3A_2933 = arith.constant 2 : i32
    %xor3A_2934 = vector.broadcast %xor3A_2933 : i32 to vector<16xi32>
    %xor3A_2935 = arith.xori %iota3A_2918, %xor3A_2934 : vector<16xi32>
    %lt3A_2936 = arith.constant 0 : i32
    %lt3A_2937 = vector.broadcast %lt3A_2936 : i32 to vector<16xi32>
    %lt3A_2938 = arith.cmpi slt, %xor3A_2935, %lt3A_2937 : vector<16xi32>
    %add3A_2939 = arith.constant 16 : i32
    %add3A_2940 = vector.broadcast %add3A_2939 : i32 to vector<16xi32>
    %add3A_2941 = arith.addi %xor3A_2935, %add3A_2940 : vector<16xi32>
    %select_n3A_2942 = arith.select %lt3A_2938, %add3A_2941, %xor3A_2935 : vector<16xi1>, vector<16xi32>
    %broadcast_in_dim3A_2943 = vector.shape_cast %select_n3A_2942 : vector<16xi32> to vector<16x1xi32>
    %gather3A_2944 = vector.shape_cast %broadcast_in_dim3A_2943 : vector<16x1xi32> to vector<16xi32>
    %gather3A_2945 = tpu.dynamic_gather %max3A_2932[%gather3A_2944] in [0] : vector<16xf32>, vector<16xi32> -> vector<16xf32>
    %max3A_2946 = arith.maximumf %max3A_2932, %gather3A_2945 : vector<16xf32>
    %xor3A_2947 = arith.constant 4 : i32
    %xor3A_2948 = vector.broadcast %xor3A_2947 : i32 to vector<16xi32>
    %xor3A_2949 = arith.xori %iota3A_2918, %xor3A_2948 : vector<16xi32>
    %lt3A_2950 = arith.constant 0 : i32
    %lt3A_2951 = vector.broadcast %lt3A_2950 : i32 to vector<16xi32>
    %lt3A_2952 = arith.cmpi slt, %xor3A_2949, %lt3A_2951 : vector<16xi32>
    %add3A_2953 = arith.constant 16 : i32
    %add3A_2954 = vector.broadcast %add3A_2953 : i32 to vector<16xi32>
    %add3A_2955 = arith.addi %xor3A_2949, %add3A_2954 : vector<16xi32>
    %select_n3A_2956 = arith.select %lt3A_2952, %add3A_2955, %xor3A_2949 : vector<16xi1>, vector<16xi32>
    %broadcast_in_dim3A_2957 = vector.shape_cast %select_n3A_2956 : vector<16xi32> to vector<16x1xi32>
    %gather3A_2958 = vector.shape_cast %broadcast_in_dim3A_2957 : vector<16x1xi32> to vector<16xi32>
    %gather3A_2959 = tpu.dynamic_gather %max3A_2946[%gather3A_2958] in [0] : vector<16xf32>, vector<16xi32> -> vector<16xf32>
    %max3A_2960 = arith.maximumf %max3A_2946, %gather3A_2959 : vector<16xf32>
    %xor3A_2961 = arith.constant 8 : i32
    %xor3A_2962 = vector.broadcast %xor3A_2961 : i32 to vector<16xi32>
    %xor3A_2963 = arith.xori %iota3A_2918, %xor3A_2962 : vector<16xi32>
    %lt3A_2964 = arith.constant 0 : i32
    %lt3A_2965 = vector.broadcast %lt3A_2964 : i32 to vector<16xi32>
    %lt3A_2966 = arith.cmpi slt, %xor3A_2963, %lt3A_2965 : vector<16xi32>
    %add3A_2967 = arith.constant 16 : i32
    %add3A_2968 = vector.broadcast %add3A_2967 : i32 to vector<16xi32>
    %add3A_2969 = arith.addi %xor3A_2963, %add3A_2968 : vector<16xi32>
    %select_n3A_2970 = arith.select %lt3A_2966, %add3A_2969, %xor3A_2963 : vector<16xi1>, vector<16xi32>
    %broadcast_in_dim3A_2971 = vector.shape_cast %select_n3A_2970 : vector<16xi32> to vector<16x1xi32>
    %gather3A_2972 = vector.shape_cast %broadcast_in_dim3A_2971 : vector<16x1xi32> to vector<16xi32>
    %gather3A_2973 = tpu.dynamic_gather %max3A_2960[%gather3A_2972] in [0] : vector<16xf32>, vector<16xi32> -> vector<16xf32>
    %max3A_2974 = arith.maximumf %max3A_2960, %gather3A_2973 : vector<16xf32>
    %max3A_2975 = arith.maximumf %max3A_2917, %max3A_2974 : vector<16xf32>
    %sub3A_2976 = arith.subf %select_n3A_2857, %max3A_2975 : vector<16xf32>
    %exp3A_2977 = math.exp %sub3A_2976 : vector<16xf32>
    %jit3A_2978 = arith.constant 0.000000e+00 : f32
    %broadcast_in_dim3A_2979 = vector.broadcast %jit3A_2978 : f32 to vector<16xf32>
    %select_n3A_2980 = arith.select %eq3A_2851, %exp3A_2977, %broadcast_in_dim3A_2979 : vector<16xi1>, vector<16xf32>
    %sub3A_2981 = arith.subf %select_n3A_2860, %max3A_2975 : vector<16xf32>
    %exp3A_2982 = math.exp %sub3A_2981 : vector<16xf32>
    %jit3A_2983 = arith.constant 0.000000e+00 : f32
    %broadcast_in_dim3A_2984 = vector.broadcast %jit3A_2983 : f32 to vector<16xf32>
    %select_n3A_2985 = arith.select %eq3A_2854, %exp3A_2982, %broadcast_in_dim3A_2984 : vector<16xi1>, vector<16xf32>
    %iota3A_2986 = tpu.iota {dimensions = array<i32: 0>} : vector<16xi32>
    %xor3A_2987 = arith.constant 1 : i32
    %xor3A_2988 = vector.broadcast %xor3A_2987 : i32 to vector<16xi32>
    %xor3A_2989 = arith.xori %iota3A_2986, %xor3A_2988 : vector<16xi32>
    %lt3A_2990 = arith.constant 0 : i32
    %lt3A_2991 = vector.broadcast %lt3A_2990 : i32 to vector<16xi32>
    %lt3A_2992 = arith.cmpi slt, %xor3A_2989, %lt3A_2991 : vector<16xi32>
    %add3A_2993 = arith.constant 16 : i32
    %add3A_2994 = vector.broadcast %add3A_2993 : i32 to vector<16xi32>
    %add3A_2995 = arith.addi %xor3A_2989, %add3A_2994 : vector<16xi32>
    %select_n3A_2996 = arith.select %lt3A_2992, %add3A_2995, %xor3A_2989 : vector<16xi1>, vector<16xi32>
    %broadcast_in_dim3A_2997 = vector.shape_cast %select_n3A_2996 : vector<16xi32> to vector<16x1xi32>
    %gather3A_2998 = vector.shape_cast %broadcast_in_dim3A_2997 : vector<16x1xi32> to vector<16xi32>
    %gather3A_2999 = tpu.dynamic_gather %select_n3A_2980[%gather3A_2998] in [0] : vector<16xf32>, vector<16xi32> -> vector<16xf32>
    %add3A_3000 = arith.addf %select_n3A_2980, %gather3A_2999 : vector<16xf32>
    %xor3A_3001 = arith.constant 2 : i32
    %xor3A_3002 = vector.broadcast %xor3A_3001 : i32 to vector<16xi32>
    %xor3A_3003 = arith.xori %iota3A_2986, %xor3A_3002 : vector<16xi32>
    %lt3A_3004 = arith.constant 0 : i32
    %lt3A_3005 = vector.broadcast %lt3A_3004 : i32 to vector<16xi32>
    %lt3A_3006 = arith.cmpi slt, %xor3A_3003, %lt3A_3005 : vector<16xi32>
    %add3A_3007 = arith.constant 16 : i32
    %add3A_3008 = vector.broadcast %add3A_3007 : i32 to vector<16xi32>
    %add3A_3009 = arith.addi %xor3A_3003, %add3A_3008 : vector<16xi32>
    %select_n3A_3010 = arith.select %lt3A_3006, %add3A_3009, %xor3A_3003 : vector<16xi1>, vector<16xi32>
    %broadcast_in_dim3A_3011 = vector.shape_cast %select_n3A_3010 : vector<16xi32> to vector<16x1xi32>
    %gather3A_3012 = vector.shape_cast %broadcast_in_dim3A_3011 : vector<16x1xi32> to vector<16xi32>
    %gather3A_3013 = tpu.dynamic_gather %add3A_3000[%gather3A_3012] in [0] : vector<16xf32>, vector<16xi32> -> vector<16xf32>
    %add3A_3014 = arith.addf %add3A_3000, %gather3A_3013 : vector<16xf32>
    %xor3A_3015 = arith.constant 4 : i32
    %xor3A_3016 = vector.broadcast %xor3A_3015 : i32 to vector<16xi32>
    %xor3A_3017 = arith.xori %iota3A_2986, %xor3A_3016 : vector<16xi32>
    %lt3A_3018 = arith.constant 0 : i32
    %lt3A_3019 = vector.broadcast %lt3A_3018 : i32 to vector<16xi32>
    %lt3A_3020 = arith.cmpi slt, %xor3A_3017, %lt3A_3019 : vector<16xi32>
    %add3A_3021 = arith.constant 16 : i32
    %add3A_3022 = vector.broadcast %add3A_3021 : i32 to vector<16xi32>
    %add3A_3023 = arith.addi %xor3A_3017, %add3A_3022 : vector<16xi32>
    %select_n3A_3024 = arith.select %lt3A_3020, %add3A_3023, %xor3A_3017 : vector<16xi1>, vector<16xi32>
    %broadcast_in_dim3A_3025 = vector.shape_cast %select_n3A_3024 : vector<16xi32> to vector<16x1xi32>
    %gather3A_3026 = vector.shape_cast %broadcast_in_dim3A_3025 : vector<16x1xi32> to vector<16xi32>
    %gather3A_3027 = tpu.dynamic_gather %add3A_3014[%gather3A_3026] in [0] : vector<16xf32>, vector<16xi32> -> vector<16xf32>
    %add3A_3028 = arith.addf %add3A_3014, %gather3A_3027 : vector<16xf32>
    %xor3A_3029 = arith.constant 8 : i32
    %xor3A_3030 = vector.broadcast %xor3A_3029 : i32 to vector<16xi32>
    %xor3A_3031 = arith.xori %iota3A_2986, %xor3A_3030 : vector<16xi32>
    %lt3A_3032 = arith.constant 0 : i32
    %lt3A_3033 = vector.broadcast %lt3A_3032 : i32 to vector<16xi32>
    %lt3A_3034 = arith.cmpi slt, %xor3A_3031, %lt3A_3033 : vector<16xi32>
    %add3A_3035 = arith.constant 16 : i32
    %add3A_3036 = vector.broadcast %add3A_3035 : i32 to vector<16xi32>
    %add3A_3037 = arith.addi %xor3A_3031, %add3A_3036 : vector<16xi32>
    %select_n3A_3038 = arith.select %lt3A_3034, %add3A_3037, %xor3A_3031 : vector<16xi1>, vector<16xi32>
    %broadcast_in_dim3A_3039 = vector.shape_cast %select_n3A_3038 : vector<16xi32> to vector<16x1xi32>
    %gather3A_3040 = vector.shape_cast %broadcast_in_dim3A_3039 : vector<16x1xi32> to vector<16xi32>
    %gather3A_3041 = tpu.dynamic_gather %add3A_3028[%gather3A_3040] in [0] : vector<16xf32>, vector<16xi32> -> vector<16xf32>
    %add3A_3042 = arith.addf %add3A_3028, %gather3A_3041 : vector<16xf32>
    %iota3A_3043 = tpu.iota {dimensions = array<i32: 0>} : vector<16xi32>
    %xor3A_3044 = arith.constant 1 : i32
    %xor3A_3045 = vector.broadcast %xor3A_3044 : i32 to vector<16xi32>
    %xor3A_3046 = arith.xori %iota3A_3043, %xor3A_3045 : vector<16xi32>
    %lt3A_3047 = arith.constant 0 : i32
    %lt3A_3048 = vector.broadcast %lt3A_3047 : i32 to vector<16xi32>
    %lt3A_3049 = arith.cmpi slt, %xor3A_3046, %lt3A_3048 : vector<16xi32>
    %add3A_3050 = arith.constant 16 : i32
    %add3A_3051 = vector.broadcast %add3A_3050 : i32 to vector<16xi32>
    %add3A_3052 = arith.addi %xor3A_3046, %add3A_3051 : vector<16xi32>
    %select_n3A_3053 = arith.select %lt3A_3049, %add3A_3052, %xor3A_3046 : vector<16xi1>, vector<16xi32>
    %broadcast_in_dim3A_3054 = vector.shape_cast %select_n3A_3053 : vector<16xi32> to vector<16x1xi32>
    %gather3A_3055 = vector.shape_cast %broadcast_in_dim3A_3054 : vector<16x1xi32> to vector<16xi32>
    %gather3A_3056 = tpu.dynamic_gather %select_n3A_2985[%gather3A_3055] in [0] : vector<16xf32>, vector<16xi32> -> vector<16xf32>
    %add3A_3057 = arith.addf %select_n3A_2985, %gather3A_3056 : vector<16xf32>
    %xor3A_3058 = arith.constant 2 : i32
    %xor3A_3059 = vector.broadcast %xor3A_3058 : i32 to vector<16xi32>
    %xor3A_3060 = arith.xori %iota3A_3043, %xor3A_3059 : vector<16xi32>
    %lt3A_3061 = arith.constant 0 : i32
    %lt3A_3062 = vector.broadcast %lt3A_3061 : i32 to vector<16xi32>
    %lt3A_3063 = arith.cmpi slt, %xor3A_3060, %lt3A_3062 : vector<16xi32>
    %add3A_3064 = arith.constant 16 : i32
    %add3A_3065 = vector.broadcast %add3A_3064 : i32 to vector<16xi32>
    %add3A_3066 = arith.addi %xor3A_3060, %add3A_3065 : vector<16xi32>
    %select_n3A_3067 = arith.select %lt3A_3063, %add3A_3066, %xor3A_3060 : vector<16xi1>, vector<16xi32>
    %broadcast_in_dim3A_3068 = vector.shape_cast %select_n3A_3067 : vector<16xi32> to vector<16x1xi32>
    %gather3A_3069 = vector.shape_cast %broadcast_in_dim3A_3068 : vector<16x1xi32> to vector<16xi32>
    %gather3A_3070 = tpu.dynamic_gather %add3A_3057[%gather3A_3069] in [0] : vector<16xf32>, vector<16xi32> -> vector<16xf32>
    %add3A_3071 = arith.addf %add3A_3057, %gather3A_3070 : vector<16xf32>
    %xor3A_3072 = arith.constant 4 : i32
    %xor3A_3073 = vector.broadcast %xor3A_3072 : i32 to vector<16xi32>
    %xor3A_3074 = arith.xori %iota3A_3043, %xor3A_3073 : vector<16xi32>
    %lt3A_3075 = arith.constant 0 : i32
    %lt3A_3076 = vector.broadcast %lt3A_3075 : i32 to vector<16xi32>
    %lt3A_3077 = arith.cmpi slt, %xor3A_3074, %lt3A_3076 : vector<16xi32>
    %add3A_3078 = arith.constant 16 : i32
    %add3A_3079 = vector.broadcast %add3A_3078 : i32 to vector<16xi32>
    %add3A_3080 = arith.addi %xor3A_3074, %add3A_3079 : vector<16xi32>
    %select_n3A_3081 = arith.select %lt3A_3077, %add3A_3080, %xor3A_3074 : vector<16xi1>, vector<16xi32>
    %broadcast_in_dim3A_3082 = vector.shape_cast %select_n3A_3081 : vector<16xi32> to vector<16x1xi32>
    %gather3A_3083 = vector.shape_cast %broadcast_in_dim3A_3082 : vector<16x1xi32> to vector<16xi32>
    %gather3A_3084 = tpu.dynamic_gather %add3A_3071[%gather3A_3083] in [0] : vector<16xf32>, vector<16xi32> -> vector<16xf32>
    %add3A_3085 = arith.addf %add3A_3071, %gather3A_3084 : vector<16xf32>
    %xor3A_3086 = arith.constant 8 : i32
    %xor3A_3087 = vector.broadcast %xor3A_3086 : i32 to vector<16xi32>
    %xor3A_3088 = arith.xori %iota3A_3043, %xor3A_3087 : vector<16xi32>
    %lt3A_3089 = arith.constant 0 : i32
    %lt3A_3090 = vector.broadcast %lt3A_3089 : i32 to vector<16xi32>
    %lt3A_3091 = arith.cmpi slt, %xor3A_3088, %lt3A_3090 : vector<16xi32>
    %add3A_3092 = arith.constant 16 : i32
    %add3A_3093 = vector.broadcast %add3A_3092 : i32 to vector<16xi32>
    %add3A_3094 = arith.addi %xor3A_3088, %add3A_3093 : vector<16xi32>
    %select_n3A_3095 = arith.select %lt3A_3091, %add3A_3094, %xor3A_3088 : vector<16xi1>, vector<16xi32>
    %broadcast_in_dim3A_3096 = vector.shape_cast %select_n3A_3095 : vector<16xi32> to vector<16x1xi32>
    %gather3A_3097 = vector.shape_cast %broadcast_in_dim3A_3096 : vector<16x1xi32> to vector<16xi32>
    %gather3A_3098 = tpu.dynamic_gather %add3A_3085[%gather3A_3097] in [0] : vector<16xf32>, vector<16xi32> -> vector<16xf32>
    %add3A_3099 = arith.addf %add3A_3085, %gather3A_3098 : vector<16xf32>
    %add3A_3100 = arith.addf %add3A_3042, %add3A_3099 : vector<16xf32>
    %add3A_3101 = arith.constant 1.000000e-16 : f32
    %add3A_3102 = vector.broadcast %add3A_3101 : f32 to vector<16xf32>
    %add3A_3103 = arith.addf %add3A_3100, %add3A_3102 : vector<16xf32>
    %div3A_3104 = arith.divf %select_n3A_2980, %add3A_3103 : vector<16xf32>
    %add3A_3105 = arith.addf %add3A_2846, %div3A_3104 : vector<16xf32>
    %div3A_3106 = arith.divf %select_n3A_2985, %add3A_3103 : vector<16xf32>
    %add3A_3107 = arith.addf %add3A_2848, %div3A_3106 : vector<16xf32>
    %eq3A_3108 = arith.constant 4 : i32
    %eq3A_3109 = vector.broadcast %eq3A_3108 : i32 to vector<16xi32>
    %eq3A_3110 = arith.cmpi eq, %get3A_2068, %eq3A_3109 : vector<16xi32>
    %eq3A_3111 = arith.constant 4 : i32
    %eq3A_3112 = vector.broadcast %eq3A_3111 : i32 to vector<16xi32>
    %eq3A_3113 = arith.cmpi eq, %get3A_2071, %eq3A_3112 : vector<16xi32>
    %jit3A_3114 = arith.constant -1.000000e+30 : f32
    %broadcast_in_dim3A_3115 = vector.broadcast %jit3A_3114 : f32 to vector<16xf32>
    %select_n3A_3116 = arith.select %eq3A_3110, %add3A_1653, %broadcast_in_dim3A_3115 : vector<16xi1>, vector<16xf32>
    %jit3A_3117 = arith.constant -1.000000e+30 : f32
    %broadcast_in_dim3A_3118 = vector.broadcast %jit3A_3117 : f32 to vector<16xf32>
    %select_n3A_3119 = arith.select %eq3A_3113, %add3A_2065, %broadcast_in_dim3A_3118 : vector<16xi1>, vector<16xf32>
    %iota3A_3120 = tpu.iota {dimensions = array<i32: 0>} : vector<16xi32>
    %xor3A_3121 = arith.constant 1 : i32
    %xor3A_3122 = vector.broadcast %xor3A_3121 : i32 to vector<16xi32>
    %xor3A_3123 = arith.xori %iota3A_3120, %xor3A_3122 : vector<16xi32>
    %lt3A_3124 = arith.constant 0 : i32
    %lt3A_3125 = vector.broadcast %lt3A_3124 : i32 to vector<16xi32>
    %lt3A_3126 = arith.cmpi slt, %xor3A_3123, %lt3A_3125 : vector<16xi32>
    %add3A_3127 = arith.constant 16 : i32
    %add3A_3128 = vector.broadcast %add3A_3127 : i32 to vector<16xi32>
    %add3A_3129 = arith.addi %xor3A_3123, %add3A_3128 : vector<16xi32>
    %select_n3A_3130 = arith.select %lt3A_3126, %add3A_3129, %xor3A_3123 : vector<16xi1>, vector<16xi32>
    %broadcast_in_dim3A_3131 = vector.shape_cast %select_n3A_3130 : vector<16xi32> to vector<16x1xi32>
    %gather3A_3132 = vector.shape_cast %broadcast_in_dim3A_3131 : vector<16x1xi32> to vector<16xi32>
    %gather3A_3133 = tpu.dynamic_gather %select_n3A_3116[%gather3A_3132] in [0] : vector<16xf32>, vector<16xi32> -> vector<16xf32>
    %max3A_3134 = arith.maximumf %select_n3A_3116, %gather3A_3133 : vector<16xf32>
    %xor3A_3135 = arith.constant 2 : i32
    %xor3A_3136 = vector.broadcast %xor3A_3135 : i32 to vector<16xi32>
    %xor3A_3137 = arith.xori %iota3A_3120, %xor3A_3136 : vector<16xi32>
    %lt3A_3138 = arith.constant 0 : i32
    %lt3A_3139 = vector.broadcast %lt3A_3138 : i32 to vector<16xi32>
    %lt3A_3140 = arith.cmpi slt, %xor3A_3137, %lt3A_3139 : vector<16xi32>
    %add3A_3141 = arith.constant 16 : i32
    %add3A_3142 = vector.broadcast %add3A_3141 : i32 to vector<16xi32>
    %add3A_3143 = arith.addi %xor3A_3137, %add3A_3142 : vector<16xi32>
    %select_n3A_3144 = arith.select %lt3A_3140, %add3A_3143, %xor3A_3137 : vector<16xi1>, vector<16xi32>
    %broadcast_in_dim3A_3145 = vector.shape_cast %select_n3A_3144 : vector<16xi32> to vector<16x1xi32>
    %gather3A_3146 = vector.shape_cast %broadcast_in_dim3A_3145 : vector<16x1xi32> to vector<16xi32>
    %gather3A_3147 = tpu.dynamic_gather %max3A_3134[%gather3A_3146] in [0] : vector<16xf32>, vector<16xi32> -> vector<16xf32>
    %max3A_3148 = arith.maximumf %max3A_3134, %gather3A_3147 : vector<16xf32>
    %xor3A_3149 = arith.constant 4 : i32
    %xor3A_3150 = vector.broadcast %xor3A_3149 : i32 to vector<16xi32>
    %xor3A_3151 = arith.xori %iota3A_3120, %xor3A_3150 : vector<16xi32>
    %lt3A_3152 = arith.constant 0 : i32
    %lt3A_3153 = vector.broadcast %lt3A_3152 : i32 to vector<16xi32>
    %lt3A_3154 = arith.cmpi slt, %xor3A_3151, %lt3A_3153 : vector<16xi32>
    %add3A_3155 = arith.constant 16 : i32
    %add3A_3156 = vector.broadcast %add3A_3155 : i32 to vector<16xi32>
    %add3A_3157 = arith.addi %xor3A_3151, %add3A_3156 : vector<16xi32>
    %select_n3A_3158 = arith.select %lt3A_3154, %add3A_3157, %xor3A_3151 : vector<16xi1>, vector<16xi32>
    %broadcast_in_dim3A_3159 = vector.shape_cast %select_n3A_3158 : vector<16xi32> to vector<16x1xi32>
    %gather3A_3160 = vector.shape_cast %broadcast_in_dim3A_3159 : vector<16x1xi32> to vector<16xi32>
    %gather3A_3161 = tpu.dynamic_gather %max3A_3148[%gather3A_3160] in [0] : vector<16xf32>, vector<16xi32> -> vector<16xf32>
    %max3A_3162 = arith.maximumf %max3A_3148, %gather3A_3161 : vector<16xf32>
    %xor3A_3163 = arith.constant 8 : i32
    %xor3A_3164 = vector.broadcast %xor3A_3163 : i32 to vector<16xi32>
    %xor3A_3165 = arith.xori %iota3A_3120, %xor3A_3164 : vector<16xi32>
    %lt3A_3166 = arith.constant 0 : i32
    %lt3A_3167 = vector.broadcast %lt3A_3166 : i32 to vector<16xi32>
    %lt3A_3168 = arith.cmpi slt, %xor3A_3165, %lt3A_3167 : vector<16xi32>
    %add3A_3169 = arith.constant 16 : i32
    %add3A_3170 = vector.broadcast %add3A_3169 : i32 to vector<16xi32>
    %add3A_3171 = arith.addi %xor3A_3165, %add3A_3170 : vector<16xi32>
    %select_n3A_3172 = arith.select %lt3A_3168, %add3A_3171, %xor3A_3165 : vector<16xi1>, vector<16xi32>
    %broadcast_in_dim3A_3173 = vector.shape_cast %select_n3A_3172 : vector<16xi32> to vector<16x1xi32>
    %gather3A_3174 = vector.shape_cast %broadcast_in_dim3A_3173 : vector<16x1xi32> to vector<16xi32>
    %gather3A_3175 = tpu.dynamic_gather %max3A_3162[%gather3A_3174] in [0] : vector<16xf32>, vector<16xi32> -> vector<16xf32>
    %max3A_3176 = arith.maximumf %max3A_3162, %gather3A_3175 : vector<16xf32>
    %iota3A_3177 = tpu.iota {dimensions = array<i32: 0>} : vector<16xi32>
    %xor3A_3178 = arith.constant 1 : i32
    %xor3A_3179 = vector.broadcast %xor3A_3178 : i32 to vector<16xi32>
    %xor3A_3180 = arith.xori %iota3A_3177, %xor3A_3179 : vector<16xi32>
    %lt3A_3181 = arith.constant 0 : i32
    %lt3A_3182 = vector.broadcast %lt3A_3181 : i32 to vector<16xi32>
    %lt3A_3183 = arith.cmpi slt, %xor3A_3180, %lt3A_3182 : vector<16xi32>
    %add3A_3184 = arith.constant 16 : i32
    %add3A_3185 = vector.broadcast %add3A_3184 : i32 to vector<16xi32>
    %add3A_3186 = arith.addi %xor3A_3180, %add3A_3185 : vector<16xi32>
    %select_n3A_3187 = arith.select %lt3A_3183, %add3A_3186, %xor3A_3180 : vector<16xi1>, vector<16xi32>
    %broadcast_in_dim3A_3188 = vector.shape_cast %select_n3A_3187 : vector<16xi32> to vector<16x1xi32>
    %gather3A_3189 = vector.shape_cast %broadcast_in_dim3A_3188 : vector<16x1xi32> to vector<16xi32>
    %gather3A_3190 = tpu.dynamic_gather %select_n3A_3119[%gather3A_3189] in [0] : vector<16xf32>, vector<16xi32> -> vector<16xf32>
    %max3A_3191 = arith.maximumf %select_n3A_3119, %gather3A_3190 : vector<16xf32>
    %xor3A_3192 = arith.constant 2 : i32
    %xor3A_3193 = vector.broadcast %xor3A_3192 : i32 to vector<16xi32>
    %xor3A_3194 = arith.xori %iota3A_3177, %xor3A_3193 : vector<16xi32>
    %lt3A_3195 = arith.constant 0 : i32
    %lt3A_3196 = vector.broadcast %lt3A_3195 : i32 to vector<16xi32>
    %lt3A_3197 = arith.cmpi slt, %xor3A_3194, %lt3A_3196 : vector<16xi32>
    %add3A_3198 = arith.constant 16 : i32
    %add3A_3199 = vector.broadcast %add3A_3198 : i32 to vector<16xi32>
    %add3A_3200 = arith.addi %xor3A_3194, %add3A_3199 : vector<16xi32>
    %select_n3A_3201 = arith.select %lt3A_3197, %add3A_3200, %xor3A_3194 : vector<16xi1>, vector<16xi32>
    %broadcast_in_dim3A_3202 = vector.shape_cast %select_n3A_3201 : vector<16xi32> to vector<16x1xi32>
    %gather3A_3203 = vector.shape_cast %broadcast_in_dim3A_3202 : vector<16x1xi32> to vector<16xi32>
    %gather3A_3204 = tpu.dynamic_gather %max3A_3191[%gather3A_3203] in [0] : vector<16xf32>, vector<16xi32> -> vector<16xf32>
    %max3A_3205 = arith.maximumf %max3A_3191, %gather3A_3204 : vector<16xf32>
    %xor3A_3206 = arith.constant 4 : i32
    %xor3A_3207 = vector.broadcast %xor3A_3206 : i32 to vector<16xi32>
    %xor3A_3208 = arith.xori %iota3A_3177, %xor3A_3207 : vector<16xi32>
    %lt3A_3209 = arith.constant 0 : i32
    %lt3A_3210 = vector.broadcast %lt3A_3209 : i32 to vector<16xi32>
    %lt3A_3211 = arith.cmpi slt, %xor3A_3208, %lt3A_3210 : vector<16xi32>
    %add3A_3212 = arith.constant 16 : i32
    %add3A_3213 = vector.broadcast %add3A_3212 : i32 to vector<16xi32>
    %add3A_3214 = arith.addi %xor3A_3208, %add3A_3213 : vector<16xi32>
    %select_n3A_3215 = arith.select %lt3A_3211, %add3A_3214, %xor3A_3208 : vector<16xi1>, vector<16xi32>
    %broadcast_in_dim3A_3216 = vector.shape_cast %select_n3A_3215 : vector<16xi32> to vector<16x1xi32>
    %gather3A_3217 = vector.shape_cast %broadcast_in_dim3A_3216 : vector<16x1xi32> to vector<16xi32>
    %gather3A_3218 = tpu.dynamic_gather %max3A_3205[%gather3A_3217] in [0] : vector<16xf32>, vector<16xi32> -> vector<16xf32>
    %max3A_3219 = arith.maximumf %max3A_3205, %gather3A_3218 : vector<16xf32>
    %xor3A_3220 = arith.constant 8 : i32
    %xor3A_3221 = vector.broadcast %xor3A_3220 : i32 to vector<16xi32>
    %xor3A_3222 = arith.xori %iota3A_3177, %xor3A_3221 : vector<16xi32>
    %lt3A_3223 = arith.constant 0 : i32
    %lt3A_3224 = vector.broadcast %lt3A_3223 : i32 to vector<16xi32>
    %lt3A_3225 = arith.cmpi slt, %xor3A_3222, %lt3A_3224 : vector<16xi32>
    %add3A_3226 = arith.constant 16 : i32
    %add3A_3227 = vector.broadcast %add3A_3226 : i32 to vector<16xi32>
    %add3A_3228 = arith.addi %xor3A_3222, %add3A_3227 : vector<16xi32>
    %select_n3A_3229 = arith.select %lt3A_3225, %add3A_3228, %xor3A_3222 : vector<16xi1>, vector<16xi32>
    %broadcast_in_dim3A_3230 = vector.shape_cast %select_n3A_3229 : vector<16xi32> to vector<16x1xi32>
    %gather3A_3231 = vector.shape_cast %broadcast_in_dim3A_3230 : vector<16x1xi32> to vector<16xi32>
    %gather3A_3232 = tpu.dynamic_gather %max3A_3219[%gather3A_3231] in [0] : vector<16xf32>, vector<16xi32> -> vector<16xf32>
    %max3A_3233 = arith.maximumf %max3A_3219, %gather3A_3232 : vector<16xf32>
    %max3A_3234 = arith.maximumf %max3A_3176, %max3A_3233 : vector<16xf32>
    %sub3A_3235 = arith.subf %select_n3A_3116, %max3A_3234 : vector<16xf32>
    %exp3A_3236 = math.exp %sub3A_3235 : vector<16xf32>
    %jit3A_3237 = arith.constant 0.000000e+00 : f32
    %broadcast_in_dim3A_3238 = vector.broadcast %jit3A_3237 : f32 to vector<16xf32>
    %select_n3A_3239 = arith.select %eq3A_3110, %exp3A_3236, %broadcast_in_dim3A_3238 : vector<16xi1>, vector<16xf32>
    %sub3A_3240 = arith.subf %select_n3A_3119, %max3A_3234 : vector<16xf32>
    %exp3A_3241 = math.exp %sub3A_3240 : vector<16xf32>
    %jit3A_3242 = arith.constant 0.000000e+00 : f32
    %broadcast_in_dim3A_3243 = vector.broadcast %jit3A_3242 : f32 to vector<16xf32>
    %select_n3A_3244 = arith.select %eq3A_3113, %exp3A_3241, %broadcast_in_dim3A_3243 : vector<16xi1>, vector<16xf32>
    %iota3A_3245 = tpu.iota {dimensions = array<i32: 0>} : vector<16xi32>
    %xor3A_3246 = arith.constant 1 : i32
    %xor3A_3247 = vector.broadcast %xor3A_3246 : i32 to vector<16xi32>
    %xor3A_3248 = arith.xori %iota3A_3245, %xor3A_3247 : vector<16xi32>
    %lt3A_3249 = arith.constant 0 : i32
    %lt3A_3250 = vector.broadcast %lt3A_3249 : i32 to vector<16xi32>
    %lt3A_3251 = arith.cmpi slt, %xor3A_3248, %lt3A_3250 : vector<16xi32>
    %add3A_3252 = arith.constant 16 : i32
    %add3A_3253 = vector.broadcast %add3A_3252 : i32 to vector<16xi32>
    %add3A_3254 = arith.addi %xor3A_3248, %add3A_3253 : vector<16xi32>
    %select_n3A_3255 = arith.select %lt3A_3251, %add3A_3254, %xor3A_3248 : vector<16xi1>, vector<16xi32>
    %broadcast_in_dim3A_3256 = vector.shape_cast %select_n3A_3255 : vector<16xi32> to vector<16x1xi32>
    %gather3A_3257 = vector.shape_cast %broadcast_in_dim3A_3256 : vector<16x1xi32> to vector<16xi32>
    %gather3A_3258 = tpu.dynamic_gather %select_n3A_3239[%gather3A_3257] in [0] : vector<16xf32>, vector<16xi32> -> vector<16xf32>
    %add3A_3259 = arith.addf %select_n3A_3239, %gather3A_3258 : vector<16xf32>
    %xor3A_3260 = arith.constant 2 : i32
    %xor3A_3261 = vector.broadcast %xor3A_3260 : i32 to vector<16xi32>
    %xor3A_3262 = arith.xori %iota3A_3245, %xor3A_3261 : vector<16xi32>
    %lt3A_3263 = arith.constant 0 : i32
    %lt3A_3264 = vector.broadcast %lt3A_3263 : i32 to vector<16xi32>
    %lt3A_3265 = arith.cmpi slt, %xor3A_3262, %lt3A_3264 : vector<16xi32>
    %add3A_3266 = arith.constant 16 : i32
    %add3A_3267 = vector.broadcast %add3A_3266 : i32 to vector<16xi32>
    %add3A_3268 = arith.addi %xor3A_3262, %add3A_3267 : vector<16xi32>
    %select_n3A_3269 = arith.select %lt3A_3265, %add3A_3268, %xor3A_3262 : vector<16xi1>, vector<16xi32>
    %broadcast_in_dim3A_3270 = vector.shape_cast %select_n3A_3269 : vector<16xi32> to vector<16x1xi32>
    %gather3A_3271 = vector.shape_cast %broadcast_in_dim3A_3270 : vector<16x1xi32> to vector<16xi32>
    %gather3A_3272 = tpu.dynamic_gather %add3A_3259[%gather3A_3271] in [0] : vector<16xf32>, vector<16xi32> -> vector<16xf32>
    %add3A_3273 = arith.addf %add3A_3259, %gather3A_3272 : vector<16xf32>
    %xor3A_3274 = arith.constant 4 : i32
    %xor3A_3275 = vector.broadcast %xor3A_3274 : i32 to vector<16xi32>
    %xor3A_3276 = arith.xori %iota3A_3245, %xor3A_3275 : vector<16xi32>
    %lt3A_3277 = arith.constant 0 : i32
    %lt3A_3278 = vector.broadcast %lt3A_3277 : i32 to vector<16xi32>
    %lt3A_3279 = arith.cmpi slt, %xor3A_3276, %lt3A_3278 : vector<16xi32>
    %add3A_3280 = arith.constant 16 : i32
    %add3A_3281 = vector.broadcast %add3A_3280 : i32 to vector<16xi32>
    %add3A_3282 = arith.addi %xor3A_3276, %add3A_3281 : vector<16xi32>
    %select_n3A_3283 = arith.select %lt3A_3279, %add3A_3282, %xor3A_3276 : vector<16xi1>, vector<16xi32>
    %broadcast_in_dim3A_3284 = vector.shape_cast %select_n3A_3283 : vector<16xi32> to vector<16x1xi32>
    %gather3A_3285 = vector.shape_cast %broadcast_in_dim3A_3284 : vector<16x1xi32> to vector<16xi32>
    %gather3A_3286 = tpu.dynamic_gather %add3A_3273[%gather3A_3285] in [0] : vector<16xf32>, vector<16xi32> -> vector<16xf32>
    %add3A_3287 = arith.addf %add3A_3273, %gather3A_3286 : vector<16xf32>
    %xor3A_3288 = arith.constant 8 : i32
    %xor3A_3289 = vector.broadcast %xor3A_3288 : i32 to vector<16xi32>
    %xor3A_3290 = arith.xori %iota3A_3245, %xor3A_3289 : vector<16xi32>
    %lt3A_3291 = arith.constant 0 : i32
    %lt3A_3292 = vector.broadcast %lt3A_3291 : i32 to vector<16xi32>
    %lt3A_3293 = arith.cmpi slt, %xor3A_3290, %lt3A_3292 : vector<16xi32>
    %add3A_3294 = arith.constant 16 : i32
    %add3A_3295 = vector.broadcast %add3A_3294 : i32 to vector<16xi32>
    %add3A_3296 = arith.addi %xor3A_3290, %add3A_3295 : vector<16xi32>
    %select_n3A_3297 = arith.select %lt3A_3293, %add3A_3296, %xor3A_3290 : vector<16xi1>, vector<16xi32>
    %broadcast_in_dim3A_3298 = vector.shape_cast %select_n3A_3297 : vector<16xi32> to vector<16x1xi32>
    %gather3A_3299 = vector.shape_cast %broadcast_in_dim3A_3298 : vector<16x1xi32> to vector<16xi32>
    %gather3A_3300 = tpu.dynamic_gather %add3A_3287[%gather3A_3299] in [0] : vector<16xf32>, vector<16xi32> -> vector<16xf32>
    %add3A_3301 = arith.addf %add3A_3287, %gather3A_3300 : vector<16xf32>
    %iota3A_3302 = tpu.iota {dimensions = array<i32: 0>} : vector<16xi32>
    %xor3A_3303 = arith.constant 1 : i32
    %xor3A_3304 = vector.broadcast %xor3A_3303 : i32 to vector<16xi32>
    %xor3A_3305 = arith.xori %iota3A_3302, %xor3A_3304 : vector<16xi32>
    %lt3A_3306 = arith.constant 0 : i32
    %lt3A_3307 = vector.broadcast %lt3A_3306 : i32 to vector<16xi32>
    %lt3A_3308 = arith.cmpi slt, %xor3A_3305, %lt3A_3307 : vector<16xi32>
    %add3A_3309 = arith.constant 16 : i32
    %add3A_3310 = vector.broadcast %add3A_3309 : i32 to vector<16xi32>
    %add3A_3311 = arith.addi %xor3A_3305, %add3A_3310 : vector<16xi32>
    %select_n3A_3312 = arith.select %lt3A_3308, %add3A_3311, %xor3A_3305 : vector<16xi1>, vector<16xi32>
    %broadcast_in_dim3A_3313 = vector.shape_cast %select_n3A_3312 : vector<16xi32> to vector<16x1xi32>
    %gather3A_3314 = vector.shape_cast %broadcast_in_dim3A_3313 : vector<16x1xi32> to vector<16xi32>
    %gather3A_3315 = tpu.dynamic_gather %select_n3A_3244[%gather3A_3314] in [0] : vector<16xf32>, vector<16xi32> -> vector<16xf32>
    %add3A_3316 = arith.addf %select_n3A_3244, %gather3A_3315 : vector<16xf32>
    %xor3A_3317 = arith.constant 2 : i32
    %xor3A_3318 = vector.broadcast %xor3A_3317 : i32 to vector<16xi32>
    %xor3A_3319 = arith.xori %iota3A_3302, %xor3A_3318 : vector<16xi32>
    %lt3A_3320 = arith.constant 0 : i32
    %lt3A_3321 = vector.broadcast %lt3A_3320 : i32 to vector<16xi32>
    %lt3A_3322 = arith.cmpi slt, %xor3A_3319, %lt3A_3321 : vector<16xi32>
    %add3A_3323 = arith.constant 16 : i32
    %add3A_3324 = vector.broadcast %add3A_3323 : i32 to vector<16xi32>
    %add3A_3325 = arith.addi %xor3A_3319, %add3A_3324 : vector<16xi32>
    %select_n3A_3326 = arith.select %lt3A_3322, %add3A_3325, %xor3A_3319 : vector<16xi1>, vector<16xi32>
    %broadcast_in_dim3A_3327 = vector.shape_cast %select_n3A_3326 : vector<16xi32> to vector<16x1xi32>
    %gather3A_3328 = vector.shape_cast %broadcast_in_dim3A_3327 : vector<16x1xi32> to vector<16xi32>
    %gather3A_3329 = tpu.dynamic_gather %add3A_3316[%gather3A_3328] in [0] : vector<16xf32>, vector<16xi32> -> vector<16xf32>
    %add3A_3330 = arith.addf %add3A_3316, %gather3A_3329 : vector<16xf32>
    %xor3A_3331 = arith.constant 4 : i32
    %xor3A_3332 = vector.broadcast %xor3A_3331 : i32 to vector<16xi32>
    %xor3A_3333 = arith.xori %iota3A_3302, %xor3A_3332 : vector<16xi32>
    %lt3A_3334 = arith.constant 0 : i32
    %lt3A_3335 = vector.broadcast %lt3A_3334 : i32 to vector<16xi32>
    %lt3A_3336 = arith.cmpi slt, %xor3A_3333, %lt3A_3335 : vector<16xi32>
    %add3A_3337 = arith.constant 16 : i32
    %add3A_3338 = vector.broadcast %add3A_3337 : i32 to vector<16xi32>
    %add3A_3339 = arith.addi %xor3A_3333, %add3A_3338 : vector<16xi32>
    %select_n3A_3340 = arith.select %lt3A_3336, %add3A_3339, %xor3A_3333 : vector<16xi1>, vector<16xi32>
    %broadcast_in_dim3A_3341 = vector.shape_cast %select_n3A_3340 : vector<16xi32> to vector<16x1xi32>
    %gather3A_3342 = vector.shape_cast %broadcast_in_dim3A_3341 : vector<16x1xi32> to vector<16xi32>
    %gather3A_3343 = tpu.dynamic_gather %add3A_3330[%gather3A_3342] in [0] : vector<16xf32>, vector<16xi32> -> vector<16xf32>
    %add3A_3344 = arith.addf %add3A_3330, %gather3A_3343 : vector<16xf32>
    %xor3A_3345 = arith.constant 8 : i32
    %xor3A_3346 = vector.broadcast %xor3A_3345 : i32 to vector<16xi32>
    %xor3A_3347 = arith.xori %iota3A_3302, %xor3A_3346 : vector<16xi32>
    %lt3A_3348 = arith.constant 0 : i32
    %lt3A_3349 = vector.broadcast %lt3A_3348 : i32 to vector<16xi32>
    %lt3A_3350 = arith.cmpi slt, %xor3A_3347, %lt3A_3349 : vector<16xi32>
    %add3A_3351 = arith.constant 16 : i32
    %add3A_3352 = vector.broadcast %add3A_3351 : i32 to vector<16xi32>
    %add3A_3353 = arith.addi %xor3A_3347, %add3A_3352 : vector<16xi32>
    %select_n3A_3354 = arith.select %lt3A_3350, %add3A_3353, %xor3A_3347 : vector<16xi1>, vector<16xi32>
    %broadcast_in_dim3A_3355 = vector.shape_cast %select_n3A_3354 : vector<16xi32> to vector<16x1xi32>
    %gather3A_3356 = vector.shape_cast %broadcast_in_dim3A_3355 : vector<16x1xi32> to vector<16xi32>
    %gather3A_3357 = tpu.dynamic_gather %add3A_3344[%gather3A_3356] in [0] : vector<16xf32>, vector<16xi32> -> vector<16xf32>
    %add3A_3358 = arith.addf %add3A_3344, %gather3A_3357 : vector<16xf32>
    %add3A_3359 = arith.addf %add3A_3301, %add3A_3358 : vector<16xf32>
    %add3A_3360 = arith.constant 1.000000e-16 : f32
    %add3A_3361 = vector.broadcast %add3A_3360 : f32 to vector<16xf32>
    %add3A_3362 = arith.addf %add3A_3359, %add3A_3361 : vector<16xf32>
    %div3A_3363 = arith.divf %select_n3A_3239, %add3A_3362 : vector<16xf32>
    %add3A_3364 = arith.addf %add3A_3105, %div3A_3363 : vector<16xf32>
    %div3A_3365 = arith.divf %select_n3A_3244, %add3A_3362 : vector<16xf32>
    %add3A_3366 = arith.addf %add3A_3107, %div3A_3365 : vector<16xf32>
    %get3A_3367 = arith.constant 0 : index
    %get3A_3368 = tpu.vector_load %arg12[%get3A_3367] {strides = array<i32>} : memref<32xf32, #tpu.memory_space<vmem>>, vector<16xf32>,
    %get3A_3369 = vector.shape_cast %get3A_3368 : vector<16xf32> to vector<16xf32>
    %mul3A_3370 = arith.mulf %add3A_3364, %get3A_3369 : vector<16xf32>
    %swap3A = arith.constant 0 : index
    %swap3A_3371 = tpu.vector_load %arg13[%swap3A] {strides = array<i32>} : memref<32xf32, #tpu.memory_space<vmem>>, vector<16xf32>,
    %swap3A_3372 = vector.shape_cast %swap3A_3371 : vector<16xf32> to vector<16xf32>
    %swap3A_3373 = vector.shape_cast %mul3A_3370 : vector<16xf32> to vector<16xf32>
    tpu.vector_store %arg13[%swap3A], %swap3A_3373 {strides = array<i32>} : memref<32xf32, #tpu.memory_space<vmem>>, vector<16xf32>,
    %get3A_3374 = arith.constant 16 : index
    %get3A_3375 = tpu.vector_load %arg12[%get3A_3374] {strides = array<i32>} : memref<32xf32, #tpu.memory_space<vmem>>, vector<16xf32>,
    %get3A_3376 = vector.shape_cast %get3A_3375 : vector<16xf32> to vector<16xf32>
    %mul3A_3377 = arith.mulf %add3A_3366, %get3A_3376 : vector<16xf32>
    %swap3A_3378 = arith.constant 16 : index
    %swap3A_3379 = tpu.vector_load %arg13[%swap3A_3378] {strides = array<i32>} : memref<32xf32, #tpu.memory_space<vmem>>, vector<16xf32>,
    %swap3A_3380 = vector.shape_cast %swap3A_3379 : vector<16xf32> to vector<16xf32>
    %swap3A_3381 = vector.shape_cast %mul3A_3377 : vector<16xf32> to vector<16xf32>
    tpu.vector_store %arg13[%swap3A_3378], %swap3A_3381 {strides = array<i32>} : memref<32xf32, #tpu.memory_space<vmem>>, vector<16xf32>,
    %eq3A_3382 = arith.constant 0 : i32
    %eq3A_3383 = arith.cmpi eq, %add3A, %eq3A_3382 : i32
    %convert_element_type3A = arith.extui %eq3A_3383 : i1 to i32
    %cond3A = arith.constant 0 : i32
    %cond3A_3384 = arith.cmpi ne, %convert_element_type3A, %cond3A : i32
    scf.if %cond3A_3384 {
      "tpu.region"() ({
        %run_scoped3A = tpu.sem_alloc : memref<!tpu.dma_semaphore, #tpu.memory_space<semaphore_mem>>
        tpu.enqueue_dma source(%arg13 : memref<32xf32, #tpu.memory_space<vmem>>) target(%arg7 : memref<32xf32, #tpu.memory_space<hbm>>) target_semaphore(%run_scoped3A : memref<!tpu.dma_semaphore, #tpu.memory_space<semaphore_mem>>)
        tpu.wait_dma2 semaphore(%run_scoped3A : memref<!tpu.dma_semaphore, #tpu.memory_space<semaphore_mem>>) src(%arg13 : memref<32xf32, #tpu.memory_space<vmem>>) dst(%arg7 : memref<32xf32, #tpu.memory_space<hbm>>)
        tpu.yield
      }) : () -> ()
    } else {
    }
    return
  }
}

module attributes {stable_mosaic.version = 14 : i64} {
  func.func @pre(%arg0: memref<5x10xf32, #tpu.memory_space<vmem>>, %arg1: memref<1024x10xf32, #tpu.memory_space<vmem>>, %arg2: memref<1x4458xf32, #tpu.memory_space<vmem>>, %arg3: memref<112x32xf32, #tpu.memory_space<vmem>>, %arg4: memref<16x128xf32, #tpu.memory_space<vmem>>, %arg5: memref<5x256xf32, #tpu.memory_space<vmem>>) attributes {dimension_semantics = [], scalar_prefetch = 0 : i64, scratch_operands = 0 : i64, tpu.core_type = #tpu.core_type<tc>} {
    %get3A = arith.constant 0 : index
    %get3A_0 = arith.constant 0 : index
    %get3A_1 = vector.load %arg0[%get3A, %get3A_0] : memref<5x10xf32, #tpu.memory_space<vmem>>, vector<5x10xf32>
    %get3A_2 = arith.constant 0 : index
    %get3A_3 = arith.constant 0 : index
    %get3A_4 = vector.load %arg1[%get3A_2, %get3A_3] : memref<1024x10xf32, #tpu.memory_space<vmem>>, vector<1024x10xf32>
    %dot_general3A = arith.constant dense<0.000000e+00> : vector<5x1024xf32>
    %dot_general3A_5 = tpu.matmul %get3A_1, %get3A_4, %dot_general3A {dimension_numbers = #tpu.dot_dimension_numbers<[1], [1], [0], [0], [0, 0, 1, 0], [], []>, precision = #tpu.contract_precision<fp32>, transpose_lhs_hint = false} : vector<5x10xf32>, vector<1024x10xf32>, vector<5x1024xf32> -> vector<5x1024xf32>
    %get3A_6 = arith.constant 0 : index
    %get3A_7 = arith.constant 0 : index
    %get3A_8 = vector.load %arg2[%get3A_6, %get3A_7] : memref<1x4458xf32, #tpu.memory_space<vmem>>, vector<1x1024xf32>
    %add3A = vector.broadcast %get3A_8 : vector<1x1024xf32> to vector<5x1024xf32>
    %add3A_9 = arith.addf %dot_general3A_5, %add3A : vector<5x1024xf32>
    %get3A_10 = arith.constant 0 : index
    %get3A_11 = arith.constant 1024 : index
    %get3A_12 = vector.load %arg2[%get3A_10, %get3A_11] : memref<1x4458xf32, #tpu.memory_space<vmem>>, vector<1x1024xf32>
    %add3A_13 = vector.broadcast %get3A_12 : vector<1x1024xf32> to vector<5x1024xf32>
    %add3A_14 = arith.addf %add3A_9, %add3A_13 : vector<5x1024xf32>
    %slice3A = vector.extract_strided_slice %add3A_14 {offsets = [0, 0], sizes = [5, 256], strides = [1, 1]} : vector<5x1024xf32> to vector<5x256xf32>
    %logistic3A = arith.negf %slice3A : vector<5x256xf32>
    %logistic3A_15 = math.exp %logistic3A : vector<5x256xf32>
    %logistic3A_16 = arith.constant 1.000000e+00 : f32
    %logistic3A_17 = vector.broadcast %logistic3A_16 : f32 to vector<5x256xf32>
    %logistic3A_18 = arith.addf %logistic3A_17, %logistic3A_15 : vector<5x256xf32>
    %logistic3A_19 = arith.divf %logistic3A_17, %logistic3A_18 : vector<5x256xf32>
    %slice3A_20 = vector.extract_strided_slice %add3A_14 {offsets = [0, 512], sizes = [5, 256], strides = [1, 1]} : vector<5x1024xf32> to vector<5x256xf32>
    %tanh3A = math.tanh %slice3A_20 : vector<5x256xf32>
    %mul3A = arith.mulf %logistic3A_19, %tanh3A : vector<5x256xf32>
    %slice3A_21 = vector.extract_strided_slice %add3A_14 {offsets = [0, 768], sizes = [5, 256], strides = [1, 1]} : vector<5x1024xf32> to vector<5x256xf32>
    %logistic3A_22 = arith.negf %slice3A_21 : vector<5x256xf32>
    %logistic3A_23 = math.exp %logistic3A_22 : vector<5x256xf32>
    %logistic3A_24 = arith.constant 1.000000e+00 : f32
    %logistic3A_25 = vector.broadcast %logistic3A_24 : f32 to vector<5x256xf32>
    %logistic3A_26 = arith.addf %logistic3A_25, %logistic3A_23 : vector<5x256xf32>
    %logistic3A_27 = arith.divf %logistic3A_25, %logistic3A_26 : vector<5x256xf32>
    %tanh3A_28 = math.tanh %mul3A : vector<5x256xf32>
    %mul3A_29 = arith.mulf %logistic3A_27, %tanh3A_28 : vector<5x256xf32>
    %swap3A = arith.constant 0 : index
    %swap3A_30 = arith.constant 0 : index
    %swap3A_31 = vector.load %arg5[%swap3A, %swap3A_30] : memref<5x256xf32, #tpu.memory_space<vmem>>, vector<5x256xf32>
    tpu.vector_store %arg5[%swap3A, %swap3A_30], %mul3A_29 {strides = array<i32>} : memref<5x256xf32, #tpu.memory_space<vmem>>, vector<5x256xf32>,
    %broadcast_in_dim3A = arith.constant 0.000000e+00 : f32
    %broadcast_in_dim3A_32 = vector.broadcast %broadcast_in_dim3A : f32 to vector<16x128xf32>
    %swap3A_33 = arith.constant 0 : index
    %swap3A_34 = arith.constant 0 : index
    %swap3A_35 = vector.load %arg4[%swap3A_33, %swap3A_34] : memref<16x128xf32, #tpu.memory_space<vmem>>, vector<16x128xf32>
    tpu.vector_store %arg4[%swap3A_33, %swap3A_34], %broadcast_in_dim3A_32 {strides = array<i32>} : memref<16x128xf32, #tpu.memory_space<vmem>>, vector<16x128xf32>,
    %get3A_36 = arith.constant 0 : index
    %get3A_37 = arith.constant 0 : index
    %get3A_38 = vector.load %arg3[%get3A_36, %get3A_37] : memref<112x32xf32, #tpu.memory_space<vmem>>, vector<10x32xf32>
    %dot_general3A_39 = arith.constant dense<0.000000e+00> : vector<5x32xf32>
    %dot_general3A_40 = tpu.matmul %get3A_1, %get3A_38, %dot_general3A_39 {dimension_numbers = #tpu.dot_dimension_numbers<[1], [0], [0], [1], [0, 0, 1, 1], [], []>, precision = #tpu.contract_precision<fp32>, transpose_lhs_hint = false} : vector<5x10xf32>, vector<10x32xf32>, vector<5x32xf32> -> vector<5x32xf32>
    %swap3A_41 = arith.constant 0 : index
    %swap3A_42 = arith.constant 0 : index
    %swap3A_43 = vector.load %arg4[%swap3A_41, %swap3A_42] : memref<16x128xf32, #tpu.memory_space<vmem>>, vector<5x32xf32>
    tpu.vector_store %arg4[%swap3A_41, %swap3A_42], %dot_general3A_40 {strides = array<i32>} : memref<16x128xf32, #tpu.memory_space<vmem>>, vector<5x32xf32>,
    %get3A_44 = arith.constant 16 : index
    %get3A_45 = arith.constant 0 : index
    %get3A_46 = vector.load %arg3[%get3A_44, %get3A_45] : memref<112x32xf32, #tpu.memory_space<vmem>>, vector<10x32xf32>
    %dot_general3A_47 = arith.constant dense<0.000000e+00> : vector<5x32xf32>
    %dot_general3A_48 = tpu.matmul %get3A_1, %get3A_46, %dot_general3A_47 {dimension_numbers = #tpu.dot_dimension_numbers<[1], [0], [0], [1], [0, 0, 1, 1], [], []>, precision = #tpu.contract_precision<fp32>, transpose_lhs_hint = false} : vector<5x10xf32>, vector<10x32xf32>, vector<5x32xf32> -> vector<5x32xf32>
    %swap3A_49 = arith.constant 8 : index
    %swap3A_50 = arith.constant 0 : index
    %swap3A_51 = vector.load %arg4[%swap3A_49, %swap3A_50] : memref<16x128xf32, #tpu.memory_space<vmem>>, vector<5x32xf32>
    tpu.vector_store %arg4[%swap3A_49, %swap3A_50], %dot_general3A_48 {strides = array<i32>} : memref<16x128xf32, #tpu.memory_space<vmem>>, vector<5x32xf32>,
    return
  }
}

module attributes {stable_mosaic.version = 14 : i64} {
  func.func @fused(%arg0: memref<2x20xi32, #tpu.memory_space<vmem>>, %arg1: memref<1x32xf32, #tpu.memory_space<vmem>>, %arg2: memref<1x4458xf32, #tpu.memory_space<vmem>>, %arg3: memref<5x256xf32, #tpu.memory_space<vmem>>, %arg4: memref<272x10xf32, #tpu.memory_space<vmem>>, %arg5: memref<5x16xf32, #tpu.memory_space<vmem>>, %arg6: memref<112x32xf32, #tpu.memory_space<vmem>>, %arg7: memref<384x64xf32, #tpu.memory_space<vmem>>, %arg8: memref<1312x256xf32, #tpu.memory_space<vmem>>, %arg9: memref<32x10xf32, #tpu.memory_space<vmem>>) attributes {dimension_semantics = [], scalar_prefetch = 0 : i64, scratch_operands = 0 : i64, tpu.core_type = #tpu.core_type<tc>} {
    %get3A = arith.constant 0 : index
    %get3A_0 = arith.constant 0 : index
    %get3A_1 = vector.load %arg0[%get3A, %get3A_0] : memref<2x20xi32, #tpu.memory_space<vmem>>, vector<2x20xi32>
    %get3A_2 = arith.constant 0 : index
    %get3A_3 = arith.constant 0 : index
    %get3A_4 = vector.load %arg1[%get3A_2, %get3A_3] : memref<1x32xf32, #tpu.memory_space<vmem>>, vector<1x20xf32>
    %slice3A = vector.extract_strided_slice %get3A_1 {offsets = [0, 0], sizes = [1, 20], strides = [1, 1]} : vector<2x20xi32> to vector<1x20xi32>
    %slice3A_5 = vector.extract_strided_slice %get3A_1 {offsets = [1, 0], sizes = [1, 20], strides = [1, 1]} : vector<2x20xi32> to vector<1x20xi32>
    %iota3A = tpu.iota {dimensions = array<i32: 0>} : vector<5x20xi32>
    %iota3A_6 = tpu.iota {dimensions = array<i32: 0>} : vector<32x20xi32>
    %eq3A = vector.broadcast %slice3A : vector<1x20xi32> to vector<5x20xi32>
    %eq3A_7 = arith.cmpi eq, %iota3A, %eq3A : vector<5x20xi32>
    %eq3A_8 = vector.broadcast %slice3A_5 : vector<1x20xi32> to vector<5x20xi32>
    %eq3A_9 = arith.cmpi eq, %iota3A, %eq3A_8 : vector<5x20xi32>
    %convert_element_type3A = arith.extui %eq3A_7 : vector<5x20xi1> to vector<5x20xi32>
    %convert_element_type3A_10 = arith.sitofp %convert_element_type3A : vector<5x20xi32> to vector<5x20xf32>
    %convert_element_type3A_11 = arith.extui %eq3A_9 : vector<5x20xi1> to vector<5x20xi32>
    %convert_element_type3A_12 = arith.sitofp %convert_element_type3A_11 : vector<5x20xi32> to vector<5x20xf32>
    %eq3A_13 = vector.broadcast %slice3A : vector<1x20xi32> to vector<32x20xi32>
    %eq3A_14 = arith.cmpi eq, %iota3A_6, %eq3A_13 : vector<32x20xi32>
    %convert_element_type3A_15 = arith.extui %eq3A_14 : vector<32x20xi1> to vector<32x20xi32>
    %convert_element_type3A_16 = arith.sitofp %convert_element_type3A_15 : vector<32x20xi32> to vector<32x20xf32>
    %eq3A_17 = vector.broadcast %slice3A_5 : vector<1x20xi32> to vector<32x20xi32>
    %eq3A_18 = arith.cmpi eq, %iota3A_6, %eq3A_17 : vector<32x20xi32>
    %convert_element_type3A_19 = arith.extui %eq3A_18 : vector<32x20xi1> to vector<32x20xi32>
    %convert_element_type3A_20 = arith.sitofp %convert_element_type3A_19 : vector<32x20xi32> to vector<32x20xf32>
    %iota3A_21 = tpu.iota {dimensions = array<i32: 0>} : vector<32x32xi32>
    %iota3A_22 = tpu.iota {dimensions = array<i32: 1>} : vector<32x32xi32>
    %ne3A = arith.cmpi ne, %iota3A_21, %iota3A_22 : vector<32x32xi32>
    %eq3A_23 = arith.cmpi eq, %iota3A_21, %iota3A_22 : vector<32x32xi32>
    %convert_element_type3A_24 = arith.extui %eq3A_23 : vector<32x32xi1> to vector<32x32xi32>
    %convert_element_type3A_25 = arith.sitofp %convert_element_type3A_24 : vector<32x32xi32> to vector<32x32xf32>
    %get3A_26 = arith.constant 0 : index
    %get3A_27 = arith.constant 0 : index
    %get3A_28 = vector.load %arg7[%get3A_26, %get3A_27] : memref<384x64xf32, #tpu.memory_space<vmem>>, vector<256x64xf32>
    %get3A_29 = arith.constant 256 : index
    %get3A_30 = arith.constant 0 : index
    %get3A_31 = vector.load %arg7[%get3A_29, %get3A_30] : memref<384x64xf32, #tpu.memory_space<vmem>>, vector<64x64xf32>
    %get3A_32 = arith.constant 320 : index
    %get3A_33 = arith.constant 0 : index
    %get3A_34 = vector.load %arg7[%get3A_32, %get3A_33] : memref<384x64xf32, #tpu.memory_space<vmem>>, vector<64x64xf32>
    %get3A_35 = arith.constant 32 : index
    %get3A_36 = arith.constant 0 : index
    %get3A_37 = vector.load %arg6[%get3A_35, %get3A_36] : memref<112x32xf32, #tpu.memory_space<vmem>>, vector<64x32xf32>
    %get3A_38 = arith.constant 0 : index
    %get3A_39 = arith.constant 0 : index
    %get3A_40 = vector.load %arg3[%get3A_38, %get3A_39] : memref<5x256xf32, #tpu.memory_space<vmem>>, vector<5x256xf32>
    %dot_general3A = arith.constant dense<0.000000e+00> : vector<5x64xf32>
    %dot_general3A_41 = tpu.matmul %get3A_40, %get3A_28, %dot_general3A {dimension_numbers = #tpu.dot_dimension_numbers<[1], [0], [0], [1], [0, 0, 1, 1], [], []>, precision = #tpu.contract_precision<fp32>, transpose_lhs_hint = false} : vector<5x256xf32>, vector<256x64xf32>, vector<5x64xf32> -> vector<5x64xf32>
    %get3A_42 = arith.constant 0 : index
    %get3A_43 = arith.constant 3584 : index
    %get3A_44 = vector.load %arg2[%get3A_42, %get3A_43] : memref<1x4458xf32, #tpu.memory_space<vmem>>, vector<1x64xf32>
    %mul3A = vector.broadcast %get3A_44 : vector<1x64xf32> to vector<5x64xf32>
    %mul3A_45 = arith.mulf %dot_general3A_41, %mul3A : vector<5x64xf32>
    %reduce_sum3A = arith.constant dense<0.000000e+00> : vector<5xf32>
    %reduce_sum3A_46 = vector.multi_reduction <add>, %mul3A_45, %reduce_sum3A [1] : vector<5x64xf32> to vector<5xf32>
    %broadcast_in_dim3A = vector.shape_cast %reduce_sum3A_46 : vector<5xf32> to vector<5x1xf32>
    %get3A_47 = arith.constant 0 : index
    %get3A_48 = arith.constant 3648 : index
    %get3A_49 = vector.load %arg2[%get3A_47, %get3A_48] : memref<1x4458xf32, #tpu.memory_space<vmem>>, vector<1x64xf32>
    %mul3A_50 = vector.broadcast %get3A_49 : vector<1x64xf32> to vector<5x64xf32>
    %mul3A_51 = arith.mulf %dot_general3A_41, %mul3A_50 : vector<5x64xf32>
    %reduce_sum3A_52 = arith.constant dense<0.000000e+00> : vector<5xf32>
    %reduce_sum3A_53 = vector.multi_reduction <add>, %mul3A_51, %reduce_sum3A_52 [1] : vector<5x64xf32> to vector<5xf32>
    %broadcast_in_dim3A_54 = vector.shape_cast %reduce_sum3A_53 : vector<5xf32> to vector<5x1xf32>
    %mul3A_55 = vector.broadcast %broadcast_in_dim3A : vector<5x1xf32> to vector<5x20xf32>
    %mul3A_56 = arith.mulf %convert_element_type3A_10, %mul3A_55 : vector<5x20xf32>
    %reduce_sum3A_57 = arith.constant dense<0.000000e+00> : vector<20xf32>
    %reduce_sum3A_58 = vector.multi_reduction <add>, %mul3A_56, %reduce_sum3A_57 [0] : vector<5x20xf32> to vector<20xf32>
    %broadcast_in_dim3A_59 = vector.shape_cast %reduce_sum3A_58 : vector<20xf32> to vector<1x20xf32>
    %mul3A_60 = vector.broadcast %broadcast_in_dim3A_54 : vector<5x1xf32> to vector<5x20xf32>
    %mul3A_61 = arith.mulf %convert_element_type3A_12, %mul3A_60 : vector<5x20xf32>
    %reduce_sum3A_62 = arith.constant dense<0.000000e+00> : vector<20xf32>
    %reduce_sum3A_63 = vector.multi_reduction <add>, %mul3A_61, %reduce_sum3A_62 [0] : vector<5x20xf32> to vector<20xf32>
    %broadcast_in_dim3A_64 = vector.shape_cast %reduce_sum3A_63 : vector<20xf32> to vector<1x20xf32>
    %add3A = arith.addf %broadcast_in_dim3A_59, %broadcast_in_dim3A_64 : vector<1x20xf32>
    %gt3A = arith.constant 0.000000e+00 : f32
    %gt3A_65 = vector.broadcast %gt3A : f32 to vector<1x20xf32>
    %gt3A_66 = arith.cmpf ogt, %add3A, %gt3A_65 : vector<1x20xf32>
    %mul3A_67 = arith.constant 2.000000e-01 : f32
    %mul3A_68 = vector.broadcast %mul3A_67 : f32 to vector<1x20xf32>
    %mul3A_69 = arith.mulf %mul3A_68, %add3A : vector<1x20xf32>
    %select_n3A = arith.select %gt3A_66, %add3A, %mul3A_69 : vector<1x20xi1>, vector<1x20xf32>
    %jit3A = arith.constant -1.000000e+30 : f32
    %broadcast_in_dim3A_70 = vector.shape_cast %select_n3A : vector<1x20xf32> to vector<1x20xf32>
    %broadcast_in_dim3A_71 = vector.broadcast %broadcast_in_dim3A_70 : vector<1x20xf32> to vector<5x20xf32>
    %broadcast_in_dim3A_72 = vector.broadcast %jit3A : f32 to vector<5x20xf32>
    %select_n3A_73 = arith.select %eq3A_9, %broadcast_in_dim3A_71, %broadcast_in_dim3A_72 : vector<5x20xi1>, vector<5x20xf32>
    %reduce_max3A = arith.constant dense<0xFF800000> : vector<5xf32>
    %reduce_max3A_74 = vector.multi_reduction <maximumf>, %select_n3A_73, %reduce_max3A [1] : vector<5x20xf32> to vector<5xf32>
    %broadcast_in_dim3A_75 = vector.shape_cast %reduce_max3A_74 : vector<5xf32> to vector<5x1xf32>
    %sub3A = vector.broadcast %broadcast_in_dim3A_75 : vector<5x1xf32> to vector<5x20xf32>
    %sub3A_76 = arith.subf %select_n3A_73, %sub3A : vector<5x20xf32>
    %exp3A = math.exp %sub3A_76 : vector<5x20xf32>
    %jit3A_77 = arith.constant 0.000000e+00 : f32
    %broadcast_in_dim3A_78 = vector.broadcast %jit3A_77 : f32 to vector<5x20xf32>
    %select_n3A_79 = arith.select %eq3A_9, %exp3A, %broadcast_in_dim3A_78 : vector<5x20xi1>, vector<5x20xf32>
    %reduce_sum3A_80 = arith.constant dense<0.000000e+00> : vector<5xf32>
    %reduce_sum3A_81 = vector.multi_reduction <add>, %select_n3A_79, %reduce_sum3A_80 [1] : vector<5x20xf32> to vector<5xf32>
    %broadcast_in_dim3A_82 = vector.shape_cast %reduce_sum3A_81 : vector<5xf32> to vector<5x1xf32>
    %add3A_83 = arith.constant 1.000000e-16 : f32
    %add3A_84 = vector.broadcast %add3A_83 : f32 to vector<5x1xf32>
    %add3A_85 = arith.addf %broadcast_in_dim3A_82, %add3A_84 : vector<5x1xf32>
    %div3A = vector.broadcast %add3A_85 : vector<5x1xf32> to vector<5x20xf32>
    %div3A_86 = arith.divf %select_n3A_79, %div3A : vector<5x20xf32>
    %mul3A_87 = vector.broadcast %get3A_4 : vector<1x20xf32> to vector<5x20xf32>
    %mul3A_88 = arith.mulf %div3A_86, %mul3A_87 : vector<5x20xf32>
    %dot_general3A_89 = arith.constant dense<0.000000e+00> : vector<20x64xf32>
    %dot_general3A_90 = tpu.matmul %convert_element_type3A_10, %dot_general3A_41, %dot_general3A_89 {dimension_numbers = #tpu.dot_dimension_numbers<[0], [0], [1], [1], [0, 1, 1, 1], [], []>, precision = #tpu.contract_precision<fp32>, transpose_lhs_hint = false} : vector<5x20xf32>, vector<5x64xf32>, vector<20x64xf32> -> vector<20x64xf32>
    %dot_general3A_91 = arith.constant dense<0.000000e+00> : vector<5x64xf32>
    %dot_general3A_92 = tpu.matmul %mul3A_88, %dot_general3A_90, %dot_general3A_91 {dimension_numbers = #tpu.dot_dimension_numbers<[1], [0], [0], [1], [0, 0, 1, 1], [], []>, precision = #tpu.contract_precision<fp32>, transpose_lhs_hint = false} : vector<5x20xf32>, vector<20x64xf32>, vector<5x64xf32> -> vector<5x64xf32>
    %get3A_93 = arith.constant 0 : index
    %get3A_94 = arith.constant 3712 : index
    %get3A_95 = vector.load %arg2[%get3A_93, %get3A_94] : memref<1x4458xf32, #tpu.memory_space<vmem>>, vector<1x64xf32>
    %add3A_96 = vector.broadcast %get3A_95 : vector<1x64xf32> to vector<5x64xf32>
    %add3A_97 = arith.addf %dot_general3A_92, %add3A_96 : vector<5x64xf32>
    %max3A = arith.constant 0.000000e+00 : f32
    %max3A_98 = vector.broadcast %max3A : f32 to vector<5x64xf32>
    %max3A_99 = arith.maximumf %add3A_97, %max3A_98 : vector<5x64xf32>
    %dot_general3A_100 = arith.constant dense<0.000000e+00> : vector<5x64xf32>
    %dot_general3A_101 = tpu.matmul %max3A_99, %get3A_31, %dot_general3A_100 {dimension_numbers = #tpu.dot_dimension_numbers<[1], [0], [0], [1], [0, 0, 1, 1], [], []>, precision = #tpu.contract_precision<fp32>, transpose_lhs_hint = false} : vector<5x64xf32>, vector<64x64xf32>, vector<5x64xf32> -> vector<5x64xf32>
    %get3A_102 = arith.constant 0 : index
    %get3A_103 = arith.constant 3776 : index
    %get3A_104 = vector.load %arg2[%get3A_102, %get3A_103] : memref<1x4458xf32, #tpu.memory_space<vmem>>, vector<1x64xf32>
    %mul3A_105 = vector.broadcast %get3A_104 : vector<1x64xf32> to vector<5x64xf32>
    %mul3A_106 = arith.mulf %dot_general3A_101, %mul3A_105 : vector<5x64xf32>
    %reduce_sum3A_107 = arith.constant dense<0.000000e+00> : vector<5xf32>
    %reduce_sum3A_108 = vector.multi_reduction <add>, %mul3A_106, %reduce_sum3A_107 [1] : vector<5x64xf32> to vector<5xf32>
    %broadcast_in_dim3A_109 = vector.shape_cast %reduce_sum3A_108 : vector<5xf32> to vector<5x1xf32>
    %get3A_110 = arith.constant 0 : index
    %get3A_111 = arith.constant 3840 : index
    %get3A_112 = vector.load %arg2[%get3A_110, %get3A_111] : memref<1x4458xf32, #tpu.memory_space<vmem>>, vector<1x64xf32>
    %mul3A_113 = vector.broadcast %get3A_112 : vector<1x64xf32> to vector<5x64xf32>
    %mul3A_114 = arith.mulf %dot_general3A_101, %mul3A_113 : vector<5x64xf32>
    %reduce_sum3A_115 = arith.constant dense<0.000000e+00> : vector<5xf32>
    %reduce_sum3A_116 = vector.multi_reduction <add>, %mul3A_114, %reduce_sum3A_115 [1] : vector<5x64xf32> to vector<5xf32>
    %broadcast_in_dim3A_117 = vector.shape_cast %reduce_sum3A_116 : vector<5xf32> to vector<5x1xf32>
    %mul3A_118 = vector.broadcast %broadcast_in_dim3A_109 : vector<5x1xf32> to vector<5x20xf32>
    %mul3A_119 = arith.mulf %convert_element_type3A_10, %mul3A_118 : vector<5x20xf32>
    %reduce_sum3A_120 = arith.constant dense<0.000000e+00> : vector<20xf32>
    %reduce_sum3A_121 = vector.multi_reduction <add>, %mul3A_119, %reduce_sum3A_120 [0] : vector<5x20xf32> to vector<20xf32>
    %broadcast_in_dim3A_122 = vector.shape_cast %reduce_sum3A_121 : vector<20xf32> to vector<1x20xf32>
    %mul3A_123 = vector.broadcast %broadcast_in_dim3A_117 : vector<5x1xf32> to vector<5x20xf32>
    %mul3A_124 = arith.mulf %convert_element_type3A_12, %mul3A_123 : vector<5x20xf32>
    %reduce_sum3A_125 = arith.constant dense<0.000000e+00> : vector<20xf32>
    %reduce_sum3A_126 = vector.multi_reduction <add>, %mul3A_124, %reduce_sum3A_125 [0] : vector<5x20xf32> to vector<20xf32>
    %broadcast_in_dim3A_127 = vector.shape_cast %reduce_sum3A_126 : vector<20xf32> to vector<1x20xf32>
    %add3A_128 = arith.addf %broadcast_in_dim3A_122, %broadcast_in_dim3A_127 : vector<1x20xf32>
    %gt3A_129 = arith.constant 0.000000e+00 : f32
    %gt3A_130 = vector.broadcast %gt3A_129 : f32 to vector<1x20xf32>
    %gt3A_131 = arith.cmpf ogt, %add3A_128, %gt3A_130 : vector<1x20xf32>
    %mul3A_132 = arith.constant 2.000000e-01 : f32
    %mul3A_133 = vector.broadcast %mul3A_132 : f32 to vector<1x20xf32>
    %mul3A_134 = arith.mulf %mul3A_133, %add3A_128 : vector<1x20xf32>
    %select_n3A_135 = arith.select %gt3A_131, %add3A_128, %mul3A_134 : vector<1x20xi1>, vector<1x20xf32>
    %jit3A_136 = arith.constant -1.000000e+30 : f32
    %broadcast_in_dim3A_137 = vector.shape_cast %select_n3A_135 : vector<1x20xf32> to vector<1x20xf32>
    %broadcast_in_dim3A_138 = vector.broadcast %broadcast_in_dim3A_137 : vector<1x20xf32> to vector<5x20xf32>
    %broadcast_in_dim3A_139 = vector.broadcast %jit3A_136 : f32 to vector<5x20xf32>
    %select_n3A_140 = arith.select %eq3A_9, %broadcast_in_dim3A_138, %broadcast_in_dim3A_139 : vector<5x20xi1>, vector<5x20xf32>
    %reduce_max3A_141 = arith.constant dense<0xFF800000> : vector<5xf32>
    %reduce_max3A_142 = vector.multi_reduction <maximumf>, %select_n3A_140, %reduce_max3A_141 [1] : vector<5x20xf32> to vector<5xf32>
    %broadcast_in_dim3A_143 = vector.shape_cast %reduce_max3A_142 : vector<5xf32> to vector<5x1xf32>
    %sub3A_144 = vector.broadcast %broadcast_in_dim3A_143 : vector<5x1xf32> to vector<5x20xf32>
    %sub3A_145 = arith.subf %select_n3A_140, %sub3A_144 : vector<5x20xf32>
    %exp3A_146 = math.exp %sub3A_145 : vector<5x20xf32>
    %jit3A_147 = arith.constant 0.000000e+00 : f32
    %broadcast_in_dim3A_148 = vector.broadcast %jit3A_147 : f32 to vector<5x20xf32>
    %select_n3A_149 = arith.select %eq3A_9, %exp3A_146, %broadcast_in_dim3A_148 : vector<5x20xi1>, vector<5x20xf32>
    %reduce_sum3A_150 = arith.constant dense<0.000000e+00> : vector<5xf32>
    %reduce_sum3A_151 = vector.multi_reduction <add>, %select_n3A_149, %reduce_sum3A_150 [1] : vector<5x20xf32> to vector<5xf32>
    %broadcast_in_dim3A_152 = vector.shape_cast %reduce_sum3A_151 : vector<5xf32> to vector<5x1xf32>
    %add3A_153 = arith.constant 1.000000e-16 : f32
    %add3A_154 = vector.broadcast %add3A_153 : f32 to vector<5x1xf32>
    %add3A_155 = arith.addf %broadcast_in_dim3A_152, %add3A_154 : vector<5x1xf32>
    %div3A_156 = vector.broadcast %add3A_155 : vector<5x1xf32> to vector<5x20xf32>
    %div3A_157 = arith.divf %select_n3A_149, %div3A_156 : vector<5x20xf32>
    %mul3A_158 = vector.broadcast %get3A_4 : vector<1x20xf32> to vector<5x20xf32>
    %mul3A_159 = arith.mulf %div3A_157, %mul3A_158 : vector<5x20xf32>
    %dot_general3A_160 = arith.constant dense<0.000000e+00> : vector<20x64xf32>
    %dot_general3A_161 = tpu.matmul %convert_element_type3A_10, %dot_general3A_101, %dot_general3A_160 {dimension_numbers = #tpu.dot_dimension_numbers<[0], [0], [1], [1], [0, 1, 1, 1], [], []>, precision = #tpu.contract_precision<fp32>, transpose_lhs_hint = false} : vector<5x20xf32>, vector<5x64xf32>, vector<20x64xf32> -> vector<20x64xf32>
    %dot_general3A_162 = arith.constant dense<0.000000e+00> : vector<5x64xf32>
    %dot_general3A_163 = tpu.matmul %mul3A_159, %dot_general3A_161, %dot_general3A_162 {dimension_numbers = #tpu.dot_dimension_numbers<[1], [0], [0], [1], [0, 0, 1, 1], [], []>, precision = #tpu.contract_precision<fp32>, transpose_lhs_hint = false} : vector<5x20xf32>, vector<20x64xf32>, vector<5x64xf32> -> vector<5x64xf32>
    %get3A_164 = arith.constant 0 : index
    %get3A_165 = arith.constant 3904 : index
    %get3A_166 = vector.load %arg2[%get3A_164, %get3A_165] : memref<1x4458xf32, #tpu.memory_space<vmem>>, vector<1x64xf32>
    %add3A_167 = vector.broadcast %get3A_166 : vector<1x64xf32> to vector<5x64xf32>
    %add3A_168 = arith.addf %dot_general3A_163, %add3A_167 : vector<5x64xf32>
    %max3A_169 = arith.constant 0.000000e+00 : f32
    %max3A_170 = vector.broadcast %max3A_169 : f32 to vector<5x64xf32>
    %max3A_171 = arith.maximumf %add3A_168, %max3A_170 : vector<5x64xf32>
    %dot_general3A_172 = arith.constant dense<0.000000e+00> : vector<5x64xf32>
    %dot_general3A_173 = tpu.matmul %max3A_171, %get3A_34, %dot_general3A_172 {dimension_numbers = #tpu.dot_dimension_numbers<[1], [0], [0], [1], [0, 0, 1, 1], [], []>, precision = #tpu.contract_precision<fp32>, transpose_lhs_hint = false} : vector<5x64xf32>, vector<64x64xf32>, vector<5x64xf32> -> vector<5x64xf32>
    %get3A_174 = arith.constant 0 : index
    %get3A_175 = arith.constant 3968 : index
    %get3A_176 = vector.load %arg2[%get3A_174, %get3A_175] : memref<1x4458xf32, #tpu.memory_space<vmem>>, vector<1x64xf32>
    %mul3A_177 = vector.broadcast %get3A_176 : vector<1x64xf32> to vector<5x64xf32>
    %mul3A_178 = arith.mulf %dot_general3A_173, %mul3A_177 : vector<5x64xf32>
    %reduce_sum3A_179 = arith.constant dense<0.000000e+00> : vector<5xf32>
    %reduce_sum3A_180 = vector.multi_reduction <add>, %mul3A_178, %reduce_sum3A_179 [1] : vector<5x64xf32> to vector<5xf32>
    %broadcast_in_dim3A_181 = vector.shape_cast %reduce_sum3A_180 : vector<5xf32> to vector<5x1xf32>
    %get3A_182 = arith.constant 0 : index
    %get3A_183 = arith.constant 4032 : index
    %get3A_184 = vector.load %arg2[%get3A_182, %get3A_183] : memref<1x4458xf32, #tpu.memory_space<vmem>>, vector<1x64xf32>
    %mul3A_185 = vector.broadcast %get3A_184 : vector<1x64xf32> to vector<5x64xf32>
    %mul3A_186 = arith.mulf %dot_general3A_173, %mul3A_185 : vector<5x64xf32>
    %reduce_sum3A_187 = arith.constant dense<0.000000e+00> : vector<5xf32>
    %reduce_sum3A_188 = vector.multi_reduction <add>, %mul3A_186, %reduce_sum3A_187 [1] : vector<5x64xf32> to vector<5xf32>
    %broadcast_in_dim3A_189 = vector.shape_cast %reduce_sum3A_188 : vector<5xf32> to vector<5x1xf32>
    %mul3A_190 = vector.broadcast %broadcast_in_dim3A_181 : vector<5x1xf32> to vector<5x20xf32>
    %mul3A_191 = arith.mulf %convert_element_type3A_10, %mul3A_190 : vector<5x20xf32>
    %reduce_sum3A_192 = arith.constant dense<0.000000e+00> : vector<20xf32>
    %reduce_sum3A_193 = vector.multi_reduction <add>, %mul3A_191, %reduce_sum3A_192 [0] : vector<5x20xf32> to vector<20xf32>
    %broadcast_in_dim3A_194 = vector.shape_cast %reduce_sum3A_193 : vector<20xf32> to vector<1x20xf32>
    %mul3A_195 = vector.broadcast %broadcast_in_dim3A_189 : vector<5x1xf32> to vector<5x20xf32>
    %mul3A_196 = arith.mulf %convert_element_type3A_12, %mul3A_195 : vector<5x20xf32>
    %reduce_sum3A_197 = arith.constant dense<0.000000e+00> : vector<20xf32>
    %reduce_sum3A_198 = vector.multi_reduction <add>, %mul3A_196, %reduce_sum3A_197 [0] : vector<5x20xf32> to vector<20xf32>
    %broadcast_in_dim3A_199 = vector.shape_cast %reduce_sum3A_198 : vector<20xf32> to vector<1x20xf32>
    %add3A_200 = arith.addf %broadcast_in_dim3A_194, %broadcast_in_dim3A_199 : vector<1x20xf32>
    %gt3A_201 = arith.constant 0.000000e+00 : f32
    %gt3A_202 = vector.broadcast %gt3A_201 : f32 to vector<1x20xf32>
    %gt3A_203 = arith.cmpf ogt, %add3A_200, %gt3A_202 : vector<1x20xf32>
    %mul3A_204 = arith.constant 2.000000e-01 : f32
    %mul3A_205 = vector.broadcast %mul3A_204 : f32 to vector<1x20xf32>
    %mul3A_206 = arith.mulf %mul3A_205, %add3A_200 : vector<1x20xf32>
    %select_n3A_207 = arith.select %gt3A_203, %add3A_200, %mul3A_206 : vector<1x20xi1>, vector<1x20xf32>
    %jit3A_208 = arith.constant -1.000000e+30 : f32
    %broadcast_in_dim3A_209 = vector.shape_cast %select_n3A_207 : vector<1x20xf32> to vector<1x20xf32>
    %broadcast_in_dim3A_210 = vector.broadcast %broadcast_in_dim3A_209 : vector<1x20xf32> to vector<5x20xf32>
    %broadcast_in_dim3A_211 = vector.broadcast %jit3A_208 : f32 to vector<5x20xf32>
    %select_n3A_212 = arith.select %eq3A_9, %broadcast_in_dim3A_210, %broadcast_in_dim3A_211 : vector<5x20xi1>, vector<5x20xf32>
    %reduce_max3A_213 = arith.constant dense<0xFF800000> : vector<5xf32>
    %reduce_max3A_214 = vector.multi_reduction <maximumf>, %select_n3A_212, %reduce_max3A_213 [1] : vector<5x20xf32> to vector<5xf32>
    %broadcast_in_dim3A_215 = vector.shape_cast %reduce_max3A_214 : vector<5xf32> to vector<5x1xf32>
    %sub3A_216 = vector.broadcast %broadcast_in_dim3A_215 : vector<5x1xf32> to vector<5x20xf32>
    %sub3A_217 = arith.subf %select_n3A_212, %sub3A_216 : vector<5x20xf32>
    %exp3A_218 = math.exp %sub3A_217 : vector<5x20xf32>
    %jit3A_219 = arith.constant 0.000000e+00 : f32
    %broadcast_in_dim3A_220 = vector.broadcast %jit3A_219 : f32 to vector<5x20xf32>
    %select_n3A_221 = arith.select %eq3A_9, %exp3A_218, %broadcast_in_dim3A_220 : vector<5x20xi1>, vector<5x20xf32>
    %reduce_sum3A_222 = arith.constant dense<0.000000e+00> : vector<5xf32>
    %reduce_sum3A_223 = vector.multi_reduction <add>, %select_n3A_221, %reduce_sum3A_222 [1] : vector<5x20xf32> to vector<5xf32>
    %broadcast_in_dim3A_224 = vector.shape_cast %reduce_sum3A_223 : vector<5xf32> to vector<5x1xf32>
    %add3A_225 = arith.constant 1.000000e-16 : f32
    %add3A_226 = vector.broadcast %add3A_225 : f32 to vector<5x1xf32>
    %add3A_227 = arith.addf %broadcast_in_dim3A_224, %add3A_226 : vector<5x1xf32>
    %div3A_228 = vector.broadcast %add3A_227 : vector<5x1xf32> to vector<5x20xf32>
    %div3A_229 = arith.divf %select_n3A_221, %div3A_228 : vector<5x20xf32>
    %mul3A_230 = vector.broadcast %get3A_4 : vector<1x20xf32> to vector<5x20xf32>
    %mul3A_231 = arith.mulf %div3A_229, %mul3A_230 : vector<5x20xf32>
    %dot_general3A_232 = arith.constant dense<0.000000e+00> : vector<20x64xf32>
    %dot_general3A_233 = tpu.matmul %convert_element_type3A_10, %dot_general3A_173, %dot_general3A_232 {dimension_numbers = #tpu.dot_dimension_numbers<[0], [0], [1], [1], [0, 1, 1, 1], [], []>, precision = #tpu.contract_precision<fp32>, transpose_lhs_hint = false} : vector<5x20xf32>, vector<5x64xf32>, vector<20x64xf32> -> vector<20x64xf32>
    %dot_general3A_234 = arith.constant dense<0.000000e+00> : vector<5x64xf32>
    %dot_general3A_235 = tpu.matmul %mul3A_231, %dot_general3A_233, %dot_general3A_234 {dimension_numbers = #tpu.dot_dimension_numbers<[1], [0], [0], [1], [0, 0, 1, 1], [], []>, precision = #tpu.contract_precision<fp32>, transpose_lhs_hint = false} : vector<5x20xf32>, vector<20x64xf32>, vector<5x64xf32> -> vector<5x64xf32>
    %get3A_236 = arith.constant 0 : index
    %get3A_237 = arith.constant 4096 : index
    %get3A_238 = vector.load %arg2[%get3A_236, %get3A_237] : memref<1x4458xf32, #tpu.memory_space<vmem>>, vector<1x64xf32>
    %add3A_239 = vector.broadcast %get3A_238 : vector<1x64xf32> to vector<5x64xf32>
    %add3A_240 = arith.addf %dot_general3A_235, %add3A_239 : vector<5x64xf32>
    %max3A_241 = arith.constant 0.000000e+00 : f32
    %max3A_242 = vector.broadcast %max3A_241 : f32 to vector<5x64xf32>
    %max3A_243 = arith.maximumf %add3A_240, %max3A_242 : vector<5x64xf32>
    %dot_general3A_244 = arith.constant dense<0.000000e+00> : vector<5x32xf32>
    %dot_general3A_245 = tpu.matmul %max3A_243, %get3A_37, %dot_general3A_244 {dimension_numbers = #tpu.dot_dimension_numbers<[1], [0], [0], [1], [0, 0, 1, 1], [], []>, precision = #tpu.contract_precision<fp32>, transpose_lhs_hint = false} : vector<5x64xf32>, vector<64x32xf32>, vector<5x32xf32> -> vector<5x32xf32>
    %get3A_246 = arith.constant 0 : index
    %get3A_247 = arith.constant 4192 : index
    %get3A_248 = vector.load %arg2[%get3A_246, %get3A_247] : memref<1x4458xf32, #tpu.memory_space<vmem>>, vector<1x32xf32>
    %mul3A_249 = vector.broadcast %get3A_248 : vector<1x32xf32> to vector<5x32xf32>
    %mul3A_250 = arith.mulf %dot_general3A_245, %mul3A_249 : vector<5x32xf32>
    %reduce_sum3A_251 = arith.constant dense<0.000000e+00> : vector<5xf32>
    %reduce_sum3A_252 = vector.multi_reduction <add>, %mul3A_250, %reduce_sum3A_251 [1] : vector<5x32xf32> to vector<5xf32>
    %broadcast_in_dim3A_253 = vector.shape_cast %reduce_sum3A_252 : vector<5xf32> to vector<5x1xf32>
    %get3A_254 = arith.constant 0 : index
    %get3A_255 = arith.constant 4224 : index
    %get3A_256 = vector.load %arg2[%get3A_254, %get3A_255] : memref<1x4458xf32, #tpu.memory_space<vmem>>, vector<1x32xf32>
    %mul3A_257 = vector.broadcast %get3A_256 : vector<1x32xf32> to vector<5x32xf32>
    %mul3A_258 = arith.mulf %dot_general3A_245, %mul3A_257 : vector<5x32xf32>
    %reduce_sum3A_259 = arith.constant dense<0.000000e+00> : vector<5xf32>
    %reduce_sum3A_260 = vector.multi_reduction <add>, %mul3A_258, %reduce_sum3A_259 [1] : vector<5x32xf32> to vector<5xf32>
    %broadcast_in_dim3A_261 = vector.shape_cast %reduce_sum3A_260 : vector<5xf32> to vector<5x1xf32>
    %mul3A_262 = vector.broadcast %broadcast_in_dim3A_253 : vector<5x1xf32> to vector<5x20xf32>
    %mul3A_263 = arith.mulf %convert_element_type3A_10, %mul3A_262 : vector<5x20xf32>
    %reduce_sum3A_264 = arith.constant dense<0.000000e+00> : vector<20xf32>
    %reduce_sum3A_265 = vector.multi_reduction <add>, %mul3A_263, %reduce_sum3A_264 [0] : vector<5x20xf32> to vector<20xf32>
    %broadcast_in_dim3A_266 = vector.shape_cast %reduce_sum3A_265 : vector<20xf32> to vector<1x20xf32>
    %mul3A_267 = vector.broadcast %broadcast_in_dim3A_261 : vector<5x1xf32> to vector<5x20xf32>
    %mul3A_268 = arith.mulf %convert_element_type3A_12, %mul3A_267 : vector<5x20xf32>
    %reduce_sum3A_269 = arith.constant dense<0.000000e+00> : vector<20xf32>
    %reduce_sum3A_270 = vector.multi_reduction <add>, %mul3A_268, %reduce_sum3A_269 [0] : vector<5x20xf32> to vector<20xf32>
    %broadcast_in_dim3A_271 = vector.shape_cast %reduce_sum3A_270 : vector<20xf32> to vector<1x20xf32>
    %add3A_272 = arith.addf %broadcast_in_dim3A_266, %broadcast_in_dim3A_271 : vector<1x20xf32>
    %gt3A_273 = arith.constant 0.000000e+00 : f32
    %gt3A_274 = vector.broadcast %gt3A_273 : f32 to vector<1x20xf32>
    %gt3A_275 = arith.cmpf ogt, %add3A_272, %gt3A_274 : vector<1x20xf32>
    %mul3A_276 = arith.constant 2.000000e-01 : f32
    %mul3A_277 = vector.broadcast %mul3A_276 : f32 to vector<1x20xf32>
    %mul3A_278 = arith.mulf %mul3A_277, %add3A_272 : vector<1x20xf32>
    %select_n3A_279 = arith.select %gt3A_275, %add3A_272, %mul3A_278 : vector<1x20xi1>, vector<1x20xf32>
    %jit3A_280 = arith.constant -1.000000e+30 : f32
    %broadcast_in_dim3A_281 = vector.shape_cast %select_n3A_279 : vector<1x20xf32> to vector<1x20xf32>
    %broadcast_in_dim3A_282 = vector.broadcast %broadcast_in_dim3A_281 : vector<1x20xf32> to vector<5x20xf32>
    %broadcast_in_dim3A_283 = vector.broadcast %jit3A_280 : f32 to vector<5x20xf32>
    %select_n3A_284 = arith.select %eq3A_9, %broadcast_in_dim3A_282, %broadcast_in_dim3A_283 : vector<5x20xi1>, vector<5x20xf32>
    %reduce_max3A_285 = arith.constant dense<0xFF800000> : vector<5xf32>
    %reduce_max3A_286 = vector.multi_reduction <maximumf>, %select_n3A_284, %reduce_max3A_285 [1] : vector<5x20xf32> to vector<5xf32>
    %broadcast_in_dim3A_287 = vector.shape_cast %reduce_max3A_286 : vector<5xf32> to vector<5x1xf32>
    %sub3A_288 = vector.broadcast %broadcast_in_dim3A_287 : vector<5x1xf32> to vector<5x20xf32>
    %sub3A_289 = arith.subf %select_n3A_284, %sub3A_288 : vector<5x20xf32>
    %exp3A_290 = math.exp %sub3A_289 : vector<5x20xf32>
    %jit3A_291 = arith.constant 0.000000e+00 : f32
    %broadcast_in_dim3A_292 = vector.broadcast %jit3A_291 : f32 to vector<5x20xf32>
    %select_n3A_293 = arith.select %eq3A_9, %exp3A_290, %broadcast_in_dim3A_292 : vector<5x20xi1>, vector<5x20xf32>
    %reduce_sum3A_294 = arith.constant dense<0.000000e+00> : vector<5xf32>
    %reduce_sum3A_295 = vector.multi_reduction <add>, %select_n3A_293, %reduce_sum3A_294 [1] : vector<5x20xf32> to vector<5xf32>
    %broadcast_in_dim3A_296 = vector.shape_cast %reduce_sum3A_295 : vector<5xf32> to vector<5x1xf32>
    %add3A_297 = arith.constant 1.000000e-16 : f32
    %add3A_298 = vector.broadcast %add3A_297 : f32 to vector<5x1xf32>
    %add3A_299 = arith.addf %broadcast_in_dim3A_296, %add3A_298 : vector<5x1xf32>
    %div3A_300 = vector.broadcast %add3A_299 : vector<5x1xf32> to vector<5x20xf32>
    %div3A_301 = arith.divf %select_n3A_293, %div3A_300 : vector<5x20xf32>
    %mul3A_302 = vector.broadcast %get3A_4 : vector<1x20xf32> to vector<5x20xf32>
    %mul3A_303 = arith.mulf %div3A_301, %mul3A_302 : vector<5x20xf32>
    %dot_general3A_304 = arith.constant dense<0.000000e+00> : vector<20x32xf32>
    %dot_general3A_305 = tpu.matmul %convert_element_type3A_10, %dot_general3A_245, %dot_general3A_304 {dimension_numbers = #tpu.dot_dimension_numbers<[0], [0], [1], [1], [0, 1, 1, 1], [], []>, precision = #tpu.contract_precision<fp32>, transpose_lhs_hint = false} : vector<5x20xf32>, vector<5x32xf32>, vector<20x32xf32> -> vector<20x32xf32>
    %get3A_306 = arith.constant 0 : index
    %get3A_307 = arith.constant 4256 : index
    %get3A_308 = vector.load %arg2[%get3A_306, %get3A_307] : memref<1x4458xf32, #tpu.memory_space<vmem>>, vector<1x32xf32>
    %dot_general3A_309 = arith.constant dense<0.000000e+00> : vector<32x1xf32>
    %dot_general3A_310 = tpu.matmul %convert_element_type3A_25, %get3A_308, %dot_general3A_309 {dimension_numbers = #tpu.dot_dimension_numbers<[1], [1], [0], [0], [0, 0, 1, 0], [], []>, precision = #tpu.contract_precision<fp32>, transpose_lhs_hint = false} : vector<32x32xf32>, vector<1x32xf32>, vector<32x1xf32> -> vector<32x1xf32>
    %dot_general3A_311 = arith.constant dense<0.000000e+00> : vector<32x5xf32>
    %dot_general3A_312 = tpu.matmul %dot_general3A_305, %mul3A_303, %dot_general3A_311 {dimension_numbers = #tpu.dot_dimension_numbers<[0], [1], [1], [0], [0, 1, 1, 0], [], []>, precision = #tpu.contract_precision<fp32>, transpose_lhs_hint = false} : vector<20x32xf32>, vector<5x20xf32>, vector<32x5xf32> -> vector<32x5xf32>
    %add3A_313 = vector.broadcast %dot_general3A_310 : vector<32x1xf32> to vector<32x5xf32>
    %add3A_314 = arith.addf %dot_general3A_312, %add3A_313 : vector<32x5xf32>
    %get3A_315 = arith.constant 0 : index
    %get3A_316 = arith.constant 0 : index
    %get3A_317 = vector.load %arg5[%get3A_315, %get3A_316] : memref<5x16xf32, #tpu.memory_space<vmem>>, vector<5x16xf32>
    %get3A_318 = arith.constant 96 : index
    %get3A_319 = arith.constant 0 : index
    %get3A_320 = vector.load %arg6[%get3A_318, %get3A_319] : memref<112x32xf32, #tpu.memory_space<vmem>>, vector<16x32xf32>
    %dot_general3A_321 = arith.constant dense<0.000000e+00> : vector<32x16xf32>
    %dot_general3A_322 = tpu.matmul %add3A_314, %get3A_317, %dot_general3A_321 {dimension_numbers = #tpu.dot_dimension_numbers<[1], [0], [0], [1], [0, 0, 1, 1], [], []>, precision = #tpu.contract_precision<fp32>, transpose_lhs_hint = false} : vector<32x5xf32>, vector<5x16xf32>, vector<32x16xf32> -> vector<32x16xf32>
    %dot_general3A_323 = arith.constant dense<0.000000e+00> : vector<16x32xf32>
    %dot_general3A_324 = tpu.matmul %get3A_317, %add3A_314, %dot_general3A_323 {dimension_numbers = #tpu.dot_dimension_numbers<[0], [1], [1], [0], [0, 1, 1, 0], [], []>, precision = #tpu.contract_precision<fp32>, transpose_lhs_hint = false} : vector<5x16xf32>, vector<32x5xf32>, vector<16x32xf32> -> vector<16x32xf32>
    %get3A_325 = arith.constant 0 : index
    %get3A_326 = arith.constant 4384 : index
    %get3A_327 = vector.load %arg2[%get3A_325, %get3A_326] : memref<1x4458xf32, #tpu.memory_space<vmem>>, vector<1x16xf32>
    %dot_general3A_328 = arith.constant dense<0.000000e+00> : vector<1x32xf32>
    %dot_general3A_329 = tpu.matmul %get3A_327, %dot_general3A_324, %dot_general3A_328 {dimension_numbers = #tpu.dot_dimension_numbers<[1], [0], [0], [1], [0, 0, 1, 1], [], []>, precision = #tpu.contract_precision<fp32>, transpose_lhs_hint = false} : vector<1x16xf32>, vector<16x32xf32>, vector<1x32xf32> -> vector<1x32xf32>
    %get3A_330 = arith.constant 0 : index
    %get3A_331 = arith.constant 4400 : index
    %get3A_332 = vector.load %arg2[%get3A_330, %get3A_331] : memref<1x4458xf32, #tpu.memory_space<vmem>>, vector<1x16xf32>
    %mul3A_333 = vector.broadcast %get3A_332 : vector<1x16xf32> to vector<32x16xf32>
    %mul3A_334 = arith.mulf %dot_general3A_322, %mul3A_333 : vector<32x16xf32>
    %reduce_sum3A_335 = arith.constant dense<0.000000e+00> : vector<32xf32>
    %reduce_sum3A_336 = vector.multi_reduction <add>, %mul3A_334, %reduce_sum3A_335 [1] : vector<32x16xf32> to vector<32xf32>
    %broadcast_in_dim3A_337 = vector.shape_cast %reduce_sum3A_336 : vector<32xf32> to vector<32x1xf32>
    %add3A_338 = vector.broadcast %broadcast_in_dim3A_337 : vector<32x1xf32> to vector<32x32xf32>
    %add3A_339 = vector.broadcast %dot_general3A_329 : vector<1x32xf32> to vector<32x32xf32>
    %add3A_340 = arith.addf %add3A_338, %add3A_339 : vector<32x32xf32>
    %gt3A_341 = arith.constant 0.000000e+00 : f32
    %gt3A_342 = vector.broadcast %gt3A_341 : f32 to vector<32x32xf32>
    %gt3A_343 = arith.cmpf ogt, %add3A_340, %gt3A_342 : vector<32x32xf32>
    %mul3A_344 = arith.constant 2.000000e-01 : f32
    %mul3A_345 = vector.broadcast %mul3A_344 : f32 to vector<32x32xf32>
    %mul3A_346 = arith.mulf %mul3A_345, %add3A_340 : vector<32x32xf32>
    %select_n3A_347 = arith.select %gt3A_343, %add3A_340, %mul3A_346 : vector<32x32xi1>, vector<32x32xf32>
    %jit3A_348 = arith.constant -1.000000e+30 : f32
    %broadcast_in_dim3A_349 = vector.broadcast %jit3A_348 : f32 to vector<32x32xf32>
    %select_n3A_350 = arith.select %ne3A, %select_n3A_347, %broadcast_in_dim3A_349 : vector<32x32xi1>, vector<32x32xf32>
    %reduce_max3A_351 = arith.constant dense<0xFF800000> : vector<32xf32>
    %reduce_max3A_352 = vector.multi_reduction <maximumf>, %select_n3A_350, %reduce_max3A_351 [1] : vector<32x32xf32> to vector<32xf32>
    %broadcast_in_dim3A_353 = vector.shape_cast %reduce_max3A_352 : vector<32xf32> to vector<32x1xf32>
    %sub3A_354 = vector.broadcast %broadcast_in_dim3A_353 : vector<32x1xf32> to vector<32x32xf32>
    %sub3A_355 = arith.subf %select_n3A_350, %sub3A_354 : vector<32x32xf32>
    %exp3A_356 = math.exp %sub3A_355 : vector<32x32xf32>
    %jit3A_357 = arith.constant 0.000000e+00 : f32
    %broadcast_in_dim3A_358 = vector.broadcast %jit3A_357 : f32 to vector<32x32xf32>
    %select_n3A_359 = arith.select %ne3A, %exp3A_356, %broadcast_in_dim3A_358 : vector<32x32xi1>, vector<32x32xf32>
    %reduce_sum3A_360 = arith.constant dense<0.000000e+00> : vector<32xf32>
    %reduce_sum3A_361 = vector.multi_reduction <add>, %select_n3A_359, %reduce_sum3A_360 [1] : vector<32x32xf32> to vector<32xf32>
    %broadcast_in_dim3A_362 = vector.shape_cast %reduce_sum3A_361 : vector<32xf32> to vector<32x1xf32>
    %add3A_363 = arith.constant 1.000000e-16 : f32
    %add3A_364 = vector.broadcast %add3A_363 : f32 to vector<32x1xf32>
    %add3A_365 = arith.addf %broadcast_in_dim3A_362, %add3A_364 : vector<32x1xf32>
    %div3A_366 = vector.broadcast %add3A_365 : vector<32x1xf32> to vector<32x32xf32>
    %div3A_367 = arith.divf %select_n3A_359, %div3A_366 : vector<32x32xf32>
    %dot_general3A_368 = arith.constant dense<0.000000e+00> : vector<32x16xf32>
    %dot_general3A_369 = tpu.matmul %div3A_367, %dot_general3A_322, %dot_general3A_368 {dimension_numbers = #tpu.dot_dimension_numbers<[1], [0], [0], [1], [0, 0, 1, 1], [], []>, precision = #tpu.contract_precision<fp32>, transpose_lhs_hint = false} : vector<32x32xf32>, vector<32x16xf32>, vector<32x16xf32> -> vector<32x16xf32>
    %get3A_370 = arith.constant 0 : index
    %get3A_371 = arith.constant 4416 : index
    %get3A_372 = vector.load %arg2[%get3A_370, %get3A_371] : memref<1x4458xf32, #tpu.memory_space<vmem>>, vector<1x16xf32>
    %add3A_373 = vector.broadcast %get3A_372 : vector<1x16xf32> to vector<32x16xf32>
    %add3A_374 = arith.addf %dot_general3A_369, %add3A_373 : vector<32x16xf32>
    %max3A_375 = arith.constant 0.000000e+00 : f32
    %max3A_376 = vector.broadcast %max3A_375 : f32 to vector<32x16xf32>
    %max3A_377 = arith.maximumf %add3A_374, %max3A_376 : vector<32x16xf32>
    %dot_general3A_378 = arith.constant dense<0.000000e+00> : vector<32x32xf32>
    %dot_general3A_379 = tpu.matmul %max3A_377, %get3A_320, %dot_general3A_378 {dimension_numbers = #tpu.dot_dimension_numbers<[1], [0], [0], [1], [0, 0, 1, 1], [], []>, precision = #tpu.contract_precision<fp32>, transpose_lhs_hint = false} : vector<32x16xf32>, vector<16x32xf32>, vector<32x32xf32> -> vector<32x32xf32>
    %dot_general3A_380 = arith.constant dense<0.000000e+00> : vector<32x32xf32>
    %dot_general3A_381 = tpu.matmul %get3A_320, %max3A_377, %dot_general3A_380 {dimension_numbers = #tpu.dot_dimension_numbers<[0], [1], [1], [0], [0, 1, 1, 0], [], []>, precision = #tpu.contract_precision<fp32>, transpose_lhs_hint = false} : vector<16x32xf32>, vector<32x16xf32>, vector<32x32xf32> -> vector<32x32xf32>
    %get3A_382 = arith.constant 0 : index
    %get3A_383 = arith.constant 4288 : index
    %get3A_384 = vector.load %arg2[%get3A_382, %get3A_383] : memref<1x4458xf32, #tpu.memory_space<vmem>>, vector<1x32xf32>
    %dot_general3A_385 = arith.constant dense<0.000000e+00> : vector<1x32xf32>
    %dot_general3A_386 = tpu.matmul %get3A_384, %dot_general3A_381, %dot_general3A_385 {dimension_numbers = #tpu.dot_dimension_numbers<[1], [0], [0], [1], [0, 0, 1, 1], [], []>, precision = #tpu.contract_precision<fp32>, transpose_lhs_hint = false} : vector<1x32xf32>, vector<32x32xf32>, vector<1x32xf32> -> vector<1x32xf32>
    %get3A_387 = arith.constant 0 : index
    %get3A_388 = arith.constant 4320 : index
    %get3A_389 = vector.load %arg2[%get3A_387, %get3A_388] : memref<1x4458xf32, #tpu.memory_space<vmem>>, vector<1x32xf32>
    %mul3A_390 = vector.broadcast %get3A_389 : vector<1x32xf32> to vector<32x32xf32>
    %mul3A_391 = arith.mulf %dot_general3A_379, %mul3A_390 : vector<32x32xf32>
    %reduce_sum3A_392 = arith.constant dense<0.000000e+00> : vector<32xf32>
    %reduce_sum3A_393 = vector.multi_reduction <add>, %mul3A_391, %reduce_sum3A_392 [1] : vector<32x32xf32> to vector<32xf32>
    %broadcast_in_dim3A_394 = vector.shape_cast %reduce_sum3A_393 : vector<32xf32> to vector<32x1xf32>
    %add3A_395 = vector.broadcast %broadcast_in_dim3A_394 : vector<32x1xf32> to vector<32x32xf32>
    %add3A_396 = vector.broadcast %dot_general3A_386 : vector<1x32xf32> to vector<32x32xf32>
    %add3A_397 = arith.addf %add3A_395, %add3A_396 : vector<32x32xf32>
    %gt3A_398 = arith.constant 0.000000e+00 : f32
    %gt3A_399 = vector.broadcast %gt3A_398 : f32 to vector<32x32xf32>
    %gt3A_400 = arith.cmpf ogt, %add3A_397, %gt3A_399 : vector<32x32xf32>
    %mul3A_401 = arith.constant 2.000000e-01 : f32
    %mul3A_402 = vector.broadcast %mul3A_401 : f32 to vector<32x32xf32>
    %mul3A_403 = arith.mulf %mul3A_402, %add3A_397 : vector<32x32xf32>
    %select_n3A_404 = arith.select %gt3A_400, %add3A_397, %mul3A_403 : vector<32x32xi1>, vector<32x32xf32>
    %jit3A_405 = arith.constant -1.000000e+30 : f32
    %broadcast_in_dim3A_406 = vector.broadcast %jit3A_405 : f32 to vector<32x32xf32>
    %select_n3A_407 = arith.select %ne3A, %select_n3A_404, %broadcast_in_dim3A_406 : vector<32x32xi1>, vector<32x32xf32>
    %reduce_max3A_408 = arith.constant dense<0xFF800000> : vector<32xf32>
    %reduce_max3A_409 = vector.multi_reduction <maximumf>, %select_n3A_407, %reduce_max3A_408 [1] : vector<32x32xf32> to vector<32xf32>
    %broadcast_in_dim3A_410 = vector.shape_cast %reduce_max3A_409 : vector<32xf32> to vector<32x1xf32>
    %sub3A_411 = vector.broadcast %broadcast_in_dim3A_410 : vector<32x1xf32> to vector<32x32xf32>
    %sub3A_412 = arith.subf %select_n3A_407, %sub3A_411 : vector<32x32xf32>
    %exp3A_413 = math.exp %sub3A_412 : vector<32x32xf32>
    %jit3A_414 = arith.constant 0.000000e+00 : f32
    %broadcast_in_dim3A_415 = vector.broadcast %jit3A_414 : f32 to vector<32x32xf32>
    %select_n3A_416 = arith.select %ne3A, %exp3A_413, %broadcast_in_dim3A_415 : vector<32x32xi1>, vector<32x32xf32>
    %reduce_sum3A_417 = arith.constant dense<0.000000e+00> : vector<32xf32>
    %reduce_sum3A_418 = vector.multi_reduction <add>, %select_n3A_416, %reduce_sum3A_417 [1] : vector<32x32xf32> to vector<32xf32>
    %broadcast_in_dim3A_419 = vector.shape_cast %reduce_sum3A_418 : vector<32xf32> to vector<32x1xf32>
    %add3A_420 = arith.constant 1.000000e-16 : f32
    %add3A_421 = vector.broadcast %add3A_420 : f32 to vector<32x1xf32>
    %add3A_422 = arith.addf %broadcast_in_dim3A_419, %add3A_421 : vector<32x1xf32>
    %div3A_423 = vector.broadcast %add3A_422 : vector<32x1xf32> to vector<32x32xf32>
    %div3A_424 = arith.divf %select_n3A_416, %div3A_423 : vector<32x32xf32>
    %get3A_425 = arith.constant 0 : index
    %get3A_426 = arith.constant 4352 : index
    %get3A_427 = vector.load %arg2[%get3A_425, %get3A_426] : memref<1x4458xf32, #tpu.memory_space<vmem>>, vector<1x32xf32>
    %dot_general3A_428 = arith.constant dense<0.000000e+00> : vector<32x1xf32>
    %dot_general3A_429 = tpu.matmul %convert_element_type3A_25, %get3A_427, %dot_general3A_428 {dimension_numbers = #tpu.dot_dimension_numbers<[1], [1], [0], [0], [0, 0, 1, 0], [], []>, precision = #tpu.contract_precision<fp32>, transpose_lhs_hint = false} : vector<32x32xf32>, vector<1x32xf32>, vector<32x1xf32> -> vector<32x1xf32>
    %dot_general3A_430 = arith.constant dense<0.000000e+00> : vector<32x32xf32>
    %dot_general3A_431 = tpu.matmul %dot_general3A_379, %div3A_424, %dot_general3A_430 {dimension_numbers = #tpu.dot_dimension_numbers<[0], [1], [1], [0], [0, 1, 1, 0], [], []>, precision = #tpu.contract_precision<fp32>, transpose_lhs_hint = false} : vector<32x32xf32>, vector<32x32xf32>, vector<32x32xf32> -> vector<32x32xf32>
    %add3A_432 = vector.broadcast %dot_general3A_429 : vector<32x1xf32> to vector<32x32xf32>
    %add3A_433 = arith.addf %dot_general3A_431, %add3A_432 : vector<32x32xf32>
    %dot_general3A_434 = arith.constant dense<0.000000e+00> : vector<32x32xf32>
    %dot_general3A_435 = tpu.matmul %convert_element_type3A_20, %convert_element_type3A_16, %dot_general3A_434 {dimension_numbers = #tpu.dot_dimension_numbers<[1], [1], [0], [0], [0, 0, 1, 0], [], []>, precision = #tpu.contract_precision<fp32>, transpose_lhs_hint = false} : vector<32x20xf32>, vector<32x20xf32>, vector<32x32xf32> -> vector<32x32xf32>
    %get3A_436 = arith.constant 0 : index
    %get3A_437 = arith.constant 0 : index
    %get3A_438 = vector.load %arg8[%get3A_436, %get3A_437] : memref<1312x256xf32, #tpu.memory_space<vmem>>, vector<32x256xf32>
    %get3A_439 = arith.constant 32 : index
    %get3A_440 = arith.constant 0 : index
    %get3A_441 = vector.load %arg8[%get3A_439, %get3A_440] : memref<1312x256xf32, #tpu.memory_space<vmem>>, vector<256x256xf32>
    %get3A_442 = arith.constant 288 : index
    %get3A_443 = arith.constant 0 : index
    %get3A_444 = vector.load %arg8[%get3A_442, %get3A_443] : memref<1312x256xf32, #tpu.memory_space<vmem>>, vector<256x256xf32>
    %get3A_445 = arith.constant 0 : index
    %get3A_446 = arith.constant 0 : index
    %get3A_447 = vector.load %arg4[%get3A_445, %get3A_446] : memref<272x10xf32, #tpu.memory_space<vmem>>, vector<256x10xf32>
    %get3A_448 = arith.constant 544 : index
    %get3A_449 = arith.constant 0 : index
    %get3A_450 = vector.load %arg8[%get3A_448, %get3A_449] : memref<1312x256xf32, #tpu.memory_space<vmem>>, vector<256x256xf32>
    %get3A_451 = arith.constant 800 : index
    %get3A_452 = arith.constant 0 : index
    %get3A_453 = vector.load %arg8[%get3A_451, %get3A_452] : memref<1312x256xf32, #tpu.memory_space<vmem>>, vector<256x256xf32>
    %get3A_454 = arith.constant 1056 : index
    %get3A_455 = arith.constant 0 : index
    %get3A_456 = vector.load %arg8[%get3A_454, %get3A_455] : memref<1312x256xf32, #tpu.memory_space<vmem>>, vector<256x256xf32>
    %get3A_457 = arith.constant 256 : index
    %get3A_458 = arith.constant 0 : index
    %get3A_459 = vector.load %arg4[%get3A_457, %get3A_458] : memref<272x10xf32, #tpu.memory_space<vmem>>, vector<10x10xf32>
    %get3A_460 = arith.constant 0 : index
    %get3A_461 = arith.constant 2048 : index
    %get3A_462 = vector.load %arg2[%get3A_460, %get3A_461] : memref<1x4458xf32, #tpu.memory_space<vmem>>, vector<1x256xf32>
    %get3A_463 = arith.constant 0 : index
    %get3A_464 = arith.constant 2816 : index
    %get3A_465 = vector.load %arg2[%get3A_463, %get3A_464] : memref<1x4458xf32, #tpu.memory_space<vmem>>, vector<1x256xf32>
    %dot_general3A_466 = arith.constant dense<0.000000e+00> : vector<32x32xf32>
    %dot_general3A_467 = tpu.matmul %dot_general3A_435, %add3A_433, %dot_general3A_466 {dimension_numbers = #tpu.dot_dimension_numbers<[1], [0], [0], [1], [0, 0, 1, 1], [], []>, precision = #tpu.contract_precision<fp32>, transpose_lhs_hint = false} : vector<32x32xf32>, vector<32x32xf32>, vector<32x32xf32> -> vector<32x32xf32>
    %add3A_468 = arith.addf %add3A_433, %dot_general3A_467 : vector<32x32xf32>
    %dot_general3A_469 = arith.constant dense<0.000000e+00> : vector<32x256xf32>
    %dot_general3A_470 = tpu.matmul %add3A_468, %get3A_438, %dot_general3A_469 {dimension_numbers = #tpu.dot_dimension_numbers<[1], [0], [0], [1], [0, 0, 1, 1], [], []>, precision = #tpu.contract_precision<fp32>, transpose_lhs_hint = false} : vector<32x32xf32>, vector<32x256xf32>, vector<32x256xf32> -> vector<32x256xf32>
    %add3A_471 = vector.broadcast %get3A_462 : vector<1x256xf32> to vector<32x256xf32>
    %add3A_472 = arith.addf %dot_general3A_470, %add3A_471 : vector<32x256xf32>
    %max3A_473 = arith.constant 0.000000e+00 : f32
    %max3A_474 = vector.broadcast %max3A_473 : f32 to vector<32x256xf32>
    %max3A_475 = arith.maximumf %add3A_472, %max3A_474 : vector<32x256xf32>
    %dot_general3A_476 = arith.constant dense<0.000000e+00> : vector<32x256xf32>
    %dot_general3A_477 = tpu.matmul %max3A_475, %get3A_450, %dot_general3A_476 {dimension_numbers = #tpu.dot_dimension_numbers<[1], [0], [0], [1], [0, 0, 1, 1], [], []>, precision = #tpu.contract_precision<fp32>, transpose_lhs_hint = false} : vector<32x256xf32>, vector<256x256xf32>, vector<32x256xf32> -> vector<32x256xf32>
    %add3A_478 = vector.broadcast %get3A_465 : vector<1x256xf32> to vector<32x256xf32>
    %add3A_479 = arith.addf %dot_general3A_477, %add3A_478 : vector<32x256xf32>
    %max3A_480 = arith.constant 0.000000e+00 : f32
    %max3A_481 = vector.broadcast %max3A_480 : f32 to vector<32x256xf32>
    %max3A_482 = arith.maximumf %add3A_479, %max3A_481 : vector<32x256xf32>
    %get3A_483 = arith.constant 0 : index
    %get3A_484 = arith.constant 2304 : index
    %get3A_485 = vector.load %arg2[%get3A_483, %get3A_484] : memref<1x4458xf32, #tpu.memory_space<vmem>>, vector<1x256xf32>
    %get3A_486 = arith.constant 0 : index
    %get3A_487 = arith.constant 3072 : index
    %get3A_488 = vector.load %arg2[%get3A_486, %get3A_487] : memref<1x4458xf32, #tpu.memory_space<vmem>>, vector<1x256xf32>
    %dot_general3A_489 = arith.constant dense<0.000000e+00> : vector<32x256xf32>
    %dot_general3A_490 = tpu.matmul %dot_general3A_435, %max3A_482, %dot_general3A_489 {dimension_numbers = #tpu.dot_dimension_numbers<[1], [0], [0], [1], [0, 0, 1, 1], [], []>, precision = #tpu.contract_precision<fp32>, transpose_lhs_hint = false} : vector<32x32xf32>, vector<32x256xf32>, vector<32x256xf32> -> vector<32x256xf32>
    %add3A_491 = arith.addf %max3A_482, %dot_general3A_490 : vector<32x256xf32>
    %dot_general3A_492 = arith.constant dense<0.000000e+00> : vector<32x256xf32>
    %dot_general3A_493 = tpu.matmul %add3A_491, %get3A_441, %dot_general3A_492 {dimension_numbers = #tpu.dot_dimension_numbers<[1], [0], [0], [1], [0, 0, 1, 1], [], []>, precision = #tpu.contract_precision<fp32>, transpose_lhs_hint = false} : vector<32x256xf32>, vector<256x256xf32>, vector<32x256xf32> -> vector<32x256xf32>
    %add3A_494 = vector.broadcast %get3A_485 : vector<1x256xf32> to vector<32x256xf32>
    %add3A_495 = arith.addf %dot_general3A_493, %add3A_494 : vector<32x256xf32>
    %max3A_496 = arith.constant 0.000000e+00 : f32
    %max3A_497 = vector.broadcast %max3A_496 : f32 to vector<32x256xf32>
    %max3A_498 = arith.maximumf %add3A_495, %max3A_497 : vector<32x256xf32>
    %dot_general3A_499 = arith.constant dense<0.000000e+00> : vector<32x256xf32>
    %dot_general3A_500 = tpu.matmul %max3A_498, %get3A_453, %dot_general3A_499 {dimension_numbers = #tpu.dot_dimension_numbers<[1], [0], [0], [1], [0, 0, 1, 1], [], []>, precision = #tpu.contract_precision<fp32>, transpose_lhs_hint = false} : vector<32x256xf32>, vector<256x256xf32>, vector<32x256xf32> -> vector<32x256xf32>
    %add3A_501 = vector.broadcast %get3A_488 : vector<1x256xf32> to vector<32x256xf32>
    %add3A_502 = arith.addf %dot_general3A_500, %add3A_501 : vector<32x256xf32>
    %max3A_503 = arith.constant 0.000000e+00 : f32
    %max3A_504 = vector.broadcast %max3A_503 : f32 to vector<32x256xf32>
    %max3A_505 = arith.maximumf %add3A_502, %max3A_504 : vector<32x256xf32>
    %get3A_506 = arith.constant 0 : index
    %get3A_507 = arith.constant 2560 : index
    %get3A_508 = vector.load %arg2[%get3A_506, %get3A_507] : memref<1x4458xf32, #tpu.memory_space<vmem>>, vector<1x256xf32>
    %get3A_509 = arith.constant 0 : index
    %get3A_510 = arith.constant 3328 : index
    %get3A_511 = vector.load %arg2[%get3A_509, %get3A_510] : memref<1x4458xf32, #tpu.memory_space<vmem>>, vector<1x256xf32>
    %dot_general3A_512 = arith.constant dense<0.000000e+00> : vector<32x256xf32>
    %dot_general3A_513 = tpu.matmul %dot_general3A_435, %max3A_505, %dot_general3A_512 {dimension_numbers = #tpu.dot_dimension_numbers<[1], [0], [0], [1], [0, 0, 1, 1], [], []>, precision = #tpu.contract_precision<fp32>, transpose_lhs_hint = false} : vector<32x32xf32>, vector<32x256xf32>, vector<32x256xf32> -> vector<32x256xf32>
    %add3A_514 = arith.addf %max3A_505, %dot_general3A_513 : vector<32x256xf32>
    %dot_general3A_515 = arith.constant dense<0.000000e+00> : vector<32x256xf32>
    %dot_general3A_516 = tpu.matmul %add3A_514, %get3A_444, %dot_general3A_515 {dimension_numbers = #tpu.dot_dimension_numbers<[1], [0], [0], [1], [0, 0, 1, 1], [], []>, precision = #tpu.contract_precision<fp32>, transpose_lhs_hint = false} : vector<32x256xf32>, vector<256x256xf32>, vector<32x256xf32> -> vector<32x256xf32>
    %add3A_517 = vector.broadcast %get3A_508 : vector<1x256xf32> to vector<32x256xf32>
    %add3A_518 = arith.addf %dot_general3A_516, %add3A_517 : vector<32x256xf32>
    %max3A_519 = arith.constant 0.000000e+00 : f32
    %max3A_520 = vector.broadcast %max3A_519 : f32 to vector<32x256xf32>
    %max3A_521 = arith.maximumf %add3A_518, %max3A_520 : vector<32x256xf32>
    %dot_general3A_522 = arith.constant dense<0.000000e+00> : vector<32x256xf32>
    %dot_general3A_523 = tpu.matmul %max3A_521, %get3A_456, %dot_general3A_522 {dimension_numbers = #tpu.dot_dimension_numbers<[1], [0], [0], [1], [0, 0, 1, 1], [], []>, precision = #tpu.contract_precision<fp32>, transpose_lhs_hint = false} : vector<32x256xf32>, vector<256x256xf32>, vector<32x256xf32> -> vector<32x256xf32>
    %add3A_524 = vector.broadcast %get3A_511 : vector<1x256xf32> to vector<32x256xf32>
    %add3A_525 = arith.addf %dot_general3A_523, %add3A_524 : vector<32x256xf32>
    %max3A_526 = arith.constant 0.000000e+00 : f32
    %max3A_527 = vector.broadcast %max3A_526 : f32 to vector<32x256xf32>
    %max3A_528 = arith.maximumf %add3A_525, %max3A_527 : vector<32x256xf32>
    %get3A_529 = arith.constant 0 : index
    %get3A_530 = arith.constant 4432 : index
    %get3A_531 = vector.load %arg2[%get3A_529, %get3A_530] : memref<1x4458xf32, #tpu.memory_space<vmem>>, vector<1x10xf32>
    %get3A_532 = arith.constant 0 : index
    %get3A_533 = arith.constant 4448 : index
    %get3A_534 = vector.load %arg2[%get3A_532, %get3A_533] : memref<1x4458xf32, #tpu.memory_space<vmem>>, vector<1x10xf32>
    %dot_general3A_535 = arith.constant dense<0.000000e+00> : vector<32x256xf32>
    %dot_general3A_536 = tpu.matmul %dot_general3A_435, %max3A_528, %dot_general3A_535 {dimension_numbers = #tpu.dot_dimension_numbers<[1], [0], [0], [1], [0, 0, 1, 1], [], []>, precision = #tpu.contract_precision<fp32>, transpose_lhs_hint = false} : vector<32x32xf32>, vector<32x256xf32>, vector<32x256xf32> -> vector<32x256xf32>
    %add3A_537 = arith.addf %max3A_528, %dot_general3A_536 : vector<32x256xf32>
    %dot_general3A_538 = arith.constant dense<0.000000e+00> : vector<32x10xf32>
    %dot_general3A_539 = tpu.matmul %add3A_537, %get3A_447, %dot_general3A_538 {dimension_numbers = #tpu.dot_dimension_numbers<[1], [0], [0], [1], [0, 0, 1, 1], [], []>, precision = #tpu.contract_precision<fp32>, transpose_lhs_hint = false} : vector<32x256xf32>, vector<256x10xf32>, vector<32x10xf32> -> vector<32x10xf32>
    %add3A_540 = vector.broadcast %get3A_531 : vector<1x10xf32> to vector<32x10xf32>
    %add3A_541 = arith.addf %dot_general3A_539, %add3A_540 : vector<32x10xf32>
    %max3A_542 = arith.constant 0.000000e+00 : f32
    %max3A_543 = vector.broadcast %max3A_542 : f32 to vector<32x10xf32>
    %max3A_544 = arith.maximumf %add3A_541, %max3A_543 : vector<32x10xf32>
    %dot_general3A_545 = arith.constant dense<0.000000e+00> : vector<32x10xf32>
    %dot_general3A_546 = tpu.matmul %max3A_544, %get3A_459, %dot_general3A_545 {dimension_numbers = #tpu.dot_dimension_numbers<[1], [0], [0], [1], [0, 0, 1, 1], [], []>, precision = #tpu.contract_precision<fp32>, transpose_lhs_hint = false} : vector<32x10xf32>, vector<10x10xf32>, vector<32x10xf32> -> vector<32x10xf32>
    %add3A_547 = vector.broadcast %get3A_534 : vector<1x10xf32> to vector<32x10xf32>
    %add3A_548 = arith.addf %dot_general3A_546, %add3A_547 : vector<32x10xf32>
    %swap3A = arith.constant 0 : index
    %swap3A_549 = arith.constant 0 : index
    %swap3A_550 = vector.load %arg9[%swap3A, %swap3A_549] : memref<32x10xf32, #tpu.memory_space<vmem>>, vector<32x10xf32>
    tpu.vector_store %arg9[%swap3A, %swap3A_549], %add3A_548 {strides = array<i32>} : memref<32x10xf32, #tpu.memory_space<vmem>>, vector<32x10xf32>,
    return
  }
}

</mosaic_0001>

<sc_bundles>
// kernel: kernel.5.cloned.1.call-start
scs
__scs_entry_jumppad:
0x0: {  	(pc) =	sbr.rel $0x88, $3  }
0x1: {  	(tag) =	ssettag $0x0;
	lr =	simm.s32 $0x1  }
0x2: {  	[smem:$0x3F70] =	sst lr;
	_ =	strace $0xD0000000  }
0x3: {  	_ = 	snop  }
0x4: {  	_ = 	snop  }
0x5: {  	_ = 	snop  }
0x6: {  	_ = 	snop  }
0x7: {  	_ = 	snop  }
__scs_overlays_trampoline_lowered:
0x8: {  	[smem:$0x3F7F] =	sst s0  }
0x9: {  	[smem:$0x3F80] =	sst s1  }
0xa: {  	[smem:$0x3F81] =	sst s2  }
0xb: {  	[smem:$0x3F82] =	sst s3  }
0xc: {  	[smem:$0x3F83] =	sst s4  }
0xd: {  	[smem:$0x3F84] =	sst s5  }
0xe: {  	[smem:$0x3F85] =	sst s6  }
0xf: {  	[smem:$0x3F86] =	sst s7  }
0x10: {  	[smem:$0x3F87] =	sst s8  }
0x11: {  	[smem:$0x3F88] =	sst s9;
	s0 =	simm.s32 @!p0 $0x0  }
0x12: {  	s1 =	sld [smem:$0x3F6E];
	s0 =	simm.s32 @p0 $0x1  }
0x13: {  	[smem:$0x3F89] =	sst s0;
	s0 =	simm.s32 @!p1 $0x0  }
0x14: {  	s2 =	sld [smem:$0x3F6D];
	s0 =	simm.s32 @p1 $0x1  }
0x15: {  	[smem:$0x3F8A] =	sst s0;
	s0 =	simm.s32 @!p2 $0x0  }
0x16: {  	s3 =	sld [smem:$0x3FDB];
	s0 =	simm.s32 @p2 $0x1  }
0x17: {  	s4 =	simm.s32 $0x1BF5;
	[smem:$0x3F8C] =	sst s0  }
0x18: {  	s0 =	sld [smem:$0x3F6F];
	_ =	swait.ge [sflag:s4], $0x0  }
0x19: {  	s7 =	sld [smem:$0x3F70]  }
0x1a: {  	s8 =	sadd.s32 $0xFFFFE003, lr  }
0x1b: {  	s9 =	sadd.s32 $0xFFFFFEF7, lr;
	s5 =	simm.s32 $0xFFFFFFFF;
	p2 =	slt.u32 s8, $0xFFFFF086  }
0x1c: {  	p1 =	slt.u32 s9, $0xF7A;
	s5 =	simm.s32 @!p2 $0x0  }
0x1d: {  	s5 =	simm.s32 @p1 $0x1;
	p0 =	seq.s32 s7, s2  }
0x1e: {  	s7 =	smul.u32 @!p0 $0xF7A, s2;
	p2 =	seq.s32 @!p0 s5, $0x0  }
0x1f: {  	s9 =	smul.u32 $0xF7A, s1;
	s8 =	simm.s32 @!p0 $0x1BF5;
	p2 =	por !p2, p0  }
0x20: {  	[sflag:s8] =	ssyncset.s32 @!p0 $0xFFFFF086;
	s6 =	sadd.s32 @!p0 s3, s7;
	s7 =	simm.s32 @!p0 $0x108  }
0x21: {  	s3 =	sadd.s32 s3, s9;
	s6 =	sadd.s32 @!p0 $0x88, s6;
	s7 =	simm.s32 @p2 $0x1082  }
0x22: {  	[simem:s7], [sflag:s8] =	dma.local @!p0 [hbm:s6], $0xF7A  }
0x23: {  	s9 =	sor.u32 $0xD0000000, s2;
	s6 =	simm.s32 $0x108;
	_ =	swait.ge @!p0 [sflag:s8], $0x0  }
0x24: {  	s3 =	sadd.s32 $0x88, s3;
	s6 =	simm.s32 @!p1 $0x1082;
	[sflag:s4] =	ssyncset.s32 $0xFFFFF086  }
0x25: {  	[simem:s6], [sflag:s4] =	dma.local [hbm:s3], $0xF7A  }
0x26: {  	[smem:$0x3F70] =	sst s1;
	(tag) =	ssettag s2;
	_ =	strace s9  }
0x27: {  	s1 =	sld [smem:$0x3F80]  }
0x28: {  	s2 =	sld [smem:$0x3F81]  }
0x29: {  	s4 =	sld [smem:$0x3F83]  }
0x2a: {  	p0 =	seq.s32 s5, $0x0;
	s5 =	sld [smem:$0x3F84]  }
0x2b: {  	s6 =	sld [smem:$0x3F85]  }
0x2c: {  	s7 =	sld [smem:$0x3F86]  }
0x2d: {  	s3 =	simm.s32 $0x108;
	s8 =	sld [smem:$0x3F87]  }
0x2e: {  	s3 =	simm.s32 @!p0 $0x1082;
	s9 =	sld [smem:$0x3F88]  }
0x2f: {  	lr =	sadd.s32 s0, s3;
	s0 =	sld [smem:$0x3F7F]  }
0x30: {  	s3 =	sld [smem:$0x3F82]  }
0x31: {  	[smem:$0x3F8B] =	sst s10  }
0x32: {  	s10 =	sld [smem:$0x3F89];
	_ =	sdelay $0x3  }
0x33: {  	p0 =	seq.s32 s10, $0x1;
	s10 =	sld [smem:$0x3F8B];
	_ =	sdelay $0x3  }
0x34: {  	[smem:$0x3F8B] =	sst s10  }
0x35: {  	s10 =	sld [smem:$0x3F8A];
	_ =	sdelay $0x3  }
0x36: {  	p1 =	seq.s32 s10, $0x1;
	s10 =	sld [smem:$0x3F8B];
	_ =	sdelay $0x3  }
0x37: {  	[smem:$0x3F8B] =	sst s10  }
0x38: {  	s10 =	sld [smem:$0x3F8C]  }
0x39: {  	_ = 	snop;
	(pc) =	sbr.ind lr, $3  }
0x3a: {  	_ = 	snop  }
0x3b: {  	_ = 	snop  }
0x3c: {  	p2 =	seq.s32 s10, $0x1;
	s10 =	sld [smem:$0x3F8B]  }
0x3d: {  	_ =	shalt  }
0x3e: {  	_ =	shalt  }
0x3f: {  	_ =	shalt  }
0x40: {  	_ =	shalt  }
0x41: {  	_ =	shalt  }
0x42: {  	_ =	shalt  }
0x43: {  	_ =	shalt  }
0x44: {  	_ =	shalt  }
0x45: {  	_ =	shalt  }
0x46: {  	_ =	shalt  }
0x47: {  	_ =	shalt  }
0x48: {  	_ =	shalt  }
0x49: {  	_ =	shalt  }
0x4a: {  	_ =	shalt  }
0x4b: {  	_ =	shalt  }
0x4c: {  	_ =	shalt  }
0x4d: {  	_ =	shalt  }
0x4e: {  	_ =	shalt  }
0x4f: {  	_ =	shalt  }
0x50: {  	_ =	shalt  }
0x51: {  	_ =	shalt  }
0x52: {  	_ =	shalt  }
0x53: {  	_ =	shalt  }
0x54: {  	_ =	shalt  }
0x55: {  	_ =	shalt  }
0x56: {  	_ =	shalt  }
0x57: {  	_ =	shalt  }
0x58: {  	_ =	shalt  }
0x59: {  	_ =	shalt  }
0x5a: {  	_ =	shalt  }
0x5b: {  	_ =	shalt  }
0x5c: {  	_ =	shalt  }
0x5d: {  	_ =	shalt  }
0x5e: {  	_ =	shalt  }
0x5f: {  	_ =	shalt  }
0x60: {  	_ =	shalt  }
0x61: {  	_ =	shalt  }
0x62: {  	_ =	shalt  }
0x63: {  	_ =	shalt  }
0x64: {  	_ =	shalt  }
0x65: {  	_ =	shalt  }
0x66: {  	_ =	shalt  }
0x67: {  	_ =	shalt  }
0x68: {  	_ =	shalt  }
0x69: {  	_ =	shalt  }
0x6a: {  	_ =	shalt  }
0x6b: {  	_ =	shalt  }
0x6c: {  	_ =	shalt  }
0x6d: {  	_ =	shalt  }
0x6e: {  	_ =	shalt  }
0x6f: {  	_ =	shalt  }
0x70: {  	_ =	shalt  }
0x71: {  	_ =	shalt  }
0x72: {  	_ =	shalt  }
0x73: {  	_ =	shalt  }
0x74: {  	_ =	shalt  }
0x75: {  	_ =	shalt  }
0x76: {  	_ =	shalt  }
0x77: {  	_ =	shalt  }
0x78: {  	_ =	shalt  }
0x79: {  	_ =	shalt  }
0x7a: {  	_ =	shalt  }
0x7b: {  	_ =	shalt  }
0x7c: {  	_ =	shalt  }
0x7d: {  	_ =	shalt  }
0x7e: {  	_ =	shalt  }
0x7f: {  	_ =	shalt  }
0x80: {  	_ =	shalt  }
0x81: {  	_ =	shalt  }
0x82: {  	_ =	shalt  }
0x83: {  	_ =	shalt  }
0x84: {  	_ =	shalt  }
0x85: {  	_ =	shalt  }
0x86: {  	_ =	shalt  }
0x87: {  	_ =	shalt  }
.Lfunc_end0:
.L_simem_size_0:
called_computation_lowered:
.L_overlay_start_0:
0x88: {  	s2 =	sld [smem:$0x3FD9]  }
0x89: {  	s3 =	sld [smem:$0x3FFE];
	_ =	sdelay $0x1  }
0x8a: {  	s1 =	srdreg.scid  }
0x8b: {  	s0 =	sand.u32 $0x1, s1  }
0x8c: {  	s17 =	sshll.u32 s0, $0xA;
	s2 =	sadd.s32 s3, s2  }
0x8d: {  	s2 =	sadd.s32 s2, s17  }
0x8e: {  	[smem:$0x3F97] =	sst s2  }
0x8f: {  	_ = 	snop  }
0x90: {  	s2 =	sld [smem:$0x3FAC]  }
0x91: {  	s18 =	sld [smem:$0x3FD0];
	(tm) =	ssettm $0x1  }
0x92: {  	s4 =	sld [smem:$0x3FFB];
	_ =	sdelay $0x3  }
0x93: {  	_ =	strace s4  }
0x94: {  	s4 =	sld [smem:$0x3FFC];
	_ =	sdelay $0x3  }
0x95: {  	_ =	strace s4  }
0x96: {  	s4 =	sld [smem:$0x3FFD];
	_ =	sdelay $0x3  }
0x97: {  	_ =	strace s4  }
0x98: {  	_ =	strace $0x8FFFFFFF  }
0x99: {  	s19 =	sld [smem:$0x3FDB];
	_ =	sdelay $0x1  }
0x9a: {  	s5 =	simm.s32 $_scs_section_size  }
0x9b: {  	s6 =	simm.s32 $_size__tile_overlayer_lowered;
	s7 =	simm.s32 $_tile_overlayer_lowered  }
0x9c: {  	s22 =	simm.s32 $0x1BFF;
	s21 =	sshll.u32 s7, $0x1;
	s4 =	sadd.s32 s5, s19  }
0x9d: {  	s8 =	simm.s32 $0x0;
	s20 =	sshll.u32 s6, $0x1;
	s6 =	sadd.s32 s21, s4  }
0x9e: {  	[timem:s8], [sflag:s22] =	dma.local [hbm:s6], s20  }
0x9f: {  	_ =	swait.ge [sflag:s22], s20  }
0xa0: {  	s5 =	ssub.s32 $0x0, s20;
	[sflag:s22] =	ssyncset.done $0x0  }
0xa1: {  	[sflag:s22] =	ssyncadd.s32 s5;
	_ =	sdelay $0x1  }
0xa2: {  	s23 =	simm.s32 $0x1B8B  }
0xa3: {  	_ =	swait.ge [sflag:s23], $0x1  }
0xa4: {  	[sflag:s23] =	ssyncset.done $0x0  }
0xa5: {  	s25 =	simm.s32 $0x1B8E;
	s24 =	sld [smem:$0x3FFE];
	[sflag:s23] =	ssyncadd.s32 $0xFFFFFFFF  }
0xa6: {  	s26 =	simm.s32 $execute0_lowered;
	[smem:$0x3FD2] =	sst s25  }
0xa7: {  	s6 =	sshll.u32 s26, $0x1;
	_ =	strace $0x80000046;
	[dreg:$0x1] =	wrdreg $0xFFFFFFFF  }
0xa8: {  	s28 =	simm.s32 $_size_execute0_lowered;
	s4 =	sadd.s32 s4, s6;
	[dreg:$0x0] =	wrdreg $0x0  }
0xa9: {  	s6 =	sshll.u32 s28, $0x1;
	[dreg:$0x2] =	wrdreg s4  }
0xaa: {  	[dreg:$0x3] =	wrdreg s6  }
0xab: {  	[dreg:$0x4] =	wrdreg $0xC0  }
0xac: {  	_ =	task [dreg:s8], $0x5FFFF  }
0xad: {  	[dreg:$0x1] =	wrdreg $0xFFFFFFFF  }
0xae: {  	[dreg:$0x0] =	wrdreg $0x60  }
0xaf: {  	[dreg:$0x2] =	wrdreg s18  }
0xb0: {  	[dreg:$0x3] =	wrdreg s24  }
0xb1: {  	[dreg:$0x4] =	wrdreg s2  }
0xb2: {  	[dreg:$0x5] =	wrdreg $0x9  }
0xb3: {  	_ =	task.clear_ibuf [dreg:s8], $0x6FFFF;
	_ =	strace $0x90000046  }
0xb4: {  	s29 =	simm.s32 $0x9;
	_ =	strace $0x80000048  }
0xb5: {  	_ =	swait.ge [sflag:s29], $0x1  }
0xb6: {  	[sflag:s29] =	ssyncadd.s32 $0xFFFFFFFF  }
0xb7: {  	_ =	strace $0x90000048  }
0xb8: {  	_ =	sfence  }
0xb9: {  	s30 =	sld [smem:$0x0];
	_ =	sdelay $0x2  }
0xba: {  	s31 =	sshll.u32 s1, $0xD;
	s1 =	sshrl.u32 s1, $0x2  }
0xbb: {  	s3 =	sand.u32 $0x4000, s31;
	s1 =	sadd.s32 s1, s30  }
0xbc: {  	s0 =	sor.u32 s3, s0;
	s1 =	sshll.u32 s1, $0x11  }
0xbd: {  	s0 =	sor.u32 s1, s0  }
0xbe: {  	s0 =	sadd.s32 $0x8F2B, s0  }
0xbf: {  	[sflag:s0] =	ssyncadd.remote.s32 $0x1  }
0xc0: {  	_ =	sfence.sel $0xFFFF  }
0xc1: {  	[dreg:$0x0] =	wrdreg $0xFFFFFFFF;
	(pc) =	sbr.abs _section_cstart, $3  }
0xc2: {  	[dreg:$0x1] =	wrdreg $0xFFFFFFFF  }
0xc3: {  	_ =	task.clear_ibuf [dreg:s8], $0x2FFFF;
	_ =	strace $0x9FFFFFFF  }
0xc4: {  	(tm) =	ssettm $0x7FFFFFFF  }
0xc5: {  	_ =	shalt  }
tec
execute0_lowered:
.L_overlay_start_1:
0x0: {  	(tag) =	ssettag $0x1  }
0x1: {  	v0 =	vimm.s32 $0xEFCDAB89  }
0x2: {  	v1 =	vimm.s32 $0x67452301;
	v2 =	vimm.s32 $0xDCFE98BA;
	v3 =	vimm.s32 $0x54761032  }
0x3: {  	v4 =	vimm.s32 $0xBA98FEDC;
	v5 =	vimm.s32 $0x32107654;
	v6 =	vimm.s32 $0xFEDCBA98  }
0x4: {  	v7 =	vimm.s32 $0x76543210;
	vm0 =	vmmov $0x1;
	vm1 =	vcmask $0x308  }
0x5: {  	vm2 =	vcmask $0x70C;
	vm3 =	vcmask $0xB10;
	vm6 =	vcmask $0x171C  }
0x6: {  	s0 =	rddreg [dreg:$0x0];
	vm7 =	vcmask $0x1B20;
	vm8 =	vcmask $0x1F24;
	vm9 =	vcmask $0x2328  }
0x7: {  	s6 =	rddreg [dreg:$0x1];
	vm10 =	vcmask $0x272C;
	vm11 =	vcmask $0x2B30;
	vm12 =	vcmask $0x2F34  }
0x8: {  	s2 =	rddreg [dreg:$0x2];
	vm13 =	vcmask $0x3338;
	v0 =	vunpack.c.l.s4.s8 v0;
	v1 =	vunpack.c.l.s4.s8 v1  }
0x9: {  	s3 =	srdreg.scid;
	s1 =	rddreg [dreg:$0x3];
	_ =	strace $0x80000047;
	v2 =	vunpack.c.l.s4.s8 v2;
	v3 =	vunpack.c.l.s4.s8 v3;
	v4 =	vunpack.c.l.s4.s8 v4  }
0xa: {  	s12 =	simm.s32 $0x1500;
	s13 =	simm.s32 $0x1580;
	s14 =	simm.s32 $0x28;
	v5 =	vunpack.c.l.s4.s8 v5;
	v6 =	vunpack.c.l.s4.s8 v6;
	v0 =	vunpack.c.0.s8.s32 v0  }
0xb: {  	s15 =	simm.s32 $0x80;
	s16 =	simm.s32 $0x1;
	s8 =	sand.u32 $0x1, s3;
	v1 =	vunpack.c.0.s8.s32 v1;
	v2 =	vunpack.c.0.s8.s32 v2;
	v3 =	vunpack.c.0.s8.s32 v3  }
0xc: {  	v7 =	vunpack.c.l.s4.s8 v7;
	s3 =	sadd.s32 $0x2400, s6;
	s4 =	sadd.s32 $0x2600, s6;
	s5 =	sadd.s32 $0x2200, s6;
	v4 =	vunpack.c.0.s8.s32 v4;
	v5 =	vunpack.c.0.s8.s32 v5  }
0xd: {  	s7 =	sadd.s32 $0x2800, s6;
	s6 =	stileid.u32;
	s9 =	ssub.s32 $0x2, s8;
	v0 =	vcombine.low v1, v0;
	v1 =	vcombine.low v3, v2;
	v2 =	vunpack.c.0.s8.s32 v6  }
0xe: {  	vm14 =	vcmask $0x373C;
	s31 =	sshll.u32 s6, $0x1;
	s11 =	ssub.s32 $0x0, s8;
	s10 =	sshrl.u32 s9, $0x1;
	v3 =	vcombine.low v5, v4;
	v4 =	vunpack.c.0.s8.s32 v7  }
0xf: {  	vm15 =	vmmov $0x7fff;
	p0 =	sne.s32 s31, s11;
	s11 =	simm.s32 $0x1480;
	s9 =	ssub.s32 s9, s10;
	v0 =	vand.u32 $0xF, v0;
	v5 =	vand.u32 $0xF, v2  }
0x10: {  	s10 =	simm.s32 $0x2;
	s8 =	smax.u32 s9, $0x1;
	s9 =	simm.s32 $0x0;
	v1 =	vand.u32 $0xF, v1;
	v2 =	vand.u32 $0xF, v3;
	v3 =	vcombine.low v5, v4  }
.LBB2_1:
0x11: {  	[tilespmem:s9], [sflag:$0x2] =	stream.linear.gather [hbm4b:s3+s9], $0x80, $0x38;
	[tilespmem:$0x1680] =	vst v63  }
0x12: {  	_ =	swait.ge [sflag:s10], $0x80  }
0x13: {  	[sflag:s10] =	ssyncset.done $0x0  }
0x14: {  	[sflag:s10] =	ssyncadd.s32 $0xFFFFFF80  }
0x15: {  	[tilespmem:s11], [sflag:$0x2] =	stream.linear.gather [hbm4b:s2+s9], $0x80, $0x38;
	[tilespmem:$0x1680] =	vst v63  }
0x16: {  	_ =	swait.ge [sflag:s10], $0x80  }
0x17: {  	[sflag:s10] =	ssyncset.done $0x0  }
0x18: {  	[sflag:s10] =	ssyncadd.s32 $0xFFFFFF80  }
0x19: {  	[tilespmem:s12], [sflag:$0x2] =	stream.linear.gather [hbm4b:s4+s9], $0x80, $0x38;
	[tilespmem:$0x1680] =	vst v63  }
0x1a: {  	_ =	swait.ge [sflag:s10], $0x80  }
0x1b: {  	[sflag:s10] =	ssyncset.done $0x0  }
0x1c: {  	[sflag:s10] =	ssyncadd.s32 $0xFFFFFF80  }
0x1d: {  	[tilespmem:s13], [sflag:$0x2] =	stream.linear.gather [hbm4b:s5+s9], $0x80, $0x38;
	[tilespmem:$0x1680] =	vst v63  }
0x1e: {  	_ =	swait.ge [sflag:s10], $0x80  }
0x1f: {  	[sflag:s10] =	ssyncset.done $0x0  }
0x20: {  	[sflag:s10] =	ssyncadd.s32 $0xFFFFFF80  }
0x21: {  	[tilespmem:s15], [sflag:$0x1] =	stream.indirect.gather [hbm4b:s0+s14], $0x80, s9, s14, $0xb8;
	[tilespmem:$0x1680] =	vst v63  }
0x22: {  	_ =	swait.ge [sflag:s16], $0x1400  }
0x23: {  	[sflag:s16] =	ssyncset.done $0x0  }
0x24: {  	[sflag:s16] =	ssyncadd.s32 $0xFFFFEC00  }
0x25: {  	v6 =	vld [tilespmem:$0x80]  }
0x26: {  	v7 =	vld [tilespmem:$0xA80]  }
0x27: {  	v8 =	vld [tilespmem:$0x90]  }
0x28: {  	v9 =	vld [tilespmem:$0xA90]  }
0x29: {  	v10 =	vld [tilespmem:$0x100]  }
0x2a: {  	v11 =	vld [tilespmem:$0xB00]  }
0x2b: {  	v51 =	vld [tilespmem:$0x110]  }
0x2c: {  	v52 =	vld [tilespmem:$0xB10]  }
0x2d: {  	v54 =	vld [tilespmem:$0x180]  }
0x2e: {  	v56 =	vld [tilespmem:$0xB80]  }
0x2f: {  	v17 =	vld [tilespmem:$0x280]  }
0x30: {  	v19 =	vld [tilespmem:$0xC80]  }
0x31: {  	v42 =	vld [tilespmem:$0x390]  }
0x32: {  	v44 =	vld [tilespmem:$0xD90]  }
0x33: {  	v4 =	vld [tilespmem:$0x1480]  }
0x34: {  	v5 =	vld [tilespmem:$0x1490];
	v6 =	vadd.f32 v7, v6;
	v50 =	vadd.f32 v9, v8  }
0x35: {  	v57 =	vld [tilespmem:$0x190];
	v10 =	vadd.f32 v11, v10;
	v8 =	vadd.f32 v52, v51  }
0x36: {  	v58 =	vld [tilespmem:$0xB90];
	v11 =	vadd.f32 v56, v54;
	v26 =	vadd.f32 v19, v17  }
0x37: {  	v48 =	vadd.f32 v44, v42;
	v12 =	vmul.f32 $2.000000030e-01, v6;
	v13 =	vmul.f32 $2.000000030e-01, v50  }
0x38: {  	v59 =	vld [tilespmem:$0x200];
	vm4 =	vgt.f32 v6, $0.0e+00;
	vm5 =	vgt.f32 v50, $0.0e+00;
	v53 =	vmul.f32 $2.000000030e-01, v10  }
0x39: {  	v15 =	vld [tilespmem:$0x210];
	v9 =	vmul.f32 $2.000000030e-01, v8;
	v63 =	vmul.f32 $2.000000030e-01, v11;
	v6 =	vsel vm4, v6, v12  }
0x3a: {  	v61 =	vld [tilespmem:$0xC10];
	v7 =	vsel vm5, v50, v13;
	vm5 =	vgt.f32 v8, $0.0e+00;
	v6 =	vmul.f32 v6, v4  }
0x3b: {  	v14 =	vld [tilespmem:$0xC00];
	v7 =	vmul.f32 v7, v5;
	v8 =	vsel vm5, v8, v9;
	v9 =	vadd.f32 v58, v57  }
0x3c: {  	v29 =	vld [tilespmem:$0x300];
	v27 =	vmul.f32 $2.000000030e-01, v26;
	vm4 =	vgt.f32 v10, $0.0e+00;
	v8 =	vmul.f32 v8, v5  }
0x3d: {  	v31 =	vld [tilespmem:$0xD00];
	v6 =	vadd.f32 v7, v6;
	v7 =	vsel vm4, v10, v53;
	v16 =	vmul.f32 $2.000000030e-01, v9  }
0x3e: {  	v51 =	vld [tilespmem:$0x410];
	vm4 =	vgt.f32 v11, $0.0e+00;
	vm5 =	vgt.f32 v9, $0.0e+00;
	v7 =	vmul.f32 v7, v4  }
0x3f: {  	v10 =	vadd.f32 v61, v15;
	v53 =	vld [tilespmem:$0xE10];
	v11 =	vsel vm4, v11, v63;
	v55 =	vperm.xlane v6, v0  }
0x40: {  	v49 =	vld [tilespmem:$0x400];
	v9 =	vsel vm5, v9, v16;
	v11 =	vmul.f32 v11, v4;
	v7 =	vadd.f32 v8, v7  }
0x41: {  	v50 =	vld [tilespmem:$0xE00];
	v23 =	vmul.f32 $2.000000030e-01, v10;
	v8 =	vadd.f32 v14, v59;
	v9 =	vmul.f32 v9, v5  }
0x42: {  	v20 =	vld [tilespmem:$0x290];
	v14 =	vadd.f32 v31, v29;
	v6 =	vadd.f32 v6, v55;
	v60 =	vperm.xlane v7, v0  }
0x43: {  	v21 =	vld [tilespmem:$0xC90];
	v22 =	vmul.f32 $2.000000030e-01, v8;
	v9 =	vadd.f32 v9, v11;
	vm4 =	vgt.f32 v8, $0.0e+00  }
0x44: {  	v46 =	vmul.f32 $2.000000030e-01, v14;
	v15 =	vadd.f32 v53, v51;
	v12 =	vperm.xlane v6, v1  }
0x45: {  	v7 =	vadd.f32 v7, v60;
	v8 =	vsel vm4, v8, v22;
	vm4 =	vgt.f32 v10, $0.0e+00  }
0x46: {  	v25 =	vperm.xlane v9, v0;
	v60 =	vadd.f32 v50, v49;
	v63 =	vmul.f32 $2.000000030e-01, v15  }
0x47: {  	v34 =	vld [tilespmem:$0x310];
	v6 =	vadd.f32 v6, v12;
	v10 =	vsel vm4, v10, v23;
	v8 =	vmul.f32 v8, v4  }
0x48: {  	v35 =	vld [tilespmem:$0xD10];
	v12 =	vadd.f32 v21, v20;
	vm4 =	vgt.f32 v26, $0.0e+00;
	v18 =	vperm.xlane v7, v1  }
0x49: {  	v10 =	vmul.f32 v10, v5;
	v9 =	vadd.f32 v9, v25;
	v62 =	vperm.xlane v6, v2  }
0x4a: {  	v28 =	vmul.f32 $2.000000030e-01, v12;
	vm5 =	vgt.f32 v12, $0.0e+00;
	v7 =	vadd.f32 v7, v18  }
0x4b: {  	v8 =	vadd.f32 v10, v8;
	v30 =	vperm.xlane v9, v1;
	v10 =	vsel vm4, v26, v27  }
0x4c: {  	vm4 =	vgt.f32 v14, $0.0e+00;
	v18 =	vmul.f32 $2.000000030e-01, v48;
	v6 =	vadd.f32 v6, v62  }
0x4d: {  	v33 =	vsel vm5, v12, v28;
	v10 =	vmul.f32 v10, v4;
	v12 =	vadd.f32 v35, v34  }
0x4e: {  	v38 =	vld [tilespmem:$0x380];
	v14 =	vsel vm4, v14, v46;
	vm5 =	vgt.f32 v48, $0.0e+00;
	v62 =	vmul.f32 $2.000000030e-01, v60  }
0x4f: {  	v40 =	vld [tilespmem:$0xD80];
	v24 =	vperm.xlane v7, v2;
	v32 =	vperm.xlane v8, v0;
	v9 =	vadd.f32 v9, v30  }
0x50: {  	v11 =	vmul.f32 v33, v5;
	v14 =	vmul.f32 v14, v4;
	v52 =	vsel vm5, v48, v18  }
0x51: {  	vm5 =	vgt.f32 v15, $0.0e+00;
	v36 =	vperm.xlane v6, v3;
	v20 =	vmul.f32 $2.000000030e-01, v12  }
0x52: {  	vm4 =	vgt.f32 v12, $0.0e+00;
	v55 =	vmul.f32 v52, v5;
	v27 =	vsel vm5, v15, v63  }
0x53: {  	v7 =	vadd.f32 v7, v24;
	v8 =	vadd.f32 v8, v32;
	v39 =	vperm.xlane v9, v2  }
0x54: {  	v31 =	vld [tilespmem:$0xE90];
	v10 =	vadd.f32 v11, v10;
	v11 =	vadd.f32 v40, v38;
	v30 =	vmul.f32 v27, v5  }
0x55: {  	v25 =	vld [tilespmem:$0xE80];
	v6 =	vadd.f32 v6, v36;
	v12 =	vsel vm4, v12, v20;
	v37 =	vperm.xlane v7, v3  }
0x56: {  	v28 =	vld [tilespmem:$0x490];
	v41 =	vperm.xlane v8, v1;
	v9 =	vadd.f32 v9, v39;
	v43 =	vperm.xlane v10, v0  }
0x57: {  	v24 =	vld [tilespmem:$0x480];
	v12 =	vmul.f32 v12, v5;
	v17 =	vmul.f32 $2.000000030e-01, v11;
	vm4 =	vgt.f32 v11, $0.0e+00  }
0x58: {  	v34 =	vld [tilespmem:$0xF00];
	v6 =	vnsel vm0, $0x0, v6;
	v7 =	vadd.f32 v7, v37;
	v8 =	vadd.f32 v8, v41  }
0x59: {  	v33 =	vld [tilespmem:$0x500];
	v45 =	vperm.xlane v9, v3;
	v10 =	vadd.f32 v10, v43;
	v6 =	vadd.f32 $0.0e+00, v6  }
0x5a: {  	v12 =	vadd.f32 v12, v14;
	v11 =	vsel vm4, v11, v17;
	vm4 =	vgt.f32 v60, $0.0e+00  }
0x5b: {  	v14 =	vadd.f32 v31, v28;
	v54 =	vmul.f32 v11, v4;
	v13 =	vsel vm4, v60, v62  }
0x5c: {  	v42 =	vadd.f32 v25, v24;
	v47 =	vperm.xlane v8, v2;
	v21 =	vperm.xlane v10, v1  }
0x5d: {  	v7 =	vsel vm1, $0x0, v7;
	v57 =	vperm.xlane v12, v0;
	v9 =	vadd.f32 v9, v45  }
0x5e: {  	v51 =	vld [tilespmem:$0x590];
	v29 =	vmul.f32 v13, v4;
	v13 =	vadd.f32 v34, v33;
	v6 =	vadd.f32 v7, v6  }
0x5f: {  	v50 =	vld [tilespmem:$0xF80];
	vm4 =	vcmask $0xF14;
	v7 =	vadd.f32 v55, v54;
	v10 =	vadd.f32 v10, v21  }
0x60: {  	v52 =	vld [tilespmem:$0xF90];
	v46 =	vmul.f32 $2.000000030e-01, v14;
	v8 =	vadd.f32 v8, v47;
	v12 =	vadd.f32 v12, v57  }
0x61: {  	v9 =	vsel vm2, $0x0, v9;
	v11 =	vadd.f32 v30, v29;
	v47 =	vld [tilespmem:$0x580];
	v59 =	vperm.xlane v7, v0  }
0x62: {  	v6 =	vadd.f32 v9, v6;
	v56 =	vperm.xlane v10, v2;
	v17 =	vperm.xlane v12, v1  }
0x63: {  	v58 =	vperm.xlane v8, v3;
	v38 =	vperm.xlane v11, v0;
	v7 =	vadd.f32 v7, v59  }
0x64: {  	v39 =	vld [tilespmem:$0xF10];
	v45 =	vmul.f32 $2.000000030e-01, v42;
	v10 =	vadd.f32 v10, v56;
	v12 =	vadd.f32 v12, v17  }
0x65: {  	v37 =	vld [tilespmem:$0x510];
	v48 =	vmul.f32 $2.000000030e-01, v13;
	v8 =	vadd.f32 v8, v58;
	v41 =	vadd.f32 v11, v38  }
0x66: {  	v58 =	vadd.f32 v52, v51;
	v26 =	vperm.xlane v7, v1;
	v57 =	vadd.f32 v50, v47  }
0x67: {  	v61 =	vperm.xlane v10, v3;
	v32 =	vperm.xlane v12, v2;
	v8 =	vsel vm3, $0x0, v8  }
0x68: {  	v44 =	vperm.xlane v41, v1;
	v7 =	vadd.f32 v7, v26;
	v6 =	vadd.f32 v8, v6  }
0x69: {  	v63 =	vmul.f32 $2.000000030e-01, v58;
	v10 =	vadd.f32 v10, v61;
	v35 =	vadd.f32 v12, v32  }
0x6a: {  	v22 =	vld [tilespmem:$0x1100];
	v62 =	vmul.f32 $2.000000030e-01, v57;
	v12 =	vadd.f32 v39, v37;
	v9 =	vadd.f32 v41, v44  }
0x6b: {  	v29 =	vld [tilespmem:$0x1080];
	v36 =	vperm.xlane v7, v2;
	v10 =	vsel vm4, $0x0, v10;
	v40 =	vperm.xlane v35, v3  }
0x6c: {  	v26 =	vld [tilespmem:$0x680];
	vm4 =	vgt.f32 v42, $0.0e+00;
	v49 =	vmul.f32 $2.000000030e-01, v12;
	vm5 =	vgt.f32 v12, $0.0e+00  }
0x6d: {  	v33 =	vld [tilespmem:$0x1090];
	v53 =	vperm.xlane v9, v2;
	v6 =	vadd.f32 v10, v6;
	v7 =	vadd.f32 v7, v36  }
0x6e: {  	v59 =	vld [tilespmem:$0x1000];
	v11 =	vsel vm4, v42, v45;
	vm4 =	vgt.f32 v14, $0.0e+00;
	v8 =	vadd.f32 v35, v40  }
0x6f: {  	v56 =	vld [tilespmem:$0x600];
	v14 =	vsel vm4, v14, v46;
	v11 =	vmul.f32 v11, v4;
	vm4 =	vgt.f32 v13, $0.0e+00  }
0x70: {  	v32 =	vld [tilespmem:$0x690];
	v12 =	vsel vm5, v12, v49;
	v9 =	vadd.f32 v9, v53;
	vm5 =	vgt.f32 v58, $0.0e+00  }
0x71: {  	v39 =	vld [tilespmem:$0x710];
	v15 =	vadd.f32 v29, v26;
	v43 =	vperm.xlane v7, v3;
	v14 =	vmul.f32 v14, v5  }
0x72: {  	v36 =	vld [tilespmem:$0x700];
	v13 =	vsel vm4, v13, v48;
	vm4 =	vcmask $0x1318;
	v12 =	vmul.f32 v12, v5  }
0x73: {  	v40 =	vld [tilespmem:$0x1110];
	v28 =	vsel vm5, v58, v63;
	v8 =	vsel vm4, $0x0, v8;
	v13 =	vmul.f32 v13, v4  }
0x74: {  	v60 =	vperm.xlane v9, v3;
	vm4 =	vgt.f32 v57, $0.0e+00;
	v7 =	vadd.f32 v7, v43  }
0x75: {  	v24 =	vld [tilespmem:$0x1010];
	v31 =	vmul.f32 v28, v5;
	v11 =	vadd.f32 v14, v11;
	v6 =	vadd.f32 v8, v6  }
0x76: {  	v61 =	vld [tilespmem:$0x610];
	v41 =	vmul.f32 $2.000000030e-01, v15;
	v14 =	vadd.f32 v33, v32;
	v54 =	vadd.f32 v12, v13  }
0x77: {  	v12 =	vadd.f32 v59, v56;
	v45 =	vadd.f32 v22, v36;
	v7 =	vsel vm6, $0x0, v7  }
0x78: {  	v55 =	vperm.xlane v11, v0;
	v42 =	vmul.f32 $2.000000030e-01, v14;
	v17 =	vadd.f32 v40, v39  }
0x79: {  	v13 =	vperm.xlane v54, v0;
	v6 =	vadd.f32 v7, v6;
	v7 =	vadd.f32 v9, v60  }
0x7a: {  	v38 =	vmul.f32 $2.000000030e-01, v12;
	v48 =	vmul.f32 $2.000000030e-01, v45;
	v10 =	vadd.f32 v11, v55  }
0x7b: {  	v11 =	vadd.f32 v24, v61;
	v49 =	vmul.f32 $2.000000030e-01, v17;
	vm5 =	vgt.f32 v17, $0.0e+00  }
0x7c: {  	v8 =	vadd.f32 v54, v13;
	v13 =	vsel vm4, v57, v62;
	v7 =	vsel vm7, $0x0, v7  }
0x7d: {  	vm4 =	vgt.f32 v12, $0.0e+00;
	v25 =	vperm.xlane v10, v1;
	v30 =	vmul.f32 v13, v4  }
0x7e: {  	v23 =	vmul.f32 $2.000000030e-01, v11;
	v12 =	vsel vm4, v12, v38;
	vm4 =	vgt.f32 v11, $0.0e+00  }
0x7f: {  	v6 =	vadd.f32 v7, v6;
	v51 =	vsel vm5, v17, v49;
	v27 =	vperm.xlane v8, v1  }
0x80: {  	v63 =	vld [tilespmem:$0x790];
	v12 =	vmul.f32 v12, v4;
	v53 =	vmul.f32 v51, v5;
	v10 =	vadd.f32 v10, v25  }
0x81: {  	v33 =	vld [tilespmem:$0x1290];
	v9 =	vadd.f32 v31, v30;
	v11 =	vsel vm4, v11, v23;
	vm4 =	vgt.f32 v15, $0.0e+00  }
0x82: {  	v23 =	vld [tilespmem:$0x1190];
	v8 =	vadd.f32 v8, v27;
	v11 =	vmul.f32 v11, v5;
	v15 =	vsel vm4, v15, v41  }
0x83: {  	v31 =	vld [tilespmem:$0x890];
	vm4 =	vgt.f32 v14, $0.0e+00;
	v34 =	vperm.xlane v10, v2;
	v37 =	vperm.xlane v9, v0  }
0x84: {  	v43 =	vsel vm4, v14, v42;
	v44 =	vmul.f32 v15, v4;
	vm4 =	vgt.f32 v45, $0.0e+00  }
0x85: {  	v35 =	vperm.xlane v8, v2;
	v11 =	vadd.f32 v11, v12;
	v12 =	vmul.f32 v43, v5  }
0x86: {  	v14 =	vsel vm4, v45, v48;
	v9 =	vadd.f32 v9, v37;
	v10 =	vadd.f32 v10, v34  }
0x87: {  	v29 =	vld [tilespmem:$0x1280];
	v52 =	vmul.f32 v14, v4;
	v12 =	vadd.f32 v12, v44;
	v8 =	vadd.f32 v8, v35  }
0x88: {  	v60 =	vld [tilespmem:$0x780];
	v47 =	vperm.xlane v11, v0;
	v34 =	vadd.f32 v23, v63;
	v41 =	vadd.f32 v33, v31  }
0x89: {  	v25 =	vld [tilespmem:$0x800];
	v46 =	vperm.xlane v9, v1;
	v55 =	vperm.xlane v10, v3;
	v13 =	vadd.f32 v53, v52  }
0x8a: {  	v35 =	vld [tilespmem:$0x1200];
	v11 =	vadd.f32 v11, v47;
	v50 =	vperm.xlane v12, v0;
	v58 =	vperm.xlane v8, v3  }
0x8b: {  	v62 =	vld [tilespmem:$0x1180];
	v18 =	vmul.f32 $2.000000030e-01, v34;
	v47 =	vmul.f32 $2.000000030e-01, v41;
	vm5 =	vgt.f32 v41, $0.0e+00  }
0x8c: {  	v27 =	vld [tilespmem:$0x880];
	v7 =	vadd.f32 v9, v46;
	v10 =	vadd.f32 v10, v55;
	v59 =	vperm.xlane v13, v0  }
0x8d: {  	v49 =	vld [tilespmem:$0x980];
	v54 =	vperm.xlane v11, v1;
	v12 =	vadd.f32 v12, v50;
	v8 =	vadd.f32 v8, v58  }
0x8e: {  	v51 =	vld [tilespmem:$0x990];
	v14 =	vsel vm5, v41, v47;
	v56 =	vperm.xlane v7, v2;
	v10 =	vsel vm8, $0x0, v10  }
0x8f: {  	v53 =	vld [tilespmem:$0x1390];
	v13 =	vadd.f32 v13, v59;
	v15 =	vadd.f32 v35, v25;
	v14 =	vmul.f32 v14, v5  }
0x90: {  	v50 =	vld [tilespmem:$0x1380];
	v9 =	vadd.f32 v11, v54;
	v57 =	vperm.xlane v12, v1;
	v6 =	vadd.f32 v10, v6  }
0x91: {  	v8 =	vsel vm9, $0x0, v8;
	v10 =	vadd.f32 v29, v27;
	v7 =	vadd.f32 v7, v56  }
0x92: {  	v24 =	vperm.xlane v13, v1;
	v52 =	vmul.f32 $2.000000030e-01, v15;
	v11 =	vadd.f32 v12, v57  }
0x93: {  	v40 =	vld [tilespmem:$0x900];
	v61 =	vperm.xlane v9, v2;
	v6 =	vadd.f32 v8, v6;
	v12 =	vadd.f32 v62, v60  }
0x94: {  	v42 =	vld [tilespmem:$0x1300];
	v46 =	vmul.f32 $2.000000030e-01, v10;
	v62 =	vadd.f32 v53, v51;
	v28 =	vadd.f32 v13, v24  }
0x95: {  	v59 =	vld [tilespmem:$0x1410];
	v21 =	vperm.xlane v7, v3;
	v17 =	vadd.f32 v50, v49;
	v9 =	vadd.f32 v9, v61  }
0x96: {  	v57 =	vld [tilespmem:$0xA10];
	v22 =	vperm.xlane v11, v2;
	v36 =	vmul.f32 $2.000000030e-01, v12;
	vm4 =	vgt.f32 v12, $0.0e+00  }
0x97: {  	v7 =	vadd.f32 v7, v21;
	v32 =	vperm.xlane v28, v2;
	v61 =	vmul.f32 $2.000000030e-01, v17  }
0x98: {  	v45 =	vld [tilespmem:$0x910];
	v26 =	vperm.xlane v9, v3;
	v11 =	vadd.f32 v11, v22;
	v8 =	vsel vm4, v12, v36  }
0x99: {  	v48 =	vld [tilespmem:$0x1310];
	vm4 =	vgt.f32 v34, $0.0e+00;
	v12 =	vadd.f32 v42, v40;
	v7 =	vsel vm10, $0x0, v7  }
0x9a: {  	v13 =	vsel vm4, v34, v18;
	v43 =	vmul.f32 v8, v4;
	vm4 =	vgt.f32 v10, $0.0e+00  }
0x9b: {  	v38 =	vld [tilespmem:$0x1210];
	v18 =	vmul.f32 $2.000000030e-01, v62;
	v63 =	vadd.f32 v59, v57;
	v9 =	vadd.f32 v9, v26  }
0x9c: {  	v37 =	vld [tilespmem:$0x810];
	v30 =	vperm.xlane v11, v3;
	v6 =	vadd.f32 v7, v6;
	v7 =	vadd.f32 v28, v32  }
0x9d: {  	v55 =	vld [tilespmem:$0x1400];
	v44 =	vmul.f32 v13, v5;
	v10 =	vsel vm4, v10, v46;
	vm4 =	vgt.f32 v15, $0.0e+00  }
0x9e: {  	v54 =	vld [tilespmem:$0xA00];
	v13 =	vadd.f32 v48, v45;
	v58 =	vmul.f32 $2.000000030e-01, v12;
	v10 =	vmul.f32 v10, v4  }
0x9f: {  	v8 =	vsel vm4, v15, v52;
	vm4 =	vgt.f32 v12, $0.0e+00;
	v23 =	vmul.f32 $2.000000030e-01, v63  }
0xa0: {  	v9 =	vsel vm11, $0x0, v9;
	v11 =	vadd.f32 v11, v30;
	v39 =	vperm.xlane v7, v3  }
0xa1: {  	v8 =	vmul.f32 v8, v4;
	v60 =	vmul.f32 $2.000000030e-01, v13;
	v12 =	vsel vm4, v12, v58  }
0xa2: {  	vm4 =	vgt.f32 v13, $0.0e+00;
	v6 =	vadd.f32 v9, v6;
	v9 =	vadd.f32 v38, v37  }
0xa3: {  	v10 =	vadd.f32 v14, v10;
	v12 =	vmul.f32 v12, v4;
	v14 =	vadd.f32 v55, v54  }
0xa4: {  	v11 =	vsel vm12, $0x0, v11;
	v7 =	vadd.f32 v7, v39;
	v13 =	vsel vm4, v13, v60  }
0xa5: {  	vm4 =	vgt.f32 v17, $0.0e+00;
	v11 =	vadd.f32 v11, v6;
	v6 =	vadd.f32 v44, v43  }
0xa6: {  	v20 =	vmul.f32 $2.000000030e-01, v9;
	vm5 =	vgt.f32 v9, $0.0e+00;
	v56 =	vperm.xlane v10, v0  }
0xa7: {  	v13 =	vmul.f32 v13, v5;
	v17 =	vsel vm4, v17, v61;
	vm4 =	vgt.f32 v62, $0.0e+00  }
0xa8: {  	v22 =	vmul.f32 $2.000000030e-01, v14;
	v7 =	vsel vm13, $0x0, v7;
	v21 =	vmul.f32 v17, v4  }
0xa9: {  	v16 =	vsel vm4, v62, v18;
	vm4 =	vgt.f32 v14, $0.0e+00;
	v9 =	vsel vm5, v9, v20  }
0xaa: {  	v10 =	vadd.f32 v10, v56;
	v12 =	vadd.f32 v13, v12;
	v16 =	vmul.f32 v16, v5  }
0xab: {  	vm5 =	vgt.f32 v63, $0.0e+00;
	v14 =	vsel vm4, v14, v22;
	v25 =	vperm.xlane v6, v0  }
0xac: {  	v9 =	vmul.f32 v9, v5;
	v15 =	vsel vm5, v63, v23;
	v4 =	vmul.f32 v14, v4  }
0xad: {  	v24 =	vperm.xlane v12, v0;
	v13 =	vadd.f32 v16, v21;
	v5 =	vmul.f32 v15, v5  }
0xae: {  	v11 =	vadd.f32 v7, v11;
	v26 =	vperm.xlane v10, v1;
	v8 =	vadd.f32 v9, v8  }
0xaf: {  	v12 =	vadd.f32 v12, v24;
	v27 =	vperm.xlane v13, v0;
	v4 =	vadd.f32 v5, v4  }
0xb0: {  	v5 =	vadd.f32 v6, v25;
	v9 =	vadd.f32 v10, v26;
	v28 =	vperm.xlane v8, v0  }
0xb1: {  	v29 =	vperm.xlane v12, v1;
	v13 =	vadd.f32 v13, v27;
	v30 =	vperm.xlane v4, v0  }
0xb2: {  	v31 =	vperm.xlane v5, v1;
	v32 =	vperm.xlane v9, v2;
	v6 =	vadd.f32 v8, v28  }
0xb3: {  	v10 =	vadd.f32 v12, v29;
	v33 =	vperm.xlane v13, v1;
	v4 =	vadd.f32 v4, v30  }
0xb4: {  	v5 =	vadd.f32 v5, v31;
	v8 =	vadd.f32 v9, v32;
	v34 =	vperm.xlane v6, v1  }
0xb5: {  	v35 =	vperm.xlane v10, v2;
	v12 =	vadd.f32 v13, v33;
	v36 =	vperm.xlane v4, v1  }
0xb6: {  	v15 =	vperm.xlane v5, v2;
	v37 =	vperm.xlane v8, v3;
	v6 =	vadd.f32 v6, v34  }
0xb7: {  	v9 =	vadd.f32 v10, v35;
	v38 =	vperm.xlane v12, v2;
	v4 =	vadd.f32 v4, v36  }
0xb8: {  	v5 =	vadd.f32 v5, v15;
	v8 =	vadd.f32 v8, v37;
	v39 =	vperm.xlane v6, v2  }
0xb9: {  	v40 =	vperm.xlane v9, v3;
	v10 =	vadd.f32 v12, v38;
	v41 =	vperm.xlane v4, v2  }
0xba: {  	v15 =	vperm.xlane v5, v3;
	v42 =	vnsel vm0, $0x0, v8;
	v13 =	vadd.f32 v6, v39  }
0xbb: {  	v43 =	vadd.f32 v9, v40;
	v44 =	vperm.xlane v10, v3;
	v4 =	vadd.f32 v4, v41  }
0xbc: {  	v46 =	vadd.f32 $0.0e+00, v42;
	v5 =	vadd.f32 v5, v15;
	v45 =	vperm.xlane v13, v3  }
0xbd: {  	v7 =	vld [tilespmem:$0x1510];
	v8 =	vsel vm1, $0x0, v43;
	v9 =	vadd.f32 v10, v44;
	v47 =	vperm.xlane v4, v3  }
0xbe: {  	v6 =	vld [tilespmem:$0x1500];
	v5 =	vsel vm14, $0x0, v5;
	v8 =	vadd.f32 v8, v46  }
0xbf: {  	v12 =	vadd.f32 v13, v45;
	v9 =	vsel vm2, $0x0, v9;
	v4 =	vadd.f32 v4, v47  }
0xc0: {  	v5 =	vadd.f32 v5, v11;
	v9 =	vadd.f32 v9, v8  }
0xc1: {  	v48 =	vsel vm15, $0x0, v12;
	v4 =	vsel vm3, $0x0, v4  }
0xc2: {  	v8 =	vadd.f32 v48, v5;
	v9 =	vadd.f32 v4, v9  }
0xc3: {  	vm5 =	veq.s32 v7, $0x0;
	vm4 =	veq.s32 v6, $0x0  }
0xc4: {  	v4 =	vnsel vm4, $0xF149F2CA, v8;
	v5 =	vnsel vm5, $0xF149F2CA, v9  }
0xc5: {  	v49 =	vperm.xlane v4, v0;
	v50 =	vperm.xlane v5, v0;
	_ =	sdelay $0x1  }
0xc6: {  	v10 =	vmax.f32 v4, v49;
	v11 =	vmax.f32 v5, v50  }
0xc7: {  	v51 =	vperm.xlane v10, v1;
	v52 =	vperm.xlane v11, v1;
	_ =	sdelay $0x1  }
0xc8: {  	v10 =	vmax.f32 v10, v51;
	v11 =	vmax.f32 v11, v52  }
0xc9: {  	v12 =	vperm.xlane v10, v2;
	v13 =	vperm.xlane v11, v2;
	_ =	sdelay $0x1  }
0xca: {  	v10 =	vmax.f32 v10, v12;
	v11 =	vmax.f32 v11, v13  }
0xcb: {  	v12 =	vperm.xlane v10, v3;
	v13 =	vperm.xlane v11, v3;
	_ =	sdelay $0x1  }
0xcc: {  	v10 =	vmax.f32 v10, v12;
	v11 =	vmax.f32 v11, v13  }
0xcd: {  	v10 =	vmax.f32 v10, v11  }
0xce: {  	v4 =	vsub.f32 v4, v10;
	_ =	sdelay $0x1  }
0xcf: {  	v5 =	vsub.f32 v5, v10;
	v4 =	vmul.f32 $1.442695020e+00, v4;
	_ =	sdelay $0x1  }
0xd0: {  	(erf) = vpow2.f32 v4;
	v4 =	vmul.f32 $1.442695020e+00, v5;
	_ =	sdelay $0x1  }
0xd1: {  	(erf) = vpow2.f32 v4;
	_ =	sdelay $0x7  }
0xd2: {  	v4 =	vpop (erf)  }
0xd3: {  	v5 =	vpop (erf)  }
0xd4: {  	v4 =	vnsel vm4, $0x0, v4;
	vm4 =	veq.s32 v7, $0x1;
	v5 =	vnsel vm5, $0x0, v5  }
0xd5: {  	v53 =	vperm.xlane v4, v0;
	v58 =	vnsel vm4, $0xF149F2CA, v9;
	v54 =	vperm.xlane v5, v0  }
0xd6: {  	vm5 =	veq.s32 v6, $0x1;
	v60 =	vperm.xlane v58, v0  }
0xd7: {  	v10 =	vadd.f32 v4, v53;
	v57 =	vnsel vm5, $0xF149F2CA, v8;
	v11 =	vadd.f32 v5, v54  }
0xd8: {  	v59 =	vperm.xlane v57, v0  }
0xd9: {  	v63 =	vmax.f32 v58, v60;
	v55 =	vperm.xlane v10, v1;
	v56 =	vperm.xlane v11, v1  }
0xda: {  	v22 =	vperm.xlane v63, v1  }
0xdb: {  	v62 =	vmax.f32 v57, v59;
	v10 =	vadd.f32 v10, v55;
	v11 =	vadd.f32 v11, v56  }
0xdc: {  	v21 =	vperm.xlane v62, v1  }
0xdd: {  	v15 =	vmax.f32 v63, v22;
	v61 =	vperm.xlane v10, v2;
	v23 =	vperm.xlane v11, v2  }
0xde: {  	v24 =	vperm.xlane v15, v2;
	v12 =	vmax.f32 v62, v21  }
0xdf: {  	v16 =	vperm.xlane v12, v2;
	v10 =	vadd.f32 v10, v61;
	v11 =	vadd.f32 v11, v23  }
0xe0: {  	v15 =	vmax.f32 v15, v24  }
0xe1: {  	v12 =	vmax.f32 v12, v16;
	v25 =	vperm.xlane v10, v3;
	v19 =	vperm.xlane v11, v3  }
0xe2: {  	v17 =	vperm.xlane v15, v3;
	v16 =	vperm.xlane v12, v3  }
0xe3: {  	v10 =	vadd.f32 v10, v25;
	v11 =	vadd.f32 v11, v19  }
0xe4: {  	v15 =	vmax.f32 v15, v17;
	v12 =	vmax.f32 v12, v16  }
0xe5: {  	v26 =	vmax.f32 v12, v15;
	v10 =	vadd.f32 v11, v10  }
0xe6: {  	v12 =	vsub.f32 v57, v26  }
0xe7: {  	v27 =	vsub.f32 v58, v26;
	v10 =	vadd.f32 $1.000000020e-16, v10  }
0xe8: {  	v12 =	vmul.f32 $1.442695020e+00, v12  }
0xe9: {  	(erf) = vrcp.f32 v10;
	v10 =	vmul.f32 $1.442695020e+00, v27  }
0xea: {  	(erf) = vpow2.f32 v12  }
0xeb: {  	(erf) = vpow2.f32 v10;
	_ =	sdelay $0x6  }
0xec: {  	v10 =	vpop (erf)  }
0xed: {  	v28 =	vpop (erf)  }
0xee: {  	v30 =	vpop (erf)  }
0xef: {  	v11 =	vnsel vm5, $0x0, v28;
	v12 =	vnsel vm4, $0x0, v30  }
0xf0: {  	vm5 =	veq.s32 v6, $0x2;
	v29 =	vperm.xlane v11, v0;
	v31 =	vperm.xlane v12, v0  }
0xf1: {  	vm4 =	veq.s32 v7, $0x2;
	v34 =	vnsel vm5, $0xF149F2CA, v8  }
0xf2: {  	v35 =	vnsel vm4, $0xF149F2CA, v9;
	v13 =	vadd.f32 v11, v29;
	v14 =	vadd.f32 v12, v31  }
0xf3: {  	v36 =	vperm.xlane v34, v0;
	v37 =	vperm.xlane v35, v0  }
0xf4: {  	v32 =	vperm.xlane v13, v1;
	v33 =	vperm.xlane v14, v1  }
0xf5: {  	v39 =	vmax.f32 v34, v36;
	v40 =	vmax.f32 v35, v37  }
0xf6: {  	v41 =	vperm.xlane v39, v1;
	v13 =	vadd.f32 v13, v32;
	v14 =	vadd.f32 v14, v33  }
0xf7: {  	v42 =	vperm.xlane v40, v1  }
0xf8: {  	v15 =	vmax.f32 v39, v41;
	v38 =	vperm.xlane v13, v2;
	v43 =	vperm.xlane v14, v2  }
0xf9: {  	v18 =	vmax.f32 v40, v42;
	v19 =	vperm.xlane v15, v2  }
0xfa: {  	v44 =	vperm.xlane v18, v2;
	v13 =	vadd.f32 v13, v38;
	v14 =	vadd.f32 v14, v43  }
0xfb: {  	v15 =	vmax.f32 v15, v19  }
0xfc: {  	v18 =	vmax.f32 v18, v44;
	v45 =	vperm.xlane v13, v3;
	v22 =	vperm.xlane v14, v3  }
0xfd: {  	v19 =	vperm.xlane v15, v3;
	v20 =	vperm.xlane v18, v3  }
0xfe: {  	v13 =	vadd.f32 v13, v45;
	v14 =	vadd.f32 v14, v22  }
0xff: {  	v15 =	vmax.f32 v15, v19;
	v18 =	vmax.f32 v18, v20  }
0x100: {  	v46 =	vmax.f32 v15, v18;
	v13 =	vadd.f32 v14, v13  }
0x101: {  	v15 =	vsub.f32 v34, v46  }
0x102: {  	v47 =	vsub.f32 v35, v46;
	v13 =	vadd.f32 $1.000000020e-16, v13  }
0x103: {  	v15 =	vmul.f32 $1.442695020e+00, v15  }
0x104: {  	(erf) = vrcp.f32 v13;
	v13 =	vmul.f32 $1.442695020e+00, v47  }
0x105: {  	(erf) = vpow2.f32 v15  }
0x106: {  	(erf) = vpow2.f32 v13;
	_ =	sdelay $0x6  }
0x107: {  	v14 =	vpop (erf)  }
0x108: {  	v48 =	vpop (erf)  }
0x109: {  	v50 =	vpop (erf)  }
0x10a: {  	v13 =	vnsel vm5, $0x0, v48;
	v15 =	vnsel vm4, $0x0, v50  }
0x10b: {  	vm5 =	veq.s32 v6, $0x3;
	v49 =	vperm.xlane v13, v0;
	v51 =	vperm.xlane v15, v0  }
0x10c: {  	vm4 =	veq.s32 v7, $0x3;
	v54 =	vnsel vm5, $0xF149F2CA, v8  }
0x10d: {  	v55 =	vnsel vm4, $0xF149F2CA, v9;
	v16 =	vadd.f32 v13, v49;
	v17 =	vadd.f32 v15, v51  }
0x10e: {  	v56 =	vperm.xlane v54, v0;
	v57 =	vperm.xlane v55, v0  }
0x10f: {  	v52 =	vperm.xlane v16, v1;
	v53 =	vperm.xlane v17, v1  }
0x110: {  	v59 =	vmax.f32 v54, v56;
	v60 =	vmax.f32 v55, v57  }
0x111: {  	v61 =	vperm.xlane v59, v1;
	v16 =	vadd.f32 v16, v52;
	v17 =	vadd.f32 v17, v53  }
0x112: {  	v24 =	vperm.xlane v60, v1  }
0x113: {  	v18 =	vmax.f32 v59, v61;
	v58 =	vperm.xlane v16, v2;
	v25 =	vperm.xlane v17, v2  }
0x114: {  	v21 =	vmax.f32 v60, v24;
	v22 =	vperm.xlane v18, v2  }
0x115: {  	v62 =	vperm.xlane v21, v2;
	v16 =	vadd.f32 v16, v58;
	v17 =	vadd.f32 v17, v25  }
0x116: {  	v18 =	vmax.f32 v18, v22  }
0x117: {  	v21 =	vmax.f32 v21, v62;
	v63 =	vperm.xlane v16, v3;
	v25 =	vperm.xlane v17, v3  }
0x118: {  	v22 =	vperm.xlane v18, v3;
	v23 =	vperm.xlane v21, v3  }
0x119: {  	v16 =	vadd.f32 v16, v63;
	v17 =	vadd.f32 v17, v25  }
0x11a: {  	v18 =	vmax.f32 v18, v22;
	v21 =	vmax.f32 v21, v23  }
0x11b: {  	v28 =	vmax.f32 v18, v21;
	v16 =	vadd.f32 v17, v16  }
0x11c: {  	v18 =	vsub.f32 v54, v28  }
0x11d: {  	v29 =	vsub.f32 v55, v28;
	v16 =	vadd.f32 $1.000000020e-16, v16  }
0x11e: {  	v18 =	vmul.f32 $1.442695020e+00, v18  }
0x11f: {  	(erf) = vrcp.f32 v16;
	v16 =	vmul.f32 $1.442695020e+00, v29  }
0x120: {  	(erf) = vpow2.f32 v18  }
0x121: {  	(erf) = vpow2.f32 v16;
	_ =	sdelay $0x6  }
0x122: {  	v30 =	vpop (erf)  }
0x123: {  	v31 =	vpop (erf)  }
0x124: {  	v33 =	vpop (erf)  }
0x125: {  	v17 =	vnsel vm5, $0x0, v31;
	v19 =	vnsel vm4, $0x0, v33  }
0x126: {  	vm5 =	veq.s32 v7, $0x4;
	v32 =	vperm.xlane v17, v0;
	v34 =	vperm.xlane v19, v0  }
0x127: {  	vm4 =	veq.s32 v6, $0x4;
	v38 =	vnsel vm5, $0xF149F2CA, v9  }
0x128: {  	v37 =	vnsel vm4, $0xF149F2CA, v8;
	v18 =	vadd.f32 v17, v32;
	v20 =	vadd.f32 v19, v34  }
0x129: {  	v40 =	vperm.xlane v38, v0;
	v39 =	vperm.xlane v37, v0  }
0x12a: {  	v35 =	vperm.xlane v18, v1;
	v36 =	vperm.xlane v20, v1  }
0x12b: {  	v42 =	vmax.f32 v38, v40;
	v9 =	vmax.f32 v37, v39  }
0x12c: {  	v43 =	vperm.xlane v9, v1;
	v18 =	vadd.f32 v18, v35;
	v6 =	vadd.f32 v20, v36  }
0x12d: {  	v44 =	vperm.xlane v42, v1  }
0x12e: {  	v9 =	vmax.f32 v9, v43;
	v41 =	vperm.xlane v18, v2;
	v45 =	vperm.xlane v6, v2  }
0x12f: {  	v20 =	vmax.f32 v42, v44;
	v21 =	vperm.xlane v9, v2  }
0x130: {  	v46 =	vperm.xlane v20, v2;
	v18 =	vadd.f32 v18, v41;
	v6 =	vadd.f32 v6, v45  }
0x131: {  	v9 =	vmax.f32 v9, v21  }
0x132: {  	v20 =	vmax.f32 v20, v46;
	v47 =	vperm.xlane v18, v3;
	v24 =	vperm.xlane v6, v3  }
0x133: {  	v21 =	vperm.xlane v9, v3;
	v22 =	vperm.xlane v20, v3  }
0x134: {  	v18 =	vadd.f32 v18, v47;
	v6 =	vadd.f32 v6, v24  }
0x135: {  	v9 =	vmax.f32 v9, v21;
	v20 =	vmax.f32 v20, v22  }
0x136: {  	v9 =	vmax.f32 v9, v20;
	v6 =	vadd.f32 v6, v18  }
0x137: {  	v7 =	vsub.f32 v37, v9  }
0x138: {  	v8 =	vsub.f32 v38, v9;
	v6 =	vadd.f32 $1.000000020e-16, v6  }
0x139: {  	v7 =	vmul.f32 $1.442695020e+00, v7  }
0x13a: {  	v48 =	vmul.f32 $1.442695020e+00, v8;
	(erf) = vrcp.f32 v6  }
0x13b: {  	(erf) = vpow2.f32 v7  }
0x13c: {  	(erf) = vpow2.f32 v48;
	_ =	sdelay $0x6  }
0x13d: {  	v49 =	vpop (erf)  }
0x13e: {  	v7 =	vpop (erf)  }
0x13f: {  	v50 =	vpop (erf)  }
0x140: {  	v7 =	vnsel vm4, $0x0, v7;
	v8 =	vnsel vm5, $0x0, v50  }
0x141: {  	v51 =	vperm.xlane v7, v0;
	v52 =	vperm.xlane v8, v0;
	_ =	sdelay $0x1  }
0x142: {  	v9 =	vadd.f32 v7, v51;
	v18 =	vadd.f32 v8, v52;
	_ =	sdelay $0x1  }
0x143: {  	v53 =	vperm.xlane v9, v1;
	v54 =	vperm.xlane v18, v1;
	_ =	sdelay $0x1  }
0x144: {  	v9 =	vadd.f32 v9, v53;
	v18 =	vadd.f32 v18, v54;
	_ =	sdelay $0x1  }
0x145: {  	v20 =	vperm.xlane v9, v2;
	v21 =	vperm.xlane v18, v2;
	_ =	sdelay $0x1  }
0x146: {  	v9 =	vadd.f32 v9, v20;
	v18 =	vadd.f32 v18, v21;
	_ =	sdelay $0x1  }
0x147: {  	v20 =	vperm.xlane v9, v3;
	v21 =	vperm.xlane v18, v3;
	_ =	sdelay $0x1  }
0x148: {  	v9 =	vadd.f32 v9, v20;
	v18 =	vadd.f32 v18, v21;
	_ =	sdelay $0x1  }
0x149: {  	v9 =	vadd.f32 v18, v9;
	_ =	sdelay $0x1  }
0x14a: {  	v9 =	vadd.f32 $1.000000020e-16, v9;
	_ =	sdelay $0x1  }
0x14b: {  	(erf) = vrcp.f32 v9;
	_ =	sdelay $0x1  }
0x14c: {  	v4 =	vmul.f32 v10, v4  }
0x14d: {  	v5 =	vmul.f32 v10, v5  }
0x14e: {  	v4 =	vadd.f32 $0.0e+00, v4;
	v55 =	vmul.f32 v14, v11  }
0x14f: {  	v5 =	vadd.f32 $0.0e+00, v5;
	v56 =	vmul.f32 v14, v12  }
0x150: {  	v4 =	vadd.f32 v55, v4;
	v57 =	vmul.f32 v30, v13  }
0x151: {  	v5 =	vadd.f32 v56, v5;
	v58 =	vmul.f32 v30, v15  }
0x152: {  	v4 =	vadd.f32 v57, v4;
	v59 =	vmul.f32 v49, v17  }
0x153: {  	v61 =	vld [tilespmem:$0x1580];
	v5 =	vadd.f32 v58, v5;
	v6 =	vmul.f32 v49, v19;
	v60 =	vpop (erf)  }
0x154: {  	v62 =	vld [tilespmem:$0x1590];
	v4 =	vadd.f32 v59, v4;
	v7 =	vmul.f32 v60, v7  }
0x155: {  	v5 =	vadd.f32 v6, v5;
	v63 =	vmul.f32 v60, v8  }
0x156: {  	v4 =	vadd.f32 v7, v4  }
0x157: {  	v5 =	vadd.f32 v63, v5  }
0x158: {  	v4 =	vmul.f32 v4, v61  }
0x159: {  	v5 =	vmul.f32 v5, v62  }
0x15a: {  	s8 =	sadd.s32 $0xFFFFFFFF, s8;
	[tilespmem:$0x1600] =	vst v4  }
0x15b: {  	s17 =	simm.s32 @!p0 $0x0;
	s18 =	simm.s32 @!p0 $0x1600;
	p1 =	sne.s32 s8, $0x0;
	[tilespmem:$0x1610] =	vst v5  }
0x15c: {  	[hbm4b:s7+s17] =	stream.linear.scatter @!p0 [tilespmem:s18], [sflag:$0x2], $0x80, $0x38;
	[tilespmem:$0x1680] =	vst v63  }
.Ltmp0:
0x15d: {  	_ = 	snop;
	(pc) =	sbr.rel @p1 .LBB2_1-.Ltmp0, $4  }
0x15e: {  	s17 =	simm.s32 @!p0 $0x2  }
0x15f: {  	_ =	swait.ge @!p0 [sflag:s17], $0x80  }
0x160: {  	[sflag:s17] =	ssyncset.done @!p0 $0x0  }
0x161: {  	[sflag:s17] =	ssyncadd.s32 @!p0 $0xFFFFFF80  }
0x162: {  	_ =	sfence.sel $0x180000  }
0x163: {  	[bflag:$0x0] =	sbarrier.arrive $0xFFFF  }
0x164: {  	p0 =	sne.s32 s6, $0x0;
	_ =	strace $0x90000047  }
0x165: {  	s0 =	sadd.s32 @!p0 $0x100000, s1;
	[bflag:$0x2] =	sbarrier.arrive $0xFFFF  }
0x166: {  	[sflag:s0] =	ssyncadd.tile.s32 @!p0 $0x1;
	_ =	shalt  }
.Lfunc_end2:
_tile_overlayer_lowered:
.L_overlay_start_2:
0x167: {  	(tag) =	ssettag $0x2  }
0x168: {  	s0 =	rddreg [dreg:$0x0];
	s2 =	stileid.u32  }
0x169: {  	s1 =	rddreg [dreg:$0x1];
	p0 =	sne.s32 s2, $0x0  }
0x16a: {  	s3 =	rddreg [dreg:$0x2];
	[bflag:$0x3] =	sbarrier.arrive $0xFFFF;
	s2 =	simm.s32 @!p0 $0x1C02  }
0x16b: {  	[timem:s3], [sflag:s2] =	dma.local @!p0 [hbm:s0], s1  }
0x16c: {  	s0 =	simm.s32 @!p0 $0x2  }
0x16d: {  	_ =	swait.ge @!p0 [sflag:s0], s1  }
0x16e: {  	s1 =	ssub.s32 @!p0 $0x0, s1;
	[sflag:s0] =	ssyncset.done @!p0 $0x0  }
0x16f: {  	[sflag:s0] =	ssyncadd.s32 @!p0 s1  }
0x170: {  	[bflag:$0x3] =	sbarrier.arrive $0xFFFF  }
0x171: {  	_ =	shalt  }

</sc_bundles>
